<compile_context>
chip_gen: v7x
topology: tpu7x:2x2x1
jax: 0.10.2.dev20260603
libtpu: 0.0.44.dev20260713+nightly
codegen_flags: <defaults>
</compile_context>

<pallas_src>
import functools

import jax
import jax.numpy as jnp
from jax import lax
from jax.experimental import pallas as pl
from jax.experimental.pallas import tpu as pltpu
from jax.experimental.pallas import tpu_sc as plsc

KSEG = 16
NC, NS = 2, 16
NW = NC * NS
NIMG, NROW, NCOL = 32, 512, 512
ROWS_C = 8
PIX_CHUNK = ROWS_C * NCOL
BLK_PER_IMG = NROW // ROWS_C
NCHUNK_TOT = NIMG * BLK_PER_IMG
NCHUNK = NCHUNK_TOT // NW
Y16_MAX = 15.999999046325684


def _isp_body(x_hbm, params_hbm, slopes_hbm, out_hbm,
              ia0, ia1, ia2, ib0, ib1, ib2, ic0, ic1, ic2, id0, id1, id2,
              oa0, oa1, oa2, ob0, ob1, ob2, oc0, oc1, oc2, od0, od1, od2,
              y0, y1, y2,
              params_v, slopes_v,
              a0, a1, a2, b0, b1, b2,
              si0, si1, si2, si3, so0, so1, so2, so3):
    f32 = jnp.float32
    wid = lax.axis_index("s") * NC + lax.axis_index("c")
    cbase = wid * NCHUNK

    pltpu.sync_copy(params_hbm, params_v)
    pltpu.sync_copy(slopes_hbm, slopes_v)

    iota_i = lax.iota(jnp.int32, KSEG)
    knots = iota_i.astype(f32)

    for c, (at, bt) in enumerate(((a0, b0), (a1, b1), (a2, b2))):
        r = slopes_v[pl.ds(c * KSEG, KSEG)]
        e = jnp.exp(r - jnp.max(r))
        s_vec = jnp.broadcast_to(jnp.sum(e), (KSEG,))
        slope = e * (KSEG / s_vec)
        h = slope * (1.0 / KSEG)
        cum_ex = plsc.cumsum(h) - h
        a_tab = slope * (1.0 / KSEG)
        at[...] = a_tab
        bt[...] = cum_ex - a_tab * knots

    pv = params_v[...]
    coef = []
    for i in range(3):
        t16 = pv[9 + i] * float(KSEG)
        coef.append(tuple(t16 * pv[3 * i + j] for j in range(3)))
    bias = tuple(pv[12 + i] * float(KSEG) for i in range(3))

    ibufs = ((ia0, ia1, ia2), (ib0, ib1, ib2), (ic0, ic1, ic2),
             (id0, id1, id2))
    obufs = ((oa0, oa1, oa2), (ob0, ob1, ob2), (oc0, oc1, oc2),
             (od0, od1, od2))
    isems = (si0, si1, si2, si3)
    osems = (so0, so1, so2, so3)

    def in_slices(k):
        img = k // BLK_PER_IMG
        r0 = (k % BLK_PER_IMG) * ROWS_C
        return [x_hbm.at[img, c, pl.ds(r0, ROWS_C)] for c in range(3)]

    def out_slices(k):
        img = k // BLK_PER_IMG
        r0 = (k % BLK_PER_IMG) * ROWS_C
        return [out_hbm.at[img, c, pl.ds(r0, ROWS_C)] for c in range(3)]

    def start_in(k, par):
        for src, dst in zip(in_slices(k), ibufs[par]):
            pltpu.async_copy(src, dst, isems[par])

    def wait_in(par):
        for src, dst in zip(in_slices(cbase), ibufs[par]):
            pltpu.make_async_copy(src, dst, isems[par]).wait()

    def start_out(k, par):
        for src, dst in zip(obufs[par], out_slices(k)):
            pltpu.async_copy(src, dst, osems[par])

    def wait_out(par):
        for src, dst in zip(obufs[par], out_slices(cbase)):
            pltpu.make_async_copy(src, dst, osems[par]).wait()

    def compute(par):
        in0, in1, in2 = ibufs[par]
        o0, o1, o2 = obufs[par]

        @plsc.parallel_loop(0, PIX_CHUNK, step=KSEG, unroll=4)
        def mat_body(p):
            row = p >> 9
            col = p & (NCOL - 1)
            r = in0[row, pl.ds(col, KSEG)]
            g = in1[row, pl.ds(col, KSEG)]
            bl = in2[row, pl.ds(col, KSEG)]
            for c, yb in ((0, y0), (1, y1), (2, y2)):
                y16 = (coef[c][0] * r + coef[c][1] * g + coef[c][2] * bl
                       + bias[c])
                yb[pl.ds(p, KSEG)] = jnp.clip(y16, 0.0, Y16_MAX)

        @plsc.parallel_loop(0, PIX_CHUNK, step=KSEG, unroll=4)
        def lut_body(p):
            row = p >> 9
            col = p & (NCOL - 1)
            for at, bt, yb, ob in ((a0, b0, y0, o0),
                                   (a1, b1, y1, o1),
                                   (a2, b2, y2, o2)):
                y16 = yb[pl.ds(p, KSEG)]
                idx = y16.astype(jnp.int32)
                av = plsc.load_gather(at, [idx])
                bv = plsc.load_gather(bt, [idx])
                ob[row, pl.ds(col, KSEG)] = av * y16 + bv

    NB = 4
    start_in(cbase, 0)
    start_in(cbase + 1, 1)
    start_in(cbase + 2, 2)
    start_in(cbase + 3, 3)

    def step(t, _):
        for par in range(NB):
            k = NB * t + par
            wait_in(par)

            @pl.when(k >= NB)
            def _():
                wait_out(par)

            compute(par)
            start_out(cbase + k, par)

            @pl.when(k + NB < NCHUNK)
            def _():
                start_in(cbase + k + NB, par)
        return 0

    lax.fori_loop(0, NCHUNK // NB, step, 0)
    wait_out(0)
    wait_out(1)
    wait_out(2)
    wait_out(3)


_mesh = plsc.VectorSubcoreMesh(core_axis_name="c", subcore_axis_name="s",
                               num_cores=NC, num_subcores=NS)

_PLANE = pltpu.VMEM((ROWS_C, NCOL), jnp.float32)

_isp = functools.partial(
    pl.kernel,
    out_type=jax.ShapeDtypeStruct((NIMG, 3, NROW, NCOL), jnp.float32),
    mesh=_mesh,
    compiler_params=pltpu.CompilerParams(needs_layout_passes=False),
    scratch_types=[
        _PLANE, _PLANE, _PLANE,
        _PLANE, _PLANE, _PLANE,
        _PLANE, _PLANE, _PLANE,
        _PLANE, _PLANE, _PLANE,
        _PLANE, _PLANE, _PLANE,
        _PLANE, _PLANE, _PLANE,
        _PLANE, _PLANE, _PLANE,
        _PLANE, _PLANE, _PLANE,
        pltpu.VMEM((PIX_CHUNK,), jnp.float32),
        pltpu.VMEM((PIX_CHUNK,), jnp.float32),
        pltpu.VMEM((PIX_CHUNK,), jnp.float32),
        pltpu.VMEM((16,), jnp.float32),
        pltpu.VMEM((48,), jnp.float32),
        pltpu.VMEM((KSEG,), jnp.float32),
        pltpu.VMEM((KSEG,), jnp.float32),
        pltpu.VMEM((KSEG,), jnp.float32),
        pltpu.VMEM((KSEG,), jnp.float32),
        pltpu.VMEM((KSEG,), jnp.float32),
        pltpu.VMEM((KSEG,), jnp.float32),
        pltpu.SemaphoreType.DMA,
        pltpu.SemaphoreType.DMA,
        pltpu.SemaphoreType.DMA,
        pltpu.SemaphoreType.DMA,
        pltpu.SemaphoreType.DMA,
        pltpu.SemaphoreType.DMA,
        pltpu.SemaphoreType.DMA,
        pltpu.SemaphoreType.DMA,
    ],
)(_isp_body)


@jax.jit
def kernel(x, M, T, b, raw_slopes):
    params = jnp.concatenate(
        [M.reshape(-1), T, b, jnp.zeros((1,), jnp.float32)])
    slopes_t = raw_slopes.T.reshape(-1)
    xp = jnp.transpose(x, (0, 3, 1, 2))
    out = _isp(xp, params, slopes_t)
    return jnp.transpose(out, (0, 2, 3, 1))

# --- scband reference (transcript-rebuilt; emitter-appended) ---
"""Pipeline reference for scband-calibrated-isp-2654289789230 (READ-ONLY COPY).

The authoritative reference and input builder live on the scoring server;
editing this copy changes nothing except your own understanding.
"""

import jax, jax.numpy as jnp
import numpy as np

K = 16

def setup_inputs(seed: int = 0) -> dict:
    key = jax.random.key(seed)
    k1, k2, k3, k4, k5 = jax.random.split(key, 5)
    x = jax.random.uniform(k1, (32, 512, 512, 3), dtype=jnp.float32)
    M = jnp.eye(3, dtype=jnp.float32) + 0.01 * jax.random.normal(k2, (3, 3), dtype=jnp.float32)
    T = jnp.ones((3,), dtype=jnp.float32) + 0.01 * jax.random.normal(k3, (3,), dtype=jnp.float32)
    b = jnp.zeros((3,), dtype=jnp.float32) + 0.01 * jax.random.normal(k4, (3,), dtype=jnp.float32)
    raw_slopes = 0.1 * jax.random.normal(k5, (K, 3), dtype=jnp.float32)
    return {"x": x, "M": M, "T": T, "b": b, "raw_slopes": raw_slopes}


def _piecewise_linear(x, raw_slopes):
    Kc = raw_slopes.shape[0]
    slopes = jax.nn.softmax(raw_slopes, axis=0) * Kc  # [K, 3]
    w = 1.0 / Kc
    heights = slopes * w
    cum = jnp.concatenate([jnp.zeros((1, 3), dtype=x.dtype), jnp.cumsum(heights, axis=0)], axis=0)  # [K+1, 3]
    orig_shape = x.shape
    x_flat = x.reshape(-1, 3)
    idx = jnp.clip((x_flat * Kc).astype(jnp.int32), 0, Kc - 1)  # [N, 3]
    frac = x_flat * Kc - idx.astype(x.dtype)
    # torch.gather(cum[:-1].t(), 1, idx.t()).t() == per-channel row gather
    base_h = jnp.take_along_axis(cum[:-1, :], idx, axis=0)  # [N, 3]
    s = jnp.take_along_axis(slopes, idx, axis=0)            # [N, 3]
    result = base_h + s * frac * w
    return result.reshape(orig_shape)


def reference(x, M, T, b, raw_slopes):
    y = jnp.einsum('ij,...j->...i', M, x)
    y = T * y + b
    y = jnp.clip(y, 0.0, 1.0)
    y = _piecewise_linear(y, raw_slopes)
    return jnp.clip(y, 0.0, 1.0)

if __name__ == "__main__":
    import jax
    _d = setup_inputs()
    print(jax.jit(kernel)(*tuple(_d.values())))

</pallas_src>

<mosaic_0001>
#map = affine_map<(d0, d1) -> (0, 0, 0, 0)>
#map1 = affine_map<(d0, d1) -> (0)>
module attributes {stable_mosaic.version = 14 : i64} {
  func.func @_isp_body(%arg0: i32, %arg1: i32, %arg2: memref<32x3x512x512xf32, #tpu.memory_space<hbm>>, %arg3: memref<16xf32, #tpu.memory_space<hbm>>, %arg4: memref<48xf32, #tpu.memory_space<hbm>>, %arg5: memref<32x3x512x512xf32, #tpu.memory_space<hbm>>, %arg6: memref<8x512xf32, #tpu.memory_space<vmem>>, %arg7: memref<8x512xf32, #tpu.memory_space<vmem>>, %arg8: memref<8x512xf32, #tpu.memory_space<vmem>>, %arg9: memref<8x512xf32, #tpu.memory_space<vmem>>, %arg10: memref<8x512xf32, #tpu.memory_space<vmem>>, %arg11: memref<8x512xf32, #tpu.memory_space<vmem>>, %arg12: memref<8x512xf32, #tpu.memory_space<vmem>>, %arg13: memref<8x512xf32, #tpu.memory_space<vmem>>, %arg14: memref<8x512xf32, #tpu.memory_space<vmem>>, %arg15: memref<8x512xf32, #tpu.memory_space<vmem>>, %arg16: memref<8x512xf32, #tpu.memory_space<vmem>>, %arg17: memref<8x512xf32, #tpu.memory_space<vmem>>, %arg18: memref<8x512xf32, #tpu.memory_space<vmem>>, %arg19: memref<8x512xf32, #tpu.memory_space<vmem>>, %arg20: memref<8x512xf32, #tpu.memory_space<vmem>>, %arg21: memref<8x512xf32, #tpu.memory_space<vmem>>, %arg22: memref<8x512xf32, #tpu.memory_space<vmem>>, %arg23: memref<8x512xf32, #tpu.memory_space<vmem>>, %arg24: memref<8x512xf32, #tpu.memory_space<vmem>>, %arg25: memref<8x512xf32, #tpu.memory_space<vmem>>, %arg26: memref<8x512xf32, #tpu.memory_space<vmem>>, %arg27: memref<8x512xf32, #tpu.memory_space<vmem>>, %arg28: memref<8x512xf32, #tpu.memory_space<vmem>>, %arg29: memref<8x512xf32, #tpu.memory_space<vmem>>, %arg30: memref<4096xf32, #tpu.memory_space<vmem>>, %arg31: memref<4096xf32, #tpu.memory_space<vmem>>, %arg32: memref<4096xf32, #tpu.memory_space<vmem>>, %arg33: memref<16xf32, #tpu.memory_space<vmem>>, %arg34: memref<48xf32, #tpu.memory_space<vmem>>, %arg35: memref<16xf32, #tpu.memory_space<vmem>>, %arg36: memref<16xf32, #tpu.memory_space<vmem>>, %arg37: memref<16xf32, #tpu.memory_space<vmem>>, %arg38: memref<16xf32, #tpu.memory_space<vmem>>, %arg39: memref<16xf32, #tpu.memory_space<vmem>>, %arg40: memref<16xf32, #tpu.memory_space<vmem>>, %arg41: memref<!tpu.dma_semaphore, #tpu.memory_space<semaphore_mem>>, %arg42: memref<!tpu.dma_semaphore, #tpu.memory_space<semaphore_mem>>, %arg43: memref<!tpu.dma_semaphore, #tpu.memory_space<semaphore_mem>>, %arg44: memref<!tpu.dma_semaphore, #tpu.memory_space<semaphore_mem>>, %arg45: memref<!tpu.dma_semaphore, #tpu.memory_space<semaphore_mem>>, %arg46: memref<!tpu.dma_semaphore, #tpu.memory_space<semaphore_mem>>, %arg47: memref<!tpu.dma_semaphore, #tpu.memory_space<semaphore_mem>>, %arg48: memref<!tpu.dma_semaphore, #tpu.memory_space<semaphore_mem>>) attributes {dimension_semantics = [#tpu.dimension_semantics<core_parallel>, #tpu.dimension_semantics<subcore_parallel>], iteration_bounds = array<i64: 2, 16>, scalar_prefetch = 0 : i64, scratch_operands = 43 : i64, tpu.core_type = #tpu.core_type<sc_vector_subcore>, window_params = [{transform_indices = #map}, {transform_indices = #map1}, {transform_indices = #map1}, {transform_indices = #map}]} {
    %mul3A = arith.constant 2 : i32
    %mul3A_0 = arith.muli %arg1, %mul3A : i32
    %add3A = arith.addi %mul3A_0, %arg0 : i32
    %mul3A_1 = arith.constant 64 : i32
    %mul3A_2 = arith.muli %add3A, %mul3A_1 : i32
    "tpu.region"() ({
      %run_scoped3A = tpu.sem_alloc : memref<!tpu.dma_semaphore, #tpu.memory_space<semaphore_mem>>
      tpu.enqueue_dma source(%arg3 : memref<16xf32, #tpu.memory_space<hbm>>) target(%arg33 : memref<16xf32, #tpu.memory_space<vmem>>) target_semaphore(%run_scoped3A : memref<!tpu.dma_semaphore, #tpu.memory_space<semaphore_mem>>)
      tpu.wait_dma2 semaphore(%run_scoped3A : memref<!tpu.dma_semaphore, #tpu.memory_space<semaphore_mem>>) src(%arg3 : memref<16xf32, #tpu.memory_space<hbm>>) dst(%arg33 : memref<16xf32, #tpu.memory_space<vmem>>)
      tpu.yield
    }) : () -> ()
    "tpu.region"() ({
      %run_scoped3A = tpu.sem_alloc : memref<!tpu.dma_semaphore, #tpu.memory_space<semaphore_mem>>
      tpu.enqueue_dma source(%arg4 : memref<48xf32, #tpu.memory_space<hbm>>) target(%arg34 : memref<48xf32, #tpu.memory_space<vmem>>) target_semaphore(%run_scoped3A : memref<!tpu.dma_semaphore, #tpu.memory_space<semaphore_mem>>)
      tpu.wait_dma2 semaphore(%run_scoped3A : memref<!tpu.dma_semaphore, #tpu.memory_space<semaphore_mem>>) src(%arg4 : memref<48xf32, #tpu.memory_space<hbm>>) dst(%arg34 : memref<48xf32, #tpu.memory_space<vmem>>)
      tpu.yield
    }) : () -> ()
    %iota3A = tpu.iota {dimensions = array<i32: 0>} : vector<16xi32>
    %convert_element_type3A = arith.sitofp %iota3A : vector<16xi32> to vector<16xf32>
    %get3A = arith.constant 0 : index
    %get3A_3 = tpu.vector_load %arg34[%get3A] {strides = array<i32>} : memref<48xf32, #tpu.memory_space<vmem>>, vector<16xf32>,
    %reduce_max3A = arith.constant true
    %reduce_max3A_4 = vector.broadcast %reduce_max3A : i1 to vector<16xi1>
    %reduce_max3A_5 = tpu.scan <max>, %get3A_3 masked %reduce_max3A_4 : vector<16xf32>, vector<16xi1> -> vector<16xf32>
    %reduce_max3A_6 = vector.extract %reduce_max3A_5[15] : f32 from vector<16xf32>
    %sub3A = vector.broadcast %reduce_max3A_6 : f32 to vector<16xf32>
    %sub3A_7 = arith.subf %get3A_3, %sub3A : vector<16xf32>
    %exp3A = math.exp %sub3A_7 : vector<16xf32>
    %reduce_sum3A = arith.constant true
    %reduce_sum3A_8 = vector.broadcast %reduce_sum3A : i1 to vector<16xi1>
    %reduce_sum3A_9 = tpu.scan <sum>, %exp3A masked %reduce_sum3A_8 : vector<16xf32>, vector<16xi1> -> vector<16xf32>
    %reduce_sum3A_10 = vector.extract %reduce_sum3A_9[15] : f32 from vector<16xf32>
    %broadcast_in_dim3A = vector.broadcast %reduce_sum3A_10 : f32 to vector<16xf32>
    %div3A = arith.constant 1.600000e+01 : f32
    %div3A_11 = vector.broadcast %div3A : f32 to vector<16xf32>
    %div3A_12 = arith.divf %div3A_11, %broadcast_in_dim3A : vector<16xf32>
    %mul3A_13 = arith.mulf %exp3A, %div3A_12 : vector<16xf32>
    %mul3A_14 = arith.constant 6.250000e-02 : f32
    %mul3A_15 = vector.broadcast %mul3A_14 : f32 to vector<16xf32>
    %mul3A_16 = arith.mulf %mul3A_13, %mul3A_15 : vector<16xf32>
    %broadcast_in_dim3A_17 = arith.constant true
    %broadcast_in_dim3A_18 = vector.broadcast %broadcast_in_dim3A_17 : i1 to vector<16xi1>
    %masked_cumsum3A = tpu.scan <sum>, %mul3A_16 masked %broadcast_in_dim3A_18 : vector<16xf32>, vector<16xi1> -> vector<16xf32>
    %sub3A_19 = arith.subf %masked_cumsum3A, %mul3A_16 : vector<16xf32>
    %mul3A_20 = arith.constant 6.250000e-02 : f32
    %mul3A_21 = vector.broadcast %mul3A_20 : f32 to vector<16xf32>
    %mul3A_22 = arith.mulf %mul3A_13, %mul3A_21 : vector<16xf32>
    %swap3A = arith.constant 0 : index
    %swap3A_23 = tpu.vector_load %arg35[%swap3A] {strides = array<i32>} : memref<16xf32, #tpu.memory_space<vmem>>, vector<16xf32>,
    tpu.vector_store %arg35[%swap3A], %mul3A_22 {strides = array<i32>} : memref<16xf32, #tpu.memory_space<vmem>>, vector<16xf32>,
    %mul3A_24 = arith.mulf %mul3A_22, %convert_element_type3A : vector<16xf32>
    %sub3A_25 = arith.subf %sub3A_19, %mul3A_24 : vector<16xf32>
    %swap3A_26 = arith.constant 0 : index
    %swap3A_27 = tpu.vector_load %arg38[%swap3A_26] {strides = array<i32>} : memref<16xf32, #tpu.memory_space<vmem>>, vector<16xf32>,
    tpu.vector_store %arg38[%swap3A_26], %sub3A_25 {strides = array<i32>} : memref<16xf32, #tpu.memory_space<vmem>>, vector<16xf32>,
    %get3A_28 = arith.constant 16 : index
    %get3A_29 = tpu.vector_load %arg34[%get3A_28] {strides = array<i32>} : memref<48xf32, #tpu.memory_space<vmem>>, vector<16xf32>,
    %reduce_max3A_30 = arith.constant true
    %reduce_max3A_31 = vector.broadcast %reduce_max3A_30 : i1 to vector<16xi1>
    %reduce_max3A_32 = tpu.scan <max>, %get3A_29 masked %reduce_max3A_31 : vector<16xf32>, vector<16xi1> -> vector<16xf32>
    %reduce_max3A_33 = vector.extract %reduce_max3A_32[15] : f32 from vector<16xf32>
    %sub3A_34 = vector.broadcast %reduce_max3A_33 : f32 to vector<16xf32>
    %sub3A_35 = arith.subf %get3A_29, %sub3A_34 : vector<16xf32>
    %exp3A_36 = math.exp %sub3A_35 : vector<16xf32>
    %reduce_sum3A_37 = arith.constant true
    %reduce_sum3A_38 = vector.broadcast %reduce_sum3A_37 : i1 to vector<16xi1>
    %reduce_sum3A_39 = tpu.scan <sum>, %exp3A_36 masked %reduce_sum3A_38 : vector<16xf32>, vector<16xi1> -> vector<16xf32>
    %reduce_sum3A_40 = vector.extract %reduce_sum3A_39[15] : f32 from vector<16xf32>
    %broadcast_in_dim3A_41 = vector.broadcast %reduce_sum3A_40 : f32 to vector<16xf32>
    %div3A_42 = arith.constant 1.600000e+01 : f32
    %div3A_43 = vector.broadcast %div3A_42 : f32 to vector<16xf32>
    %div3A_44 = arith.divf %div3A_43, %broadcast_in_dim3A_41 : vector<16xf32>
    %mul3A_45 = arith.mulf %exp3A_36, %div3A_44 : vector<16xf32>
    %mul3A_46 = arith.constant 6.250000e-02 : f32
    %mul3A_47 = vector.broadcast %mul3A_46 : f32 to vector<16xf32>
    %mul3A_48 = arith.mulf %mul3A_45, %mul3A_47 : vector<16xf32>
    %broadcast_in_dim3A_49 = arith.constant true
    %broadcast_in_dim3A_50 = vector.broadcast %broadcast_in_dim3A_49 : i1 to vector<16xi1>
    %masked_cumsum3A_51 = tpu.scan <sum>, %mul3A_48 masked %broadcast_in_dim3A_50 : vector<16xf32>, vector<16xi1> -> vector<16xf32>
    %sub3A_52 = arith.subf %masked_cumsum3A_51, %mul3A_48 : vector<16xf32>
    %mul3A_53 = arith.constant 6.250000e-02 : f32
    %mul3A_54 = vector.broadcast %mul3A_53 : f32 to vector<16xf32>
    %mul3A_55 = arith.mulf %mul3A_45, %mul3A_54 : vector<16xf32>
    %swap3A_56 = arith.constant 0 : index
    %swap3A_57 = tpu.vector_load %arg36[%swap3A_56] {strides = array<i32>} : memref<16xf32, #tpu.memory_space<vmem>>, vector<16xf32>,
    tpu.vector_store %arg36[%swap3A_56], %mul3A_55 {strides = array<i32>} : memref<16xf32, #tpu.memory_space<vmem>>, vector<16xf32>,
    %mul3A_58 = arith.mulf %mul3A_55, %convert_element_type3A : vector<16xf32>
    %sub3A_59 = arith.subf %sub3A_52, %mul3A_58 : vector<16xf32>
    %swap3A_60 = arith.constant 0 : index
    %swap3A_61 = tpu.vector_load %arg39[%swap3A_60] {strides = array<i32>} : memref<16xf32, #tpu.memory_space<vmem>>, vector<16xf32>,
    tpu.vector_store %arg39[%swap3A_60], %sub3A_59 {strides = array<i32>} : memref<16xf32, #tpu.memory_space<vmem>>, vector<16xf32>,
    %get3A_62 = arith.constant 32 : index
    %get3A_63 = tpu.vector_load %arg34[%get3A_62] {strides = array<i32>} : memref<48xf32, #tpu.memory_space<vmem>>, vector<16xf32>,
    %reduce_max3A_64 = arith.constant true
    %reduce_max3A_65 = vector.broadcast %reduce_max3A_64 : i1 to vector<16xi1>
    %reduce_max3A_66 = tpu.scan <max>, %get3A_63 masked %reduce_max3A_65 : vector<16xf32>, vector<16xi1> -> vector<16xf32>
    %reduce_max3A_67 = vector.extract %reduce_max3A_66[15] : f32 from vector<16xf32>
    %sub3A_68 = vector.broadcast %reduce_max3A_67 : f32 to vector<16xf32>
    %sub3A_69 = arith.subf %get3A_63, %sub3A_68 : vector<16xf32>
    %exp3A_70 = math.exp %sub3A_69 : vector<16xf32>
    %reduce_sum3A_71 = arith.constant true
    %reduce_sum3A_72 = vector.broadcast %reduce_sum3A_71 : i1 to vector<16xi1>
    %reduce_sum3A_73 = tpu.scan <sum>, %exp3A_70 masked %reduce_sum3A_72 : vector<16xf32>, vector<16xi1> -> vector<16xf32>
    %reduce_sum3A_74 = vector.extract %reduce_sum3A_73[15] : f32 from vector<16xf32>
    %broadcast_in_dim3A_75 = vector.broadcast %reduce_sum3A_74 : f32 to vector<16xf32>
    %div3A_76 = arith.constant 1.600000e+01 : f32
    %div3A_77 = vector.broadcast %div3A_76 : f32 to vector<16xf32>
    %div3A_78 = arith.divf %div3A_77, %broadcast_in_dim3A_75 : vector<16xf32>
    %mul3A_79 = arith.mulf %exp3A_70, %div3A_78 : vector<16xf32>
    %mul3A_80 = arith.constant 6.250000e-02 : f32
    %mul3A_81 = vector.broadcast %mul3A_80 : f32 to vector<16xf32>
    %mul3A_82 = arith.mulf %mul3A_79, %mul3A_81 : vector<16xf32>
    %broadcast_in_dim3A_83 = arith.constant true
    %broadcast_in_dim3A_84 = vector.broadcast %broadcast_in_dim3A_83 : i1 to vector<16xi1>
    %masked_cumsum3A_85 = tpu.scan <sum>, %mul3A_82 masked %broadcast_in_dim3A_84 : vector<16xf32>, vector<16xi1> -> vector<16xf32>
    %sub3A_86 = arith.subf %masked_cumsum3A_85, %mul3A_82 : vector<16xf32>
    %mul3A_87 = arith.constant 6.250000e-02 : f32
    %mul3A_88 = vector.broadcast %mul3A_87 : f32 to vector<16xf32>
    %mul3A_89 = arith.mulf %mul3A_79, %mul3A_88 : vector<16xf32>
    %swap3A_90 = arith.constant 0 : index
    %swap3A_91 = tpu.vector_load %arg37[%swap3A_90] {strides = array<i32>} : memref<16xf32, #tpu.memory_space<vmem>>, vector<16xf32>,
    tpu.vector_store %arg37[%swap3A_90], %mul3A_89 {strides = array<i32>} : memref<16xf32, #tpu.memory_space<vmem>>, vector<16xf32>,
    %mul3A_92 = arith.mulf %mul3A_89, %convert_element_type3A : vector<16xf32>
    %sub3A_93 = arith.subf %sub3A_86, %mul3A_92 : vector<16xf32>
    %swap3A_94 = arith.constant 0 : index
    %swap3A_95 = tpu.vector_load %arg40[%swap3A_94] {strides = array<i32>} : memref<16xf32, #tpu.memory_space<vmem>>, vector<16xf32>,
    tpu.vector_store %arg40[%swap3A_94], %sub3A_93 {strides = array<i32>} : memref<16xf32, #tpu.memory_space<vmem>>, vector<16xf32>,
    %get3A_96 = arith.constant 0 : index
    %get3A_97 = tpu.vector_load %arg33[%get3A_96] {strides = array<i32>} : memref<16xf32, #tpu.memory_space<vmem>>, vector<16xf32>,
    %slice3A = vector.extract_strided_slice %get3A_97 {offsets = [9], sizes = [1], strides = [1]} : vector<16xf32> to vector<1xf32>
    %squeeze3A = vector.extract %slice3A[0] : f32 from vector<1xf32>
    %mul3A_98 = arith.constant 1.600000e+01 : f32
    %mul3A_99 = arith.mulf %squeeze3A, %mul3A_98 : f32
    %slice3A_100 = vector.extract_strided_slice %get3A_97 {offsets = [0], sizes = [1], strides = [1]} : vector<16xf32> to vector<1xf32>
    %squeeze3A_101 = vector.extract %slice3A_100[0] : f32 from vector<1xf32>
    %mul3A_102 = arith.mulf %mul3A_99, %squeeze3A_101 : f32
    %slice3A_103 = vector.extract_strided_slice %get3A_97 {offsets = [1], sizes = [1], strides = [1]} : vector<16xf32> to vector<1xf32>
    %squeeze3A_104 = vector.extract %slice3A_103[0] : f32 from vector<1xf32>
    %mul3A_105 = arith.mulf %mul3A_99, %squeeze3A_104 : f32
    %slice3A_106 = vector.extract_strided_slice %get3A_97 {offsets = [2], sizes = [1], strides = [1]} : vector<16xf32> to vector<1xf32>
    %squeeze3A_107 = vector.extract %slice3A_106[0] : f32 from vector<1xf32>
    %mul3A_108 = arith.mulf %mul3A_99, %squeeze3A_107 : f32
    %slice3A_109 = vector.extract_strided_slice %get3A_97 {offsets = [10], sizes = [1], strides = [1]} : vector<16xf32> to vector<1xf32>
    %squeeze3A_110 = vector.extract %slice3A_109[0] : f32 from vector<1xf32>
    %mul3A_111 = arith.constant 1.600000e+01 : f32
    %mul3A_112 = arith.mulf %squeeze3A_110, %mul3A_111 : f32
    %slice3A_113 = vector.extract_strided_slice %get3A_97 {offsets = [3], sizes = [1], strides = [1]} : vector<16xf32> to vector<1xf32>
    %squeeze3A_114 = vector.extract %slice3A_113[0] : f32 from vector<1xf32>
    %mul3A_115 = arith.mulf %mul3A_112, %squeeze3A_114 : f32
    %slice3A_116 = vector.extract_strided_slice %get3A_97 {offsets = [4], sizes = [1], strides = [1]} : vector<16xf32> to vector<1xf32>
    %squeeze3A_117 = vector.extract %slice3A_116[0] : f32 from vector<1xf32>
    %mul3A_118 = arith.mulf %mul3A_112, %squeeze3A_117 : f32
    %slice3A_119 = vector.extract_strided_slice %get3A_97 {offsets = [5], sizes = [1], strides = [1]} : vector<16xf32> to vector<1xf32>
    %squeeze3A_120 = vector.extract %slice3A_119[0] : f32 from vector<1xf32>
    %mul3A_121 = arith.mulf %mul3A_112, %squeeze3A_120 : f32
    %slice3A_122 = vector.extract_strided_slice %get3A_97 {offsets = [11], sizes = [1], strides = [1]} : vector<16xf32> to vector<1xf32>
    %squeeze3A_123 = vector.extract %slice3A_122[0] : f32 from vector<1xf32>
    %mul3A_124 = arith.constant 1.600000e+01 : f32
    %mul3A_125 = arith.mulf %squeeze3A_123, %mul3A_124 : f32
    %slice3A_126 = vector.extract_strided_slice %get3A_97 {offsets = [6], sizes = [1], strides = [1]} : vector<16xf32> to vector<1xf32>
    %squeeze3A_127 = vector.extract %slice3A_126[0] : f32 from vector<1xf32>
    %mul3A_128 = arith.mulf %mul3A_125, %squeeze3A_127 : f32
    %slice3A_129 = vector.extract_strided_slice %get3A_97 {offsets = [7], sizes = [1], strides = [1]} : vector<16xf32> to vector<1xf32>
    %squeeze3A_130 = vector.extract %slice3A_129[0] : f32 from vector<1xf32>
    %mul3A_131 = arith.mulf %mul3A_125, %squeeze3A_130 : f32
    %slice3A_132 = vector.extract_strided_slice %get3A_97 {offsets = [8], sizes = [1], strides = [1]} : vector<16xf32> to vector<1xf32>
    %squeeze3A_133 = vector.extract %slice3A_132[0] : f32 from vector<1xf32>
    %mul3A_134 = arith.mulf %mul3A_125, %squeeze3A_133 : f32
    %slice3A_135 = vector.extract_strided_slice %get3A_97 {offsets = [12], sizes = [1], strides = [1]} : vector<16xf32> to vector<1xf32>
    %squeeze3A_136 = vector.extract %slice3A_135[0] : f32 from vector<1xf32>
    %mul3A_137 = arith.constant 1.600000e+01 : f32
    %mul3A_138 = arith.mulf %squeeze3A_136, %mul3A_137 : f32
    %slice3A_139 = vector.extract_strided_slice %get3A_97 {offsets = [13], sizes = [1], strides = [1]} : vector<16xf32> to vector<1xf32>
    %squeeze3A_140 = vector.extract %slice3A_139[0] : f32 from vector<1xf32>
    %mul3A_141 = arith.constant 1.600000e+01 : f32
    %mul3A_142 = arith.mulf %squeeze3A_140, %mul3A_141 : f32
    %slice3A_143 = vector.extract_strided_slice %get3A_97 {offsets = [14], sizes = [1], strides = [1]} : vector<16xf32> to vector<1xf32>
    %squeeze3A_144 = vector.extract %slice3A_143[0] : f32 from vector<1xf32>
    %mul3A_145 = arith.constant 1.600000e+01 : f32
    %mul3A_146 = arith.mulf %squeeze3A_144, %mul3A_145 : f32
    %jit3A = arith.constant 64 : i32
    %div3A_147 = arith.divsi %mul3A_2, %jit3A : i32
    %sign3A = arith.constant 0 : i32
    %sign3A_148 = arith.cmpi sgt, %mul3A_2, %sign3A : i32
    %sign3A_149 = arith.extui %sign3A_148 : i1 to i32
    %sign3A_150 = arith.constant 0 : i32
    %sign3A_151 = arith.cmpi slt, %mul3A_2, %sign3A_150 : i32
    %sign3A_152 = arith.extui %sign3A_151 : i1 to i32
    %sign3A_153 = arith.subi %sign3A_149, %sign3A_152 : i32
    %sign3A_154 = arith.constant 0 : i32
    %sign3A_155 = arith.cmpi sgt, %jit3A, %sign3A_154 : i32
    %sign3A_156 = arith.extui %sign3A_155 : i1 to i32
    %sign3A_157 = arith.constant 0 : i32
    %sign3A_158 = arith.cmpi slt, %jit3A, %sign3A_157 : i32
    %sign3A_159 = arith.extui %sign3A_158 : i1 to i32
    %sign3A_160 = arith.subi %sign3A_156, %sign3A_159 : i32
    %ne3A = arith.cmpi ne, %sign3A_153, %sign3A_160 : i32
    %rem3A = arith.remsi %mul3A_2, %jit3A : i32
    %ne3A_161 = arith.constant 0 : i32
    %ne3A_162 = arith.cmpi ne, %rem3A, %ne3A_161 : i32
    %and3A = arith.andi %ne3A, %ne3A_162 : i1
    %sub3A_163 = arith.constant 1 : i32
    %sub3A_164 = arith.subi %div3A_147, %sub3A_163 : i32
    %select_n3A = arith.select %and3A, %sub3A_164, %div3A_147 : i32
    %jit3A_165 = arith.constant 64 : i32
    %eq3A = arith.constant 0 : i32
    %eq3A_166 = arith.cmpi eq, %jit3A_165, %eq3A : i32
    %jit3A_167 = arith.constant 1 : i32
    %select_n3A_168 = arith.select %eq3A_166, %jit3A_167, %jit3A_165 : i32
    %rem3A_169 = arith.remsi %mul3A_2, %select_n3A_168 : i32
    %ne3A_170 = arith.constant 0 : i32
    %ne3A_171 = arith.cmpi ne, %rem3A_169, %ne3A_170 : i32
    %lt3A = arith.constant 0 : i32
    %lt3A_172 = arith.cmpi slt, %rem3A_169, %lt3A : i32
    %lt3A_173 = arith.constant 0 : i32
    %lt3A_174 = arith.cmpi slt, %select_n3A_168, %lt3A_173 : i32
    %ne3A_175 = arith.xori %lt3A_172, %lt3A_174 : i1
    %and3A_176 = arith.andi %ne3A_175, %ne3A_171 : i1
    %add3A_177 = arith.addi %rem3A_169, %select_n3A_168 : i32
    %select_n3A_178 = arith.select %and3A_176, %add3A_177, %rem3A_169 : i32
    %mul3A_179 = arith.constant 8 : i32
    %mul3A_180 = arith.muli %select_n3A_178, %mul3A_179 : i32
    %dma_start3A = arith.constant 0 : i32
    %dma_start3A_181 = arith.constant 0 : i32
    %dma_start3A_182 = tpu.memref_slice %arg2[%select_n3A, %dma_start3A, %mul3A_180, %dma_start3A_181] : memref<32x3x512x512xf32, #tpu.memory_space<hbm>> -> memref<1x1x8x512xf32, #tpu.memory_space<hbm>>
    %dma_start3A_183 = tpu.memref_squeeze %dma_start3A_182 : memref<1x1x8x512xf32, #tpu.memory_space<hbm>> -> memref<8x512xf32, #tpu.memory_space<hbm>>
    %dma_start3A_184 = arith.constant 0 : i32
    %dma_start3A_185 = tpu.memref_slice %arg2[%select_n3A, %dma_start3A, %mul3A_180, %dma_start3A_184] : memref<32x3x512x512xf32, #tpu.memory_space<hbm>> -> memref<1x1x8x512xf32, #tpu.memory_space<hbm>>
    %dma_start3A_186 = tpu.memref_squeeze %dma_start3A_185 : memref<1x1x8x512xf32, #tpu.memory_space<hbm>> -> memref<8x512xf32, #tpu.memory_space<hbm>>
    tpu.enqueue_dma source(%dma_start3A_186 : memref<8x512xf32, #tpu.memory_space<hbm>>) target(%arg6 : memref<8x512xf32, #tpu.memory_space<vmem>>) target_semaphore(%arg41 : memref<!tpu.dma_semaphore, #tpu.memory_space<semaphore_mem>>)
    %dma_start3A_187 = arith.constant 1 : i32
    %dma_start3A_188 = arith.constant 0 : i32
    %dma_start3A_189 = tpu.memref_slice %arg2[%select_n3A, %dma_start3A_187, %mul3A_180, %dma_start3A_188] : memref<32x3x512x512xf32, #tpu.memory_space<hbm>> -> memref<1x1x8x512xf32, #tpu.memory_space<hbm>>
    %dma_start3A_190 = tpu.memref_squeeze %dma_start3A_189 : memref<1x1x8x512xf32, #tpu.memory_space<hbm>> -> memref<8x512xf32, #tpu.memory_space<hbm>>
    %dma_start3A_191 = arith.constant 0 : i32
    %dma_start3A_192 = tpu.memref_slice %arg2[%select_n3A, %dma_start3A_187, %mul3A_180, %dma_start3A_191] : memref<32x3x512x512xf32, #tpu.memory_space<hbm>> -> memref<1x1x8x512xf32, #tpu.memory_space<hbm>>
    %dma_start3A_193 = tpu.memref_squeeze %dma_start3A_192 : memref<1x1x8x512xf32, #tpu.memory_space<hbm>> -> memref<8x512xf32, #tpu.memory_space<hbm>>
    tpu.enqueue_dma source(%dma_start3A_193 : memref<8x512xf32, #tpu.memory_space<hbm>>) target(%arg7 : memref<8x512xf32, #tpu.memory_space<vmem>>) target_semaphore(%arg41 : memref<!tpu.dma_semaphore, #tpu.memory_space<semaphore_mem>>)
    %dma_start3A_194 = arith.constant 2 : i32
    %dma_start3A_195 = arith.constant 0 : i32
    %dma_start3A_196 = tpu.memref_slice %arg2[%select_n3A, %dma_start3A_194, %mul3A_180, %dma_start3A_195] : memref<32x3x512x512xf32, #tpu.memory_space<hbm>> -> memref<1x1x8x512xf32, #tpu.memory_space<hbm>>
    %dma_start3A_197 = tpu.memref_squeeze %dma_start3A_196 : memref<1x1x8x512xf32, #tpu.memory_space<hbm>> -> memref<8x512xf32, #tpu.memory_space<hbm>>
    %dma_start3A_198 = arith.constant 0 : i32
    %dma_start3A_199 = tpu.memref_slice %arg2[%select_n3A, %dma_start3A_194, %mul3A_180, %dma_start3A_198] : memref<32x3x512x512xf32, #tpu.memory_space<hbm>> -> memref<1x1x8x512xf32, #tpu.memory_space<hbm>>
    %dma_start3A_200 = tpu.memref_squeeze %dma_start3A_199 : memref<1x1x8x512xf32, #tpu.memory_space<hbm>> -> memref<8x512xf32, #tpu.memory_space<hbm>>
    tpu.enqueue_dma source(%dma_start3A_200 : memref<8x512xf32, #tpu.memory_space<hbm>>) target(%arg8 : memref<8x512xf32, #tpu.memory_space<vmem>>) target_semaphore(%arg41 : memref<!tpu.dma_semaphore, #tpu.memory_space<semaphore_mem>>)
    %add3A_201 = arith.constant 1 : i32
    %add3A_202 = arith.addi %mul3A_2, %add3A_201 : i32
    %jit3A_203 = arith.constant 64 : i32
    %div3A_204 = arith.divsi %add3A_202, %jit3A_203 : i32
    %sign3A_205 = arith.constant 0 : i32
    %sign3A_206 = arith.cmpi sgt, %add3A_202, %sign3A_205 : i32
    %sign3A_207 = arith.extui %sign3A_206 : i1 to i32
    %sign3A_208 = arith.constant 0 : i32
    %sign3A_209 = arith.cmpi slt, %add3A_202, %sign3A_208 : i32
    %sign3A_210 = arith.extui %sign3A_209 : i1 to i32
    %sign3A_211 = arith.subi %sign3A_207, %sign3A_210 : i32
    %sign3A_212 = arith.constant 0 : i32
    %sign3A_213 = arith.cmpi sgt, %jit3A_203, %sign3A_212 : i32
    %sign3A_214 = arith.extui %sign3A_213 : i1 to i32
    %sign3A_215 = arith.constant 0 : i32
    %sign3A_216 = arith.cmpi slt, %jit3A_203, %sign3A_215 : i32
    %sign3A_217 = arith.extui %sign3A_216 : i1 to i32
    %sign3A_218 = arith.subi %sign3A_214, %sign3A_217 : i32
    %ne3A_219 = arith.cmpi ne, %sign3A_211, %sign3A_218 : i32
    %rem3A_220 = arith.remsi %add3A_202, %jit3A_203 : i32
    %ne3A_221 = arith.constant 0 : i32
    %ne3A_222 = arith.cmpi ne, %rem3A_220, %ne3A_221 : i32
    %and3A_223 = arith.andi %ne3A_219, %ne3A_222 : i1
    %sub3A_224 = arith.constant 1 : i32
    %sub3A_225 = arith.subi %div3A_204, %sub3A_224 : i32
    %select_n3A_226 = arith.select %and3A_223, %sub3A_225, %div3A_204 : i32
    %jit3A_227 = arith.constant 64 : i32
    %eq3A_228 = arith.constant 0 : i32
    %eq3A_229 = arith.cmpi eq, %jit3A_227, %eq3A_228 : i32
    %jit3A_230 = arith.constant 1 : i32
    %select_n3A_231 = arith.select %eq3A_229, %jit3A_230, %jit3A_227 : i32
    %rem3A_232 = arith.remsi %add3A_202, %select_n3A_231 : i32
    %ne3A_233 = arith.constant 0 : i32
    %ne3A_234 = arith.cmpi ne, %rem3A_232, %ne3A_233 : i32
    %lt3A_235 = arith.constant 0 : i32
    %lt3A_236 = arith.cmpi slt, %rem3A_232, %lt3A_235 : i32
    %lt3A_237 = arith.constant 0 : i32
    %lt3A_238 = arith.cmpi slt, %select_n3A_231, %lt3A_237 : i32
    %ne3A_239 = arith.xori %lt3A_236, %lt3A_238 : i1
    %and3A_240 = arith.andi %ne3A_239, %ne3A_234 : i1
    %add3A_241 = arith.addi %rem3A_232, %select_n3A_231 : i32
    %select_n3A_242 = arith.select %and3A_240, %add3A_241, %rem3A_232 : i32
    %mul3A_243 = arith.constant 8 : i32
    %mul3A_244 = arith.muli %select_n3A_242, %mul3A_243 : i32
    %dma_start3A_245 = arith.constant 0 : i32
    %dma_start3A_246 = arith.constant 0 : i32
    %dma_start3A_247 = tpu.memref_slice %arg2[%select_n3A_226, %dma_start3A_245, %mul3A_244, %dma_start3A_246] : memref<32x3x512x512xf32, #tpu.memory_space<hbm>> -> memref<1x1x8x512xf32, #tpu.memory_space<hbm>>
    %dma_start3A_248 = tpu.memref_squeeze %dma_start3A_247 : memref<1x1x8x512xf32, #tpu.memory_space<hbm>> -> memref<8x512xf32, #tpu.memory_space<hbm>>
    %dma_start3A_249 = arith.constant 0 : i32
    %dma_start3A_250 = tpu.memref_slice %arg2[%select_n3A_226, %dma_start3A_245, %mul3A_244, %dma_start3A_249] : memref<32x3x512x512xf32, #tpu.memory_space<hbm>> -> memref<1x1x8x512xf32, #tpu.memory_space<hbm>>
    %dma_start3A_251 = tpu.memref_squeeze %dma_start3A_250 : memref<1x1x8x512xf32, #tpu.memory_space<hbm>> -> memref<8x512xf32, #tpu.memory_space<hbm>>
    tpu.enqueue_dma source(%dma_start3A_251 : memref<8x512xf32, #tpu.memory_space<hbm>>) target(%arg9 : memref<8x512xf32, #tpu.memory_space<vmem>>) target_semaphore(%arg42 : memref<!tpu.dma_semaphore, #tpu.memory_space<semaphore_mem>>)
    %dma_start3A_252 = arith.constant 1 : i32
    %dma_start3A_253 = arith.constant 0 : i32
    %dma_start3A_254 = tpu.memref_slice %arg2[%select_n3A_226, %dma_start3A_252, %mul3A_244, %dma_start3A_253] : memref<32x3x512x512xf32, #tpu.memory_space<hbm>> -> memref<1x1x8x512xf32, #tpu.memory_space<hbm>>
    %dma_start3A_255 = tpu.memref_squeeze %dma_start3A_254 : memref<1x1x8x512xf32, #tpu.memory_space<hbm>> -> memref<8x512xf32, #tpu.memory_space<hbm>>
    %dma_start3A_256 = arith.constant 0 : i32
    %dma_start3A_257 = tpu.memref_slice %arg2[%select_n3A_226, %dma_start3A_252, %mul3A_244, %dma_start3A_256] : memref<32x3x512x512xf32, #tpu.memory_space<hbm>> -> memref<1x1x8x512xf32, #tpu.memory_space<hbm>>
    %dma_start3A_258 = tpu.memref_squeeze %dma_start3A_257 : memref<1x1x8x512xf32, #tpu.memory_space<hbm>> -> memref<8x512xf32, #tpu.memory_space<hbm>>
    tpu.enqueue_dma source(%dma_start3A_258 : memref<8x512xf32, #tpu.memory_space<hbm>>) target(%arg10 : memref<8x512xf32, #tpu.memory_space<vmem>>) target_semaphore(%arg42 : memref<!tpu.dma_semaphore, #tpu.memory_space<semaphore_mem>>)
    %dma_start3A_259 = arith.constant 2 : i32
    %dma_start3A_260 = arith.constant 0 : i32
    %dma_start3A_261 = tpu.memref_slice %arg2[%select_n3A_226, %dma_start3A_259, %mul3A_244, %dma_start3A_260] : memref<32x3x512x512xf32, #tpu.memory_space<hbm>> -> memref<1x1x8x512xf32, #tpu.memory_space<hbm>>
    %dma_start3A_262 = tpu.memref_squeeze %dma_start3A_261 : memref<1x1x8x512xf32, #tpu.memory_space<hbm>> -> memref<8x512xf32, #tpu.memory_space<hbm>>
    %dma_start3A_263 = arith.constant 0 : i32
    %dma_start3A_264 = tpu.memref_slice %arg2[%select_n3A_226, %dma_start3A_259, %mul3A_244, %dma_start3A_263] : memref<32x3x512x512xf32, #tpu.memory_space<hbm>> -> memref<1x1x8x512xf32, #tpu.memory_space<hbm>>
    %dma_start3A_265 = tpu.memref_squeeze %dma_start3A_264 : memref<1x1x8x512xf32, #tpu.memory_space<hbm>> -> memref<8x512xf32, #tpu.memory_space<hbm>>
    tpu.enqueue_dma source(%dma_start3A_265 : memref<8x512xf32, #tpu.memory_space<hbm>>) target(%arg11 : memref<8x512xf32, #tpu.memory_space<vmem>>) target_semaphore(%arg42 : memref<!tpu.dma_semaphore, #tpu.memory_space<semaphore_mem>>)
    %add3A_266 = arith.constant 2 : i32
    %add3A_267 = arith.addi %mul3A_2, %add3A_266 : i32
    %jit3A_268 = arith.constant 64 : i32
    %div3A_269 = arith.divsi %add3A_267, %jit3A_268 : i32
    %sign3A_270 = arith.constant 0 : i32
    %sign3A_271 = arith.cmpi sgt, %add3A_267, %sign3A_270 : i32
    %sign3A_272 = arith.extui %sign3A_271 : i1 to i32
    %sign3A_273 = arith.constant 0 : i32
    %sign3A_274 = arith.cmpi slt, %add3A_267, %sign3A_273 : i32
    %sign3A_275 = arith.extui %sign3A_274 : i1 to i32
    %sign3A_276 = arith.subi %sign3A_272, %sign3A_275 : i32
    %sign3A_277 = arith.constant 0 : i32
    %sign3A_278 = arith.cmpi sgt, %jit3A_268, %sign3A_277 : i32
    %sign3A_279 = arith.extui %sign3A_278 : i1 to i32
    %sign3A_280 = arith.constant 0 : i32
    %sign3A_281 = arith.cmpi slt, %jit3A_268, %sign3A_280 : i32
    %sign3A_282 = arith.extui %sign3A_281 : i1 to i32
    %sign3A_283 = arith.subi %sign3A_279, %sign3A_282 : i32
    %ne3A_284 = arith.cmpi ne, %sign3A_276, %sign3A_283 : i32
    %rem3A_285 = arith.remsi %add3A_267, %jit3A_268 : i32
    %ne3A_286 = arith.constant 0 : i32
    %ne3A_287 = arith.cmpi ne, %rem3A_285, %ne3A_286 : i32
    %and3A_288 = arith.andi %ne3A_284, %ne3A_287 : i1
    %sub3A_289 = arith.constant 1 : i32
    %sub3A_290 = arith.subi %div3A_269, %sub3A_289 : i32
    %select_n3A_291 = arith.select %and3A_288, %sub3A_290, %div3A_269 : i32
    %jit3A_292 = arith.constant 64 : i32
    %eq3A_293 = arith.constant 0 : i32
    %eq3A_294 = arith.cmpi eq, %jit3A_292, %eq3A_293 : i32
    %jit3A_295 = arith.constant 1 : i32
    %select_n3A_296 = arith.select %eq3A_294, %jit3A_295, %jit3A_292 : i32
    %rem3A_297 = arith.remsi %add3A_267, %select_n3A_296 : i32
    %ne3A_298 = arith.constant 0 : i32
    %ne3A_299 = arith.cmpi ne, %rem3A_297, %ne3A_298 : i32
    %lt3A_300 = arith.constant 0 : i32
    %lt3A_301 = arith.cmpi slt, %rem3A_297, %lt3A_300 : i32
    %lt3A_302 = arith.constant 0 : i32
    %lt3A_303 = arith.cmpi slt, %select_n3A_296, %lt3A_302 : i32
    %ne3A_304 = arith.xori %lt3A_301, %lt3A_303 : i1
    %and3A_305 = arith.andi %ne3A_304, %ne3A_299 : i1
    %add3A_306 = arith.addi %rem3A_297, %select_n3A_296 : i32
    %select_n3A_307 = arith.select %and3A_305, %add3A_306, %rem3A_297 : i32
    %mul3A_308 = arith.constant 8 : i32
    %mul3A_309 = arith.muli %select_n3A_307, %mul3A_308 : i32
    %dma_start3A_310 = arith.constant 0 : i32
    %dma_start3A_311 = arith.constant 0 : i32
    %dma_start3A_312 = tpu.memref_slice %arg2[%select_n3A_291, %dma_start3A_310, %mul3A_309, %dma_start3A_311] : memref<32x3x512x512xf32, #tpu.memory_space<hbm>> -> memref<1x1x8x512xf32, #tpu.memory_space<hbm>>
    %dma_start3A_313 = tpu.memref_squeeze %dma_start3A_312 : memref<1x1x8x512xf32, #tpu.memory_space<hbm>> -> memref<8x512xf32, #tpu.memory_space<hbm>>
    %dma_start3A_314 = arith.constant 0 : i32
    %dma_start3A_315 = tpu.memref_slice %arg2[%select_n3A_291, %dma_start3A_310, %mul3A_309, %dma_start3A_314] : memref<32x3x512x512xf32, #tpu.memory_space<hbm>> -> memref<1x1x8x512xf32, #tpu.memory_space<hbm>>
    %dma_start3A_316 = tpu.memref_squeeze %dma_start3A_315 : memref<1x1x8x512xf32, #tpu.memory_space<hbm>> -> memref<8x512xf32, #tpu.memory_space<hbm>>
    tpu.enqueue_dma source(%dma_start3A_316 : memref<8x512xf32, #tpu.memory_space<hbm>>) target(%arg12 : memref<8x512xf32, #tpu.memory_space<vmem>>) target_semaphore(%arg43 : memref<!tpu.dma_semaphore, #tpu.memory_space<semaphore_mem>>)
    %dma_start3A_317 = arith.constant 1 : i32
    %dma_start3A_318 = arith.constant 0 : i32
    %dma_start3A_319 = tpu.memref_slice %arg2[%select_n3A_291, %dma_start3A_317, %mul3A_309, %dma_start3A_318] : memref<32x3x512x512xf32, #tpu.memory_space<hbm>> -> memref<1x1x8x512xf32, #tpu.memory_space<hbm>>
    %dma_start3A_320 = tpu.memref_squeeze %dma_start3A_319 : memref<1x1x8x512xf32, #tpu.memory_space<hbm>> -> memref<8x512xf32, #tpu.memory_space<hbm>>
    %dma_start3A_321 = arith.constant 0 : i32
    %dma_start3A_322 = tpu.memref_slice %arg2[%select_n3A_291, %dma_start3A_317, %mul3A_309, %dma_start3A_321] : memref<32x3x512x512xf32, #tpu.memory_space<hbm>> -> memref<1x1x8x512xf32, #tpu.memory_space<hbm>>
    %dma_start3A_323 = tpu.memref_squeeze %dma_start3A_322 : memref<1x1x8x512xf32, #tpu.memory_space<hbm>> -> memref<8x512xf32, #tpu.memory_space<hbm>>
    tpu.enqueue_dma source(%dma_start3A_323 : memref<8x512xf32, #tpu.memory_space<hbm>>) target(%arg13 : memref<8x512xf32, #tpu.memory_space<vmem>>) target_semaphore(%arg43 : memref<!tpu.dma_semaphore, #tpu.memory_space<semaphore_mem>>)
    %dma_start3A_324 = arith.constant 2 : i32
    %dma_start3A_325 = arith.constant 0 : i32
    %dma_start3A_326 = tpu.memref_slice %arg2[%select_n3A_291, %dma_start3A_324, %mul3A_309, %dma_start3A_325] : memref<32x3x512x512xf32, #tpu.memory_space<hbm>> -> memref<1x1x8x512xf32, #tpu.memory_space<hbm>>
    %dma_start3A_327 = tpu.memref_squeeze %dma_start3A_326 : memref<1x1x8x512xf32, #tpu.memory_space<hbm>> -> memref<8x512xf32, #tpu.memory_space<hbm>>
    %dma_start3A_328 = arith.constant 0 : i32
    %dma_start3A_329 = tpu.memref_slice %arg2[%select_n3A_291, %dma_start3A_324, %mul3A_309, %dma_start3A_328] : memref<32x3x512x512xf32, #tpu.memory_space<hbm>> -> memref<1x1x8x512xf32, #tpu.memory_space<hbm>>
    %dma_start3A_330 = tpu.memref_squeeze %dma_start3A_329 : memref<1x1x8x512xf32, #tpu.memory_space<hbm>> -> memref<8x512xf32, #tpu.memory_space<hbm>>
    tpu.enqueue_dma source(%dma_start3A_330 : memref<8x512xf32, #tpu.memory_space<hbm>>) target(%arg14 : memref<8x512xf32, #tpu.memory_space<vmem>>) target_semaphore(%arg43 : memref<!tpu.dma_semaphore, #tpu.memory_space<semaphore_mem>>)
    %add3A_331 = arith.constant 3 : i32
    %add3A_332 = arith.addi %mul3A_2, %add3A_331 : i32
    %jit3A_333 = arith.constant 64 : i32
    %div3A_334 = arith.divsi %add3A_332, %jit3A_333 : i32
    %sign3A_335 = arith.constant 0 : i32
    %sign3A_336 = arith.cmpi sgt, %add3A_332, %sign3A_335 : i32
    %sign3A_337 = arith.extui %sign3A_336 : i1 to i32
    %sign3A_338 = arith.constant 0 : i32
    %sign3A_339 = arith.cmpi slt, %add3A_332, %sign3A_338 : i32
    %sign3A_340 = arith.extui %sign3A_339 : i1 to i32
    %sign3A_341 = arith.subi %sign3A_337, %sign3A_340 : i32
    %sign3A_342 = arith.constant 0 : i32
    %sign3A_343 = arith.cmpi sgt, %jit3A_333, %sign3A_342 : i32
    %sign3A_344 = arith.extui %sign3A_343 : i1 to i32
    %sign3A_345 = arith.constant 0 : i32
    %sign3A_346 = arith.cmpi slt, %jit3A_333, %sign3A_345 : i32
    %sign3A_347 = arith.extui %sign3A_346 : i1 to i32
    %sign3A_348 = arith.subi %sign3A_344, %sign3A_347 : i32
    %ne3A_349 = arith.cmpi ne, %sign3A_341, %sign3A_348 : i32
    %rem3A_350 = arith.remsi %add3A_332, %jit3A_333 : i32
    %ne3A_351 = arith.constant 0 : i32
    %ne3A_352 = arith.cmpi ne, %rem3A_350, %ne3A_351 : i32
    %and3A_353 = arith.andi %ne3A_349, %ne3A_352 : i1
    %sub3A_354 = arith.constant 1 : i32
    %sub3A_355 = arith.subi %div3A_334, %sub3A_354 : i32
    %select_n3A_356 = arith.select %and3A_353, %sub3A_355, %div3A_334 : i32
    %jit3A_357 = arith.constant 64 : i32
    %eq3A_358 = arith.constant 0 : i32
    %eq3A_359 = arith.cmpi eq, %jit3A_357, %eq3A_358 : i32
    %jit3A_360 = arith.constant 1 : i32
    %select_n3A_361 = arith.select %eq3A_359, %jit3A_360, %jit3A_357 : i32
    %rem3A_362 = arith.remsi %add3A_332, %select_n3A_361 : i32
    %ne3A_363 = arith.constant 0 : i32
    %ne3A_364 = arith.cmpi ne, %rem3A_362, %ne3A_363 : i32
    %lt3A_365 = arith.constant 0 : i32
    %lt3A_366 = arith.cmpi slt, %rem3A_362, %lt3A_365 : i32
    %lt3A_367 = arith.constant 0 : i32
    %lt3A_368 = arith.cmpi slt, %select_n3A_361, %lt3A_367 : i32
    %ne3A_369 = arith.xori %lt3A_366, %lt3A_368 : i1
    %and3A_370 = arith.andi %ne3A_369, %ne3A_364 : i1
    %add3A_371 = arith.addi %rem3A_362, %select_n3A_361 : i32
    %select_n3A_372 = arith.select %and3A_370, %add3A_371, %rem3A_362 : i32
    %mul3A_373 = arith.constant 8 : i32
    %mul3A_374 = arith.muli %select_n3A_372, %mul3A_373 : i32
    %dma_start3A_375 = arith.constant 0 : i32
    %dma_start3A_376 = arith.constant 0 : i32
    %dma_start3A_377 = tpu.memref_slice %arg2[%select_n3A_356, %dma_start3A_375, %mul3A_374, %dma_start3A_376] : memref<32x3x512x512xf32, #tpu.memory_space<hbm>> -> memref<1x1x8x512xf32, #tpu.memory_space<hbm>>
    %dma_start3A_378 = tpu.memref_squeeze %dma_start3A_377 : memref<1x1x8x512xf32, #tpu.memory_space<hbm>> -> memref<8x512xf32, #tpu.memory_space<hbm>>
    %dma_start3A_379 = arith.constant 0 : i32
    %dma_start3A_380 = tpu.memref_slice %arg2[%select_n3A_356, %dma_start3A_375, %mul3A_374, %dma_start3A_379] : memref<32x3x512x512xf32, #tpu.memory_space<hbm>> -> memref<1x1x8x512xf32, #tpu.memory_space<hbm>>
    %dma_start3A_381 = tpu.memref_squeeze %dma_start3A_380 : memref<1x1x8x512xf32, #tpu.memory_space<hbm>> -> memref<8x512xf32, #tpu.memory_space<hbm>>
    tpu.enqueue_dma source(%dma_start3A_381 : memref<8x512xf32, #tpu.memory_space<hbm>>) target(%arg15 : memref<8x512xf32, #tpu.memory_space<vmem>>) target_semaphore(%arg44 : memref<!tpu.dma_semaphore, #tpu.memory_space<semaphore_mem>>)
    %dma_start3A_382 = arith.constant 1 : i32
    %dma_start3A_383 = arith.constant 0 : i32
    %dma_start3A_384 = tpu.memref_slice %arg2[%select_n3A_356, %dma_start3A_382, %mul3A_374, %dma_start3A_383] : memref<32x3x512x512xf32, #tpu.memory_space<hbm>> -> memref<1x1x8x512xf32, #tpu.memory_space<hbm>>
    %dma_start3A_385 = tpu.memref_squeeze %dma_start3A_384 : memref<1x1x8x512xf32, #tpu.memory_space<hbm>> -> memref<8x512xf32, #tpu.memory_space<hbm>>
    %dma_start3A_386 = arith.constant 0 : i32
    %dma_start3A_387 = tpu.memref_slice %arg2[%select_n3A_356, %dma_start3A_382, %mul3A_374, %dma_start3A_386] : memref<32x3x512x512xf32, #tpu.memory_space<hbm>> -> memref<1x1x8x512xf32, #tpu.memory_space<hbm>>
    %dma_start3A_388 = tpu.memref_squeeze %dma_start3A_387 : memref<1x1x8x512xf32, #tpu.memory_space<hbm>> -> memref<8x512xf32, #tpu.memory_space<hbm>>
    tpu.enqueue_dma source(%dma_start3A_388 : memref<8x512xf32, #tpu.memory_space<hbm>>) target(%arg16 : memref<8x512xf32, #tpu.memory_space<vmem>>) target_semaphore(%arg44 : memref<!tpu.dma_semaphore, #tpu.memory_space<semaphore_mem>>)
    %dma_start3A_389 = arith.constant 2 : i32
    %dma_start3A_390 = arith.constant 0 : i32
    %dma_start3A_391 = tpu.memref_slice %arg2[%select_n3A_356, %dma_start3A_389, %mul3A_374, %dma_start3A_390] : memref<32x3x512x512xf32, #tpu.memory_space<hbm>> -> memref<1x1x8x512xf32, #tpu.memory_space<hbm>>
    %dma_start3A_392 = tpu.memref_squeeze %dma_start3A_391 : memref<1x1x8x512xf32, #tpu.memory_space<hbm>> -> memref<8x512xf32, #tpu.memory_space<hbm>>
    %dma_start3A_393 = arith.constant 0 : i32
    %dma_start3A_394 = tpu.memref_slice %arg2[%select_n3A_356, %dma_start3A_389, %mul3A_374, %dma_start3A_393] : memref<32x3x512x512xf32, #tpu.memory_space<hbm>> -> memref<1x1x8x512xf32, #tpu.memory_space<hbm>>
    %dma_start3A_395 = tpu.memref_squeeze %dma_start3A_394 : memref<1x1x8x512xf32, #tpu.memory_space<hbm>> -> memref<8x512xf32, #tpu.memory_space<hbm>>
    tpu.enqueue_dma source(%dma_start3A_395 : memref<8x512xf32, #tpu.memory_space<hbm>>) target(%arg17 : memref<8x512xf32, #tpu.memory_space<vmem>>) target_semaphore(%arg44 : memref<!tpu.dma_semaphore, #tpu.memory_space<semaphore_mem>>)
    %scan3A = arith.constant 0 : i32
    %scan3A_396 = arith.constant 0 : i32
    %scan3A_397 = arith.constant 16 : i32
    %scan3A_398 = arith.addi %scan3A_396, %scan3A_397 : i32
    %scan3A_399 = arith.constant 1 : i32
    %scan3A_400 = scf.for %scan3A_653 = %scan3A_396 to %scan3A_398 step %scan3A_399 iter_args(%scan3A_654 = %scan3A) -> (i32)  : i32 {
      %mul3A_655 = arith.constant 4 : i32
      %mul3A_656 = arith.muli %mul3A_655, %scan3A_653 : i32
      %add3A_657 = arith.constant 0 : i32
      %add3A_658 = arith.addi %mul3A_656, %add3A_657 : i32
      %jit3A_659 = arith.constant 64 : i32
      %div3A_660 = arith.divsi %mul3A_2, %jit3A_659 : i32
      %sign3A_661 = arith.constant 0 : i32
      %sign3A_662 = arith.cmpi sgt, %mul3A_2, %sign3A_661 : i32
      %sign3A_663 = arith.extui %sign3A_662 : i1 to i32
      %sign3A_664 = arith.constant 0 : i32
      %sign3A_665 = arith.cmpi slt, %mul3A_2, %sign3A_664 : i32
      %sign3A_666 = arith.extui %sign3A_665 : i1 to i32
      %sign3A_667 = arith.subi %sign3A_663, %sign3A_666 : i32
      %sign3A_668 = arith.constant 0 : i32
      %sign3A_669 = arith.cmpi sgt, %jit3A_659, %sign3A_668 : i32
      %sign3A_670 = arith.extui %sign3A_669 : i1 to i32
      %sign3A_671 = arith.constant 0 : i32
      %sign3A_672 = arith.cmpi slt, %jit3A_659, %sign3A_671 : i32
      %sign3A_673 = arith.extui %sign3A_672 : i1 to i32
      %sign3A_674 = arith.subi %sign3A_670, %sign3A_673 : i32
      %ne3A_675 = arith.cmpi ne, %sign3A_667, %sign3A_674 : i32
      %rem3A_676 = arith.remsi %mul3A_2, %jit3A_659 : i32
      %ne3A_677 = arith.constant 0 : i32
      %ne3A_678 = arith.cmpi ne, %rem3A_676, %ne3A_677 : i32
      %and3A_679 = arith.andi %ne3A_675, %ne3A_678 : i1
      %sub3A_680 = arith.constant 1 : i32
      %sub3A_681 = arith.subi %div3A_660, %sub3A_680 : i32
      %select_n3A_682 = arith.select %and3A_679, %sub3A_681, %div3A_660 : i32
      %jit3A_683 = arith.constant 64 : i32
      %eq3A_684 = arith.constant 0 : i32
      %eq3A_685 = arith.cmpi eq, %jit3A_683, %eq3A_684 : i32
      %jit3A_686 = arith.constant 1 : i32
      %select_n3A_687 = arith.select %eq3A_685, %jit3A_686, %jit3A_683 : i32
      %rem3A_688 = arith.remsi %mul3A_2, %select_n3A_687 : i32
      %ne3A_689 = arith.constant 0 : i32
      %ne3A_690 = arith.cmpi ne, %rem3A_688, %ne3A_689 : i32
      %lt3A_691 = arith.constant 0 : i32
      %lt3A_692 = arith.cmpi slt, %rem3A_688, %lt3A_691 : i32
      %lt3A_693 = arith.constant 0 : i32
      %lt3A_694 = arith.cmpi slt, %select_n3A_687, %lt3A_693 : i32
      %ne3A_695 = arith.xori %lt3A_692, %lt3A_694 : i1
      %and3A_696 = arith.andi %ne3A_695, %ne3A_690 : i1
      %add3A_697 = arith.addi %rem3A_688, %select_n3A_687 : i32
      %select_n3A_698 = arith.select %and3A_696, %add3A_697, %rem3A_688 : i32
      %mul3A_699 = arith.constant 8 : i32
      %mul3A_700 = arith.muli %select_n3A_698, %mul3A_699 : i32
      %dma_wait3A_701 = arith.constant 0 : i32
      %dma_wait3A_702 = arith.constant 0 : i32
      %dma_wait3A_703 = tpu.memref_slice %arg2[%select_n3A_682, %dma_wait3A_701, %mul3A_700, %dma_wait3A_702] : memref<32x3x512x512xf32, #tpu.memory_space<hbm>> -> memref<1x1x8x512xf32, #tpu.memory_space<hbm>>
      %dma_wait3A_704 = tpu.memref_squeeze %dma_wait3A_703 : memref<1x1x8x512xf32, #tpu.memory_space<hbm>> -> memref<8x512xf32, #tpu.memory_space<hbm>>
      %dma_wait3A_705 = arith.constant 0 : i32
      %dma_wait3A_706 = tpu.memref_slice %arg2[%select_n3A_682, %dma_wait3A_701, %mul3A_700, %dma_wait3A_705] : memref<32x3x512x512xf32, #tpu.memory_space<hbm>> -> memref<1x1x8x512xf32, #tpu.memory_space<hbm>>
      %dma_wait3A_707 = tpu.memref_squeeze %dma_wait3A_706 : memref<1x1x8x512xf32, #tpu.memory_space<hbm>> -> memref<8x512xf32, #tpu.memory_space<hbm>>
      tpu.wait_dma2 semaphore(%arg41 : memref<!tpu.dma_semaphore, #tpu.memory_space<semaphore_mem>>) src(%dma_wait3A_707 : memref<8x512xf32, #tpu.memory_space<hbm>>) dst(%arg6 : memref<8x512xf32, #tpu.memory_space<vmem>>)
      %dma_wait3A_708 = arith.constant 1 : i32
      %dma_wait3A_709 = arith.constant 0 : i32
      %dma_wait3A_710 = tpu.memref_slice %arg2[%select_n3A_682, %dma_wait3A_708, %mul3A_700, %dma_wait3A_709] : memref<32x3x512x512xf32, #tpu.memory_space<hbm>> -> memref<1x1x8x512xf32, #tpu.memory_space<hbm>>
      %dma_wait3A_711 = tpu.memref_squeeze %dma_wait3A_710 : memref<1x1x8x512xf32, #tpu.memory_space<hbm>> -> memref<8x512xf32, #tpu.memory_space<hbm>>
      %dma_wait3A_712 = arith.constant 0 : i32
      %dma_wait3A_713 = tpu.memref_slice %arg2[%select_n3A_682, %dma_wait3A_708, %mul3A_700, %dma_wait3A_712] : memref<32x3x512x512xf32, #tpu.memory_space<hbm>> -> memref<1x1x8x512xf32, #tpu.memory_space<hbm>>
      %dma_wait3A_714 = tpu.memref_squeeze %dma_wait3A_713 : memref<1x1x8x512xf32, #tpu.memory_space<hbm>> -> memref<8x512xf32, #tpu.memory_space<hbm>>
      tpu.wait_dma2 semaphore(%arg41 : memref<!tpu.dma_semaphore, #tpu.memory_space<semaphore_mem>>) src(%dma_wait3A_714 : memref<8x512xf32, #tpu.memory_space<hbm>>) dst(%arg7 : memref<8x512xf32, #tpu.memory_space<vmem>>)
      %dma_wait3A_715 = arith.constant 2 : i32
      %dma_wait3A_716 = arith.constant 0 : i32
      %dma_wait3A_717 = tpu.memref_slice %arg2[%select_n3A_682, %dma_wait3A_715, %mul3A_700, %dma_wait3A_716] : memref<32x3x512x512xf32, #tpu.memory_space<hbm>> -> memref<1x1x8x512xf32, #tpu.memory_space<hbm>>
      %dma_wait3A_718 = tpu.memref_squeeze %dma_wait3A_717 : memref<1x1x8x512xf32, #tpu.memory_space<hbm>> -> memref<8x512xf32, #tpu.memory_space<hbm>>
      %dma_wait3A_719 = arith.constant 0 : i32
      %dma_wait3A_720 = tpu.memref_slice %arg2[%select_n3A_682, %dma_wait3A_715, %mul3A_700, %dma_wait3A_719] : memref<32x3x512x512xf32, #tpu.memory_space<hbm>> -> memref<1x1x8x512xf32, #tpu.memory_space<hbm>>
      %dma_wait3A_721 = tpu.memref_squeeze %dma_wait3A_720 : memref<1x1x8x512xf32, #tpu.memory_space<hbm>> -> memref<8x512xf32, #tpu.memory_space<hbm>>
      tpu.wait_dma2 semaphore(%arg41 : memref<!tpu.dma_semaphore, #tpu.memory_space<semaphore_mem>>) src(%dma_wait3A_721 : memref<8x512xf32, #tpu.memory_space<hbm>>) dst(%arg8 : memref<8x512xf32, #tpu.memory_space<vmem>>)
      %ge3A = arith.constant 4 : i32
      %ge3A_722 = arith.cmpi sge, %add3A_658, %ge3A : i32
      %convert_element_type3A_723 = arith.extui %ge3A_722 : i1 to i32
      %cond3A = arith.constant 0 : i32
      %cond3A_724 = arith.cmpi ne, %convert_element_type3A_723, %cond3A : i32
      scf.if %cond3A_724 {
        %jit3A_1249 = arith.constant 64 : i32
        %div3A_1250 = arith.divsi %mul3A_2, %jit3A_1249 : i32
        %sign3A_1251 = arith.constant 0 : i32
        %sign3A_1252 = arith.cmpi sgt, %mul3A_2, %sign3A_1251 : i32
        %sign3A_1253 = arith.extui %sign3A_1252 : i1 to i32
        %sign3A_1254 = arith.constant 0 : i32
        %sign3A_1255 = arith.cmpi slt, %mul3A_2, %sign3A_1254 : i32
        %sign3A_1256 = arith.extui %sign3A_1255 : i1 to i32
        %sign3A_1257 = arith.subi %sign3A_1253, %sign3A_1256 : i32
        %sign3A_1258 = arith.constant 0 : i32
        %sign3A_1259 = arith.cmpi sgt, %jit3A_1249, %sign3A_1258 : i32
        %sign3A_1260 = arith.extui %sign3A_1259 : i1 to i32
        %sign3A_1261 = arith.constant 0 : i32
        %sign3A_1262 = arith.cmpi slt, %jit3A_1249, %sign3A_1261 : i32
        %sign3A_1263 = arith.extui %sign3A_1262 : i1 to i32
        %sign3A_1264 = arith.subi %sign3A_1260, %sign3A_1263 : i32
        %ne3A_1265 = arith.cmpi ne, %sign3A_1257, %sign3A_1264 : i32
        %rem3A_1266 = arith.remsi %mul3A_2, %jit3A_1249 : i32
        %ne3A_1267 = arith.constant 0 : i32
        %ne3A_1268 = arith.cmpi ne, %rem3A_1266, %ne3A_1267 : i32
        %and3A_1269 = arith.andi %ne3A_1265, %ne3A_1268 : i1
        %sub3A_1270 = arith.constant 1 : i32
        %sub3A_1271 = arith.subi %div3A_1250, %sub3A_1270 : i32
        %select_n3A_1272 = arith.select %and3A_1269, %sub3A_1271, %div3A_1250 : i32
        %jit3A_1273 = arith.constant 64 : i32
        %eq3A_1274 = arith.constant 0 : i32
        %eq3A_1275 = arith.cmpi eq, %jit3A_1273, %eq3A_1274 : i32
        %jit3A_1276 = arith.constant 1 : i32
        %select_n3A_1277 = arith.select %eq3A_1275, %jit3A_1276, %jit3A_1273 : i32
        %rem3A_1278 = arith.remsi %mul3A_2, %select_n3A_1277 : i32
        %ne3A_1279 = arith.constant 0 : i32
        %ne3A_1280 = arith.cmpi ne, %rem3A_1278, %ne3A_1279 : i32
        %lt3A_1281 = arith.constant 0 : i32
        %lt3A_1282 = arith.cmpi slt, %rem3A_1278, %lt3A_1281 : i32
        %lt3A_1283 = arith.constant 0 : i32
        %lt3A_1284 = arith.cmpi slt, %select_n3A_1277, %lt3A_1283 : i32
        %ne3A_1285 = arith.xori %lt3A_1282, %lt3A_1284 : i1
        %and3A_1286 = arith.andi %ne3A_1285, %ne3A_1280 : i1
        %add3A_1287 = arith.addi %rem3A_1278, %select_n3A_1277 : i32
        %select_n3A_1288 = arith.select %and3A_1286, %add3A_1287, %rem3A_1278 : i32
        %mul3A_1289 = arith.constant 8 : i32
        %mul3A_1290 = arith.muli %select_n3A_1288, %mul3A_1289 : i32
        %dma_wait3A_1291 = arith.constant 0 : i32
        %dma_wait3A_1292 = arith.constant 0 : i32
        %dma_wait3A_1293 = tpu.memref_slice %arg5[%select_n3A_1272, %dma_wait3A_1291, %mul3A_1290, %dma_wait3A_1292] : memref<32x3x512x512xf32, #tpu.memory_space<hbm>> -> memref<1x1x8x512xf32, #tpu.memory_space<hbm>>
        %dma_wait3A_1294 = tpu.memref_squeeze %dma_wait3A_1293 : memref<1x1x8x512xf32, #tpu.memory_space<hbm>> -> memref<8x512xf32, #tpu.memory_space<hbm>>
        %dma_wait3A_1295 = arith.constant 0 : i32
        %dma_wait3A_1296 = tpu.memref_slice %arg5[%select_n3A_1272, %dma_wait3A_1291, %mul3A_1290, %dma_wait3A_1295] : memref<32x3x512x512xf32, #tpu.memory_space<hbm>> -> memref<1x1x8x512xf32, #tpu.memory_space<hbm>>
        %dma_wait3A_1297 = tpu.memref_squeeze %dma_wait3A_1296 : memref<1x1x8x512xf32, #tpu.memory_space<hbm>> -> memref<8x512xf32, #tpu.memory_space<hbm>>
        tpu.wait_dma2 semaphore(%arg45 : memref<!tpu.dma_semaphore, #tpu.memory_space<semaphore_mem>>) src(%arg18 : memref<8x512xf32, #tpu.memory_space<vmem>>) dst(%dma_wait3A_1297 : memref<8x512xf32, #tpu.memory_space<hbm>>)
        %dma_wait3A_1298 = arith.constant 1 : i32
        %dma_wait3A_1299 = arith.constant 0 : i32
        %dma_wait3A_1300 = tpu.memref_slice %arg5[%select_n3A_1272, %dma_wait3A_1298, %mul3A_1290, %dma_wait3A_1299] : memref<32x3x512x512xf32, #tpu.memory_space<hbm>> -> memref<1x1x8x512xf32, #tpu.memory_space<hbm>>
        %dma_wait3A_1301 = tpu.memref_squeeze %dma_wait3A_1300 : memref<1x1x8x512xf32, #tpu.memory_space<hbm>> -> memref<8x512xf32, #tpu.memory_space<hbm>>
        %dma_wait3A_1302 = arith.constant 0 : i32
        %dma_wait3A_1303 = tpu.memref_slice %arg5[%select_n3A_1272, %dma_wait3A_1298, %mul3A_1290, %dma_wait3A_1302] : memref<32x3x512x512xf32, #tpu.memory_space<hbm>> -> memref<1x1x8x512xf32, #tpu.memory_space<hbm>>
        %dma_wait3A_1304 = tpu.memref_squeeze %dma_wait3A_1303 : memref<1x1x8x512xf32, #tpu.memory_space<hbm>> -> memref<8x512xf32, #tpu.memory_space<hbm>>
        tpu.wait_dma2 semaphore(%arg45 : memref<!tpu.dma_semaphore, #tpu.memory_space<semaphore_mem>>) src(%arg19 : memref<8x512xf32, #tpu.memory_space<vmem>>) dst(%dma_wait3A_1304 : memref<8x512xf32, #tpu.memory_space<hbm>>)
        %dma_wait3A_1305 = arith.constant 2 : i32
        %dma_wait3A_1306 = arith.constant 0 : i32
        %dma_wait3A_1307 = tpu.memref_slice %arg5[%select_n3A_1272, %dma_wait3A_1305, %mul3A_1290, %dma_wait3A_1306] : memref<32x3x512x512xf32, #tpu.memory_space<hbm>> -> memref<1x1x8x512xf32, #tpu.memory_space<hbm>>
        %dma_wait3A_1308 = tpu.memref_squeeze %dma_wait3A_1307 : memref<1x1x8x512xf32, #tpu.memory_space<hbm>> -> memref<8x512xf32, #tpu.memory_space<hbm>>
        %dma_wait3A_1309 = arith.constant 0 : i32
        %dma_wait3A_1310 = tpu.memref_slice %arg5[%select_n3A_1272, %dma_wait3A_1305, %mul3A_1290, %dma_wait3A_1309] : memref<32x3x512x512xf32, #tpu.memory_space<hbm>> -> memref<1x1x8x512xf32, #tpu.memory_space<hbm>>
        %dma_wait3A_1311 = tpu.memref_squeeze %dma_wait3A_1310 : memref<1x1x8x512xf32, #tpu.memory_space<hbm>> -> memref<8x512xf32, #tpu.memory_space<hbm>>
        tpu.wait_dma2 semaphore(%arg45 : memref<!tpu.dma_semaphore, #tpu.memory_space<semaphore_mem>>) src(%arg20 : memref<8x512xf32, #tpu.memory_space<vmem>>) dst(%dma_wait3A_1311 : memref<8x512xf32, #tpu.memory_space<hbm>>)
      } else {
      }
      %parallel_loop3A = arith.constant 0 : i32
      %parallel_loop3A_725 = arith.constant 4096 : i32
      %parallel_loop3A_726 = arith.constant 16 : i32
      scf.for %parallel_loop3A_1249 = %parallel_loop3A to %parallel_loop3A_725 step %parallel_loop3A_726  : i32 {
        %parallel_loop3A_1250 = arith.constant 9 : i32
        %parallel_loop3A_1251 = arith.shrsi %parallel_loop3A_1249, %parallel_loop3A_1250 : i32
        %parallel_loop3A_1252 = arith.constant 511 : i32
        %parallel_loop3A_1253 = arith.andi %parallel_loop3A_1249, %parallel_loop3A_1252 : i32
        %parallel_loop3A_1254 = arith.index_cast %parallel_loop3A_1251 : i32 to index
        %parallel_loop3A_1255 = arith.index_cast %parallel_loop3A_1253 : i32 to index
        %parallel_loop3A_1256 = tpu.vector_load %arg6[%parallel_loop3A_1254, %parallel_loop3A_1255] {strides = array<i32>} : memref<8x512xf32, #tpu.memory_space<vmem>>, vector<16xf32>,
        %parallel_loop3A_1257 = arith.index_cast %parallel_loop3A_1251 : i32 to index
        %parallel_loop3A_1258 = arith.index_cast %parallel_loop3A_1253 : i32 to index
        %parallel_loop3A_1259 = tpu.vector_load %arg7[%parallel_loop3A_1257, %parallel_loop3A_1258] {strides = array<i32>} : memref<8x512xf32, #tpu.memory_space<vmem>>, vector<16xf32>,
        %parallel_loop3A_1260 = arith.index_cast %parallel_loop3A_1251 : i32 to index
        %parallel_loop3A_1261 = arith.index_cast %parallel_loop3A_1253 : i32 to index
        %parallel_loop3A_1262 = tpu.vector_load %arg8[%parallel_loop3A_1260, %parallel_loop3A_1261] {strides = array<i32>} : memref<8x512xf32, #tpu.memory_space<vmem>>, vector<16xf32>,
        %parallel_loop3A_1263 = vector.broadcast %mul3A_102 : f32 to vector<16xf32>
        %parallel_loop3A_1264 = arith.mulf %parallel_loop3A_1263, %parallel_loop3A_1256 : vector<16xf32>
        %parallel_loop3A_1265 = vector.broadcast %mul3A_105 : f32 to vector<16xf32>
        %parallel_loop3A_1266 = arith.mulf %parallel_loop3A_1265, %parallel_loop3A_1259 : vector<16xf32>
        %parallel_loop3A_1267 = arith.addf %parallel_loop3A_1264, %parallel_loop3A_1266 : vector<16xf32>
        %parallel_loop3A_1268 = vector.broadcast %mul3A_108 : f32 to vector<16xf32>
        %parallel_loop3A_1269 = arith.mulf %parallel_loop3A_1268, %parallel_loop3A_1262 : vector<16xf32>
        %parallel_loop3A_1270 = arith.addf %parallel_loop3A_1267, %parallel_loop3A_1269 : vector<16xf32>
        %parallel_loop3A_1271 = vector.broadcast %mul3A_138 : f32 to vector<16xf32>
        %parallel_loop3A_1272 = arith.addf %parallel_loop3A_1270, %parallel_loop3A_1271 : vector<16xf32>
        %parallel_loop3A_1273 = arith.constant 0.000000e+00 : f32
        %parallel_loop3A_1274 = arith.constant 15.999999 : f32
        %parallel_loop3A_1275 = vector.broadcast %parallel_loop3A_1273 : f32 to vector<16xf32>
        %parallel_loop3A_1276 = arith.maximumf %parallel_loop3A_1275, %parallel_loop3A_1272 : vector<16xf32>
        %parallel_loop3A_1277 = vector.broadcast %parallel_loop3A_1274 : f32 to vector<16xf32>
        %parallel_loop3A_1278 = arith.minimumf %parallel_loop3A_1277, %parallel_loop3A_1276 : vector<16xf32>
        %parallel_loop3A_1279 = arith.index_cast %parallel_loop3A_1249 : i32 to index
        %parallel_loop3A_1280 = tpu.vector_load %arg30[%parallel_loop3A_1279] {strides = array<i32>} : memref<4096xf32, #tpu.memory_space<vmem>>, vector<16xf32>,
        tpu.vector_store %arg30[%parallel_loop3A_1279], %parallel_loop3A_1278 {strides = array<i32>} : memref<4096xf32, #tpu.memory_space<vmem>>, vector<16xf32>,
        %parallel_loop3A_1281 = vector.broadcast %mul3A_115 : f32 to vector<16xf32>
        %parallel_loop3A_1282 = arith.mulf %parallel_loop3A_1281, %parallel_loop3A_1256 : vector<16xf32>
        %parallel_loop3A_1283 = vector.broadcast %mul3A_118 : f32 to vector<16xf32>
        %parallel_loop3A_1284 = arith.mulf %parallel_loop3A_1283, %parallel_loop3A_1259 : vector<16xf32>
        %parallel_loop3A_1285 = arith.addf %parallel_loop3A_1282, %parallel_loop3A_1284 : vector<16xf32>
        %parallel_loop3A_1286 = vector.broadcast %mul3A_121 : f32 to vector<16xf32>
        %parallel_loop3A_1287 = arith.mulf %parallel_loop3A_1286, %parallel_loop3A_1262 : vector<16xf32>
        %parallel_loop3A_1288 = arith.addf %parallel_loop3A_1285, %parallel_loop3A_1287 : vector<16xf32>
        %parallel_loop3A_1289 = vector.broadcast %mul3A_142 : f32 to vector<16xf32>
        %parallel_loop3A_1290 = arith.addf %parallel_loop3A_1288, %parallel_loop3A_1289 : vector<16xf32>
        %parallel_loop3A_1291 = arith.constant 0.000000e+00 : f32
        %parallel_loop3A_1292 = arith.constant 15.999999 : f32
        %parallel_loop3A_1293 = vector.broadcast %parallel_loop3A_1291 : f32 to vector<16xf32>
        %parallel_loop3A_1294 = arith.maximumf %parallel_loop3A_1293, %parallel_loop3A_1290 : vector<16xf32>
        %parallel_loop3A_1295 = vector.broadcast %parallel_loop3A_1292 : f32 to vector<16xf32>
        %parallel_loop3A_1296 = arith.minimumf %parallel_loop3A_1295, %parallel_loop3A_1294 : vector<16xf32>
        %parallel_loop3A_1297 = arith.index_cast %parallel_loop3A_1249 : i32 to index
        %parallel_loop3A_1298 = tpu.vector_load %arg31[%parallel_loop3A_1297] {strides = array<i32>} : memref<4096xf32, #tpu.memory_space<vmem>>, vector<16xf32>,
        tpu.vector_store %arg31[%parallel_loop3A_1297], %parallel_loop3A_1296 {strides = array<i32>} : memref<4096xf32, #tpu.memory_space<vmem>>, vector<16xf32>,
        %parallel_loop3A_1299 = vector.broadcast %mul3A_128 : f32 to vector<16xf32>
        %parallel_loop3A_1300 = arith.mulf %parallel_loop3A_1299, %parallel_loop3A_1256 : vector<16xf32>
        %parallel_loop3A_1301 = vector.broadcast %mul3A_131 : f32 to vector<16xf32>
        %parallel_loop3A_1302 = arith.mulf %parallel_loop3A_1301, %parallel_loop3A_1259 : vector<16xf32>
        %parallel_loop3A_1303 = arith.addf %parallel_loop3A_1300, %parallel_loop3A_1302 : vector<16xf32>
        %parallel_loop3A_1304 = vector.broadcast %mul3A_134 : f32 to vector<16xf32>
        %parallel_loop3A_1305 = arith.mulf %parallel_loop3A_1304, %parallel_loop3A_1262 : vector<16xf32>
        %parallel_loop3A_1306 = arith.addf %parallel_loop3A_1303, %parallel_loop3A_1305 : vector<16xf32>
        %parallel_loop3A_1307 = vector.broadcast %mul3A_146 : f32 to vector<16xf32>
        %parallel_loop3A_1308 = arith.addf %parallel_loop3A_1306, %parallel_loop3A_1307 : vector<16xf32>
        %parallel_loop3A_1309 = arith.constant 0.000000e+00 : f32
        %parallel_loop3A_1310 = arith.constant 15.999999 : f32
        %parallel_loop3A_1311 = vector.broadcast %parallel_loop3A_1309 : f32 to vector<16xf32>
        %parallel_loop3A_1312 = arith.maximumf %parallel_loop3A_1311, %parallel_loop3A_1308 : vector<16xf32>
        %parallel_loop3A_1313 = vector.broadcast %parallel_loop3A_1310 : f32 to vector<16xf32>
        %parallel_loop3A_1314 = arith.minimumf %parallel_loop3A_1313, %parallel_loop3A_1312 : vector<16xf32>
        %parallel_loop3A_1315 = arith.index_cast %parallel_loop3A_1249 : i32 to index
        %parallel_loop3A_1316 = tpu.vector_load %arg32[%parallel_loop3A_1315] {strides = array<i32>} : memref<4096xf32, #tpu.memory_space<vmem>>, vector<16xf32>,
        tpu.vector_store %arg32[%parallel_loop3A_1315], %parallel_loop3A_1314 {strides = array<i32>} : memref<4096xf32, #tpu.memory_space<vmem>>, vector<16xf32>,
      } {sc.loop_unroll_factor = 4 : i64, sc.parallel_access}
      %parallel_loop3A_727 = arith.constant 0 : i32
      %parallel_loop3A_728 = arith.constant 4096 : i32
      %parallel_loop3A_729 = arith.constant 16 : i32
      scf.for %parallel_loop3A_1249 = %parallel_loop3A_727 to %parallel_loop3A_728 step %parallel_loop3A_729  : i32 {
        %parallel_loop3A_1250 = arith.constant 9 : i32
        %parallel_loop3A_1251 = arith.shrsi %parallel_loop3A_1249, %parallel_loop3A_1250 : i32
        %parallel_loop3A_1252 = arith.constant 511 : i32
        %parallel_loop3A_1253 = arith.andi %parallel_loop3A_1249, %parallel_loop3A_1252 : i32
        %parallel_loop3A_1254 = arith.index_cast %parallel_loop3A_1249 : i32 to index
        %parallel_loop3A_1255 = tpu.vector_load %arg30[%parallel_loop3A_1254] {strides = array<i32>} : memref<4096xf32, #tpu.memory_space<vmem>>, vector<16xf32>,
        %parallel_loop3A_1256 = arith.fptosi %parallel_loop3A_1255 : vector<16xf32> to vector<16xi32>
        %parallel_loop3A_1257 = tpu.vector_load_idx %arg35[%parallel_loop3A_1256] : memref<16xf32, #tpu.memory_space<vmem>>[vector<16xi32>], vector<16xf32>,
        %parallel_loop3A_1258 = tpu.vector_load_idx %arg38[%parallel_loop3A_1256] : memref<16xf32, #tpu.memory_space<vmem>>[vector<16xi32>], vector<16xf32>,
        %parallel_loop3A_1259 = arith.mulf %parallel_loop3A_1257, %parallel_loop3A_1255 : vector<16xf32>
        %parallel_loop3A_1260 = arith.addf %parallel_loop3A_1259, %parallel_loop3A_1258 : vector<16xf32>
        %parallel_loop3A_1261 = arith.index_cast %parallel_loop3A_1251 : i32 to index
        %parallel_loop3A_1262 = arith.index_cast %parallel_loop3A_1253 : i32 to index
        %parallel_loop3A_1263 = tpu.vector_load %arg18[%parallel_loop3A_1261, %parallel_loop3A_1262] {strides = array<i32>} : memref<8x512xf32, #tpu.memory_space<vmem>>, vector<16xf32>,
        tpu.vector_store %arg18[%parallel_loop3A_1261, %parallel_loop3A_1262], %parallel_loop3A_1260 {strides = array<i32>} : memref<8x512xf32, #tpu.memory_space<vmem>>, vector<16xf32>,
        %parallel_loop3A_1264 = arith.index_cast %parallel_loop3A_1249 : i32 to index
        %parallel_loop3A_1265 = tpu.vector_load %arg31[%parallel_loop3A_1264] {strides = array<i32>} : memref<4096xf32, #tpu.memory_space<vmem>>, vector<16xf32>,
        %parallel_loop3A_1266 = arith.fptosi %parallel_loop3A_1265 : vector<16xf32> to vector<16xi32>
        %parallel_loop3A_1267 = tpu.vector_load_idx %arg36[%parallel_loop3A_1266] : memref<16xf32, #tpu.memory_space<vmem>>[vector<16xi32>], vector<16xf32>,
        %parallel_loop3A_1268 = tpu.vector_load_idx %arg39[%parallel_loop3A_1266] : memref<16xf32, #tpu.memory_space<vmem>>[vector<16xi32>], vector<16xf32>,
        %parallel_loop3A_1269 = arith.mulf %parallel_loop3A_1267, %parallel_loop3A_1265 : vector<16xf32>
        %parallel_loop3A_1270 = arith.addf %parallel_loop3A_1269, %parallel_loop3A_1268 : vector<16xf32>
        %parallel_loop3A_1271 = arith.index_cast %parallel_loop3A_1251 : i32 to index
        %parallel_loop3A_1272 = arith.index_cast %parallel_loop3A_1253 : i32 to index
        %parallel_loop3A_1273 = tpu.vector_load %arg19[%parallel_loop3A_1271, %parallel_loop3A_1272] {strides = array<i32>} : memref<8x512xf32, #tpu.memory_space<vmem>>, vector<16xf32>,
        tpu.vector_store %arg19[%parallel_loop3A_1271, %parallel_loop3A_1272], %parallel_loop3A_1270 {strides = array<i32>} : memref<8x512xf32, #tpu.memory_space<vmem>>, vector<16xf32>,
        %parallel_loop3A_1274 = arith.index_cast %parallel_loop3A_1249 : i32 to index
        %parallel_loop3A_1275 = tpu.vector_load %arg32[%parallel_loop3A_1274] {strides = array<i32>} : memref<4096xf32, #tpu.memory_space<vmem>>, vector<16xf32>,
        %parallel_loop3A_1276 = arith.fptosi %parallel_loop3A_1275 : vector<16xf32> to vector<16xi32>
        %parallel_loop3A_1277 = tpu.vector_load_idx %arg37[%parallel_loop3A_1276] : memref<16xf32, #tpu.memory_space<vmem>>[vector<16xi32>], vector<16xf32>,
        %parallel_loop3A_1278 = tpu.vector_load_idx %arg40[%parallel_loop3A_1276] : memref<16xf32, #tpu.memory_space<vmem>>[vector<16xi32>], vector<16xf32>,
        %parallel_loop3A_1279 = arith.mulf %parallel_loop3A_1277, %parallel_loop3A_1275 : vector<16xf32>
        %parallel_loop3A_1280 = arith.addf %parallel_loop3A_1279, %parallel_loop3A_1278 : vector<16xf32>
        %parallel_loop3A_1281 = arith.index_cast %parallel_loop3A_1251 : i32 to index
        %parallel_loop3A_1282 = arith.index_cast %parallel_loop3A_1253 : i32 to index
        %parallel_loop3A_1283 = tpu.vector_load %arg20[%parallel_loop3A_1281, %parallel_loop3A_1282] {strides = array<i32>} : memref<8x512xf32, #tpu.memory_space<vmem>>, vector<16xf32>,
        tpu.vector_store %arg20[%parallel_loop3A_1281, %parallel_loop3A_1282], %parallel_loop3A_1280 {strides = array<i32>} : memref<8x512xf32, #tpu.memory_space<vmem>>, vector<16xf32>,
      } {sc.loop_unroll_factor = 4 : i64, sc.parallel_access}
      %add3A_730 = arith.addi %mul3A_2, %add3A_658 : i32
      %jit3A_731 = arith.constant 64 : i32
      %div3A_732 = arith.divsi %add3A_730, %jit3A_731 : i32
      %sign3A_733 = arith.constant 0 : i32
      %sign3A_734 = arith.cmpi sgt, %add3A_730, %sign3A_733 : i32
      %sign3A_735 = arith.extui %sign3A_734 : i1 to i32
      %sign3A_736 = arith.constant 0 : i32
      %sign3A_737 = arith.cmpi slt, %add3A_730, %sign3A_736 : i32
      %sign3A_738 = arith.extui %sign3A_737 : i1 to i32
      %sign3A_739 = arith.subi %sign3A_735, %sign3A_738 : i32
      %sign3A_740 = arith.constant 0 : i32
      %sign3A_741 = arith.cmpi sgt, %jit3A_731, %sign3A_740 : i32
      %sign3A_742 = arith.extui %sign3A_741 : i1 to i32
      %sign3A_743 = arith.constant 0 : i32
      %sign3A_744 = arith.cmpi slt, %jit3A_731, %sign3A_743 : i32
      %sign3A_745 = arith.extui %sign3A_744 : i1 to i32
      %sign3A_746 = arith.subi %sign3A_742, %sign3A_745 : i32
      %ne3A_747 = arith.cmpi ne, %sign3A_739, %sign3A_746 : i32
      %rem3A_748 = arith.remsi %add3A_730, %jit3A_731 : i32
      %ne3A_749 = arith.constant 0 : i32
      %ne3A_750 = arith.cmpi ne, %rem3A_748, %ne3A_749 : i32
      %and3A_751 = arith.andi %ne3A_747, %ne3A_750 : i1
      %sub3A_752 = arith.constant 1 : i32
      %sub3A_753 = arith.subi %div3A_732, %sub3A_752 : i32
      %select_n3A_754 = arith.select %and3A_751, %sub3A_753, %div3A_732 : i32
      %jit3A_755 = arith.constant 64 : i32
      %eq3A_756 = arith.constant 0 : i32
      %eq3A_757 = arith.cmpi eq, %jit3A_755, %eq3A_756 : i32
      %jit3A_758 = arith.constant 1 : i32
      %select_n3A_759 = arith.select %eq3A_757, %jit3A_758, %jit3A_755 : i32
      %rem3A_760 = arith.remsi %add3A_730, %select_n3A_759 : i32
      %ne3A_761 = arith.constant 0 : i32
      %ne3A_762 = arith.cmpi ne, %rem3A_760, %ne3A_761 : i32
      %lt3A_763 = arith.constant 0 : i32
      %lt3A_764 = arith.cmpi slt, %rem3A_760, %lt3A_763 : i32
      %lt3A_765 = arith.constant 0 : i32
      %lt3A_766 = arith.cmpi slt, %select_n3A_759, %lt3A_765 : i32
      %ne3A_767 = arith.xori %lt3A_764, %lt3A_766 : i1
      %and3A_768 = arith.andi %ne3A_767, %ne3A_762 : i1
      %add3A_769 = arith.addi %rem3A_760, %select_n3A_759 : i32
      %select_n3A_770 = arith.select %and3A_768, %add3A_769, %rem3A_760 : i32
      %mul3A_771 = arith.constant 8 : i32
      %mul3A_772 = arith.muli %select_n3A_770, %mul3A_771 : i32
      %dma_start3A_773 = arith.constant 0 : i32
      %dma_start3A_774 = arith.constant 0 : i32
      %dma_start3A_775 = tpu.memref_slice %arg5[%select_n3A_754, %dma_start3A_773, %mul3A_772, %dma_start3A_774] : memref<32x3x512x512xf32, #tpu.memory_space<hbm>> -> memref<1x1x8x512xf32, #tpu.memory_space<hbm>>
      %dma_start3A_776 = tpu.memref_squeeze %dma_start3A_775 : memref<1x1x8x512xf32, #tpu.memory_space<hbm>> -> memref<8x512xf32, #tpu.memory_space<hbm>>
      %dma_start3A_777 = arith.constant 0 : i32
      %dma_start3A_778 = tpu.memref_slice %arg5[%select_n3A_754, %dma_start3A_773, %mul3A_772, %dma_start3A_777] : memref<32x3x512x512xf32, #tpu.memory_space<hbm>> -> memref<1x1x8x512xf32, #tpu.memory_space<hbm>>
      %dma_start3A_779 = tpu.memref_squeeze %dma_start3A_778 : memref<1x1x8x512xf32, #tpu.memory_space<hbm>> -> memref<8x512xf32, #tpu.memory_space<hbm>>
      tpu.enqueue_dma source(%arg18 : memref<8x512xf32, #tpu.memory_space<vmem>>) target(%dma_start3A_779 : memref<8x512xf32, #tpu.memory_space<hbm>>) target_semaphore(%arg45 : memref<!tpu.dma_semaphore, #tpu.memory_space<semaphore_mem>>)
      %dma_start3A_780 = arith.constant 1 : i32
      %dma_start3A_781 = arith.constant 0 : i32
      %dma_start3A_782 = tpu.memref_slice %arg5[%select_n3A_754, %dma_start3A_780, %mul3A_772, %dma_start3A_781] : memref<32x3x512x512xf32, #tpu.memory_space<hbm>> -> memref<1x1x8x512xf32, #tpu.memory_space<hbm>>
      %dma_start3A_783 = tpu.memref_squeeze %dma_start3A_782 : memref<1x1x8x512xf32, #tpu.memory_space<hbm>> -> memref<8x512xf32, #tpu.memory_space<hbm>>
      %dma_start3A_784 = arith.constant 0 : i32
      %dma_start3A_785 = tpu.memref_slice %arg5[%select_n3A_754, %dma_start3A_780, %mul3A_772, %dma_start3A_784] : memref<32x3x512x512xf32, #tpu.memory_space<hbm>> -> memref<1x1x8x512xf32, #tpu.memory_space<hbm>>
      %dma_start3A_786 = tpu.memref_squeeze %dma_start3A_785 : memref<1x1x8x512xf32, #tpu.memory_space<hbm>> -> memref<8x512xf32, #tpu.memory_space<hbm>>
      tpu.enqueue_dma source(%arg19 : memref<8x512xf32, #tpu.memory_space<vmem>>) target(%dma_start3A_786 : memref<8x512xf32, #tpu.memory_space<hbm>>) target_semaphore(%arg45 : memref<!tpu.dma_semaphore, #tpu.memory_space<semaphore_mem>>)
      %dma_start3A_787 = arith.constant 2 : i32
      %dma_start3A_788 = arith.constant 0 : i32
      %dma_start3A_789 = tpu.memref_slice %arg5[%select_n3A_754, %dma_start3A_787, %mul3A_772, %dma_start3A_788] : memref<32x3x512x512xf32, #tpu.memory_space<hbm>> -> memref<1x1x8x512xf32, #tpu.memory_space<hbm>>
      %dma_start3A_790 = tpu.memref_squeeze %dma_start3A_789 : memref<1x1x8x512xf32, #tpu.memory_space<hbm>> -> memref<8x512xf32, #tpu.memory_space<hbm>>
      %dma_start3A_791 = arith.constant 0 : i32
      %dma_start3A_792 = tpu.memref_slice %arg5[%select_n3A_754, %dma_start3A_787, %mul3A_772, %dma_start3A_791] : memref<32x3x512x512xf32, #tpu.memory_space<hbm>> -> memref<1x1x8x512xf32, #tpu.memory_space<hbm>>
      %dma_start3A_793 = tpu.memref_squeeze %dma_start3A_792 : memref<1x1x8x512xf32, #tpu.memory_space<hbm>> -> memref<8x512xf32, #tpu.memory_space<hbm>>
      tpu.enqueue_dma source(%arg20 : memref<8x512xf32, #tpu.memory_space<vmem>>) target(%dma_start3A_793 : memref<8x512xf32, #tpu.memory_space<hbm>>) target_semaphore(%arg45 : memref<!tpu.dma_semaphore, #tpu.memory_space<semaphore_mem>>)
      %add3A_794 = arith.constant 4 : i32
      %add3A_795 = arith.addi %add3A_658, %add3A_794 : i32
      %lt3A_796 = arith.constant 64 : i32
      %lt3A_797 = arith.cmpi slt, %add3A_795, %lt3A_796 : i32
      %convert_element_type3A_798 = arith.extui %lt3A_797 : i1 to i32
      %cond3A_799 = arith.constant 0 : i32
      %cond3A_800 = arith.cmpi ne, %convert_element_type3A_798, %cond3A_799 : i32
      scf.if %cond3A_800 {
        %add3A_1249 = arith.addi %mul3A_2, %add3A_658 : i32
        %add3A_1250 = arith.constant 4 : i32
        %add3A_1251 = arith.addi %add3A_1249, %add3A_1250 : i32
        %jit3A_1252 = arith.constant 64 : i32
        %div3A_1253 = arith.divsi %add3A_1251, %jit3A_1252 : i32
        %sign3A_1254 = arith.constant 0 : i32
        %sign3A_1255 = arith.cmpi sgt, %add3A_1251, %sign3A_1254 : i32
        %sign3A_1256 = arith.extui %sign3A_1255 : i1 to i32
        %sign3A_1257 = arith.constant 0 : i32
        %sign3A_1258 = arith.cmpi slt, %add3A_1251, %sign3A_1257 : i32
        %sign3A_1259 = arith.extui %sign3A_1258 : i1 to i32
        %sign3A_1260 = arith.subi %sign3A_1256, %sign3A_1259 : i32
        %sign3A_1261 = arith.constant 0 : i32
        %sign3A_1262 = arith.cmpi sgt, %jit3A_1252, %sign3A_1261 : i32
        %sign3A_1263 = arith.extui %sign3A_1262 : i1 to i32
        %sign3A_1264 = arith.constant 0 : i32
        %sign3A_1265 = arith.cmpi slt, %jit3A_1252, %sign3A_1264 : i32
        %sign3A_1266 = arith.extui %sign3A_1265 : i1 to i32
        %sign3A_1267 = arith.subi %sign3A_1263, %sign3A_1266 : i32
        %ne3A_1268 = arith.cmpi ne, %sign3A_1260, %sign3A_1267 : i32
        %rem3A_1269 = arith.remsi %add3A_1251, %jit3A_1252 : i32
        %ne3A_1270 = arith.constant 0 : i32
        %ne3A_1271 = arith.cmpi ne, %rem3A_1269, %ne3A_1270 : i32
        %and3A_1272 = arith.andi %ne3A_1268, %ne3A_1271 : i1
        %sub3A_1273 = arith.constant 1 : i32
        %sub3A_1274 = arith.subi %div3A_1253, %sub3A_1273 : i32
        %select_n3A_1275 = arith.select %and3A_1272, %sub3A_1274, %div3A_1253 : i32
        %jit3A_1276 = arith.constant 64 : i32
        %eq3A_1277 = arith.constant 0 : i32
        %eq3A_1278 = arith.cmpi eq, %jit3A_1276, %eq3A_1277 : i32
        %jit3A_1279 = arith.constant 1 : i32
        %select_n3A_1280 = arith.select %eq3A_1278, %jit3A_1279, %jit3A_1276 : i32
        %rem3A_1281 = arith.remsi %add3A_1251, %select_n3A_1280 : i32
        %ne3A_1282 = arith.constant 0 : i32
        %ne3A_1283 = arith.cmpi ne, %rem3A_1281, %ne3A_1282 : i32
        %lt3A_1284 = arith.constant 0 : i32
        %lt3A_1285 = arith.cmpi slt, %rem3A_1281, %lt3A_1284 : i32
        %lt3A_1286 = arith.constant 0 : i32
        %lt3A_1287 = arith.cmpi slt, %select_n3A_1280, %lt3A_1286 : i32
        %ne3A_1288 = arith.xori %lt3A_1285, %lt3A_1287 : i1
        %and3A_1289 = arith.andi %ne3A_1288, %ne3A_1283 : i1
        %add3A_1290 = arith.addi %rem3A_1281, %select_n3A_1280 : i32
        %select_n3A_1291 = arith.select %and3A_1289, %add3A_1290, %rem3A_1281 : i32
        %mul3A_1292 = arith.constant 8 : i32
        %mul3A_1293 = arith.muli %select_n3A_1291, %mul3A_1292 : i32
        %dma_start3A_1294 = arith.constant 0 : i32
        %dma_start3A_1295 = arith.constant 0 : i32
        %dma_start3A_1296 = tpu.memref_slice %arg2[%select_n3A_1275, %dma_start3A_1294, %mul3A_1293, %dma_start3A_1295] : memref<32x3x512x512xf32, #tpu.memory_space<hbm>> -> memref<1x1x8x512xf32, #tpu.memory_space<hbm>>
        %dma_start3A_1297 = tpu.memref_squeeze %dma_start3A_1296 : memref<1x1x8x512xf32, #tpu.memory_space<hbm>> -> memref<8x512xf32, #tpu.memory_space<hbm>>
        %dma_start3A_1298 = arith.constant 0 : i32
        %dma_start3A_1299 = tpu.memref_slice %arg2[%select_n3A_1275, %dma_start3A_1294, %mul3A_1293, %dma_start3A_1298] : memref<32x3x512x512xf32, #tpu.memory_space<hbm>> -> memref<1x1x8x512xf32, #tpu.memory_space<hbm>>
        %dma_start3A_1300 = tpu.memref_squeeze %dma_start3A_1299 : memref<1x1x8x512xf32, #tpu.memory_space<hbm>> -> memref<8x512xf32, #tpu.memory_space<hbm>>
        tpu.enqueue_dma source(%dma_start3A_1300 : memref<8x512xf32, #tpu.memory_space<hbm>>) target(%arg6 : memref<8x512xf32, #tpu.memory_space<vmem>>) target_semaphore(%arg41 : memref<!tpu.dma_semaphore, #tpu.memory_space<semaphore_mem>>)
        %dma_start3A_1301 = arith.constant 1 : i32
        %dma_start3A_1302 = arith.constant 0 : i32
        %dma_start3A_1303 = tpu.memref_slice %arg2[%select_n3A_1275, %dma_start3A_1301, %mul3A_1293, %dma_start3A_1302] : memref<32x3x512x512xf32, #tpu.memory_space<hbm>> -> memref<1x1x8x512xf32, #tpu.memory_space<hbm>>
        %dma_start3A_1304 = tpu.memref_squeeze %dma_start3A_1303 : memref<1x1x8x512xf32, #tpu.memory_space<hbm>> -> memref<8x512xf32, #tpu.memory_space<hbm>>
        %dma_start3A_1305 = arith.constant 0 : i32
        %dma_start3A_1306 = tpu.memref_slice %arg2[%select_n3A_1275, %dma_start3A_1301, %mul3A_1293, %dma_start3A_1305] : memref<32x3x512x512xf32, #tpu.memory_space<hbm>> -> memref<1x1x8x512xf32, #tpu.memory_space<hbm>>
        %dma_start3A_1307 = tpu.memref_squeeze %dma_start3A_1306 : memref<1x1x8x512xf32, #tpu.memory_space<hbm>> -> memref<8x512xf32, #tpu.memory_space<hbm>>
        tpu.enqueue_dma source(%dma_start3A_1307 : memref<8x512xf32, #tpu.memory_space<hbm>>) target(%arg7 : memref<8x512xf32, #tpu.memory_space<vmem>>) target_semaphore(%arg41 : memref<!tpu.dma_semaphore, #tpu.memory_space<semaphore_mem>>)
        %dma_start3A_1308 = arith.constant 2 : i32
        %dma_start3A_1309 = arith.constant 0 : i32
        %dma_start3A_1310 = tpu.memref_slice %arg2[%select_n3A_1275, %dma_start3A_1308, %mul3A_1293, %dma_start3A_1309] : memref<32x3x512x512xf32, #tpu.memory_space<hbm>> -> memref<1x1x8x512xf32, #tpu.memory_space<hbm>>
        %dma_start3A_1311 = tpu.memref_squeeze %dma_start3A_1310 : memref<1x1x8x512xf32, #tpu.memory_space<hbm>> -> memref<8x512xf32, #tpu.memory_space<hbm>>
        %dma_start3A_1312 = arith.constant 0 : i32
        %dma_start3A_1313 = tpu.memref_slice %arg2[%select_n3A_1275, %dma_start3A_1308, %mul3A_1293, %dma_start3A_1312] : memref<32x3x512x512xf32, #tpu.memory_space<hbm>> -> memref<1x1x8x512xf32, #tpu.memory_space<hbm>>
        %dma_start3A_1314 = tpu.memref_squeeze %dma_start3A_1313 : memref<1x1x8x512xf32, #tpu.memory_space<hbm>> -> memref<8x512xf32, #tpu.memory_space<hbm>>
        tpu.enqueue_dma source(%dma_start3A_1314 : memref<8x512xf32, #tpu.memory_space<hbm>>) target(%arg8 : memref<8x512xf32, #tpu.memory_space<vmem>>) target_semaphore(%arg41 : memref<!tpu.dma_semaphore, #tpu.memory_space<semaphore_mem>>)
      } else {
      }
      %mul3A_801 = arith.constant 4 : i32
      %mul3A_802 = arith.muli %mul3A_801, %scan3A_653 : i32
      %add3A_803 = arith.constant 1 : i32
      %add3A_804 = arith.addi %mul3A_802, %add3A_803 : i32
      %jit3A_805 = arith.constant 64 : i32
      %div3A_806 = arith.divsi %mul3A_2, %jit3A_805 : i32
      %sign3A_807 = arith.constant 0 : i32
      %sign3A_808 = arith.cmpi sgt, %mul3A_2, %sign3A_807 : i32
      %sign3A_809 = arith.extui %sign3A_808 : i1 to i32
      %sign3A_810 = arith.constant 0 : i32
      %sign3A_811 = arith.cmpi slt, %mul3A_2, %sign3A_810 : i32
      %sign3A_812 = arith.extui %sign3A_811 : i1 to i32
      %sign3A_813 = arith.subi %sign3A_809, %sign3A_812 : i32
      %sign3A_814 = arith.constant 0 : i32
      %sign3A_815 = arith.cmpi sgt, %jit3A_805, %sign3A_814 : i32
      %sign3A_816 = arith.extui %sign3A_815 : i1 to i32
      %sign3A_817 = arith.constant 0 : i32
      %sign3A_818 = arith.cmpi slt, %jit3A_805, %sign3A_817 : i32
      %sign3A_819 = arith.extui %sign3A_818 : i1 to i32
      %sign3A_820 = arith.subi %sign3A_816, %sign3A_819 : i32
      %ne3A_821 = arith.cmpi ne, %sign3A_813, %sign3A_820 : i32
      %rem3A_822 = arith.remsi %mul3A_2, %jit3A_805 : i32
      %ne3A_823 = arith.constant 0 : i32
      %ne3A_824 = arith.cmpi ne, %rem3A_822, %ne3A_823 : i32
      %and3A_825 = arith.andi %ne3A_821, %ne3A_824 : i1
      %sub3A_826 = arith.constant 1 : i32
      %sub3A_827 = arith.subi %div3A_806, %sub3A_826 : i32
      %select_n3A_828 = arith.select %and3A_825, %sub3A_827, %div3A_806 : i32
      %jit3A_829 = arith.constant 64 : i32
      %eq3A_830 = arith.constant 0 : i32
      %eq3A_831 = arith.cmpi eq, %jit3A_829, %eq3A_830 : i32
      %jit3A_832 = arith.constant 1 : i32
      %select_n3A_833 = arith.select %eq3A_831, %jit3A_832, %jit3A_829 : i32
      %rem3A_834 = arith.remsi %mul3A_2, %select_n3A_833 : i32
      %ne3A_835 = arith.constant 0 : i32
      %ne3A_836 = arith.cmpi ne, %rem3A_834, %ne3A_835 : i32
      %lt3A_837 = arith.constant 0 : i32
      %lt3A_838 = arith.cmpi slt, %rem3A_834, %lt3A_837 : i32
      %lt3A_839 = arith.constant 0 : i32
      %lt3A_840 = arith.cmpi slt, %select_n3A_833, %lt3A_839 : i32
      %ne3A_841 = arith.xori %lt3A_838, %lt3A_840 : i1
      %and3A_842 = arith.andi %ne3A_841, %ne3A_836 : i1
      %add3A_843 = arith.addi %rem3A_834, %select_n3A_833 : i32
      %select_n3A_844 = arith.select %and3A_842, %add3A_843, %rem3A_834 : i32
      %mul3A_845 = arith.constant 8 : i32
      %mul3A_846 = arith.muli %select_n3A_844, %mul3A_845 : i32
      %dma_wait3A_847 = arith.constant 0 : i32
      %dma_wait3A_848 = arith.constant 0 : i32
      %dma_wait3A_849 = tpu.memref_slice %arg2[%select_n3A_828, %dma_wait3A_847, %mul3A_846, %dma_wait3A_848] : memref<32x3x512x512xf32, #tpu.memory_space<hbm>> -> memref<1x1x8x512xf32, #tpu.memory_space<hbm>>
      %dma_wait3A_850 = tpu.memref_squeeze %dma_wait3A_849 : memref<1x1x8x512xf32, #tpu.memory_space<hbm>> -> memref<8x512xf32, #tpu.memory_space<hbm>>
      %dma_wait3A_851 = arith.constant 0 : i32
      %dma_wait3A_852 = tpu.memref_slice %arg2[%select_n3A_828, %dma_wait3A_847, %mul3A_846, %dma_wait3A_851] : memref<32x3x512x512xf32, #tpu.memory_space<hbm>> -> memref<1x1x8x512xf32, #tpu.memory_space<hbm>>
      %dma_wait3A_853 = tpu.memref_squeeze %dma_wait3A_852 : memref<1x1x8x512xf32, #tpu.memory_space<hbm>> -> memref<8x512xf32, #tpu.memory_space<hbm>>
      tpu.wait_dma2 semaphore(%arg42 : memref<!tpu.dma_semaphore, #tpu.memory_space<semaphore_mem>>) src(%dma_wait3A_853 : memref<8x512xf32, #tpu.memory_space<hbm>>) dst(%arg9 : memref<8x512xf32, #tpu.memory_space<vmem>>)
      %dma_wait3A_854 = arith.constant 1 : i32
      %dma_wait3A_855 = arith.constant 0 : i32
      %dma_wait3A_856 = tpu.memref_slice %arg2[%select_n3A_828, %dma_wait3A_854, %mul3A_846, %dma_wait3A_855] : memref<32x3x512x512xf32, #tpu.memory_space<hbm>> -> memref<1x1x8x512xf32, #tpu.memory_space<hbm>>
      %dma_wait3A_857 = tpu.memref_squeeze %dma_wait3A_856 : memref<1x1x8x512xf32, #tpu.memory_space<hbm>> -> memref<8x512xf32, #tpu.memory_space<hbm>>
      %dma_wait3A_858 = arith.constant 0 : i32
      %dma_wait3A_859 = tpu.memref_slice %arg2[%select_n3A_828, %dma_wait3A_854, %mul3A_846, %dma_wait3A_858] : memref<32x3x512x512xf32, #tpu.memory_space<hbm>> -> memref<1x1x8x512xf32, #tpu.memory_space<hbm>>
      %dma_wait3A_860 = tpu.memref_squeeze %dma_wait3A_859 : memref<1x1x8x512xf32, #tpu.memory_space<hbm>> -> memref<8x512xf32, #tpu.memory_space<hbm>>
      tpu.wait_dma2 semaphore(%arg42 : memref<!tpu.dma_semaphore, #tpu.memory_space<semaphore_mem>>) src(%dma_wait3A_860 : memref<8x512xf32, #tpu.memory_space<hbm>>) dst(%arg10 : memref<8x512xf32, #tpu.memory_space<vmem>>)
      %dma_wait3A_861 = arith.constant 2 : i32
      %dma_wait3A_862 = arith.constant 0 : i32
      %dma_wait3A_863 = tpu.memref_slice %arg2[%select_n3A_828, %dma_wait3A_861, %mul3A_846, %dma_wait3A_862] : memref<32x3x512x512xf32, #tpu.memory_space<hbm>> -> memref<1x1x8x512xf32, #tpu.memory_space<hbm>>
      %dma_wait3A_864 = tpu.memref_squeeze %dma_wait3A_863 : memref<1x1x8x512xf32, #tpu.memory_space<hbm>> -> memref<8x512xf32, #tpu.memory_space<hbm>>
      %dma_wait3A_865 = arith.constant 0 : i32
      %dma_wait3A_866 = tpu.memref_slice %arg2[%select_n3A_828, %dma_wait3A_861, %mul3A_846, %dma_wait3A_865] : memref<32x3x512x512xf32, #tpu.memory_space<hbm>> -> memref<1x1x8x512xf32, #tpu.memory_space<hbm>>
      %dma_wait3A_867 = tpu.memref_squeeze %dma_wait3A_866 : memref<1x1x8x512xf32, #tpu.memory_space<hbm>> -> memref<8x512xf32, #tpu.memory_space<hbm>>
      tpu.wait_dma2 semaphore(%arg42 : memref<!tpu.dma_semaphore, #tpu.memory_space<semaphore_mem>>) src(%dma_wait3A_867 : memref<8x512xf32, #tpu.memory_space<hbm>>) dst(%arg11 : memref<8x512xf32, #tpu.memory_space<vmem>>)
      %ge3A_868 = arith.constant 4 : i32
      %ge3A_869 = arith.cmpi sge, %add3A_804, %ge3A_868 : i32
      %convert_element_type3A_870 = arith.extui %ge3A_869 : i1 to i32
      %cond3A_871 = arith.constant 0 : i32
      %cond3A_872 = arith.cmpi ne, %convert_element_type3A_870, %cond3A_871 : i32
      scf.if %cond3A_872 {
        %jit3A_1249 = arith.constant 64 : i32
        %div3A_1250 = arith.divsi %mul3A_2, %jit3A_1249 : i32
        %sign3A_1251 = arith.constant 0 : i32
        %sign3A_1252 = arith.cmpi sgt, %mul3A_2, %sign3A_1251 : i32
        %sign3A_1253 = arith.extui %sign3A_1252 : i1 to i32
        %sign3A_1254 = arith.constant 0 : i32
        %sign3A_1255 = arith.cmpi slt, %mul3A_2, %sign3A_1254 : i32
        %sign3A_1256 = arith.extui %sign3A_1255 : i1 to i32
        %sign3A_1257 = arith.subi %sign3A_1253, %sign3A_1256 : i32
        %sign3A_1258 = arith.constant 0 : i32
        %sign3A_1259 = arith.cmpi sgt, %jit3A_1249, %sign3A_1258 : i32
        %sign3A_1260 = arith.extui %sign3A_1259 : i1 to i32
        %sign3A_1261 = arith.constant 0 : i32
        %sign3A_1262 = arith.cmpi slt, %jit3A_1249, %sign3A_1261 : i32
        %sign3A_1263 = arith.extui %sign3A_1262 : i1 to i32
        %sign3A_1264 = arith.subi %sign3A_1260, %sign3A_1263 : i32
        %ne3A_1265 = arith.cmpi ne, %sign3A_1257, %sign3A_1264 : i32
        %rem3A_1266 = arith.remsi %mul3A_2, %jit3A_1249 : i32
        %ne3A_1267 = arith.constant 0 : i32
        %ne3A_1268 = arith.cmpi ne, %rem3A_1266, %ne3A_1267 : i32
        %and3A_1269 = arith.andi %ne3A_1265, %ne3A_1268 : i1
        %sub3A_1270 = arith.constant 1 : i32
        %sub3A_1271 = arith.subi %div3A_1250, %sub3A_1270 : i32
        %select_n3A_1272 = arith.select %and3A_1269, %sub3A_1271, %div3A_1250 : i32
        %jit3A_1273 = arith.constant 64 : i32
        %eq3A_1274 = arith.constant 0 : i32
        %eq3A_1275 = arith.cmpi eq, %jit3A_1273, %eq3A_1274 : i32
        %jit3A_1276 = arith.constant 1 : i32
        %select_n3A_1277 = arith.select %eq3A_1275, %jit3A_1276, %jit3A_1273 : i32
        %rem3A_1278 = arith.remsi %mul3A_2, %select_n3A_1277 : i32
        %ne3A_1279 = arith.constant 0 : i32
        %ne3A_1280 = arith.cmpi ne, %rem3A_1278, %ne3A_1279 : i32
        %lt3A_1281 = arith.constant 0 : i32
        %lt3A_1282 = arith.cmpi slt, %rem3A_1278, %lt3A_1281 : i32
        %lt3A_1283 = arith.constant 0 : i32
        %lt3A_1284 = arith.cmpi slt, %select_n3A_1277, %lt3A_1283 : i32
        %ne3A_1285 = arith.xori %lt3A_1282, %lt3A_1284 : i1
        %and3A_1286 = arith.andi %ne3A_1285, %ne3A_1280 : i1
        %add3A_1287 = arith.addi %rem3A_1278, %select_n3A_1277 : i32
        %select_n3A_1288 = arith.select %and3A_1286, %add3A_1287, %rem3A_1278 : i32
        %mul3A_1289 = arith.constant 8 : i32
        %mul3A_1290 = arith.muli %select_n3A_1288, %mul3A_1289 : i32
        %dma_wait3A_1291 = arith.constant 0 : i32
        %dma_wait3A_1292 = arith.constant 0 : i32
        %dma_wait3A_1293 = tpu.memref_slice %arg5[%select_n3A_1272, %dma_wait3A_1291, %mul3A_1290, %dma_wait3A_1292] : memref<32x3x512x512xf32, #tpu.memory_space<hbm>> -> memref<1x1x8x512xf32, #tpu.memory_space<hbm>>
        %dma_wait3A_1294 = tpu.memref_squeeze %dma_wait3A_1293 : memref<1x1x8x512xf32, #tpu.memory_space<hbm>> -> memref<8x512xf32, #tpu.memory_space<hbm>>
        %dma_wait3A_1295 = arith.constant 0 : i32
        %dma_wait3A_1296 = tpu.memref_slice %arg5[%select_n3A_1272, %dma_wait3A_1291, %mul3A_1290, %dma_wait3A_1295] : memref<32x3x512x512xf32, #tpu.memory_space<hbm>> -> memref<1x1x8x512xf32, #tpu.memory_space<hbm>>
        %dma_wait3A_1297 = tpu.memref_squeeze %dma_wait3A_1296 : memref<1x1x8x512xf32, #tpu.memory_space<hbm>> -> memref<8x512xf32, #tpu.memory_space<hbm>>
        tpu.wait_dma2 semaphore(%arg46 : memref<!tpu.dma_semaphore, #tpu.memory_space<semaphore_mem>>) src(%arg21 : memref<8x512xf32, #tpu.memory_space<vmem>>) dst(%dma_wait3A_1297 : memref<8x512xf32, #tpu.memory_space<hbm>>)
        %dma_wait3A_1298 = arith.constant 1 : i32
        %dma_wait3A_1299 = arith.constant 0 : i32
        %dma_wait3A_1300 = tpu.memref_slice %arg5[%select_n3A_1272, %dma_wait3A_1298, %mul3A_1290, %dma_wait3A_1299] : memref<32x3x512x512xf32, #tpu.memory_space<hbm>> -> memref<1x1x8x512xf32, #tpu.memory_space<hbm>>
        %dma_wait3A_1301 = tpu.memref_squeeze %dma_wait3A_1300 : memref<1x1x8x512xf32, #tpu.memory_space<hbm>> -> memref<8x512xf32, #tpu.memory_space<hbm>>
        %dma_wait3A_1302 = arith.constant 0 : i32
        %dma_wait3A_1303 = tpu.memref_slice %arg5[%select_n3A_1272, %dma_wait3A_1298, %mul3A_1290, %dma_wait3A_1302] : memref<32x3x512x512xf32, #tpu.memory_space<hbm>> -> memref<1x1x8x512xf32, #tpu.memory_space<hbm>>
        %dma_wait3A_1304 = tpu.memref_squeeze %dma_wait3A_1303 : memref<1x1x8x512xf32, #tpu.memory_space<hbm>> -> memref<8x512xf32, #tpu.memory_space<hbm>>
        tpu.wait_dma2 semaphore(%arg46 : memref<!tpu.dma_semaphore, #tpu.memory_space<semaphore_mem>>) src(%arg22 : memref<8x512xf32, #tpu.memory_space<vmem>>) dst(%dma_wait3A_1304 : memref<8x512xf32, #tpu.memory_space<hbm>>)
        %dma_wait3A_1305 = arith.constant 2 : i32
        %dma_wait3A_1306 = arith.constant 0 : i32
        %dma_wait3A_1307 = tpu.memref_slice %arg5[%select_n3A_1272, %dma_wait3A_1305, %mul3A_1290, %dma_wait3A_1306] : memref<32x3x512x512xf32, #tpu.memory_space<hbm>> -> memref<1x1x8x512xf32, #tpu.memory_space<hbm>>
        %dma_wait3A_1308 = tpu.memref_squeeze %dma_wait3A_1307 : memref<1x1x8x512xf32, #tpu.memory_space<hbm>> -> memref<8x512xf32, #tpu.memory_space<hbm>>
        %dma_wait3A_1309 = arith.constant 0 : i32
        %dma_wait3A_1310 = tpu.memref_slice %arg5[%select_n3A_1272, %dma_wait3A_1305, %mul3A_1290, %dma_wait3A_1309] : memref<32x3x512x512xf32, #tpu.memory_space<hbm>> -> memref<1x1x8x512xf32, #tpu.memory_space<hbm>>
        %dma_wait3A_1311 = tpu.memref_squeeze %dma_wait3A_1310 : memref<1x1x8x512xf32, #tpu.memory_space<hbm>> -> memref<8x512xf32, #tpu.memory_space<hbm>>
        tpu.wait_dma2 semaphore(%arg46 : memref<!tpu.dma_semaphore, #tpu.memory_space<semaphore_mem>>) src(%arg23 : memref<8x512xf32, #tpu.memory_space<vmem>>) dst(%dma_wait3A_1311 : memref<8x512xf32, #tpu.memory_space<hbm>>)
      } else {
      }
      %parallel_loop3A_873 = arith.constant 0 : i32
      %parallel_loop3A_874 = arith.constant 4096 : i32
      %parallel_loop3A_875 = arith.constant 16 : i32
      scf.for %parallel_loop3A_1249 = %parallel_loop3A_873 to %parallel_loop3A_874 step %parallel_loop3A_875  : i32 {
        %parallel_loop3A_1250 = arith.constant 9 : i32
        %parallel_loop3A_1251 = arith.shrsi %parallel_loop3A_1249, %parallel_loop3A_1250 : i32
        %parallel_loop3A_1252 = arith.constant 511 : i32
        %parallel_loop3A_1253 = arith.andi %parallel_loop3A_1249, %parallel_loop3A_1252 : i32
        %parallel_loop3A_1254 = arith.index_cast %parallel_loop3A_1251 : i32 to index
        %parallel_loop3A_1255 = arith.index_cast %parallel_loop3A_1253 : i32 to index
        %parallel_loop3A_1256 = tpu.vector_load %arg9[%parallel_loop3A_1254, %parallel_loop3A_1255] {strides = array<i32>} : memref<8x512xf32, #tpu.memory_space<vmem>>, vector<16xf32>,
        %parallel_loop3A_1257 = arith.index_cast %parallel_loop3A_1251 : i32 to index
        %parallel_loop3A_1258 = arith.index_cast %parallel_loop3A_1253 : i32 to index
        %parallel_loop3A_1259 = tpu.vector_load %arg10[%parallel_loop3A_1257, %parallel_loop3A_1258] {strides = array<i32>} : memref<8x512xf32, #tpu.memory_space<vmem>>, vector<16xf32>,
        %parallel_loop3A_1260 = arith.index_cast %parallel_loop3A_1251 : i32 to index
        %parallel_loop3A_1261 = arith.index_cast %parallel_loop3A_1253 : i32 to index
        %parallel_loop3A_1262 = tpu.vector_load %arg11[%parallel_loop3A_1260, %parallel_loop3A_1261] {strides = array<i32>} : memref<8x512xf32, #tpu.memory_space<vmem>>, vector<16xf32>,
        %parallel_loop3A_1263 = vector.broadcast %mul3A_102 : f32 to vector<16xf32>
        %parallel_loop3A_1264 = arith.mulf %parallel_loop3A_1263, %parallel_loop3A_1256 : vector<16xf32>
        %parallel_loop3A_1265 = vector.broadcast %mul3A_105 : f32 to vector<16xf32>
        %parallel_loop3A_1266 = arith.mulf %parallel_loop3A_1265, %parallel_loop3A_1259 : vector<16xf32>
        %parallel_loop3A_1267 = arith.addf %parallel_loop3A_1264, %parallel_loop3A_1266 : vector<16xf32>
        %parallel_loop3A_1268 = vector.broadcast %mul3A_108 : f32 to vector<16xf32>
        %parallel_loop3A_1269 = arith.mulf %parallel_loop3A_1268, %parallel_loop3A_1262 : vector<16xf32>
        %parallel_loop3A_1270 = arith.addf %parallel_loop3A_1267, %parallel_loop3A_1269 : vector<16xf32>
        %parallel_loop3A_1271 = vector.broadcast %mul3A_138 : f32 to vector<16xf32>
        %parallel_loop3A_1272 = arith.addf %parallel_loop3A_1270, %parallel_loop3A_1271 : vector<16xf32>
        %parallel_loop3A_1273 = arith.constant 0.000000e+00 : f32
        %parallel_loop3A_1274 = arith.constant 15.999999 : f32
        %parallel_loop3A_1275 = vector.broadcast %parallel_loop3A_1273 : f32 to vector<16xf32>
        %parallel_loop3A_1276 = arith.maximumf %parallel_loop3A_1275, %parallel_loop3A_1272 : vector<16xf32>
        %parallel_loop3A_1277 = vector.broadcast %parallel_loop3A_1274 : f32 to vector<16xf32>
        %parallel_loop3A_1278 = arith.minimumf %parallel_loop3A_1277, %parallel_loop3A_1276 : vector<16xf32>
        %parallel_loop3A_1279 = arith.index_cast %parallel_loop3A_1249 : i32 to index
        %parallel_loop3A_1280 = tpu.vector_load %arg30[%parallel_loop3A_1279] {strides = array<i32>} : memref<4096xf32, #tpu.memory_space<vmem>>, vector<16xf32>,
        tpu.vector_store %arg30[%parallel_loop3A_1279], %parallel_loop3A_1278 {strides = array<i32>} : memref<4096xf32, #tpu.memory_space<vmem>>, vector<16xf32>,
        %parallel_loop3A_1281 = vector.broadcast %mul3A_115 : f32 to vector<16xf32>
        %parallel_loop3A_1282 = arith.mulf %parallel_loop3A_1281, %parallel_loop3A_1256 : vector<16xf32>
        %parallel_loop3A_1283 = vector.broadcast %mul3A_118 : f32 to vector<16xf32>
        %parallel_loop3A_1284 = arith.mulf %parallel_loop3A_1283, %parallel_loop3A_1259 : vector<16xf32>
        %parallel_loop3A_1285 = arith.addf %parallel_loop3A_1282, %parallel_loop3A_1284 : vector<16xf32>
        %parallel_loop3A_1286 = vector.broadcast %mul3A_121 : f32 to vector<16xf32>
        %parallel_loop3A_1287 = arith.mulf %parallel_loop3A_1286, %parallel_loop3A_1262 : vector<16xf32>
        %parallel_loop3A_1288 = arith.addf %parallel_loop3A_1285, %parallel_loop3A_1287 : vector<16xf32>
        %parallel_loop3A_1289 = vector.broadcast %mul3A_142 : f32 to vector<16xf32>
        %parallel_loop3A_1290 = arith.addf %parallel_loop3A_1288, %parallel_loop3A_1289 : vector<16xf32>
        %parallel_loop3A_1291 = arith.constant 0.000000e+00 : f32
        %parallel_loop3A_1292 = arith.constant 15.999999 : f32
        %parallel_loop3A_1293 = vector.broadcast %parallel_loop3A_1291 : f32 to vector<16xf32>
        %parallel_loop3A_1294 = arith.maximumf %parallel_loop3A_1293, %parallel_loop3A_1290 : vector<16xf32>
        %parallel_loop3A_1295 = vector.broadcast %parallel_loop3A_1292 : f32 to vector<16xf32>
        %parallel_loop3A_1296 = arith.minimumf %parallel_loop3A_1295, %parallel_loop3A_1294 : vector<16xf32>
        %parallel_loop3A_1297 = arith.index_cast %parallel_loop3A_1249 : i32 to index
        %parallel_loop3A_1298 = tpu.vector_load %arg31[%parallel_loop3A_1297] {strides = array<i32>} : memref<4096xf32, #tpu.memory_space<vmem>>, vector<16xf32>,
        tpu.vector_store %arg31[%parallel_loop3A_1297], %parallel_loop3A_1296 {strides = array<i32>} : memref<4096xf32, #tpu.memory_space<vmem>>, vector<16xf32>,
        %parallel_loop3A_1299 = vector.broadcast %mul3A_128 : f32 to vector<16xf32>
        %parallel_loop3A_1300 = arith.mulf %parallel_loop3A_1299, %parallel_loop3A_1256 : vector<16xf32>
        %parallel_loop3A_1301 = vector.broadcast %mul3A_131 : f32 to vector<16xf32>
        %parallel_loop3A_1302 = arith.mulf %parallel_loop3A_1301, %parallel_loop3A_1259 : vector<16xf32>
        %parallel_loop3A_1303 = arith.addf %parallel_loop3A_1300, %parallel_loop3A_1302 : vector<16xf32>
        %parallel_loop3A_1304 = vector.broadcast %mul3A_134 : f32 to vector<16xf32>
        %parallel_loop3A_1305 = arith.mulf %parallel_loop3A_1304, %parallel_loop3A_1262 : vector<16xf32>
        %parallel_loop3A_1306 = arith.addf %parallel_loop3A_1303, %parallel_loop3A_1305 : vector<16xf32>
        %parallel_loop3A_1307 = vector.broadcast %mul3A_146 : f32 to vector<16xf32>
        %parallel_loop3A_1308 = arith.addf %parallel_loop3A_1306, %parallel_loop3A_1307 : vector<16xf32>
        %parallel_loop3A_1309 = arith.constant 0.000000e+00 : f32
        %parallel_loop3A_1310 = arith.constant 15.999999 : f32
        %parallel_loop3A_1311 = vector.broadcast %parallel_loop3A_1309 : f32 to vector<16xf32>
        %parallel_loop3A_1312 = arith.maximumf %parallel_loop3A_1311, %parallel_loop3A_1308 : vector<16xf32>
        %parallel_loop3A_1313 = vector.broadcast %parallel_loop3A_1310 : f32 to vector<16xf32>
        %parallel_loop3A_1314 = arith.minimumf %parallel_loop3A_1313, %parallel_loop3A_1312 : vector<16xf32>
        %parallel_loop3A_1315 = arith.index_cast %parallel_loop3A_1249 : i32 to index
        %parallel_loop3A_1316 = tpu.vector_load %arg32[%parallel_loop3A_1315] {strides = array<i32>} : memref<4096xf32, #tpu.memory_space<vmem>>, vector<16xf32>,
        tpu.vector_store %arg32[%parallel_loop3A_1315], %parallel_loop3A_1314 {strides = array<i32>} : memref<4096xf32, #tpu.memory_space<vmem>>, vector<16xf32>,
      } {sc.loop_unroll_factor = 4 : i64, sc.parallel_access}
      %parallel_loop3A_876 = arith.constant 0 : i32
      %parallel_loop3A_877 = arith.constant 4096 : i32
      %parallel_loop3A_878 = arith.constant 16 : i32
      scf.for %parallel_loop3A_1249 = %parallel_loop3A_876 to %parallel_loop3A_877 step %parallel_loop3A_878  : i32 {
        %parallel_loop3A_1250 = arith.constant 9 : i32
        %parallel_loop3A_1251 = arith.shrsi %parallel_loop3A_1249, %parallel_loop3A_1250 : i32
        %parallel_loop3A_1252 = arith.constant 511 : i32
        %parallel_loop3A_1253 = arith.andi %parallel_loop3A_1249, %parallel_loop3A_1252 : i32
        %parallel_loop3A_1254 = arith.index_cast %parallel_loop3A_1249 : i32 to index
        %parallel_loop3A_1255 = tpu.vector_load %arg30[%parallel_loop3A_1254] {strides = array<i32>} : memref<4096xf32, #tpu.memory_space<vmem>>, vector<16xf32>,
        %parallel_loop3A_1256 = arith.fptosi %parallel_loop3A_1255 : vector<16xf32> to vector<16xi32>
        %parallel_loop3A_1257 = tpu.vector_load_idx %arg35[%parallel_loop3A_1256] : memref<16xf32, #tpu.memory_space<vmem>>[vector<16xi32>], vector<16xf32>,
        %parallel_loop3A_1258 = tpu.vector_load_idx %arg38[%parallel_loop3A_1256] : memref<16xf32, #tpu.memory_space<vmem>>[vector<16xi32>], vector<16xf32>,
        %parallel_loop3A_1259 = arith.mulf %parallel_loop3A_1257, %parallel_loop3A_1255 : vector<16xf32>
        %parallel_loop3A_1260 = arith.addf %parallel_loop3A_1259, %parallel_loop3A_1258 : vector<16xf32>
        %parallel_loop3A_1261 = arith.index_cast %parallel_loop3A_1251 : i32 to index
        %parallel_loop3A_1262 = arith.index_cast %parallel_loop3A_1253 : i32 to index
        %parallel_loop3A_1263 = tpu.vector_load %arg21[%parallel_loop3A_1261, %parallel_loop3A_1262] {strides = array<i32>} : memref<8x512xf32, #tpu.memory_space<vmem>>, vector<16xf32>,
        tpu.vector_store %arg21[%parallel_loop3A_1261, %parallel_loop3A_1262], %parallel_loop3A_1260 {strides = array<i32>} : memref<8x512xf32, #tpu.memory_space<vmem>>, vector<16xf32>,
        %parallel_loop3A_1264 = arith.index_cast %parallel_loop3A_1249 : i32 to index
        %parallel_loop3A_1265 = tpu.vector_load %arg31[%parallel_loop3A_1264] {strides = array<i32>} : memref<4096xf32, #tpu.memory_space<vmem>>, vector<16xf32>,
        %parallel_loop3A_1266 = arith.fptosi %parallel_loop3A_1265 : vector<16xf32> to vector<16xi32>
        %parallel_loop3A_1267 = tpu.vector_load_idx %arg36[%parallel_loop3A_1266] : memref<16xf32, #tpu.memory_space<vmem>>[vector<16xi32>], vector<16xf32>,
        %parallel_loop3A_1268 = tpu.vector_load_idx %arg39[%parallel_loop3A_1266] : memref<16xf32, #tpu.memory_space<vmem>>[vector<16xi32>], vector<16xf32>,
        %parallel_loop3A_1269 = arith.mulf %parallel_loop3A_1267, %parallel_loop3A_1265 : vector<16xf32>
        %parallel_loop3A_1270 = arith.addf %parallel_loop3A_1269, %parallel_loop3A_1268 : vector<16xf32>
        %parallel_loop3A_1271 = arith.index_cast %parallel_loop3A_1251 : i32 to index
        %parallel_loop3A_1272 = arith.index_cast %parallel_loop3A_1253 : i32 to index
        %parallel_loop3A_1273 = tpu.vector_load %arg22[%parallel_loop3A_1271, %parallel_loop3A_1272] {strides = array<i32>} : memref<8x512xf32, #tpu.memory_space<vmem>>, vector<16xf32>,
        tpu.vector_store %arg22[%parallel_loop3A_1271, %parallel_loop3A_1272], %parallel_loop3A_1270 {strides = array<i32>} : memref<8x512xf32, #tpu.memory_space<vmem>>, vector<16xf32>,
        %parallel_loop3A_1274 = arith.index_cast %parallel_loop3A_1249 : i32 to index
        %parallel_loop3A_1275 = tpu.vector_load %arg32[%parallel_loop3A_1274] {strides = array<i32>} : memref<4096xf32, #tpu.memory_space<vmem>>, vector<16xf32>,
        %parallel_loop3A_1276 = arith.fptosi %parallel_loop3A_1275 : vector<16xf32> to vector<16xi32>
        %parallel_loop3A_1277 = tpu.vector_load_idx %arg37[%parallel_loop3A_1276] : memref<16xf32, #tpu.memory_space<vmem>>[vector<16xi32>], vector<16xf32>,
        %parallel_loop3A_1278 = tpu.vector_load_idx %arg40[%parallel_loop3A_1276] : memref<16xf32, #tpu.memory_space<vmem>>[vector<16xi32>], vector<16xf32>,
        %parallel_loop3A_1279 = arith.mulf %parallel_loop3A_1277, %parallel_loop3A_1275 : vector<16xf32>
        %parallel_loop3A_1280 = arith.addf %parallel_loop3A_1279, %parallel_loop3A_1278 : vector<16xf32>
        %parallel_loop3A_1281 = arith.index_cast %parallel_loop3A_1251 : i32 to index
        %parallel_loop3A_1282 = arith.index_cast %parallel_loop3A_1253 : i32 to index
        %parallel_loop3A_1283 = tpu.vector_load %arg23[%parallel_loop3A_1281, %parallel_loop3A_1282] {strides = array<i32>} : memref<8x512xf32, #tpu.memory_space<vmem>>, vector<16xf32>,
        tpu.vector_store %arg23[%parallel_loop3A_1281, %parallel_loop3A_1282], %parallel_loop3A_1280 {strides = array<i32>} : memref<8x512xf32, #tpu.memory_space<vmem>>, vector<16xf32>,
      } {sc.loop_unroll_factor = 4 : i64, sc.parallel_access}
      %add3A_879 = arith.addi %mul3A_2, %add3A_804 : i32
      %jit3A_880 = arith.constant 64 : i32
      %div3A_881 = arith.divsi %add3A_879, %jit3A_880 : i32
      %sign3A_882 = arith.constant 0 : i32
      %sign3A_883 = arith.cmpi sgt, %add3A_879, %sign3A_882 : i32
      %sign3A_884 = arith.extui %sign3A_883 : i1 to i32
      %sign3A_885 = arith.constant 0 : i32
      %sign3A_886 = arith.cmpi slt, %add3A_879, %sign3A_885 : i32
      %sign3A_887 = arith.extui %sign3A_886 : i1 to i32
      %sign3A_888 = arith.subi %sign3A_884, %sign3A_887 : i32
      %sign3A_889 = arith.constant 0 : i32
      %sign3A_890 = arith.cmpi sgt, %jit3A_880, %sign3A_889 : i32
      %sign3A_891 = arith.extui %sign3A_890 : i1 to i32
      %sign3A_892 = arith.constant 0 : i32
      %sign3A_893 = arith.cmpi slt, %jit3A_880, %sign3A_892 : i32
      %sign3A_894 = arith.extui %sign3A_893 : i1 to i32
      %sign3A_895 = arith.subi %sign3A_891, %sign3A_894 : i32
      %ne3A_896 = arith.cmpi ne, %sign3A_888, %sign3A_895 : i32
      %rem3A_897 = arith.remsi %add3A_879, %jit3A_880 : i32
      %ne3A_898 = arith.constant 0 : i32
      %ne3A_899 = arith.cmpi ne, %rem3A_897, %ne3A_898 : i32
      %and3A_900 = arith.andi %ne3A_896, %ne3A_899 : i1
      %sub3A_901 = arith.constant 1 : i32
      %sub3A_902 = arith.subi %div3A_881, %sub3A_901 : i32
      %select_n3A_903 = arith.select %and3A_900, %sub3A_902, %div3A_881 : i32
      %jit3A_904 = arith.constant 64 : i32
      %eq3A_905 = arith.constant 0 : i32
      %eq3A_906 = arith.cmpi eq, %jit3A_904, %eq3A_905 : i32
      %jit3A_907 = arith.constant 1 : i32
      %select_n3A_908 = arith.select %eq3A_906, %jit3A_907, %jit3A_904 : i32
      %rem3A_909 = arith.remsi %add3A_879, %select_n3A_908 : i32
      %ne3A_910 = arith.constant 0 : i32
      %ne3A_911 = arith.cmpi ne, %rem3A_909, %ne3A_910 : i32
      %lt3A_912 = arith.constant 0 : i32
      %lt3A_913 = arith.cmpi slt, %rem3A_909, %lt3A_912 : i32
      %lt3A_914 = arith.constant 0 : i32
      %lt3A_915 = arith.cmpi slt, %select_n3A_908, %lt3A_914 : i32
      %ne3A_916 = arith.xori %lt3A_913, %lt3A_915 : i1
      %and3A_917 = arith.andi %ne3A_916, %ne3A_911 : i1
      %add3A_918 = arith.addi %rem3A_909, %select_n3A_908 : i32
      %select_n3A_919 = arith.select %and3A_917, %add3A_918, %rem3A_909 : i32
      %mul3A_920 = arith.constant 8 : i32
      %mul3A_921 = arith.muli %select_n3A_919, %mul3A_920 : i32
      %dma_start3A_922 = arith.constant 0 : i32
      %dma_start3A_923 = arith.constant 0 : i32
      %dma_start3A_924 = tpu.memref_slice %arg5[%select_n3A_903, %dma_start3A_922, %mul3A_921, %dma_start3A_923] : memref<32x3x512x512xf32, #tpu.memory_space<hbm>> -> memref<1x1x8x512xf32, #tpu.memory_space<hbm>>
      %dma_start3A_925 = tpu.memref_squeeze %dma_start3A_924 : memref<1x1x8x512xf32, #tpu.memory_space<hbm>> -> memref<8x512xf32, #tpu.memory_space<hbm>>
      %dma_start3A_926 = arith.constant 0 : i32
      %dma_start3A_927 = tpu.memref_slice %arg5[%select_n3A_903, %dma_start3A_922, %mul3A_921, %dma_start3A_926] : memref<32x3x512x512xf32, #tpu.memory_space<hbm>> -> memref<1x1x8x512xf32, #tpu.memory_space<hbm>>
      %dma_start3A_928 = tpu.memref_squeeze %dma_start3A_927 : memref<1x1x8x512xf32, #tpu.memory_space<hbm>> -> memref<8x512xf32, #tpu.memory_space<hbm>>
      tpu.enqueue_dma source(%arg21 : memref<8x512xf32, #tpu.memory_space<vmem>>) target(%dma_start3A_928 : memref<8x512xf32, #tpu.memory_space<hbm>>) target_semaphore(%arg46 : memref<!tpu.dma_semaphore, #tpu.memory_space<semaphore_mem>>)
      %dma_start3A_929 = arith.constant 1 : i32
      %dma_start3A_930 = arith.constant 0 : i32
      %dma_start3A_931 = tpu.memref_slice %arg5[%select_n3A_903, %dma_start3A_929, %mul3A_921, %dma_start3A_930] : memref<32x3x512x512xf32, #tpu.memory_space<hbm>> -> memref<1x1x8x512xf32, #tpu.memory_space<hbm>>
      %dma_start3A_932 = tpu.memref_squeeze %dma_start3A_931 : memref<1x1x8x512xf32, #tpu.memory_space<hbm>> -> memref<8x512xf32, #tpu.memory_space<hbm>>
      %dma_start3A_933 = arith.constant 0 : i32
      %dma_start3A_934 = tpu.memref_slice %arg5[%select_n3A_903, %dma_start3A_929, %mul3A_921, %dma_start3A_933] : memref<32x3x512x512xf32, #tpu.memory_space<hbm>> -> memref<1x1x8x512xf32, #tpu.memory_space<hbm>>
      %dma_start3A_935 = tpu.memref_squeeze %dma_start3A_934 : memref<1x1x8x512xf32, #tpu.memory_space<hbm>> -> memref<8x512xf32, #tpu.memory_space<hbm>>
      tpu.enqueue_dma source(%arg22 : memref<8x512xf32, #tpu.memory_space<vmem>>) target(%dma_start3A_935 : memref<8x512xf32, #tpu.memory_space<hbm>>) target_semaphore(%arg46 : memref<!tpu.dma_semaphore, #tpu.memory_space<semaphore_mem>>)
      %dma_start3A_936 = arith.constant 2 : i32
      %dma_start3A_937 = arith.constant 0 : i32
      %dma_start3A_938 = tpu.memref_slice %arg5[%select_n3A_903, %dma_start3A_936, %mul3A_921, %dma_start3A_937] : memref<32x3x512x512xf32, #tpu.memory_space<hbm>> -> memref<1x1x8x512xf32, #tpu.memory_space<hbm>>
      %dma_start3A_939 = tpu.memref_squeeze %dma_start3A_938 : memref<1x1x8x512xf32, #tpu.memory_space<hbm>> -> memref<8x512xf32, #tpu.memory_space<hbm>>
      %dma_start3A_940 = arith.constant 0 : i32
      %dma_start3A_941 = tpu.memref_slice %arg5[%select_n3A_903, %dma_start3A_936, %mul3A_921, %dma_start3A_940] : memref<32x3x512x512xf32, #tpu.memory_space<hbm>> -> memref<1x1x8x512xf32, #tpu.memory_space<hbm>>
      %dma_start3A_942 = tpu.memref_squeeze %dma_start3A_941 : memref<1x1x8x512xf32, #tpu.memory_space<hbm>> -> memref<8x512xf32, #tpu.memory_space<hbm>>
      tpu.enqueue_dma source(%arg23 : memref<8x512xf32, #tpu.memory_space<vmem>>) target(%dma_start3A_942 : memref<8x512xf32, #tpu.memory_space<hbm>>) target_semaphore(%arg46 : memref<!tpu.dma_semaphore, #tpu.memory_space<semaphore_mem>>)
      %add3A_943 = arith.constant 4 : i32
      %add3A_944 = arith.addi %add3A_804, %add3A_943 : i32
      %lt3A_945 = arith.constant 64 : i32
      %lt3A_946 = arith.cmpi slt, %add3A_944, %lt3A_945 : i32
      %convert_element_type3A_947 = arith.extui %lt3A_946 : i1 to i32
      %cond3A_948 = arith.constant 0 : i32
      %cond3A_949 = arith.cmpi ne, %convert_element_type3A_947, %cond3A_948 : i32
      scf.if %cond3A_949 {
        %add3A_1249 = arith.addi %mul3A_2, %add3A_804 : i32
        %add3A_1250 = arith.constant 4 : i32
        %add3A_1251 = arith.addi %add3A_1249, %add3A_1250 : i32
        %jit3A_1252 = arith.constant 64 : i32
        %div3A_1253 = arith.divsi %add3A_1251, %jit3A_1252 : i32
        %sign3A_1254 = arith.constant 0 : i32
        %sign3A_1255 = arith.cmpi sgt, %add3A_1251, %sign3A_1254 : i32
        %sign3A_1256 = arith.extui %sign3A_1255 : i1 to i32
        %sign3A_1257 = arith.constant 0 : i32
        %sign3A_1258 = arith.cmpi slt, %add3A_1251, %sign3A_1257 : i32
        %sign3A_1259 = arith.extui %sign3A_1258 : i1 to i32
        %sign3A_1260 = arith.subi %sign3A_1256, %sign3A_1259 : i32
        %sign3A_1261 = arith.constant 0 : i32
        %sign3A_1262 = arith.cmpi sgt, %jit3A_1252, %sign3A_1261 : i32
        %sign3A_1263 = arith.extui %sign3A_1262 : i1 to i32
        %sign3A_1264 = arith.constant 0 : i32
        %sign3A_1265 = arith.cmpi slt, %jit3A_1252, %sign3A_1264 : i32
        %sign3A_1266 = arith.extui %sign3A_1265 : i1 to i32
        %sign3A_1267 = arith.subi %sign3A_1263, %sign3A_1266 : i32
        %ne3A_1268 = arith.cmpi ne, %sign3A_1260, %sign3A_1267 : i32
        %rem3A_1269 = arith.remsi %add3A_1251, %jit3A_1252 : i32
        %ne3A_1270 = arith.constant 0 : i32
        %ne3A_1271 = arith.cmpi ne, %rem3A_1269, %ne3A_1270 : i32
        %and3A_1272 = arith.andi %ne3A_1268, %ne3A_1271 : i1
        %sub3A_1273 = arith.constant 1 : i32
        %sub3A_1274 = arith.subi %div3A_1253, %sub3A_1273 : i32
        %select_n3A_1275 = arith.select %and3A_1272, %sub3A_1274, %div3A_1253 : i32
        %jit3A_1276 = arith.constant 64 : i32
        %eq3A_1277 = arith.constant 0 : i32
        %eq3A_1278 = arith.cmpi eq, %jit3A_1276, %eq3A_1277 : i32
        %jit3A_1279 = arith.constant 1 : i32
        %select_n3A_1280 = arith.select %eq3A_1278, %jit3A_1279, %jit3A_1276 : i32
        %rem3A_1281 = arith.remsi %add3A_1251, %select_n3A_1280 : i32
        %ne3A_1282 = arith.constant 0 : i32
        %ne3A_1283 = arith.cmpi ne, %rem3A_1281, %ne3A_1282 : i32
        %lt3A_1284 = arith.constant 0 : i32
        %lt3A_1285 = arith.cmpi slt, %rem3A_1281, %lt3A_1284 : i32
        %lt3A_1286 = arith.constant 0 : i32
        %lt3A_1287 = arith.cmpi slt, %select_n3A_1280, %lt3A_1286 : i32
        %ne3A_1288 = arith.xori %lt3A_1285, %lt3A_1287 : i1
        %and3A_1289 = arith.andi %ne3A_1288, %ne3A_1283 : i1
        %add3A_1290 = arith.addi %rem3A_1281, %select_n3A_1280 : i32
        %select_n3A_1291 = arith.select %and3A_1289, %add3A_1290, %rem3A_1281 : i32
        %mul3A_1292 = arith.constant 8 : i32
        %mul3A_1293 = arith.muli %select_n3A_1291, %mul3A_1292 : i32
        %dma_start3A_1294 = arith.constant 0 : i32
        %dma_start3A_1295 = arith.constant 0 : i32
        %dma_start3A_1296 = tpu.memref_slice %arg2[%select_n3A_1275, %dma_start3A_1294, %mul3A_1293, %dma_start3A_1295] : memref<32x3x512x512xf32, #tpu.memory_space<hbm>> -> memref<1x1x8x512xf32, #tpu.memory_space<hbm>>
        %dma_start3A_1297 = tpu.memref_squeeze %dma_start3A_1296 : memref<1x1x8x512xf32, #tpu.memory_space<hbm>> -> memref<8x512xf32, #tpu.memory_space<hbm>>
        %dma_start3A_1298 = arith.constant 0 : i32
        %dma_start3A_1299 = tpu.memref_slice %arg2[%select_n3A_1275, %dma_start3A_1294, %mul3A_1293, %dma_start3A_1298] : memref<32x3x512x512xf32, #tpu.memory_space<hbm>> -> memref<1x1x8x512xf32, #tpu.memory_space<hbm>>
        %dma_start3A_1300 = tpu.memref_squeeze %dma_start3A_1299 : memref<1x1x8x512xf32, #tpu.memory_space<hbm>> -> memref<8x512xf32, #tpu.memory_space<hbm>>
        tpu.enqueue_dma source(%dma_start3A_1300 : memref<8x512xf32, #tpu.memory_space<hbm>>) target(%arg9 : memref<8x512xf32, #tpu.memory_space<vmem>>) target_semaphore(%arg42 : memref<!tpu.dma_semaphore, #tpu.memory_space<semaphore_mem>>)
        %dma_start3A_1301 = arith.constant 1 : i32
        %dma_start3A_1302 = arith.constant 0 : i32
        %dma_start3A_1303 = tpu.memref_slice %arg2[%select_n3A_1275, %dma_start3A_1301, %mul3A_1293, %dma_start3A_1302] : memref<32x3x512x512xf32, #tpu.memory_space<hbm>> -> memref<1x1x8x512xf32, #tpu.memory_space<hbm>>
        %dma_start3A_1304 = tpu.memref_squeeze %dma_start3A_1303 : memref<1x1x8x512xf32, #tpu.memory_space<hbm>> -> memref<8x512xf32, #tpu.memory_space<hbm>>
        %dma_start3A_1305 = arith.constant 0 : i32
        %dma_start3A_1306 = tpu.memref_slice %arg2[%select_n3A_1275, %dma_start3A_1301, %mul3A_1293, %dma_start3A_1305] : memref<32x3x512x512xf32, #tpu.memory_space<hbm>> -> memref<1x1x8x512xf32, #tpu.memory_space<hbm>>
        %dma_start3A_1307 = tpu.memref_squeeze %dma_start3A_1306 : memref<1x1x8x512xf32, #tpu.memory_space<hbm>> -> memref<8x512xf32, #tpu.memory_space<hbm>>
        tpu.enqueue_dma source(%dma_start3A_1307 : memref<8x512xf32, #tpu.memory_space<hbm>>) target(%arg10 : memref<8x512xf32, #tpu.memory_space<vmem>>) target_semaphore(%arg42 : memref<!tpu.dma_semaphore, #tpu.memory_space<semaphore_mem>>)
        %dma_start3A_1308 = arith.constant 2 : i32
        %dma_start3A_1309 = arith.constant 0 : i32
        %dma_start3A_1310 = tpu.memref_slice %arg2[%select_n3A_1275, %dma_start3A_1308, %mul3A_1293, %dma_start3A_1309] : memref<32x3x512x512xf32, #tpu.memory_space<hbm>> -> memref<1x1x8x512xf32, #tpu.memory_space<hbm>>
        %dma_start3A_1311 = tpu.memref_squeeze %dma_start3A_1310 : memref<1x1x8x512xf32, #tpu.memory_space<hbm>> -> memref<8x512xf32, #tpu.memory_space<hbm>>
        %dma_start3A_1312 = arith.constant 0 : i32
        %dma_start3A_1313 = tpu.memref_slice %arg2[%select_n3A_1275, %dma_start3A_1308, %mul3A_1293, %dma_start3A_1312] : memref<32x3x512x512xf32, #tpu.memory_space<hbm>> -> memref<1x1x8x512xf32, #tpu.memory_space<hbm>>
        %dma_start3A_1314 = tpu.memref_squeeze %dma_start3A_1313 : memref<1x1x8x512xf32, #tpu.memory_space<hbm>> -> memref<8x512xf32, #tpu.memory_space<hbm>>
        tpu.enqueue_dma source(%dma_start3A_1314 : memref<8x512xf32, #tpu.memory_space<hbm>>) target(%arg11 : memref<8x512xf32, #tpu.memory_space<vmem>>) target_semaphore(%arg42 : memref<!tpu.dma_semaphore, #tpu.memory_space<semaphore_mem>>)
      } else {
      }
      %mul3A_950 = arith.constant 4 : i32
      %mul3A_951 = arith.muli %mul3A_950, %scan3A_653 : i32
      %add3A_952 = arith.constant 2 : i32
      %add3A_953 = arith.addi %mul3A_951, %add3A_952 : i32
      %jit3A_954 = arith.constant 64 : i32
      %div3A_955 = arith.divsi %mul3A_2, %jit3A_954 : i32
      %sign3A_956 = arith.constant 0 : i32
      %sign3A_957 = arith.cmpi sgt, %mul3A_2, %sign3A_956 : i32
      %sign3A_958 = arith.extui %sign3A_957 : i1 to i32
      %sign3A_959 = arith.constant 0 : i32
      %sign3A_960 = arith.cmpi slt, %mul3A_2, %sign3A_959 : i32
      %sign3A_961 = arith.extui %sign3A_960 : i1 to i32
      %sign3A_962 = arith.subi %sign3A_958, %sign3A_961 : i32
      %sign3A_963 = arith.constant 0 : i32
      %sign3A_964 = arith.cmpi sgt, %jit3A_954, %sign3A_963 : i32
      %sign3A_965 = arith.extui %sign3A_964 : i1 to i32
      %sign3A_966 = arith.constant 0 : i32
      %sign3A_967 = arith.cmpi slt, %jit3A_954, %sign3A_966 : i32
      %sign3A_968 = arith.extui %sign3A_967 : i1 to i32
      %sign3A_969 = arith.subi %sign3A_965, %sign3A_968 : i32
      %ne3A_970 = arith.cmpi ne, %sign3A_962, %sign3A_969 : i32
      %rem3A_971 = arith.remsi %mul3A_2, %jit3A_954 : i32
      %ne3A_972 = arith.constant 0 : i32
      %ne3A_973 = arith.cmpi ne, %rem3A_971, %ne3A_972 : i32
      %and3A_974 = arith.andi %ne3A_970, %ne3A_973 : i1
      %sub3A_975 = arith.constant 1 : i32
      %sub3A_976 = arith.subi %div3A_955, %sub3A_975 : i32
      %select_n3A_977 = arith.select %and3A_974, %sub3A_976, %div3A_955 : i32
      %jit3A_978 = arith.constant 64 : i32
      %eq3A_979 = arith.constant 0 : i32
      %eq3A_980 = arith.cmpi eq, %jit3A_978, %eq3A_979 : i32
      %jit3A_981 = arith.constant 1 : i32
      %select_n3A_982 = arith.select %eq3A_980, %jit3A_981, %jit3A_978 : i32
      %rem3A_983 = arith.remsi %mul3A_2, %select_n3A_982 : i32
      %ne3A_984 = arith.constant 0 : i32
      %ne3A_985 = arith.cmpi ne, %rem3A_983, %ne3A_984 : i32
      %lt3A_986 = arith.constant 0 : i32
      %lt3A_987 = arith.cmpi slt, %rem3A_983, %lt3A_986 : i32
      %lt3A_988 = arith.constant 0 : i32
      %lt3A_989 = arith.cmpi slt, %select_n3A_982, %lt3A_988 : i32
      %ne3A_990 = arith.xori %lt3A_987, %lt3A_989 : i1
      %and3A_991 = arith.andi %ne3A_990, %ne3A_985 : i1
      %add3A_992 = arith.addi %rem3A_983, %select_n3A_982 : i32
      %select_n3A_993 = arith.select %and3A_991, %add3A_992, %rem3A_983 : i32
      %mul3A_994 = arith.constant 8 : i32
      %mul3A_995 = arith.muli %select_n3A_993, %mul3A_994 : i32
      %dma_wait3A_996 = arith.constant 0 : i32
      %dma_wait3A_997 = arith.constant 0 : i32
      %dma_wait3A_998 = tpu.memref_slice %arg2[%select_n3A_977, %dma_wait3A_996, %mul3A_995, %dma_wait3A_997] : memref<32x3x512x512xf32, #tpu.memory_space<hbm>> -> memref<1x1x8x512xf32, #tpu.memory_space<hbm>>
      %dma_wait3A_999 = tpu.memref_squeeze %dma_wait3A_998 : memref<1x1x8x512xf32, #tpu.memory_space<hbm>> -> memref<8x512xf32, #tpu.memory_space<hbm>>
      %dma_wait3A_1000 = arith.constant 0 : i32
      %dma_wait3A_1001 = tpu.memref_slice %arg2[%select_n3A_977, %dma_wait3A_996, %mul3A_995, %dma_wait3A_1000] : memref<32x3x512x512xf32, #tpu.memory_space<hbm>> -> memref<1x1x8x512xf32, #tpu.memory_space<hbm>>
      %dma_wait3A_1002 = tpu.memref_squeeze %dma_wait3A_1001 : memref<1x1x8x512xf32, #tpu.memory_space<hbm>> -> memref<8x512xf32, #tpu.memory_space<hbm>>
      tpu.wait_dma2 semaphore(%arg43 : memref<!tpu.dma_semaphore, #tpu.memory_space<semaphore_mem>>) src(%dma_wait3A_1002 : memref<8x512xf32, #tpu.memory_space<hbm>>) dst(%arg12 : memref<8x512xf32, #tpu.memory_space<vmem>>)
      %dma_wait3A_1003 = arith.constant 1 : i32
      %dma_wait3A_1004 = arith.constant 0 : i32
      %dma_wait3A_1005 = tpu.memref_slice %arg2[%select_n3A_977, %dma_wait3A_1003, %mul3A_995, %dma_wait3A_1004] : memref<32x3x512x512xf32, #tpu.memory_space<hbm>> -> memref<1x1x8x512xf32, #tpu.memory_space<hbm>>
      %dma_wait3A_1006 = tpu.memref_squeeze %dma_wait3A_1005 : memref<1x1x8x512xf32, #tpu.memory_space<hbm>> -> memref<8x512xf32, #tpu.memory_space<hbm>>
      %dma_wait3A_1007 = arith.constant 0 : i32
      %dma_wait3A_1008 = tpu.memref_slice %arg2[%select_n3A_977, %dma_wait3A_1003, %mul3A_995, %dma_wait3A_1007] : memref<32x3x512x512xf32, #tpu.memory_space<hbm>> -> memref<1x1x8x512xf32, #tpu.memory_space<hbm>>
      %dma_wait3A_1009 = tpu.memref_squeeze %dma_wait3A_1008 : memref<1x1x8x512xf32, #tpu.memory_space<hbm>> -> memref<8x512xf32, #tpu.memory_space<hbm>>
      tpu.wait_dma2 semaphore(%arg43 : memref<!tpu.dma_semaphore, #tpu.memory_space<semaphore_mem>>) src(%dma_wait3A_1009 : memref<8x512xf32, #tpu.memory_space<hbm>>) dst(%arg13 : memref<8x512xf32, #tpu.memory_space<vmem>>)
      %dma_wait3A_1010 = arith.constant 2 : i32
      %dma_wait3A_1011 = arith.constant 0 : i32
      %dma_wait3A_1012 = tpu.memref_slice %arg2[%select_n3A_977, %dma_wait3A_1010, %mul3A_995, %dma_wait3A_1011] : memref<32x3x512x512xf32, #tpu.memory_space<hbm>> -> memref<1x1x8x512xf32, #tpu.memory_space<hbm>>
      %dma_wait3A_1013 = tpu.memref_squeeze %dma_wait3A_1012 : memref<1x1x8x512xf32, #tpu.memory_space<hbm>> -> memref<8x512xf32, #tpu.memory_space<hbm>>
      %dma_wait3A_1014 = arith.constant 0 : i32
      %dma_wait3A_1015 = tpu.memref_slice %arg2[%select_n3A_977, %dma_wait3A_1010, %mul3A_995, %dma_wait3A_1014] : memref<32x3x512x512xf32, #tpu.memory_space<hbm>> -> memref<1x1x8x512xf32, #tpu.memory_space<hbm>>
      %dma_wait3A_1016 = tpu.memref_squeeze %dma_wait3A_1015 : memref<1x1x8x512xf32, #tpu.memory_space<hbm>> -> memref<8x512xf32, #tpu.memory_space<hbm>>
      tpu.wait_dma2 semaphore(%arg43 : memref<!tpu.dma_semaphore, #tpu.memory_space<semaphore_mem>>) src(%dma_wait3A_1016 : memref<8x512xf32, #tpu.memory_space<hbm>>) dst(%arg14 : memref<8x512xf32, #tpu.memory_space<vmem>>)
      %ge3A_1017 = arith.constant 4 : i32
      %ge3A_1018 = arith.cmpi sge, %add3A_953, %ge3A_1017 : i32
      %convert_element_type3A_1019 = arith.extui %ge3A_1018 : i1 to i32
      %cond3A_1020 = arith.constant 0 : i32
      %cond3A_1021 = arith.cmpi ne, %convert_element_type3A_1019, %cond3A_1020 : i32
      scf.if %cond3A_1021 {
        %jit3A_1249 = arith.constant 64 : i32
        %div3A_1250 = arith.divsi %mul3A_2, %jit3A_1249 : i32
        %sign3A_1251 = arith.constant 0 : i32
        %sign3A_1252 = arith.cmpi sgt, %mul3A_2, %sign3A_1251 : i32
        %sign3A_1253 = arith.extui %sign3A_1252 : i1 to i32
        %sign3A_1254 = arith.constant 0 : i32
        %sign3A_1255 = arith.cmpi slt, %mul3A_2, %sign3A_1254 : i32
        %sign3A_1256 = arith.extui %sign3A_1255 : i1 to i32
        %sign3A_1257 = arith.subi %sign3A_1253, %sign3A_1256 : i32
        %sign3A_1258 = arith.constant 0 : i32
        %sign3A_1259 = arith.cmpi sgt, %jit3A_1249, %sign3A_1258 : i32
        %sign3A_1260 = arith.extui %sign3A_1259 : i1 to i32
        %sign3A_1261 = arith.constant 0 : i32
        %sign3A_1262 = arith.cmpi slt, %jit3A_1249, %sign3A_1261 : i32
        %sign3A_1263 = arith.extui %sign3A_1262 : i1 to i32
        %sign3A_1264 = arith.subi %sign3A_1260, %sign3A_1263 : i32
        %ne3A_1265 = arith.cmpi ne, %sign3A_1257, %sign3A_1264 : i32
        %rem3A_1266 = arith.remsi %mul3A_2, %jit3A_1249 : i32
        %ne3A_1267 = arith.constant 0 : i32
        %ne3A_1268 = arith.cmpi ne, %rem3A_1266, %ne3A_1267 : i32
        %and3A_1269 = arith.andi %ne3A_1265, %ne3A_1268 : i1
        %sub3A_1270 = arith.constant 1 : i32
        %sub3A_1271 = arith.subi %div3A_1250, %sub3A_1270 : i32
        %select_n3A_1272 = arith.select %and3A_1269, %sub3A_1271, %div3A_1250 : i32
        %jit3A_1273 = arith.constant 64 : i32
        %eq3A_1274 = arith.constant 0 : i32
        %eq3A_1275 = arith.cmpi eq, %jit3A_1273, %eq3A_1274 : i32
        %jit3A_1276 = arith.constant 1 : i32
        %select_n3A_1277 = arith.select %eq3A_1275, %jit3A_1276, %jit3A_1273 : i32
        %rem3A_1278 = arith.remsi %mul3A_2, %select_n3A_1277 : i32
        %ne3A_1279 = arith.constant 0 : i32
        %ne3A_1280 = arith.cmpi ne, %rem3A_1278, %ne3A_1279 : i32
        %lt3A_1281 = arith.constant 0 : i32
        %lt3A_1282 = arith.cmpi slt, %rem3A_1278, %lt3A_1281 : i32
        %lt3A_1283 = arith.constant 0 : i32
        %lt3A_1284 = arith.cmpi slt, %select_n3A_1277, %lt3A_1283 : i32
        %ne3A_1285 = arith.xori %lt3A_1282, %lt3A_1284 : i1
        %and3A_1286 = arith.andi %ne3A_1285, %ne3A_1280 : i1
        %add3A_1287 = arith.addi %rem3A_1278, %select_n3A_1277 : i32
        %select_n3A_1288 = arith.select %and3A_1286, %add3A_1287, %rem3A_1278 : i32
        %mul3A_1289 = arith.constant 8 : i32
        %mul3A_1290 = arith.muli %select_n3A_1288, %mul3A_1289 : i32
        %dma_wait3A_1291 = arith.constant 0 : i32
        %dma_wait3A_1292 = arith.constant 0 : i32
        %dma_wait3A_1293 = tpu.memref_slice %arg5[%select_n3A_1272, %dma_wait3A_1291, %mul3A_1290, %dma_wait3A_1292] : memref<32x3x512x512xf32, #tpu.memory_space<hbm>> -> memref<1x1x8x512xf32, #tpu.memory_space<hbm>>
        %dma_wait3A_1294 = tpu.memref_squeeze %dma_wait3A_1293 : memref<1x1x8x512xf32, #tpu.memory_space<hbm>> -> memref<8x512xf32, #tpu.memory_space<hbm>>
        %dma_wait3A_1295 = arith.constant 0 : i32
        %dma_wait3A_1296 = tpu.memref_slice %arg5[%select_n3A_1272, %dma_wait3A_1291, %mul3A_1290, %dma_wait3A_1295] : memref<32x3x512x512xf32, #tpu.memory_space<hbm>> -> memref<1x1x8x512xf32, #tpu.memory_space<hbm>>
        %dma_wait3A_1297 = tpu.memref_squeeze %dma_wait3A_1296 : memref<1x1x8x512xf32, #tpu.memory_space<hbm>> -> memref<8x512xf32, #tpu.memory_space<hbm>>
        tpu.wait_dma2 semaphore(%arg47 : memref<!tpu.dma_semaphore, #tpu.memory_space<semaphore_mem>>) src(%arg24 : memref<8x512xf32, #tpu.memory_space<vmem>>) dst(%dma_wait3A_1297 : memref<8x512xf32, #tpu.memory_space<hbm>>)
        %dma_wait3A_1298 = arith.constant 1 : i32
        %dma_wait3A_1299 = arith.constant 0 : i32
        %dma_wait3A_1300 = tpu.memref_slice %arg5[%select_n3A_1272, %dma_wait3A_1298, %mul3A_1290, %dma_wait3A_1299] : memref<32x3x512x512xf32, #tpu.memory_space<hbm>> -> memref<1x1x8x512xf32, #tpu.memory_space<hbm>>
        %dma_wait3A_1301 = tpu.memref_squeeze %dma_wait3A_1300 : memref<1x1x8x512xf32, #tpu.memory_space<hbm>> -> memref<8x512xf32, #tpu.memory_space<hbm>>
        %dma_wait3A_1302 = arith.constant 0 : i32
        %dma_wait3A_1303 = tpu.memref_slice %arg5[%select_n3A_1272, %dma_wait3A_1298, %mul3A_1290, %dma_wait3A_1302] : memref<32x3x512x512xf32, #tpu.memory_space<hbm>> -> memref<1x1x8x512xf32, #tpu.memory_space<hbm>>
        %dma_wait3A_1304 = tpu.memref_squeeze %dma_wait3A_1303 : memref<1x1x8x512xf32, #tpu.memory_space<hbm>> -> memref<8x512xf32, #tpu.memory_space<hbm>>
        tpu.wait_dma2 semaphore(%arg47 : memref<!tpu.dma_semaphore, #tpu.memory_space<semaphore_mem>>) src(%arg25 : memref<8x512xf32, #tpu.memory_space<vmem>>) dst(%dma_wait3A_1304 : memref<8x512xf32, #tpu.memory_space<hbm>>)
        %dma_wait3A_1305 = arith.constant 2 : i32
        %dma_wait3A_1306 = arith.constant 0 : i32
        %dma_wait3A_1307 = tpu.memref_slice %arg5[%select_n3A_1272, %dma_wait3A_1305, %mul3A_1290, %dma_wait3A_1306] : memref<32x3x512x512xf32, #tpu.memory_space<hbm>> -> memref<1x1x8x512xf32, #tpu.memory_space<hbm>>
        %dma_wait3A_1308 = tpu.memref_squeeze %dma_wait3A_1307 : memref<1x1x8x512xf32, #tpu.memory_space<hbm>> -> memref<8x512xf32, #tpu.memory_space<hbm>>
        %dma_wait3A_1309 = arith.constant 0 : i32
        %dma_wait3A_1310 = tpu.memref_slice %arg5[%select_n3A_1272, %dma_wait3A_1305, %mul3A_1290, %dma_wait3A_1309] : memref<32x3x512x512xf32, #tpu.memory_space<hbm>> -> memref<1x1x8x512xf32, #tpu.memory_space<hbm>>
        %dma_wait3A_1311 = tpu.memref_squeeze %dma_wait3A_1310 : memref<1x1x8x512xf32, #tpu.memory_space<hbm>> -> memref<8x512xf32, #tpu.memory_space<hbm>>
        tpu.wait_dma2 semaphore(%arg47 : memref<!tpu.dma_semaphore, #tpu.memory_space<semaphore_mem>>) src(%arg26 : memref<8x512xf32, #tpu.memory_space<vmem>>) dst(%dma_wait3A_1311 : memref<8x512xf32, #tpu.memory_space<hbm>>)
      } else {
      }
      %parallel_loop3A_1022 = arith.constant 0 : i32
      %parallel_loop3A_1023 = arith.constant 4096 : i32
      %parallel_loop3A_1024 = arith.constant 16 : i32
      scf.for %parallel_loop3A_1249 = %parallel_loop3A_1022 to %parallel_loop3A_1023 step %parallel_loop3A_1024  : i32 {
        %parallel_loop3A_1250 = arith.constant 9 : i32
        %parallel_loop3A_1251 = arith.shrsi %parallel_loop3A_1249, %parallel_loop3A_1250 : i32
        %parallel_loop3A_1252 = arith.constant 511 : i32
        %parallel_loop3A_1253 = arith.andi %parallel_loop3A_1249, %parallel_loop3A_1252 : i32
        %parallel_loop3A_1254 = arith.index_cast %parallel_loop3A_1251 : i32 to index
        %parallel_loop3A_1255 = arith.index_cast %parallel_loop3A_1253 : i32 to index
        %parallel_loop3A_1256 = tpu.vector_load %arg12[%parallel_loop3A_1254, %parallel_loop3A_1255] {strides = array<i32>} : memref<8x512xf32, #tpu.memory_space<vmem>>, vector<16xf32>,
        %parallel_loop3A_1257 = arith.index_cast %parallel_loop3A_1251 : i32 to index
        %parallel_loop3A_1258 = arith.index_cast %parallel_loop3A_1253 : i32 to index
        %parallel_loop3A_1259 = tpu.vector_load %arg13[%parallel_loop3A_1257, %parallel_loop3A_1258] {strides = array<i32>} : memref<8x512xf32, #tpu.memory_space<vmem>>, vector<16xf32>,
        %parallel_loop3A_1260 = arith.index_cast %parallel_loop3A_1251 : i32 to index
        %parallel_loop3A_1261 = arith.index_cast %parallel_loop3A_1253 : i32 to index
        %parallel_loop3A_1262 = tpu.vector_load %arg14[%parallel_loop3A_1260, %parallel_loop3A_1261] {strides = array<i32>} : memref<8x512xf32, #tpu.memory_space<vmem>>, vector<16xf32>,
        %parallel_loop3A_1263 = vector.broadcast %mul3A_102 : f32 to vector<16xf32>
        %parallel_loop3A_1264 = arith.mulf %parallel_loop3A_1263, %parallel_loop3A_1256 : vector<16xf32>
        %parallel_loop3A_1265 = vector.broadcast %mul3A_105 : f32 to vector<16xf32>
        %parallel_loop3A_1266 = arith.mulf %parallel_loop3A_1265, %parallel_loop3A_1259 : vector<16xf32>
        %parallel_loop3A_1267 = arith.addf %parallel_loop3A_1264, %parallel_loop3A_1266 : vector<16xf32>
        %parallel_loop3A_1268 = vector.broadcast %mul3A_108 : f32 to vector<16xf32>
        %parallel_loop3A_1269 = arith.mulf %parallel_loop3A_1268, %parallel_loop3A_1262 : vector<16xf32>
        %parallel_loop3A_1270 = arith.addf %parallel_loop3A_1267, %parallel_loop3A_1269 : vector<16xf32>
        %parallel_loop3A_1271 = vector.broadcast %mul3A_138 : f32 to vector<16xf32>
        %parallel_loop3A_1272 = arith.addf %parallel_loop3A_1270, %parallel_loop3A_1271 : vector<16xf32>
        %parallel_loop3A_1273 = arith.constant 0.000000e+00 : f32
        %parallel_loop3A_1274 = arith.constant 15.999999 : f32
        %parallel_loop3A_1275 = vector.broadcast %parallel_loop3A_1273 : f32 to vector<16xf32>
        %parallel_loop3A_1276 = arith.maximumf %parallel_loop3A_1275, %parallel_loop3A_1272 : vector<16xf32>
        %parallel_loop3A_1277 = vector.broadcast %parallel_loop3A_1274 : f32 to vector<16xf32>
        %parallel_loop3A_1278 = arith.minimumf %parallel_loop3A_1277, %parallel_loop3A_1276 : vector<16xf32>
        %parallel_loop3A_1279 = arith.index_cast %parallel_loop3A_1249 : i32 to index
        %parallel_loop3A_1280 = tpu.vector_load %arg30[%parallel_loop3A_1279] {strides = array<i32>} : memref<4096xf32, #tpu.memory_space<vmem>>, vector<16xf32>,
        tpu.vector_store %arg30[%parallel_loop3A_1279], %parallel_loop3A_1278 {strides = array<i32>} : memref<4096xf32, #tpu.memory_space<vmem>>, vector<16xf32>,
        %parallel_loop3A_1281 = vector.broadcast %mul3A_115 : f32 to vector<16xf32>
        %parallel_loop3A_1282 = arith.mulf %parallel_loop3A_1281, %parallel_loop3A_1256 : vector<16xf32>
        %parallel_loop3A_1283 = vector.broadcast %mul3A_118 : f32 to vector<16xf32>
        %parallel_loop3A_1284 = arith.mulf %parallel_loop3A_1283, %parallel_loop3A_1259 : vector<16xf32>
        %parallel_loop3A_1285 = arith.addf %parallel_loop3A_1282, %parallel_loop3A_1284 : vector<16xf32>
        %parallel_loop3A_1286 = vector.broadcast %mul3A_121 : f32 to vector<16xf32>
        %parallel_loop3A_1287 = arith.mulf %parallel_loop3A_1286, %parallel_loop3A_1262 : vector<16xf32>
        %parallel_loop3A_1288 = arith.addf %parallel_loop3A_1285, %parallel_loop3A_1287 : vector<16xf32>
        %parallel_loop3A_1289 = vector.broadcast %mul3A_142 : f32 to vector<16xf32>
        %parallel_loop3A_1290 = arith.addf %parallel_loop3A_1288, %parallel_loop3A_1289 : vector<16xf32>
        %parallel_loop3A_1291 = arith.constant 0.000000e+00 : f32
        %parallel_loop3A_1292 = arith.constant 15.999999 : f32
        %parallel_loop3A_1293 = vector.broadcast %parallel_loop3A_1291 : f32 to vector<16xf32>
        %parallel_loop3A_1294 = arith.maximumf %parallel_loop3A_1293, %parallel_loop3A_1290 : vector<16xf32>
        %parallel_loop3A_1295 = vector.broadcast %parallel_loop3A_1292 : f32 to vector<16xf32>
        %parallel_loop3A_1296 = arith.minimumf %parallel_loop3A_1295, %parallel_loop3A_1294 : vector<16xf32>
        %parallel_loop3A_1297 = arith.index_cast %parallel_loop3A_1249 : i32 to index
        %parallel_loop3A_1298 = tpu.vector_load %arg31[%parallel_loop3A_1297] {strides = array<i32>} : memref<4096xf32, #tpu.memory_space<vmem>>, vector<16xf32>,
        tpu.vector_store %arg31[%parallel_loop3A_1297], %parallel_loop3A_1296 {strides = array<i32>} : memref<4096xf32, #tpu.memory_space<vmem>>, vector<16xf32>,
        %parallel_loop3A_1299 = vector.broadcast %mul3A_128 : f32 to vector<16xf32>
        %parallel_loop3A_1300 = arith.mulf %parallel_loop3A_1299, %parallel_loop3A_1256 : vector<16xf32>
        %parallel_loop3A_1301 = vector.broadcast %mul3A_131 : f32 to vector<16xf32>
        %parallel_loop3A_1302 = arith.mulf %parallel_loop3A_1301, %parallel_loop3A_1259 : vector<16xf32>
        %parallel_loop3A_1303 = arith.addf %parallel_loop3A_1300, %parallel_loop3A_1302 : vector<16xf32>
        %parallel_loop3A_1304 = vector.broadcast %mul3A_134 : f32 to vector<16xf32>
        %parallel_loop3A_1305 = arith.mulf %parallel_loop3A_1304, %parallel_loop3A_1262 : vector<16xf32>
        %parallel_loop3A_1306 = arith.addf %parallel_loop3A_1303, %parallel_loop3A_1305 : vector<16xf32>
        %parallel_loop3A_1307 = vector.broadcast %mul3A_146 : f32 to vector<16xf32>
        %parallel_loop3A_1308 = arith.addf %parallel_loop3A_1306, %parallel_loop3A_1307 : vector<16xf32>
        %parallel_loop3A_1309 = arith.constant 0.000000e+00 : f32
        %parallel_loop3A_1310 = arith.constant 15.999999 : f32
        %parallel_loop3A_1311 = vector.broadcast %parallel_loop3A_1309 : f32 to vector<16xf32>
        %parallel_loop3A_1312 = arith.maximumf %parallel_loop3A_1311, %parallel_loop3A_1308 : vector<16xf32>
        %parallel_loop3A_1313 = vector.broadcast %parallel_loop3A_1310 : f32 to vector<16xf32>
        %parallel_loop3A_1314 = arith.minimumf %parallel_loop3A_1313, %parallel_loop3A_1312 : vector<16xf32>
        %parallel_loop3A_1315 = arith.index_cast %parallel_loop3A_1249 : i32 to index
        %parallel_loop3A_1316 = tpu.vector_load %arg32[%parallel_loop3A_1315] {strides = array<i32>} : memref<4096xf32, #tpu.memory_space<vmem>>, vector<16xf32>,
        tpu.vector_store %arg32[%parallel_loop3A_1315], %parallel_loop3A_1314 {strides = array<i32>} : memref<4096xf32, #tpu.memory_space<vmem>>, vector<16xf32>,
      } {sc.loop_unroll_factor = 4 : i64, sc.parallel_access}
      %parallel_loop3A_1025 = arith.constant 0 : i32
      %parallel_loop3A_1026 = arith.constant 4096 : i32
      %parallel_loop3A_1027 = arith.constant 16 : i32
      scf.for %parallel_loop3A_1249 = %parallel_loop3A_1025 to %parallel_loop3A_1026 step %parallel_loop3A_1027  : i32 {
        %parallel_loop3A_1250 = arith.constant 9 : i32
        %parallel_loop3A_1251 = arith.shrsi %parallel_loop3A_1249, %parallel_loop3A_1250 : i32
        %parallel_loop3A_1252 = arith.constant 511 : i32
        %parallel_loop3A_1253 = arith.andi %parallel_loop3A_1249, %parallel_loop3A_1252 : i32
        %parallel_loop3A_1254 = arith.index_cast %parallel_loop3A_1249 : i32 to index
        %parallel_loop3A_1255 = tpu.vector_load %arg30[%parallel_loop3A_1254] {strides = array<i32>} : memref<4096xf32, #tpu.memory_space<vmem>>, vector<16xf32>,
        %parallel_loop3A_1256 = arith.fptosi %parallel_loop3A_1255 : vector<16xf32> to vector<16xi32>
        %parallel_loop3A_1257 = tpu.vector_load_idx %arg35[%parallel_loop3A_1256] : memref<16xf32, #tpu.memory_space<vmem>>[vector<16xi32>], vector<16xf32>,
        %parallel_loop3A_1258 = tpu.vector_load_idx %arg38[%parallel_loop3A_1256] : memref<16xf32, #tpu.memory_space<vmem>>[vector<16xi32>], vector<16xf32>,
        %parallel_loop3A_1259 = arith.mulf %parallel_loop3A_1257, %parallel_loop3A_1255 : vector<16xf32>
        %parallel_loop3A_1260 = arith.addf %parallel_loop3A_1259, %parallel_loop3A_1258 : vector<16xf32>
        %parallel_loop3A_1261 = arith.index_cast %parallel_loop3A_1251 : i32 to index
        %parallel_loop3A_1262 = arith.index_cast %parallel_loop3A_1253 : i32 to index
        %parallel_loop3A_1263 = tpu.vector_load %arg24[%parallel_loop3A_1261, %parallel_loop3A_1262] {strides = array<i32>} : memref<8x512xf32, #tpu.memory_space<vmem>>, vector<16xf32>,
        tpu.vector_store %arg24[%parallel_loop3A_1261, %parallel_loop3A_1262], %parallel_loop3A_1260 {strides = array<i32>} : memref<8x512xf32, #tpu.memory_space<vmem>>, vector<16xf32>,
        %parallel_loop3A_1264 = arith.index_cast %parallel_loop3A_1249 : i32 to index
        %parallel_loop3A_1265 = tpu.vector_load %arg31[%parallel_loop3A_1264] {strides = array<i32>} : memref<4096xf32, #tpu.memory_space<vmem>>, vector<16xf32>,
        %parallel_loop3A_1266 = arith.fptosi %parallel_loop3A_1265 : vector<16xf32> to vector<16xi32>
        %parallel_loop3A_1267 = tpu.vector_load_idx %arg36[%parallel_loop3A_1266] : memref<16xf32, #tpu.memory_space<vmem>>[vector<16xi32>], vector<16xf32>,
        %parallel_loop3A_1268 = tpu.vector_load_idx %arg39[%parallel_loop3A_1266] : memref<16xf32, #tpu.memory_space<vmem>>[vector<16xi32>], vector<16xf32>,
        %parallel_loop3A_1269 = arith.mulf %parallel_loop3A_1267, %parallel_loop3A_1265 : vector<16xf32>
        %parallel_loop3A_1270 = arith.addf %parallel_loop3A_1269, %parallel_loop3A_1268 : vector<16xf32>
        %parallel_loop3A_1271 = arith.index_cast %parallel_loop3A_1251 : i32 to index
        %parallel_loop3A_1272 = arith.index_cast %parallel_loop3A_1253 : i32 to index
        %parallel_loop3A_1273 = tpu.vector_load %arg25[%parallel_loop3A_1271, %parallel_loop3A_1272] {strides = array<i32>} : memref<8x512xf32, #tpu.memory_space<vmem>>, vector<16xf32>,
        tpu.vector_store %arg25[%parallel_loop3A_1271, %parallel_loop3A_1272], %parallel_loop3A_1270 {strides = array<i32>} : memref<8x512xf32, #tpu.memory_space<vmem>>, vector<16xf32>,
        %parallel_loop3A_1274 = arith.index_cast %parallel_loop3A_1249 : i32 to index
        %parallel_loop3A_1275 = tpu.vector_load %arg32[%parallel_loop3A_1274] {strides = array<i32>} : memref<4096xf32, #tpu.memory_space<vmem>>, vector<16xf32>,
        %parallel_loop3A_1276 = arith.fptosi %parallel_loop3A_1275 : vector<16xf32> to vector<16xi32>
        %parallel_loop3A_1277 = tpu.vector_load_idx %arg37[%parallel_loop3A_1276] : memref<16xf32, #tpu.memory_space<vmem>>[vector<16xi32>], vector<16xf32>,
        %parallel_loop3A_1278 = tpu.vector_load_idx %arg40[%parallel_loop3A_1276] : memref<16xf32, #tpu.memory_space<vmem>>[vector<16xi32>], vector<16xf32>,
        %parallel_loop3A_1279 = arith.mulf %parallel_loop3A_1277, %parallel_loop3A_1275 : vector<16xf32>
        %parallel_loop3A_1280 = arith.addf %parallel_loop3A_1279, %parallel_loop3A_1278 : vector<16xf32>
        %parallel_loop3A_1281 = arith.index_cast %parallel_loop3A_1251 : i32 to index
        %parallel_loop3A_1282 = arith.index_cast %parallel_loop3A_1253 : i32 to index
        %parallel_loop3A_1283 = tpu.vector_load %arg26[%parallel_loop3A_1281, %parallel_loop3A_1282] {strides = array<i32>} : memref<8x512xf32, #tpu.memory_space<vmem>>, vector<16xf32>,
        tpu.vector_store %arg26[%parallel_loop3A_1281, %parallel_loop3A_1282], %parallel_loop3A_1280 {strides = array<i32>} : memref<8x512xf32, #tpu.memory_space<vmem>>, vector<16xf32>,
      } {sc.loop_unroll_factor = 4 : i64, sc.parallel_access}
      %add3A_1028 = arith.addi %mul3A_2, %add3A_953 : i32
      %jit3A_1029 = arith.constant 64 : i32
      %div3A_1030 = arith.divsi %add3A_1028, %jit3A_1029 : i32
      %sign3A_1031 = arith.constant 0 : i32
      %sign3A_1032 = arith.cmpi sgt, %add3A_1028, %sign3A_1031 : i32
      %sign3A_1033 = arith.extui %sign3A_1032 : i1 to i32
      %sign3A_1034 = arith.constant 0 : i32
      %sign3A_1035 = arith.cmpi slt, %add3A_1028, %sign3A_1034 : i32
      %sign3A_1036 = arith.extui %sign3A_1035 : i1 to i32
      %sign3A_1037 = arith.subi %sign3A_1033, %sign3A_1036 : i32
      %sign3A_1038 = arith.constant 0 : i32
      %sign3A_1039 = arith.cmpi sgt, %jit3A_1029, %sign3A_1038 : i32
      %sign3A_1040 = arith.extui %sign3A_1039 : i1 to i32
      %sign3A_1041 = arith.constant 0 : i32
      %sign3A_1042 = arith.cmpi slt, %jit3A_1029, %sign3A_1041 : i32
      %sign3A_1043 = arith.extui %sign3A_1042 : i1 to i32
      %sign3A_1044 = arith.subi %sign3A_1040, %sign3A_1043 : i32
      %ne3A_1045 = arith.cmpi ne, %sign3A_1037, %sign3A_1044 : i32
      %rem3A_1046 = arith.remsi %add3A_1028, %jit3A_1029 : i32
      %ne3A_1047 = arith.constant 0 : i32
      %ne3A_1048 = arith.cmpi ne, %rem3A_1046, %ne3A_1047 : i32
      %and3A_1049 = arith.andi %ne3A_1045, %ne3A_1048 : i1
      %sub3A_1050 = arith.constant 1 : i32
      %sub3A_1051 = arith.subi %div3A_1030, %sub3A_1050 : i32
      %select_n3A_1052 = arith.select %and3A_1049, %sub3A_1051, %div3A_1030 : i32
      %jit3A_1053 = arith.constant 64 : i32
      %eq3A_1054 = arith.constant 0 : i32
      %eq3A_1055 = arith.cmpi eq, %jit3A_1053, %eq3A_1054 : i32
      %jit3A_1056 = arith.constant 1 : i32
      %select_n3A_1057 = arith.select %eq3A_1055, %jit3A_1056, %jit3A_1053 : i32
      %rem3A_1058 = arith.remsi %add3A_1028, %select_n3A_1057 : i32
      %ne3A_1059 = arith.constant 0 : i32
      %ne3A_1060 = arith.cmpi ne, %rem3A_1058, %ne3A_1059 : i32
      %lt3A_1061 = arith.constant 0 : i32
      %lt3A_1062 = arith.cmpi slt, %rem3A_1058, %lt3A_1061 : i32
      %lt3A_1063 = arith.constant 0 : i32
      %lt3A_1064 = arith.cmpi slt, %select_n3A_1057, %lt3A_1063 : i32
      %ne3A_1065 = arith.xori %lt3A_1062, %lt3A_1064 : i1
      %and3A_1066 = arith.andi %ne3A_1065, %ne3A_1060 : i1
      %add3A_1067 = arith.addi %rem3A_1058, %select_n3A_1057 : i32
      %select_n3A_1068 = arith.select %and3A_1066, %add3A_1067, %rem3A_1058 : i32
      %mul3A_1069 = arith.constant 8 : i32
      %mul3A_1070 = arith.muli %select_n3A_1068, %mul3A_1069 : i32
      %dma_start3A_1071 = arith.constant 0 : i32
      %dma_start3A_1072 = arith.constant 0 : i32
      %dma_start3A_1073 = tpu.memref_slice %arg5[%select_n3A_1052, %dma_start3A_1071, %mul3A_1070, %dma_start3A_1072] : memref<32x3x512x512xf32, #tpu.memory_space<hbm>> -> memref<1x1x8x512xf32, #tpu.memory_space<hbm>>
      %dma_start3A_1074 = tpu.memref_squeeze %dma_start3A_1073 : memref<1x1x8x512xf32, #tpu.memory_space<hbm>> -> memref<8x512xf32, #tpu.memory_space<hbm>>
      %dma_start3A_1075 = arith.constant 0 : i32
      %dma_start3A_1076 = tpu.memref_slice %arg5[%select_n3A_1052, %dma_start3A_1071, %mul3A_1070, %dma_start3A_1075] : memref<32x3x512x512xf32, #tpu.memory_space<hbm>> -> memref<1x1x8x512xf32, #tpu.memory_space<hbm>>
      %dma_start3A_1077 = tpu.memref_squeeze %dma_start3A_1076 : memref<1x1x8x512xf32, #tpu.memory_space<hbm>> -> memref<8x512xf32, #tpu.memory_space<hbm>>
      tpu.enqueue_dma source(%arg24 : memref<8x512xf32, #tpu.memory_space<vmem>>) target(%dma_start3A_1077 : memref<8x512xf32, #tpu.memory_space<hbm>>) target_semaphore(%arg47 : memref<!tpu.dma_semaphore, #tpu.memory_space<semaphore_mem>>)
      %dma_start3A_1078 = arith.constant 1 : i32
      %dma_start3A_1079 = arith.constant 0 : i32
      %dma_start3A_1080 = tpu.memref_slice %arg5[%select_n3A_1052, %dma_start3A_1078, %mul3A_1070, %dma_start3A_1079] : memref<32x3x512x512xf32, #tpu.memory_space<hbm>> -> memref<1x1x8x512xf32, #tpu.memory_space<hbm>>
      %dma_start3A_1081 = tpu.memref_squeeze %dma_start3A_1080 : memref<1x1x8x512xf32, #tpu.memory_space<hbm>> -> memref<8x512xf32, #tpu.memory_space<hbm>>
      %dma_start3A_1082 = arith.constant 0 : i32
      %dma_start3A_1083 = tpu.memref_slice %arg5[%select_n3A_1052, %dma_start3A_1078, %mul3A_1070, %dma_start3A_1082] : memref<32x3x512x512xf32, #tpu.memory_space<hbm>> -> memref<1x1x8x512xf32, #tpu.memory_space<hbm>>
      %dma_start3A_1084 = tpu.memref_squeeze %dma_start3A_1083 : memref<1x1x8x512xf32, #tpu.memory_space<hbm>> -> memref<8x512xf32, #tpu.memory_space<hbm>>
      tpu.enqueue_dma source(%arg25 : memref<8x512xf32, #tpu.memory_space<vmem>>) target(%dma_start3A_1084 : memref<8x512xf32, #tpu.memory_space<hbm>>) target_semaphore(%arg47 : memref<!tpu.dma_semaphore, #tpu.memory_space<semaphore_mem>>)
      %dma_start3A_1085 = arith.constant 2 : i32
      %dma_start3A_1086 = arith.constant 0 : i32
      %dma_start3A_1087 = tpu.memref_slice %arg5[%select_n3A_1052, %dma_start3A_1085, %mul3A_1070, %dma_start3A_1086] : memref<32x3x512x512xf32, #tpu.memory_space<hbm>> -> memref<1x1x8x512xf32, #tpu.memory_space<hbm>>
      %dma_start3A_1088 = tpu.memref_squeeze %dma_start3A_1087 : memref<1x1x8x512xf32, #tpu.memory_space<hbm>> -> memref<8x512xf32, #tpu.memory_space<hbm>>
      %dma_start3A_1089 = arith.constant 0 : i32
      %dma_start3A_1090 = tpu.memref_slice %arg5[%select_n3A_1052, %dma_start3A_1085, %mul3A_1070, %dma_start3A_1089] : memref<32x3x512x512xf32, #tpu.memory_space<hbm>> -> memref<1x1x8x512xf32, #tpu.memory_space<hbm>>
      %dma_start3A_1091 = tpu.memref_squeeze %dma_start3A_1090 : memref<1x1x8x512xf32, #tpu.memory_space<hbm>> -> memref<8x512xf32, #tpu.memory_space<hbm>>
      tpu.enqueue_dma source(%arg26 : memref<8x512xf32, #tpu.memory_space<vmem>>) target(%dma_start3A_1091 : memref<8x512xf32, #tpu.memory_space<hbm>>) target_semaphore(%arg47 : memref<!tpu.dma_semaphore, #tpu.memory_space<semaphore_mem>>)
      %add3A_1092 = arith.constant 4 : i32
      %add3A_1093 = arith.addi %add3A_953, %add3A_1092 : i32
      %lt3A_1094 = arith.constant 64 : i32
      %lt3A_1095 = arith.cmpi slt, %add3A_1093, %lt3A_1094 : i32
      %convert_element_type3A_1096 = arith.extui %lt3A_1095 : i1 to i32
      %cond3A_1097 = arith.constant 0 : i32
      %cond3A_1098 = arith.cmpi ne, %convert_element_type3A_1096, %cond3A_1097 : i32
      scf.if %cond3A_1098 {
        %add3A_1249 = arith.addi %mul3A_2, %add3A_953 : i32
        %add3A_1250 = arith.constant 4 : i32
        %add3A_1251 = arith.addi %add3A_1249, %add3A_1250 : i32
        %jit3A_1252 = arith.constant 64 : i32
        %div3A_1253 = arith.divsi %add3A_1251, %jit3A_1252 : i32
        %sign3A_1254 = arith.constant 0 : i32
        %sign3A_1255 = arith.cmpi sgt, %add3A_1251, %sign3A_1254 : i32
        %sign3A_1256 = arith.extui %sign3A_1255 : i1 to i32
        %sign3A_1257 = arith.constant 0 : i32
        %sign3A_1258 = arith.cmpi slt, %add3A_1251, %sign3A_1257 : i32
        %sign3A_1259 = arith.extui %sign3A_1258 : i1 to i32
        %sign3A_1260 = arith.subi %sign3A_1256, %sign3A_1259 : i32
        %sign3A_1261 = arith.constant 0 : i32
        %sign3A_1262 = arith.cmpi sgt, %jit3A_1252, %sign3A_1261 : i32
        %sign3A_1263 = arith.extui %sign3A_1262 : i1 to i32
        %sign3A_1264 = arith.constant 0 : i32
        %sign3A_1265 = arith.cmpi slt, %jit3A_1252, %sign3A_1264 : i32
        %sign3A_1266 = arith.extui %sign3A_1265 : i1 to i32
        %sign3A_1267 = arith.subi %sign3A_1263, %sign3A_1266 : i32
        %ne3A_1268 = arith.cmpi ne, %sign3A_1260, %sign3A_1267 : i32
        %rem3A_1269 = arith.remsi %add3A_1251, %jit3A_1252 : i32
        %ne3A_1270 = arith.constant 0 : i32
        %ne3A_1271 = arith.cmpi ne, %rem3A_1269, %ne3A_1270 : i32
        %and3A_1272 = arith.andi %ne3A_1268, %ne3A_1271 : i1
        %sub3A_1273 = arith.constant 1 : i32
        %sub3A_1274 = arith.subi %div3A_1253, %sub3A_1273 : i32
        %select_n3A_1275 = arith.select %and3A_1272, %sub3A_1274, %div3A_1253 : i32
        %jit3A_1276 = arith.constant 64 : i32
        %eq3A_1277 = arith.constant 0 : i32
        %eq3A_1278 = arith.cmpi eq, %jit3A_1276, %eq3A_1277 : i32
        %jit3A_1279 = arith.constant 1 : i32
        %select_n3A_1280 = arith.select %eq3A_1278, %jit3A_1279, %jit3A_1276 : i32
        %rem3A_1281 = arith.remsi %add3A_1251, %select_n3A_1280 : i32
        %ne3A_1282 = arith.constant 0 : i32
        %ne3A_1283 = arith.cmpi ne, %rem3A_1281, %ne3A_1282 : i32
        %lt3A_1284 = arith.constant 0 : i32
        %lt3A_1285 = arith.cmpi slt, %rem3A_1281, %lt3A_1284 : i32
        %lt3A_1286 = arith.constant 0 : i32
        %lt3A_1287 = arith.cmpi slt, %select_n3A_1280, %lt3A_1286 : i32
        %ne3A_1288 = arith.xori %lt3A_1285, %lt3A_1287 : i1
        %and3A_1289 = arith.andi %ne3A_1288, %ne3A_1283 : i1
        %add3A_1290 = arith.addi %rem3A_1281, %select_n3A_1280 : i32
        %select_n3A_1291 = arith.select %and3A_1289, %add3A_1290, %rem3A_1281 : i32
        %mul3A_1292 = arith.constant 8 : i32
        %mul3A_1293 = arith.muli %select_n3A_1291, %mul3A_1292 : i32
        %dma_start3A_1294 = arith.constant 0 : i32
        %dma_start3A_1295 = arith.constant 0 : i32
        %dma_start3A_1296 = tpu.memref_slice %arg2[%select_n3A_1275, %dma_start3A_1294, %mul3A_1293, %dma_start3A_1295] : memref<32x3x512x512xf32, #tpu.memory_space<hbm>> -> memref<1x1x8x512xf32, #tpu.memory_space<hbm>>
        %dma_start3A_1297 = tpu.memref_squeeze %dma_start3A_1296 : memref<1x1x8x512xf32, #tpu.memory_space<hbm>> -> memref<8x512xf32, #tpu.memory_space<hbm>>
        %dma_start3A_1298 = arith.constant 0 : i32
        %dma_start3A_1299 = tpu.memref_slice %arg2[%select_n3A_1275, %dma_start3A_1294, %mul3A_1293, %dma_start3A_1298] : memref<32x3x512x512xf32, #tpu.memory_space<hbm>> -> memref<1x1x8x512xf32, #tpu.memory_space<hbm>>
        %dma_start3A_1300 = tpu.memref_squeeze %dma_start3A_1299 : memref<1x1x8x512xf32, #tpu.memory_space<hbm>> -> memref<8x512xf32, #tpu.memory_space<hbm>>
        tpu.enqueue_dma source(%dma_start3A_1300 : memref<8x512xf32, #tpu.memory_space<hbm>>) target(%arg12 : memref<8x512xf32, #tpu.memory_space<vmem>>) target_semaphore(%arg43 : memref<!tpu.dma_semaphore, #tpu.memory_space<semaphore_mem>>)
        %dma_start3A_1301 = arith.constant 1 : i32
        %dma_start3A_1302 = arith.constant 0 : i32
        %dma_start3A_1303 = tpu.memref_slice %arg2[%select_n3A_1275, %dma_start3A_1301, %mul3A_1293, %dma_start3A_1302] : memref<32x3x512x512xf32, #tpu.memory_space<hbm>> -> memref<1x1x8x512xf32, #tpu.memory_space<hbm>>
        %dma_start3A_1304 = tpu.memref_squeeze %dma_start3A_1303 : memref<1x1x8x512xf32, #tpu.memory_space<hbm>> -> memref<8x512xf32, #tpu.memory_space<hbm>>
        %dma_start3A_1305 = arith.constant 0 : i32
        %dma_start3A_1306 = tpu.memref_slice %arg2[%select_n3A_1275, %dma_start3A_1301, %mul3A_1293, %dma_start3A_1305] : memref<32x3x512x512xf32, #tpu.memory_space<hbm>> -> memref<1x1x8x512xf32, #tpu.memory_space<hbm>>
        %dma_start3A_1307 = tpu.memref_squeeze %dma_start3A_1306 : memref<1x1x8x512xf32, #tpu.memory_space<hbm>> -> memref<8x512xf32, #tpu.memory_space<hbm>>
        tpu.enqueue_dma source(%dma_start3A_1307 : memref<8x512xf32, #tpu.memory_space<hbm>>) target(%arg13 : memref<8x512xf32, #tpu.memory_space<vmem>>) target_semaphore(%arg43 : memref<!tpu.dma_semaphore, #tpu.memory_space<semaphore_mem>>)
        %dma_start3A_1308 = arith.constant 2 : i32
        %dma_start3A_1309 = arith.constant 0 : i32
        %dma_start3A_1310 = tpu.memref_slice %arg2[%select_n3A_1275, %dma_start3A_1308, %mul3A_1293, %dma_start3A_1309] : memref<32x3x512x512xf32, #tpu.memory_space<hbm>> -> memref<1x1x8x512xf32, #tpu.memory_space<hbm>>
        %dma_start3A_1311 = tpu.memref_squeeze %dma_start3A_1310 : memref<1x1x8x512xf32, #tpu.memory_space<hbm>> -> memref<8x512xf32, #tpu.memory_space<hbm>>
        %dma_start3A_1312 = arith.constant 0 : i32
        %dma_start3A_1313 = tpu.memref_slice %arg2[%select_n3A_1275, %dma_start3A_1308, %mul3A_1293, %dma_start3A_1312] : memref<32x3x512x512xf32, #tpu.memory_space<hbm>> -> memref<1x1x8x512xf32, #tpu.memory_space<hbm>>
        %dma_start3A_1314 = tpu.memref_squeeze %dma_start3A_1313 : memref<1x1x8x512xf32, #tpu.memory_space<hbm>> -> memref<8x512xf32, #tpu.memory_space<hbm>>
        tpu.enqueue_dma source(%dma_start3A_1314 : memref<8x512xf32, #tpu.memory_space<hbm>>) target(%arg14 : memref<8x512xf32, #tpu.memory_space<vmem>>) target_semaphore(%arg43 : memref<!tpu.dma_semaphore, #tpu.memory_space<semaphore_mem>>)
      } else {
      }
      %mul3A_1099 = arith.constant 4 : i32
      %mul3A_1100 = arith.muli %mul3A_1099, %scan3A_653 : i32
      %add3A_1101 = arith.constant 3 : i32
      %add3A_1102 = arith.addi %mul3A_1100, %add3A_1101 : i32
      %jit3A_1103 = arith.constant 64 : i32
      %div3A_1104 = arith.divsi %mul3A_2, %jit3A_1103 : i32
      %sign3A_1105 = arith.constant 0 : i32
      %sign3A_1106 = arith.cmpi sgt, %mul3A_2, %sign3A_1105 : i32
      %sign3A_1107 = arith.extui %sign3A_1106 : i1 to i32
      %sign3A_1108 = arith.constant 0 : i32
      %sign3A_1109 = arith.cmpi slt, %mul3A_2, %sign3A_1108 : i32
      %sign3A_1110 = arith.extui %sign3A_1109 : i1 to i32
      %sign3A_1111 = arith.subi %sign3A_1107, %sign3A_1110 : i32
      %sign3A_1112 = arith.constant 0 : i32
      %sign3A_1113 = arith.cmpi sgt, %jit3A_1103, %sign3A_1112 : i32
      %sign3A_1114 = arith.extui %sign3A_1113 : i1 to i32
      %sign3A_1115 = arith.constant 0 : i32
      %sign3A_1116 = arith.cmpi slt, %jit3A_1103, %sign3A_1115 : i32
      %sign3A_1117 = arith.extui %sign3A_1116 : i1 to i32
      %sign3A_1118 = arith.subi %sign3A_1114, %sign3A_1117 : i32
      %ne3A_1119 = arith.cmpi ne, %sign3A_1111, %sign3A_1118 : i32
      %rem3A_1120 = arith.remsi %mul3A_2, %jit3A_1103 : i32
      %ne3A_1121 = arith.constant 0 : i32
      %ne3A_1122 = arith.cmpi ne, %rem3A_1120, %ne3A_1121 : i32
      %and3A_1123 = arith.andi %ne3A_1119, %ne3A_1122 : i1
      %sub3A_1124 = arith.constant 1 : i32
      %sub3A_1125 = arith.subi %div3A_1104, %sub3A_1124 : i32
      %select_n3A_1126 = arith.select %and3A_1123, %sub3A_1125, %div3A_1104 : i32
      %jit3A_1127 = arith.constant 64 : i32
      %eq3A_1128 = arith.constant 0 : i32
      %eq3A_1129 = arith.cmpi eq, %jit3A_1127, %eq3A_1128 : i32
      %jit3A_1130 = arith.constant 1 : i32
      %select_n3A_1131 = arith.select %eq3A_1129, %jit3A_1130, %jit3A_1127 : i32
      %rem3A_1132 = arith.remsi %mul3A_2, %select_n3A_1131 : i32
      %ne3A_1133 = arith.constant 0 : i32
      %ne3A_1134 = arith.cmpi ne, %rem3A_1132, %ne3A_1133 : i32
      %lt3A_1135 = arith.constant 0 : i32
      %lt3A_1136 = arith.cmpi slt, %rem3A_1132, %lt3A_1135 : i32
      %lt3A_1137 = arith.constant 0 : i32
      %lt3A_1138 = arith.cmpi slt, %select_n3A_1131, %lt3A_1137 : i32
      %ne3A_1139 = arith.xori %lt3A_1136, %lt3A_1138 : i1
      %and3A_1140 = arith.andi %ne3A_1139, %ne3A_1134 : i1
      %add3A_1141 = arith.addi %rem3A_1132, %select_n3A_1131 : i32
      %select_n3A_1142 = arith.select %and3A_1140, %add3A_1141, %rem3A_1132 : i32
      %mul3A_1143 = arith.constant 8 : i32
      %mul3A_1144 = arith.muli %select_n3A_1142, %mul3A_1143 : i32
      %dma_wait3A_1145 = arith.constant 0 : i32
      %dma_wait3A_1146 = arith.constant 0 : i32
      %dma_wait3A_1147 = tpu.memref_slice %arg2[%select_n3A_1126, %dma_wait3A_1145, %mul3A_1144, %dma_wait3A_1146] : memref<32x3x512x512xf32, #tpu.memory_space<hbm>> -> memref<1x1x8x512xf32, #tpu.memory_space<hbm>>
      %dma_wait3A_1148 = tpu.memref_squeeze %dma_wait3A_1147 : memref<1x1x8x512xf32, #tpu.memory_space<hbm>> -> memref<8x512xf32, #tpu.memory_space<hbm>>
      %dma_wait3A_1149 = arith.constant 0 : i32
      %dma_wait3A_1150 = tpu.memref_slice %arg2[%select_n3A_1126, %dma_wait3A_1145, %mul3A_1144, %dma_wait3A_1149] : memref<32x3x512x512xf32, #tpu.memory_space<hbm>> -> memref<1x1x8x512xf32, #tpu.memory_space<hbm>>
      %dma_wait3A_1151 = tpu.memref_squeeze %dma_wait3A_1150 : memref<1x1x8x512xf32, #tpu.memory_space<hbm>> -> memref<8x512xf32, #tpu.memory_space<hbm>>
      tpu.wait_dma2 semaphore(%arg44 : memref<!tpu.dma_semaphore, #tpu.memory_space<semaphore_mem>>) src(%dma_wait3A_1151 : memref<8x512xf32, #tpu.memory_space<hbm>>) dst(%arg15 : memref<8x512xf32, #tpu.memory_space<vmem>>)
      %dma_wait3A_1152 = arith.constant 1 : i32
      %dma_wait3A_1153 = arith.constant 0 : i32
      %dma_wait3A_1154 = tpu.memref_slice %arg2[%select_n3A_1126, %dma_wait3A_1152, %mul3A_1144, %dma_wait3A_1153] : memref<32x3x512x512xf32, #tpu.memory_space<hbm>> -> memref<1x1x8x512xf32, #tpu.memory_space<hbm>>
      %dma_wait3A_1155 = tpu.memref_squeeze %dma_wait3A_1154 : memref<1x1x8x512xf32, #tpu.memory_space<hbm>> -> memref<8x512xf32, #tpu.memory_space<hbm>>
      %dma_wait3A_1156 = arith.constant 0 : i32
      %dma_wait3A_1157 = tpu.memref_slice %arg2[%select_n3A_1126, %dma_wait3A_1152, %mul3A_1144, %dma_wait3A_1156] : memref<32x3x512x512xf32, #tpu.memory_space<hbm>> -> memref<1x1x8x512xf32, #tpu.memory_space<hbm>>
      %dma_wait3A_1158 = tpu.memref_squeeze %dma_wait3A_1157 : memref<1x1x8x512xf32, #tpu.memory_space<hbm>> -> memref<8x512xf32, #tpu.memory_space<hbm>>
      tpu.wait_dma2 semaphore(%arg44 : memref<!tpu.dma_semaphore, #tpu.memory_space<semaphore_mem>>) src(%dma_wait3A_1158 : memref<8x512xf32, #tpu.memory_space<hbm>>) dst(%arg16 : memref<8x512xf32, #tpu.memory_space<vmem>>)
      %dma_wait3A_1159 = arith.constant 2 : i32
      %dma_wait3A_1160 = arith.constant 0 : i32
      %dma_wait3A_1161 = tpu.memref_slice %arg2[%select_n3A_1126, %dma_wait3A_1159, %mul3A_1144, %dma_wait3A_1160] : memref<32x3x512x512xf32, #tpu.memory_space<hbm>> -> memref<1x1x8x512xf32, #tpu.memory_space<hbm>>
      %dma_wait3A_1162 = tpu.memref_squeeze %dma_wait3A_1161 : memref<1x1x8x512xf32, #tpu.memory_space<hbm>> -> memref<8x512xf32, #tpu.memory_space<hbm>>
      %dma_wait3A_1163 = arith.constant 0 : i32
      %dma_wait3A_1164 = tpu.memref_slice %arg2[%select_n3A_1126, %dma_wait3A_1159, %mul3A_1144, %dma_wait3A_1163] : memref<32x3x512x512xf32, #tpu.memory_space<hbm>> -> memref<1x1x8x512xf32, #tpu.memory_space<hbm>>
      %dma_wait3A_1165 = tpu.memref_squeeze %dma_wait3A_1164 : memref<1x1x8x512xf32, #tpu.memory_space<hbm>> -> memref<8x512xf32, #tpu.memory_space<hbm>>
      tpu.wait_dma2 semaphore(%arg44 : memref<!tpu.dma_semaphore, #tpu.memory_space<semaphore_mem>>) src(%dma_wait3A_1165 : memref<8x512xf32, #tpu.memory_space<hbm>>) dst(%arg17 : memref<8x512xf32, #tpu.memory_space<vmem>>)
      %ge3A_1166 = arith.constant 4 : i32
      %ge3A_1167 = arith.cmpi sge, %add3A_1102, %ge3A_1166 : i32
      %convert_element_type3A_1168 = arith.extui %ge3A_1167 : i1 to i32
      %cond3A_1169 = arith.constant 0 : i32
      %cond3A_1170 = arith.cmpi ne, %convert_element_type3A_1168, %cond3A_1169 : i32
      scf.if %cond3A_1170 {
        %jit3A_1249 = arith.constant 64 : i32
        %div3A_1250 = arith.divsi %mul3A_2, %jit3A_1249 : i32
        %sign3A_1251 = arith.constant 0 : i32
        %sign3A_1252 = arith.cmpi sgt, %mul3A_2, %sign3A_1251 : i32
        %sign3A_1253 = arith.extui %sign3A_1252 : i1 to i32
        %sign3A_1254 = arith.constant 0 : i32
        %sign3A_1255 = arith.cmpi slt, %mul3A_2, %sign3A_1254 : i32
        %sign3A_1256 = arith.extui %sign3A_1255 : i1 to i32
        %sign3A_1257 = arith.subi %sign3A_1253, %sign3A_1256 : i32
        %sign3A_1258 = arith.constant 0 : i32
        %sign3A_1259 = arith.cmpi sgt, %jit3A_1249, %sign3A_1258 : i32
        %sign3A_1260 = arith.extui %sign3A_1259 : i1 to i32
        %sign3A_1261 = arith.constant 0 : i32
        %sign3A_1262 = arith.cmpi slt, %jit3A_1249, %sign3A_1261 : i32
        %sign3A_1263 = arith.extui %sign3A_1262 : i1 to i32
        %sign3A_1264 = arith.subi %sign3A_1260, %sign3A_1263 : i32
        %ne3A_1265 = arith.cmpi ne, %sign3A_1257, %sign3A_1264 : i32
        %rem3A_1266 = arith.remsi %mul3A_2, %jit3A_1249 : i32
        %ne3A_1267 = arith.constant 0 : i32
        %ne3A_1268 = arith.cmpi ne, %rem3A_1266, %ne3A_1267 : i32
        %and3A_1269 = arith.andi %ne3A_1265, %ne3A_1268 : i1
        %sub3A_1270 = arith.constant 1 : i32
        %sub3A_1271 = arith.subi %div3A_1250, %sub3A_1270 : i32
        %select_n3A_1272 = arith.select %and3A_1269, %sub3A_1271, %div3A_1250 : i32
        %jit3A_1273 = arith.constant 64 : i32
        %eq3A_1274 = arith.constant 0 : i32
        %eq3A_1275 = arith.cmpi eq, %jit3A_1273, %eq3A_1274 : i32
        %jit3A_1276 = arith.constant 1 : i32
        %select_n3A_1277 = arith.select %eq3A_1275, %jit3A_1276, %jit3A_1273 : i32
        %rem3A_1278 = arith.remsi %mul3A_2, %select_n3A_1277 : i32
        %ne3A_1279 = arith.constant 0 : i32
        %ne3A_1280 = arith.cmpi ne, %rem3A_1278, %ne3A_1279 : i32
        %lt3A_1281 = arith.constant 0 : i32
        %lt3A_1282 = arith.cmpi slt, %rem3A_1278, %lt3A_1281 : i32
        %lt3A_1283 = arith.constant 0 : i32
        %lt3A_1284 = arith.cmpi slt, %select_n3A_1277, %lt3A_1283 : i32
        %ne3A_1285 = arith.xori %lt3A_1282, %lt3A_1284 : i1
        %and3A_1286 = arith.andi %ne3A_1285, %ne3A_1280 : i1
        %add3A_1287 = arith.addi %rem3A_1278, %select_n3A_1277 : i32
        %select_n3A_1288 = arith.select %and3A_1286, %add3A_1287, %rem3A_1278 : i32
        %mul3A_1289 = arith.constant 8 : i32
        %mul3A_1290 = arith.muli %select_n3A_1288, %mul3A_1289 : i32
        %dma_wait3A_1291 = arith.constant 0 : i32
        %dma_wait3A_1292 = arith.constant 0 : i32
        %dma_wait3A_1293 = tpu.memref_slice %arg5[%select_n3A_1272, %dma_wait3A_1291, %mul3A_1290, %dma_wait3A_1292] : memref<32x3x512x512xf32, #tpu.memory_space<hbm>> -> memref<1x1x8x512xf32, #tpu.memory_space<hbm>>
        %dma_wait3A_1294 = tpu.memref_squeeze %dma_wait3A_1293 : memref<1x1x8x512xf32, #tpu.memory_space<hbm>> -> memref<8x512xf32, #tpu.memory_space<hbm>>
        %dma_wait3A_1295 = arith.constant 0 : i32
        %dma_wait3A_1296 = tpu.memref_slice %arg5[%select_n3A_1272, %dma_wait3A_1291, %mul3A_1290, %dma_wait3A_1295] : memref<32x3x512x512xf32, #tpu.memory_space<hbm>> -> memref<1x1x8x512xf32, #tpu.memory_space<hbm>>
        %dma_wait3A_1297 = tpu.memref_squeeze %dma_wait3A_1296 : memref<1x1x8x512xf32, #tpu.memory_space<hbm>> -> memref<8x512xf32, #tpu.memory_space<hbm>>
        tpu.wait_dma2 semaphore(%arg48 : memref<!tpu.dma_semaphore, #tpu.memory_space<semaphore_mem>>) src(%arg27 : memref<8x512xf32, #tpu.memory_space<vmem>>) dst(%dma_wait3A_1297 : memref<8x512xf32, #tpu.memory_space<hbm>>)
        %dma_wait3A_1298 = arith.constant 1 : i32
        %dma_wait3A_1299 = arith.constant 0 : i32
        %dma_wait3A_1300 = tpu.memref_slice %arg5[%select_n3A_1272, %dma_wait3A_1298, %mul3A_1290, %dma_wait3A_1299] : memref<32x3x512x512xf32, #tpu.memory_space<hbm>> -> memref<1x1x8x512xf32, #tpu.memory_space<hbm>>
        %dma_wait3A_1301 = tpu.memref_squeeze %dma_wait3A_1300 : memref<1x1x8x512xf32, #tpu.memory_space<hbm>> -> memref<8x512xf32, #tpu.memory_space<hbm>>
        %dma_wait3A_1302 = arith.constant 0 : i32
        %dma_wait3A_1303 = tpu.memref_slice %arg5[%select_n3A_1272, %dma_wait3A_1298, %mul3A_1290, %dma_wait3A_1302] : memref<32x3x512x512xf32, #tpu.memory_space<hbm>> -> memref<1x1x8x512xf32, #tpu.memory_space<hbm>>
        %dma_wait3A_1304 = tpu.memref_squeeze %dma_wait3A_1303 : memref<1x1x8x512xf32, #tpu.memory_space<hbm>> -> memref<8x512xf32, #tpu.memory_space<hbm>>
        tpu.wait_dma2 semaphore(%arg48 : memref<!tpu.dma_semaphore, #tpu.memory_space<semaphore_mem>>) src(%arg28 : memref<8x512xf32, #tpu.memory_space<vmem>>) dst(%dma_wait3A_1304 : memref<8x512xf32, #tpu.memory_space<hbm>>)
        %dma_wait3A_1305 = arith.constant 2 : i32
        %dma_wait3A_1306 = arith.constant 0 : i32
        %dma_wait3A_1307 = tpu.memref_slice %arg5[%select_n3A_1272, %dma_wait3A_1305, %mul3A_1290, %dma_wait3A_1306] : memref<32x3x512x512xf32, #tpu.memory_space<hbm>> -> memref<1x1x8x512xf32, #tpu.memory_space<hbm>>
        %dma_wait3A_1308 = tpu.memref_squeeze %dma_wait3A_1307 : memref<1x1x8x512xf32, #tpu.memory_space<hbm>> -> memref<8x512xf32, #tpu.memory_space<hbm>>
        %dma_wait3A_1309 = arith.constant 0 : i32
        %dma_wait3A_1310 = tpu.memref_slice %arg5[%select_n3A_1272, %dma_wait3A_1305, %mul3A_1290, %dma_wait3A_1309] : memref<32x3x512x512xf32, #tpu.memory_space<hbm>> -> memref<1x1x8x512xf32, #tpu.memory_space<hbm>>
        %dma_wait3A_1311 = tpu.memref_squeeze %dma_wait3A_1310 : memref<1x1x8x512xf32, #tpu.memory_space<hbm>> -> memref<8x512xf32, #tpu.memory_space<hbm>>
        tpu.wait_dma2 semaphore(%arg48 : memref<!tpu.dma_semaphore, #tpu.memory_space<semaphore_mem>>) src(%arg29 : memref<8x512xf32, #tpu.memory_space<vmem>>) dst(%dma_wait3A_1311 : memref<8x512xf32, #tpu.memory_space<hbm>>)
      } else {
      }
      %parallel_loop3A_1171 = arith.constant 0 : i32
      %parallel_loop3A_1172 = arith.constant 4096 : i32
      %parallel_loop3A_1173 = arith.constant 16 : i32
      scf.for %parallel_loop3A_1249 = %parallel_loop3A_1171 to %parallel_loop3A_1172 step %parallel_loop3A_1173  : i32 {
        %parallel_loop3A_1250 = arith.constant 9 : i32
        %parallel_loop3A_1251 = arith.shrsi %parallel_loop3A_1249, %parallel_loop3A_1250 : i32
        %parallel_loop3A_1252 = arith.constant 511 : i32
        %parallel_loop3A_1253 = arith.andi %parallel_loop3A_1249, %parallel_loop3A_1252 : i32
        %parallel_loop3A_1254 = arith.index_cast %parallel_loop3A_1251 : i32 to index
        %parallel_loop3A_1255 = arith.index_cast %parallel_loop3A_1253 : i32 to index
        %parallel_loop3A_1256 = tpu.vector_load %arg15[%parallel_loop3A_1254, %parallel_loop3A_1255] {strides = array<i32>} : memref<8x512xf32, #tpu.memory_space<vmem>>, vector<16xf32>,
        %parallel_loop3A_1257 = arith.index_cast %parallel_loop3A_1251 : i32 to index
        %parallel_loop3A_1258 = arith.index_cast %parallel_loop3A_1253 : i32 to index
        %parallel_loop3A_1259 = tpu.vector_load %arg16[%parallel_loop3A_1257, %parallel_loop3A_1258] {strides = array<i32>} : memref<8x512xf32, #tpu.memory_space<vmem>>, vector<16xf32>,
        %parallel_loop3A_1260 = arith.index_cast %parallel_loop3A_1251 : i32 to index
        %parallel_loop3A_1261 = arith.index_cast %parallel_loop3A_1253 : i32 to index
        %parallel_loop3A_1262 = tpu.vector_load %arg17[%parallel_loop3A_1260, %parallel_loop3A_1261] {strides = array<i32>} : memref<8x512xf32, #tpu.memory_space<vmem>>, vector<16xf32>,
        %parallel_loop3A_1263 = vector.broadcast %mul3A_102 : f32 to vector<16xf32>
        %parallel_loop3A_1264 = arith.mulf %parallel_loop3A_1263, %parallel_loop3A_1256 : vector<16xf32>
        %parallel_loop3A_1265 = vector.broadcast %mul3A_105 : f32 to vector<16xf32>
        %parallel_loop3A_1266 = arith.mulf %parallel_loop3A_1265, %parallel_loop3A_1259 : vector<16xf32>
        %parallel_loop3A_1267 = arith.addf %parallel_loop3A_1264, %parallel_loop3A_1266 : vector<16xf32>
        %parallel_loop3A_1268 = vector.broadcast %mul3A_108 : f32 to vector<16xf32>
        %parallel_loop3A_1269 = arith.mulf %parallel_loop3A_1268, %parallel_loop3A_1262 : vector<16xf32>
        %parallel_loop3A_1270 = arith.addf %parallel_loop3A_1267, %parallel_loop3A_1269 : vector<16xf32>
        %parallel_loop3A_1271 = vector.broadcast %mul3A_138 : f32 to vector<16xf32>
        %parallel_loop3A_1272 = arith.addf %parallel_loop3A_1270, %parallel_loop3A_1271 : vector<16xf32>
        %parallel_loop3A_1273 = arith.constant 0.000000e+00 : f32
        %parallel_loop3A_1274 = arith.constant 15.999999 : f32
        %parallel_loop3A_1275 = vector.broadcast %parallel_loop3A_1273 : f32 to vector<16xf32>
        %parallel_loop3A_1276 = arith.maximumf %parallel_loop3A_1275, %parallel_loop3A_1272 : vector<16xf32>
        %parallel_loop3A_1277 = vector.broadcast %parallel_loop3A_1274 : f32 to vector<16xf32>
        %parallel_loop3A_1278 = arith.minimumf %parallel_loop3A_1277, %parallel_loop3A_1276 : vector<16xf32>
        %parallel_loop3A_1279 = arith.index_cast %parallel_loop3A_1249 : i32 to index
        %parallel_loop3A_1280 = tpu.vector_load %arg30[%parallel_loop3A_1279] {strides = array<i32>} : memref<4096xf32, #tpu.memory_space<vmem>>, vector<16xf32>,
        tpu.vector_store %arg30[%parallel_loop3A_1279], %parallel_loop3A_1278 {strides = array<i32>} : memref<4096xf32, #tpu.memory_space<vmem>>, vector<16xf32>,
        %parallel_loop3A_1281 = vector.broadcast %mul3A_115 : f32 to vector<16xf32>
        %parallel_loop3A_1282 = arith.mulf %parallel_loop3A_1281, %parallel_loop3A_1256 : vector<16xf32>
        %parallel_loop3A_1283 = vector.broadcast %mul3A_118 : f32 to vector<16xf32>
        %parallel_loop3A_1284 = arith.mulf %parallel_loop3A_1283, %parallel_loop3A_1259 : vector<16xf32>
        %parallel_loop3A_1285 = arith.addf %parallel_loop3A_1282, %parallel_loop3A_1284 : vector<16xf32>
        %parallel_loop3A_1286 = vector.broadcast %mul3A_121 : f32 to vector<16xf32>
        %parallel_loop3A_1287 = arith.mulf %parallel_loop3A_1286, %parallel_loop3A_1262 : vector<16xf32>
        %parallel_loop3A_1288 = arith.addf %parallel_loop3A_1285, %parallel_loop3A_1287 : vector<16xf32>
        %parallel_loop3A_1289 = vector.broadcast %mul3A_142 : f32 to vector<16xf32>
        %parallel_loop3A_1290 = arith.addf %parallel_loop3A_1288, %parallel_loop3A_1289 : vector<16xf32>
        %parallel_loop3A_1291 = arith.constant 0.000000e+00 : f32
        %parallel_loop3A_1292 = arith.constant 15.999999 : f32
        %parallel_loop3A_1293 = vector.broadcast %parallel_loop3A_1291 : f32 to vector<16xf32>
        %parallel_loop3A_1294 = arith.maximumf %parallel_loop3A_1293, %parallel_loop3A_1290 : vector<16xf32>
        %parallel_loop3A_1295 = vector.broadcast %parallel_loop3A_1292 : f32 to vector<16xf32>
        %parallel_loop3A_1296 = arith.minimumf %parallel_loop3A_1295, %parallel_loop3A_1294 : vector<16xf32>
        %parallel_loop3A_1297 = arith.index_cast %parallel_loop3A_1249 : i32 to index
        %parallel_loop3A_1298 = tpu.vector_load %arg31[%parallel_loop3A_1297] {strides = array<i32>} : memref<4096xf32, #tpu.memory_space<vmem>>, vector<16xf32>,
        tpu.vector_store %arg31[%parallel_loop3A_1297], %parallel_loop3A_1296 {strides = array<i32>} : memref<4096xf32, #tpu.memory_space<vmem>>, vector<16xf32>,
        %parallel_loop3A_1299 = vector.broadcast %mul3A_128 : f32 to vector<16xf32>
        %parallel_loop3A_1300 = arith.mulf %parallel_loop3A_1299, %parallel_loop3A_1256 : vector<16xf32>
        %parallel_loop3A_1301 = vector.broadcast %mul3A_131 : f32 to vector<16xf32>
        %parallel_loop3A_1302 = arith.mulf %parallel_loop3A_1301, %parallel_loop3A_1259 : vector<16xf32>
        %parallel_loop3A_1303 = arith.addf %parallel_loop3A_1300, %parallel_loop3A_1302 : vector<16xf32>
        %parallel_loop3A_1304 = vector.broadcast %mul3A_134 : f32 to vector<16xf32>
        %parallel_loop3A_1305 = arith.mulf %parallel_loop3A_1304, %parallel_loop3A_1262 : vector<16xf32>
        %parallel_loop3A_1306 = arith.addf %parallel_loop3A_1303, %parallel_loop3A_1305 : vector<16xf32>
        %parallel_loop3A_1307 = vector.broadcast %mul3A_146 : f32 to vector<16xf32>
        %parallel_loop3A_1308 = arith.addf %parallel_loop3A_1306, %parallel_loop3A_1307 : vector<16xf32>
        %parallel_loop3A_1309 = arith.constant 0.000000e+00 : f32
        %parallel_loop3A_1310 = arith.constant 15.999999 : f32
        %parallel_loop3A_1311 = vector.broadcast %parallel_loop3A_1309 : f32 to vector<16xf32>
        %parallel_loop3A_1312 = arith.maximumf %parallel_loop3A_1311, %parallel_loop3A_1308 : vector<16xf32>
        %parallel_loop3A_1313 = vector.broadcast %parallel_loop3A_1310 : f32 to vector<16xf32>
        %parallel_loop3A_1314 = arith.minimumf %parallel_loop3A_1313, %parallel_loop3A_1312 : vector<16xf32>
        %parallel_loop3A_1315 = arith.index_cast %parallel_loop3A_1249 : i32 to index
        %parallel_loop3A_1316 = tpu.vector_load %arg32[%parallel_loop3A_1315] {strides = array<i32>} : memref<4096xf32, #tpu.memory_space<vmem>>, vector<16xf32>,
        tpu.vector_store %arg32[%parallel_loop3A_1315], %parallel_loop3A_1314 {strides = array<i32>} : memref<4096xf32, #tpu.memory_space<vmem>>, vector<16xf32>,
      } {sc.loop_unroll_factor = 4 : i64, sc.parallel_access}
      %parallel_loop3A_1174 = arith.constant 0 : i32
      %parallel_loop3A_1175 = arith.constant 4096 : i32
      %parallel_loop3A_1176 = arith.constant 16 : i32
      scf.for %parallel_loop3A_1249 = %parallel_loop3A_1174 to %parallel_loop3A_1175 step %parallel_loop3A_1176  : i32 {
        %parallel_loop3A_1250 = arith.constant 9 : i32
        %parallel_loop3A_1251 = arith.shrsi %parallel_loop3A_1249, %parallel_loop3A_1250 : i32
        %parallel_loop3A_1252 = arith.constant 511 : i32
        %parallel_loop3A_1253 = arith.andi %parallel_loop3A_1249, %parallel_loop3A_1252 : i32
        %parallel_loop3A_1254 = arith.index_cast %parallel_loop3A_1249 : i32 to index
        %parallel_loop3A_1255 = tpu.vector_load %arg30[%parallel_loop3A_1254] {strides = array<i32>} : memref<4096xf32, #tpu.memory_space<vmem>>, vector<16xf32>,
        %parallel_loop3A_1256 = arith.fptosi %parallel_loop3A_1255 : vector<16xf32> to vector<16xi32>
        %parallel_loop3A_1257 = tpu.vector_load_idx %arg35[%parallel_loop3A_1256] : memref<16xf32, #tpu.memory_space<vmem>>[vector<16xi32>], vector<16xf32>,
        %parallel_loop3A_1258 = tpu.vector_load_idx %arg38[%parallel_loop3A_1256] : memref<16xf32, #tpu.memory_space<vmem>>[vector<16xi32>], vector<16xf32>,
        %parallel_loop3A_1259 = arith.mulf %parallel_loop3A_1257, %parallel_loop3A_1255 : vector<16xf32>
        %parallel_loop3A_1260 = arith.addf %parallel_loop3A_1259, %parallel_loop3A_1258 : vector<16xf32>
        %parallel_loop3A_1261 = arith.index_cast %parallel_loop3A_1251 : i32 to index
        %parallel_loop3A_1262 = arith.index_cast %parallel_loop3A_1253 : i32 to index
        %parallel_loop3A_1263 = tpu.vector_load %arg27[%parallel_loop3A_1261, %parallel_loop3A_1262] {strides = array<i32>} : memref<8x512xf32, #tpu.memory_space<vmem>>, vector<16xf32>,
        tpu.vector_store %arg27[%parallel_loop3A_1261, %parallel_loop3A_1262], %parallel_loop3A_1260 {strides = array<i32>} : memref<8x512xf32, #tpu.memory_space<vmem>>, vector<16xf32>,
        %parallel_loop3A_1264 = arith.index_cast %parallel_loop3A_1249 : i32 to index
        %parallel_loop3A_1265 = tpu.vector_load %arg31[%parallel_loop3A_1264] {strides = array<i32>} : memref<4096xf32, #tpu.memory_space<vmem>>, vector<16xf32>,
        %parallel_loop3A_1266 = arith.fptosi %parallel_loop3A_1265 : vector<16xf32> to vector<16xi32>
        %parallel_loop3A_1267 = tpu.vector_load_idx %arg36[%parallel_loop3A_1266] : memref<16xf32, #tpu.memory_space<vmem>>[vector<16xi32>], vector<16xf32>,
        %parallel_loop3A_1268 = tpu.vector_load_idx %arg39[%parallel_loop3A_1266] : memref<16xf32, #tpu.memory_space<vmem>>[vector<16xi32>], vector<16xf32>,
        %parallel_loop3A_1269 = arith.mulf %parallel_loop3A_1267, %parallel_loop3A_1265 : vector<16xf32>
        %parallel_loop3A_1270 = arith.addf %parallel_loop3A_1269, %parallel_loop3A_1268 : vector<16xf32>
        %parallel_loop3A_1271 = arith.index_cast %parallel_loop3A_1251 : i32 to index
        %parallel_loop3A_1272 = arith.index_cast %parallel_loop3A_1253 : i32 to index
        %parallel_loop3A_1273 = tpu.vector_load %arg28[%parallel_loop3A_1271, %parallel_loop3A_1272] {strides = array<i32>} : memref<8x512xf32, #tpu.memory_space<vmem>>, vector<16xf32>,
        tpu.vector_store %arg28[%parallel_loop3A_1271, %parallel_loop3A_1272], %parallel_loop3A_1270 {strides = array<i32>} : memref<8x512xf32, #tpu.memory_space<vmem>>, vector<16xf32>,
        %parallel_loop3A_1274 = arith.index_cast %parallel_loop3A_1249 : i32 to index
        %parallel_loop3A_1275 = tpu.vector_load %arg32[%parallel_loop3A_1274] {strides = array<i32>} : memref<4096xf32, #tpu.memory_space<vmem>>, vector<16xf32>,
        %parallel_loop3A_1276 = arith.fptosi %parallel_loop3A_1275 : vector<16xf32> to vector<16xi32>
        %parallel_loop3A_1277 = tpu.vector_load_idx %arg37[%parallel_loop3A_1276] : memref<16xf32, #tpu.memory_space<vmem>>[vector<16xi32>], vector<16xf32>,
        %parallel_loop3A_1278 = tpu.vector_load_idx %arg40[%parallel_loop3A_1276] : memref<16xf32, #tpu.memory_space<vmem>>[vector<16xi32>], vector<16xf32>,
        %parallel_loop3A_1279 = arith.mulf %parallel_loop3A_1277, %parallel_loop3A_1275 : vector<16xf32>
        %parallel_loop3A_1280 = arith.addf %parallel_loop3A_1279, %parallel_loop3A_1278 : vector<16xf32>
        %parallel_loop3A_1281 = arith.index_cast %parallel_loop3A_1251 : i32 to index
        %parallel_loop3A_1282 = arith.index_cast %parallel_loop3A_1253 : i32 to index
        %parallel_loop3A_1283 = tpu.vector_load %arg29[%parallel_loop3A_1281, %parallel_loop3A_1282] {strides = array<i32>} : memref<8x512xf32, #tpu.memory_space<vmem>>, vector<16xf32>,
        tpu.vector_store %arg29[%parallel_loop3A_1281, %parallel_loop3A_1282], %parallel_loop3A_1280 {strides = array<i32>} : memref<8x512xf32, #tpu.memory_space<vmem>>, vector<16xf32>,
      } {sc.loop_unroll_factor = 4 : i64, sc.parallel_access}
      %add3A_1177 = arith.addi %mul3A_2, %add3A_1102 : i32
      %jit3A_1178 = arith.constant 64 : i32
      %div3A_1179 = arith.divsi %add3A_1177, %jit3A_1178 : i32
      %sign3A_1180 = arith.constant 0 : i32
      %sign3A_1181 = arith.cmpi sgt, %add3A_1177, %sign3A_1180 : i32
      %sign3A_1182 = arith.extui %sign3A_1181 : i1 to i32
      %sign3A_1183 = arith.constant 0 : i32
      %sign3A_1184 = arith.cmpi slt, %add3A_1177, %sign3A_1183 : i32
      %sign3A_1185 = arith.extui %sign3A_1184 : i1 to i32
      %sign3A_1186 = arith.subi %sign3A_1182, %sign3A_1185 : i32
      %sign3A_1187 = arith.constant 0 : i32
      %sign3A_1188 = arith.cmpi sgt, %jit3A_1178, %sign3A_1187 : i32
      %sign3A_1189 = arith.extui %sign3A_1188 : i1 to i32
      %sign3A_1190 = arith.constant 0 : i32
      %sign3A_1191 = arith.cmpi slt, %jit3A_1178, %sign3A_1190 : i32
      %sign3A_1192 = arith.extui %sign3A_1191 : i1 to i32
      %sign3A_1193 = arith.subi %sign3A_1189, %sign3A_1192 : i32
      %ne3A_1194 = arith.cmpi ne, %sign3A_1186, %sign3A_1193 : i32
      %rem3A_1195 = arith.remsi %add3A_1177, %jit3A_1178 : i32
      %ne3A_1196 = arith.constant 0 : i32
      %ne3A_1197 = arith.cmpi ne, %rem3A_1195, %ne3A_1196 : i32
      %and3A_1198 = arith.andi %ne3A_1194, %ne3A_1197 : i1
      %sub3A_1199 = arith.constant 1 : i32
      %sub3A_1200 = arith.subi %div3A_1179, %sub3A_1199 : i32
      %select_n3A_1201 = arith.select %and3A_1198, %sub3A_1200, %div3A_1179 : i32
      %jit3A_1202 = arith.constant 64 : i32
      %eq3A_1203 = arith.constant 0 : i32
      %eq3A_1204 = arith.cmpi eq, %jit3A_1202, %eq3A_1203 : i32
      %jit3A_1205 = arith.constant 1 : i32
      %select_n3A_1206 = arith.select %eq3A_1204, %jit3A_1205, %jit3A_1202 : i32
      %rem3A_1207 = arith.remsi %add3A_1177, %select_n3A_1206 : i32
      %ne3A_1208 = arith.constant 0 : i32
      %ne3A_1209 = arith.cmpi ne, %rem3A_1207, %ne3A_1208 : i32
      %lt3A_1210 = arith.constant 0 : i32
      %lt3A_1211 = arith.cmpi slt, %rem3A_1207, %lt3A_1210 : i32
      %lt3A_1212 = arith.constant 0 : i32
      %lt3A_1213 = arith.cmpi slt, %select_n3A_1206, %lt3A_1212 : i32
      %ne3A_1214 = arith.xori %lt3A_1211, %lt3A_1213 : i1
      %and3A_1215 = arith.andi %ne3A_1214, %ne3A_1209 : i1
      %add3A_1216 = arith.addi %rem3A_1207, %select_n3A_1206 : i32
      %select_n3A_1217 = arith.select %and3A_1215, %add3A_1216, %rem3A_1207 : i32
      %mul3A_1218 = arith.constant 8 : i32
      %mul3A_1219 = arith.muli %select_n3A_1217, %mul3A_1218 : i32
      %dma_start3A_1220 = arith.constant 0 : i32
      %dma_start3A_1221 = arith.constant 0 : i32
      %dma_start3A_1222 = tpu.memref_slice %arg5[%select_n3A_1201, %dma_start3A_1220, %mul3A_1219, %dma_start3A_1221] : memref<32x3x512x512xf32, #tpu.memory_space<hbm>> -> memref<1x1x8x512xf32, #tpu.memory_space<hbm>>
      %dma_start3A_1223 = tpu.memref_squeeze %dma_start3A_1222 : memref<1x1x8x512xf32, #tpu.memory_space<hbm>> -> memref<8x512xf32, #tpu.memory_space<hbm>>
      %dma_start3A_1224 = arith.constant 0 : i32
      %dma_start3A_1225 = tpu.memref_slice %arg5[%select_n3A_1201, %dma_start3A_1220, %mul3A_1219, %dma_start3A_1224] : memref<32x3x512x512xf32, #tpu.memory_space<hbm>> -> memref<1x1x8x512xf32, #tpu.memory_space<hbm>>
      %dma_start3A_1226 = tpu.memref_squeeze %dma_start3A_1225 : memref<1x1x8x512xf32, #tpu.memory_space<hbm>> -> memref<8x512xf32, #tpu.memory_space<hbm>>
      tpu.enqueue_dma source(%arg27 : memref<8x512xf32, #tpu.memory_space<vmem>>) target(%dma_start3A_1226 : memref<8x512xf32, #tpu.memory_space<hbm>>) target_semaphore(%arg48 : memref<!tpu.dma_semaphore, #tpu.memory_space<semaphore_mem>>)
      %dma_start3A_1227 = arith.constant 1 : i32
      %dma_start3A_1228 = arith.constant 0 : i32
      %dma_start3A_1229 = tpu.memref_slice %arg5[%select_n3A_1201, %dma_start3A_1227, %mul3A_1219, %dma_start3A_1228] : memref<32x3x512x512xf32, #tpu.memory_space<hbm>> -> memref<1x1x8x512xf32, #tpu.memory_space<hbm>>
      %dma_start3A_1230 = tpu.memref_squeeze %dma_start3A_1229 : memref<1x1x8x512xf32, #tpu.memory_space<hbm>> -> memref<8x512xf32, #tpu.memory_space<hbm>>
      %dma_start3A_1231 = arith.constant 0 : i32
      %dma_start3A_1232 = tpu.memref_slice %arg5[%select_n3A_1201, %dma_start3A_1227, %mul3A_1219, %dma_start3A_1231] : memref<32x3x512x512xf32, #tpu.memory_space<hbm>> -> memref<1x1x8x512xf32, #tpu.memory_space<hbm>>
      %dma_start3A_1233 = tpu.memref_squeeze %dma_start3A_1232 : memref<1x1x8x512xf32, #tpu.memory_space<hbm>> -> memref<8x512xf32, #tpu.memory_space<hbm>>
      tpu.enqueue_dma source(%arg28 : memref<8x512xf32, #tpu.memory_space<vmem>>) target(%dma_start3A_1233 : memref<8x512xf32, #tpu.memory_space<hbm>>) target_semaphore(%arg48 : memref<!tpu.dma_semaphore, #tpu.memory_space<semaphore_mem>>)
      %dma_start3A_1234 = arith.constant 2 : i32
      %dma_start3A_1235 = arith.constant 0 : i32
      %dma_start3A_1236 = tpu.memref_slice %arg5[%select_n3A_1201, %dma_start3A_1234, %mul3A_1219, %dma_start3A_1235] : memref<32x3x512x512xf32, #tpu.memory_space<hbm>> -> memref<1x1x8x512xf32, #tpu.memory_space<hbm>>
      %dma_start3A_1237 = tpu.memref_squeeze %dma_start3A_1236 : memref<1x1x8x512xf32, #tpu.memory_space<hbm>> -> memref<8x512xf32, #tpu.memory_space<hbm>>
      %dma_start3A_1238 = arith.constant 0 : i32
      %dma_start3A_1239 = tpu.memref_slice %arg5[%select_n3A_1201, %dma_start3A_1234, %mul3A_1219, %dma_start3A_1238] : memref<32x3x512x512xf32, #tpu.memory_space<hbm>> -> memref<1x1x8x512xf32, #tpu.memory_space<hbm>>
      %dma_start3A_1240 = tpu.memref_squeeze %dma_start3A_1239 : memref<1x1x8x512xf32, #tpu.memory_space<hbm>> -> memref<8x512xf32, #tpu.memory_space<hbm>>
      tpu.enqueue_dma source(%arg29 : memref<8x512xf32, #tpu.memory_space<vmem>>) target(%dma_start3A_1240 : memref<8x512xf32, #tpu.memory_space<hbm>>) target_semaphore(%arg48 : memref<!tpu.dma_semaphore, #tpu.memory_space<semaphore_mem>>)
      %add3A_1241 = arith.constant 4 : i32
      %add3A_1242 = arith.addi %add3A_1102, %add3A_1241 : i32
      %lt3A_1243 = arith.constant 64 : i32
      %lt3A_1244 = arith.cmpi slt, %add3A_1242, %lt3A_1243 : i32
      %convert_element_type3A_1245 = arith.extui %lt3A_1244 : i1 to i32
      %cond3A_1246 = arith.constant 0 : i32
      %cond3A_1247 = arith.cmpi ne, %convert_element_type3A_1245, %cond3A_1246 : i32
      scf.if %cond3A_1247 {
        %add3A_1249 = arith.addi %mul3A_2, %add3A_1102 : i32
        %add3A_1250 = arith.constant 4 : i32
        %add3A_1251 = arith.addi %add3A_1249, %add3A_1250 : i32
        %jit3A_1252 = arith.constant 64 : i32
        %div3A_1253 = arith.divsi %add3A_1251, %jit3A_1252 : i32
        %sign3A_1254 = arith.constant 0 : i32
        %sign3A_1255 = arith.cmpi sgt, %add3A_1251, %sign3A_1254 : i32
        %sign3A_1256 = arith.extui %sign3A_1255 : i1 to i32
        %sign3A_1257 = arith.constant 0 : i32
        %sign3A_1258 = arith.cmpi slt, %add3A_1251, %sign3A_1257 : i32
        %sign3A_1259 = arith.extui %sign3A_1258 : i1 to i32
        %sign3A_1260 = arith.subi %sign3A_1256, %sign3A_1259 : i32
        %sign3A_1261 = arith.constant 0 : i32
        %sign3A_1262 = arith.cmpi sgt, %jit3A_1252, %sign3A_1261 : i32
        %sign3A_1263 = arith.extui %sign3A_1262 : i1 to i32
        %sign3A_1264 = arith.constant 0 : i32
        %sign3A_1265 = arith.cmpi slt, %jit3A_1252, %sign3A_1264 : i32
        %sign3A_1266 = arith.extui %sign3A_1265 : i1 to i32
        %sign3A_1267 = arith.subi %sign3A_1263, %sign3A_1266 : i32
        %ne3A_1268 = arith.cmpi ne, %sign3A_1260, %sign3A_1267 : i32
        %rem3A_1269 = arith.remsi %add3A_1251, %jit3A_1252 : i32
        %ne3A_1270 = arith.constant 0 : i32
        %ne3A_1271 = arith.cmpi ne, %rem3A_1269, %ne3A_1270 : i32
        %and3A_1272 = arith.andi %ne3A_1268, %ne3A_1271 : i1
        %sub3A_1273 = arith.constant 1 : i32
        %sub3A_1274 = arith.subi %div3A_1253, %sub3A_1273 : i32
        %select_n3A_1275 = arith.select %and3A_1272, %sub3A_1274, %div3A_1253 : i32
        %jit3A_1276 = arith.constant 64 : i32
        %eq3A_1277 = arith.constant 0 : i32
        %eq3A_1278 = arith.cmpi eq, %jit3A_1276, %eq3A_1277 : i32
        %jit3A_1279 = arith.constant 1 : i32
        %select_n3A_1280 = arith.select %eq3A_1278, %jit3A_1279, %jit3A_1276 : i32
        %rem3A_1281 = arith.remsi %add3A_1251, %select_n3A_1280 : i32
        %ne3A_1282 = arith.constant 0 : i32
        %ne3A_1283 = arith.cmpi ne, %rem3A_1281, %ne3A_1282 : i32
        %lt3A_1284 = arith.constant 0 : i32
        %lt3A_1285 = arith.cmpi slt, %rem3A_1281, %lt3A_1284 : i32
        %lt3A_1286 = arith.constant 0 : i32
        %lt3A_1287 = arith.cmpi slt, %select_n3A_1280, %lt3A_1286 : i32
        %ne3A_1288 = arith.xori %lt3A_1285, %lt3A_1287 : i1
        %and3A_1289 = arith.andi %ne3A_1288, %ne3A_1283 : i1
        %add3A_1290 = arith.addi %rem3A_1281, %select_n3A_1280 : i32
        %select_n3A_1291 = arith.select %and3A_1289, %add3A_1290, %rem3A_1281 : i32
        %mul3A_1292 = arith.constant 8 : i32
        %mul3A_1293 = arith.muli %select_n3A_1291, %mul3A_1292 : i32
        %dma_start3A_1294 = arith.constant 0 : i32
        %dma_start3A_1295 = arith.constant 0 : i32
        %dma_start3A_1296 = tpu.memref_slice %arg2[%select_n3A_1275, %dma_start3A_1294, %mul3A_1293, %dma_start3A_1295] : memref<32x3x512x512xf32, #tpu.memory_space<hbm>> -> memref<1x1x8x512xf32, #tpu.memory_space<hbm>>
        %dma_start3A_1297 = tpu.memref_squeeze %dma_start3A_1296 : memref<1x1x8x512xf32, #tpu.memory_space<hbm>> -> memref<8x512xf32, #tpu.memory_space<hbm>>
        %dma_start3A_1298 = arith.constant 0 : i32
        %dma_start3A_1299 = tpu.memref_slice %arg2[%select_n3A_1275, %dma_start3A_1294, %mul3A_1293, %dma_start3A_1298] : memref<32x3x512x512xf32, #tpu.memory_space<hbm>> -> memref<1x1x8x512xf32, #tpu.memory_space<hbm>>
        %dma_start3A_1300 = tpu.memref_squeeze %dma_start3A_1299 : memref<1x1x8x512xf32, #tpu.memory_space<hbm>> -> memref<8x512xf32, #tpu.memory_space<hbm>>
        tpu.enqueue_dma source(%dma_start3A_1300 : memref<8x512xf32, #tpu.memory_space<hbm>>) target(%arg15 : memref<8x512xf32, #tpu.memory_space<vmem>>) target_semaphore(%arg44 : memref<!tpu.dma_semaphore, #tpu.memory_space<semaphore_mem>>)
        %dma_start3A_1301 = arith.constant 1 : i32
        %dma_start3A_1302 = arith.constant 0 : i32
        %dma_start3A_1303 = tpu.memref_slice %arg2[%select_n3A_1275, %dma_start3A_1301, %mul3A_1293, %dma_start3A_1302] : memref<32x3x512x512xf32, #tpu.memory_space<hbm>> -> memref<1x1x8x512xf32, #tpu.memory_space<hbm>>
        %dma_start3A_1304 = tpu.memref_squeeze %dma_start3A_1303 : memref<1x1x8x512xf32, #tpu.memory_space<hbm>> -> memref<8x512xf32, #tpu.memory_space<hbm>>
        %dma_start3A_1305 = arith.constant 0 : i32
        %dma_start3A_1306 = tpu.memref_slice %arg2[%select_n3A_1275, %dma_start3A_1301, %mul3A_1293, %dma_start3A_1305] : memref<32x3x512x512xf32, #tpu.memory_space<hbm>> -> memref<1x1x8x512xf32, #tpu.memory_space<hbm>>
        %dma_start3A_1307 = tpu.memref_squeeze %dma_start3A_1306 : memref<1x1x8x512xf32, #tpu.memory_space<hbm>> -> memref<8x512xf32, #tpu.memory_space<hbm>>
        tpu.enqueue_dma source(%dma_start3A_1307 : memref<8x512xf32, #tpu.memory_space<hbm>>) target(%arg16 : memref<8x512xf32, #tpu.memory_space<vmem>>) target_semaphore(%arg44 : memref<!tpu.dma_semaphore, #tpu.memory_space<semaphore_mem>>)
        %dma_start3A_1308 = arith.constant 2 : i32
        %dma_start3A_1309 = arith.constant 0 : i32
        %dma_start3A_1310 = tpu.memref_slice %arg2[%select_n3A_1275, %dma_start3A_1308, %mul3A_1293, %dma_start3A_1309] : memref<32x3x512x512xf32, #tpu.memory_space<hbm>> -> memref<1x1x8x512xf32, #tpu.memory_space<hbm>>
        %dma_start3A_1311 = tpu.memref_squeeze %dma_start3A_1310 : memref<1x1x8x512xf32, #tpu.memory_space<hbm>> -> memref<8x512xf32, #tpu.memory_space<hbm>>
        %dma_start3A_1312 = arith.constant 0 : i32
        %dma_start3A_1313 = tpu.memref_slice %arg2[%select_n3A_1275, %dma_start3A_1308, %mul3A_1293, %dma_start3A_1312] : memref<32x3x512x512xf32, #tpu.memory_space<hbm>> -> memref<1x1x8x512xf32, #tpu.memory_space<hbm>>
        %dma_start3A_1314 = tpu.memref_squeeze %dma_start3A_1313 : memref<1x1x8x512xf32, #tpu.memory_space<hbm>> -> memref<8x512xf32, #tpu.memory_space<hbm>>
        tpu.enqueue_dma source(%dma_start3A_1314 : memref<8x512xf32, #tpu.memory_space<hbm>>) target(%arg17 : memref<8x512xf32, #tpu.memory_space<vmem>>) target_semaphore(%arg44 : memref<!tpu.dma_semaphore, #tpu.memory_space<semaphore_mem>>)
      } else {
      }
      %scan3A_1248 = arith.constant 0 : i32
      scf.yield %scan3A_1248 : i32
    }
    %scan3A_401 = arith.constant 16 : i32
    %jit3A_402 = arith.constant 64 : i32
    %div3A_403 = arith.divsi %mul3A_2, %jit3A_402 : i32
    %sign3A_404 = arith.constant 0 : i32
    %sign3A_405 = arith.cmpi sgt, %mul3A_2, %sign3A_404 : i32
    %sign3A_406 = arith.extui %sign3A_405 : i1 to i32
    %sign3A_407 = arith.constant 0 : i32
    %sign3A_408 = arith.cmpi slt, %mul3A_2, %sign3A_407 : i32
    %sign3A_409 = arith.extui %sign3A_408 : i1 to i32
    %sign3A_410 = arith.subi %sign3A_406, %sign3A_409 : i32
    %sign3A_411 = arith.constant 0 : i32
    %sign3A_412 = arith.cmpi sgt, %jit3A_402, %sign3A_411 : i32
    %sign3A_413 = arith.extui %sign3A_412 : i1 to i32
    %sign3A_414 = arith.constant 0 : i32
    %sign3A_415 = arith.cmpi slt, %jit3A_402, %sign3A_414 : i32
    %sign3A_416 = arith.extui %sign3A_415 : i1 to i32
    %sign3A_417 = arith.subi %sign3A_413, %sign3A_416 : i32
    %ne3A_418 = arith.cmpi ne, %sign3A_410, %sign3A_417 : i32
    %rem3A_419 = arith.remsi %mul3A_2, %jit3A_402 : i32
    %ne3A_420 = arith.constant 0 : i32
    %ne3A_421 = arith.cmpi ne, %rem3A_419, %ne3A_420 : i32
    %and3A_422 = arith.andi %ne3A_418, %ne3A_421 : i1
    %sub3A_423 = arith.constant 1 : i32
    %sub3A_424 = arith.subi %div3A_403, %sub3A_423 : i32
    %select_n3A_425 = arith.select %and3A_422, %sub3A_424, %div3A_403 : i32
    %jit3A_426 = arith.constant 64 : i32
    %eq3A_427 = arith.constant 0 : i32
    %eq3A_428 = arith.cmpi eq, %jit3A_426, %eq3A_427 : i32
    %jit3A_429 = arith.constant 1 : i32
    %select_n3A_430 = arith.select %eq3A_428, %jit3A_429, %jit3A_426 : i32
    %rem3A_431 = arith.remsi %mul3A_2, %select_n3A_430 : i32
    %ne3A_432 = arith.constant 0 : i32
    %ne3A_433 = arith.cmpi ne, %rem3A_431, %ne3A_432 : i32
    %lt3A_434 = arith.constant 0 : i32
    %lt3A_435 = arith.cmpi slt, %rem3A_431, %lt3A_434 : i32
    %lt3A_436 = arith.constant 0 : i32
    %lt3A_437 = arith.cmpi slt, %select_n3A_430, %lt3A_436 : i32
    %ne3A_438 = arith.xori %lt3A_435, %lt3A_437 : i1
    %and3A_439 = arith.andi %ne3A_438, %ne3A_433 : i1
    %add3A_440 = arith.addi %rem3A_431, %select_n3A_430 : i32
    %select_n3A_441 = arith.select %and3A_439, %add3A_440, %rem3A_431 : i32
    %mul3A_442 = arith.constant 8 : i32
    %mul3A_443 = arith.muli %select_n3A_441, %mul3A_442 : i32
    %dma_wait3A = arith.constant 0 : i32
    %dma_wait3A_444 = arith.constant 0 : i32
    %dma_wait3A_445 = tpu.memref_slice %arg5[%select_n3A_425, %dma_wait3A, %mul3A_443, %dma_wait3A_444] : memref<32x3x512x512xf32, #tpu.memory_space<hbm>> -> memref<1x1x8x512xf32, #tpu.memory_space<hbm>>
    %dma_wait3A_446 = tpu.memref_squeeze %dma_wait3A_445 : memref<1x1x8x512xf32, #tpu.memory_space<hbm>> -> memref<8x512xf32, #tpu.memory_space<hbm>>
    %dma_wait3A_447 = arith.constant 0 : i32
    %dma_wait3A_448 = tpu.memref_slice %arg5[%select_n3A_425, %dma_wait3A, %mul3A_443, %dma_wait3A_447] : memref<32x3x512x512xf32, #tpu.memory_space<hbm>> -> memref<1x1x8x512xf32, #tpu.memory_space<hbm>>
    %dma_wait3A_449 = tpu.memref_squeeze %dma_wait3A_448 : memref<1x1x8x512xf32, #tpu.memory_space<hbm>> -> memref<8x512xf32, #tpu.memory_space<hbm>>
    tpu.wait_dma2 semaphore(%arg45 : memref<!tpu.dma_semaphore, #tpu.memory_space<semaphore_mem>>) src(%arg18 : memref<8x512xf32, #tpu.memory_space<vmem>>) dst(%dma_wait3A_449 : memref<8x512xf32, #tpu.memory_space<hbm>>)
    %dma_wait3A_450 = arith.constant 1 : i32
    %dma_wait3A_451 = arith.constant 0 : i32
    %dma_wait3A_452 = tpu.memref_slice %arg5[%select_n3A_425, %dma_wait3A_450, %mul3A_443, %dma_wait3A_451] : memref<32x3x512x512xf32, #tpu.memory_space<hbm>> -> memref<1x1x8x512xf32, #tpu.memory_space<hbm>>
    %dma_wait3A_453 = tpu.memref_squeeze %dma_wait3A_452 : memref<1x1x8x512xf32, #tpu.memory_space<hbm>> -> memref<8x512xf32, #tpu.memory_space<hbm>>
    %dma_wait3A_454 = arith.constant 0 : i32
    %dma_wait3A_455 = tpu.memref_slice %arg5[%select_n3A_425, %dma_wait3A_450, %mul3A_443, %dma_wait3A_454] : memref<32x3x512x512xf32, #tpu.memory_space<hbm>> -> memref<1x1x8x512xf32, #tpu.memory_space<hbm>>
    %dma_wait3A_456 = tpu.memref_squeeze %dma_wait3A_455 : memref<1x1x8x512xf32, #tpu.memory_space<hbm>> -> memref<8x512xf32, #tpu.memory_space<hbm>>
    tpu.wait_dma2 semaphore(%arg45 : memref<!tpu.dma_semaphore, #tpu.memory_space<semaphore_mem>>) src(%arg19 : memref<8x512xf32, #tpu.memory_space<vmem>>) dst(%dma_wait3A_456 : memref<8x512xf32, #tpu.memory_space<hbm>>)
    %dma_wait3A_457 = arith.constant 2 : i32
    %dma_wait3A_458 = arith.constant 0 : i32
    %dma_wait3A_459 = tpu.memref_slice %arg5[%select_n3A_425, %dma_wait3A_457, %mul3A_443, %dma_wait3A_458] : memref<32x3x512x512xf32, #tpu.memory_space<hbm>> -> memref<1x1x8x512xf32, #tpu.memory_space<hbm>>
    %dma_wait3A_460 = tpu.memref_squeeze %dma_wait3A_459 : memref<1x1x8x512xf32, #tpu.memory_space<hbm>> -> memref<8x512xf32, #tpu.memory_space<hbm>>
    %dma_wait3A_461 = arith.constant 0 : i32
    %dma_wait3A_462 = tpu.memref_slice %arg5[%select_n3A_425, %dma_wait3A_457, %mul3A_443, %dma_wait3A_461] : memref<32x3x512x512xf32, #tpu.memory_space<hbm>> -> memref<1x1x8x512xf32, #tpu.memory_space<hbm>>
    %dma_wait3A_463 = tpu.memref_squeeze %dma_wait3A_462 : memref<1x1x8x512xf32, #tpu.memory_space<hbm>> -> memref<8x512xf32, #tpu.memory_space<hbm>>
    tpu.wait_dma2 semaphore(%arg45 : memref<!tpu.dma_semaphore, #tpu.memory_space<semaphore_mem>>) src(%arg20 : memref<8x512xf32, #tpu.memory_space<vmem>>) dst(%dma_wait3A_463 : memref<8x512xf32, #tpu.memory_space<hbm>>)
    %jit3A_464 = arith.constant 64 : i32
    %div3A_465 = arith.divsi %mul3A_2, %jit3A_464 : i32
    %sign3A_466 = arith.constant 0 : i32
    %sign3A_467 = arith.cmpi sgt, %mul3A_2, %sign3A_466 : i32
    %sign3A_468 = arith.extui %sign3A_467 : i1 to i32
    %sign3A_469 = arith.constant 0 : i32
    %sign3A_470 = arith.cmpi slt, %mul3A_2, %sign3A_469 : i32
    %sign3A_471 = arith.extui %sign3A_470 : i1 to i32
    %sign3A_472 = arith.subi %sign3A_468, %sign3A_471 : i32
    %sign3A_473 = arith.constant 0 : i32
    %sign3A_474 = arith.cmpi sgt, %jit3A_464, %sign3A_473 : i32
    %sign3A_475 = arith.extui %sign3A_474 : i1 to i32
    %sign3A_476 = arith.constant 0 : i32
    %sign3A_477 = arith.cmpi slt, %jit3A_464, %sign3A_476 : i32
    %sign3A_478 = arith.extui %sign3A_477 : i1 to i32
    %sign3A_479 = arith.subi %sign3A_475, %sign3A_478 : i32
    %ne3A_480 = arith.cmpi ne, %sign3A_472, %sign3A_479 : i32
    %rem3A_481 = arith.remsi %mul3A_2, %jit3A_464 : i32
    %ne3A_482 = arith.constant 0 : i32
    %ne3A_483 = arith.cmpi ne, %rem3A_481, %ne3A_482 : i32
    %and3A_484 = arith.andi %ne3A_480, %ne3A_483 : i1
    %sub3A_485 = arith.constant 1 : i32
    %sub3A_486 = arith.subi %div3A_465, %sub3A_485 : i32
    %select_n3A_487 = arith.select %and3A_484, %sub3A_486, %div3A_465 : i32
    %jit3A_488 = arith.constant 64 : i32
    %eq3A_489 = arith.constant 0 : i32
    %eq3A_490 = arith.cmpi eq, %jit3A_488, %eq3A_489 : i32
    %jit3A_491 = arith.constant 1 : i32
    %select_n3A_492 = arith.select %eq3A_490, %jit3A_491, %jit3A_488 : i32
    %rem3A_493 = arith.remsi %mul3A_2, %select_n3A_492 : i32
    %ne3A_494 = arith.constant 0 : i32
    %ne3A_495 = arith.cmpi ne, %rem3A_493, %ne3A_494 : i32
    %lt3A_496 = arith.constant 0 : i32
    %lt3A_497 = arith.cmpi slt, %rem3A_493, %lt3A_496 : i32
    %lt3A_498 = arith.constant 0 : i32
    %lt3A_499 = arith.cmpi slt, %select_n3A_492, %lt3A_498 : i32
    %ne3A_500 = arith.xori %lt3A_497, %lt3A_499 : i1
    %and3A_501 = arith.andi %ne3A_500, %ne3A_495 : i1
    %add3A_502 = arith.addi %rem3A_493, %select_n3A_492 : i32
    %select_n3A_503 = arith.select %and3A_501, %add3A_502, %rem3A_493 : i32
    %mul3A_504 = arith.constant 8 : i32
    %mul3A_505 = arith.muli %select_n3A_503, %mul3A_504 : i32
    %dma_wait3A_506 = arith.constant 0 : i32
    %dma_wait3A_507 = arith.constant 0 : i32
    %dma_wait3A_508 = tpu.memref_slice %arg5[%select_n3A_487, %dma_wait3A_506, %mul3A_505, %dma_wait3A_507] : memref<32x3x512x512xf32, #tpu.memory_space<hbm>> -> memref<1x1x8x512xf32, #tpu.memory_space<hbm>>
    %dma_wait3A_509 = tpu.memref_squeeze %dma_wait3A_508 : memref<1x1x8x512xf32, #tpu.memory_space<hbm>> -> memref<8x512xf32, #tpu.memory_space<hbm>>
    %dma_wait3A_510 = arith.constant 0 : i32
    %dma_wait3A_511 = tpu.memref_slice %arg5[%select_n3A_487, %dma_wait3A_506, %mul3A_505, %dma_wait3A_510] : memref<32x3x512x512xf32, #tpu.memory_space<hbm>> -> memref<1x1x8x512xf32, #tpu.memory_space<hbm>>
    %dma_wait3A_512 = tpu.memref_squeeze %dma_wait3A_511 : memref<1x1x8x512xf32, #tpu.memory_space<hbm>> -> memref<8x512xf32, #tpu.memory_space<hbm>>
    tpu.wait_dma2 semaphore(%arg46 : memref<!tpu.dma_semaphore, #tpu.memory_space<semaphore_mem>>) src(%arg21 : memref<8x512xf32, #tpu.memory_space<vmem>>) dst(%dma_wait3A_512 : memref<8x512xf32, #tpu.memory_space<hbm>>)
    %dma_wait3A_513 = arith.constant 1 : i32
    %dma_wait3A_514 = arith.constant 0 : i32
    %dma_wait3A_515 = tpu.memref_slice %arg5[%select_n3A_487, %dma_wait3A_513, %mul3A_505, %dma_wait3A_514] : memref<32x3x512x512xf32, #tpu.memory_space<hbm>> -> memref<1x1x8x512xf32, #tpu.memory_space<hbm>>
    %dma_wait3A_516 = tpu.memref_squeeze %dma_wait3A_515 : memref<1x1x8x512xf32, #tpu.memory_space<hbm>> -> memref<8x512xf32, #tpu.memory_space<hbm>>
    %dma_wait3A_517 = arith.constant 0 : i32
    %dma_wait3A_518 = tpu.memref_slice %arg5[%select_n3A_487, %dma_wait3A_513, %mul3A_505, %dma_wait3A_517] : memref<32x3x512x512xf32, #tpu.memory_space<hbm>> -> memref<1x1x8x512xf32, #tpu.memory_space<hbm>>
    %dma_wait3A_519 = tpu.memref_squeeze %dma_wait3A_518 : memref<1x1x8x512xf32, #tpu.memory_space<hbm>> -> memref<8x512xf32, #tpu.memory_space<hbm>>
    tpu.wait_dma2 semaphore(%arg46 : memref<!tpu.dma_semaphore, #tpu.memory_space<semaphore_mem>>) src(%arg22 : memref<8x512xf32, #tpu.memory_space<vmem>>) dst(%dma_wait3A_519 : memref<8x512xf32, #tpu.memory_space<hbm>>)
    %dma_wait3A_520 = arith.constant 2 : i32
    %dma_wait3A_521 = arith.constant 0 : i32
    %dma_wait3A_522 = tpu.memref_slice %arg5[%select_n3A_487, %dma_wait3A_520, %mul3A_505, %dma_wait3A_521] : memref<32x3x512x512xf32, #tpu.memory_space<hbm>> -> memref<1x1x8x512xf32, #tpu.memory_space<hbm>>
    %dma_wait3A_523 = tpu.memref_squeeze %dma_wait3A_522 : memref<1x1x8x512xf32, #tpu.memory_space<hbm>> -> memref<8x512xf32, #tpu.memory_space<hbm>>
    %dma_wait3A_524 = arith.constant 0 : i32
    %dma_wait3A_525 = tpu.memref_slice %arg5[%select_n3A_487, %dma_wait3A_520, %mul3A_505, %dma_wait3A_524] : memref<32x3x512x512xf32, #tpu.memory_space<hbm>> -> memref<1x1x8x512xf32, #tpu.memory_space<hbm>>
    %dma_wait3A_526 = tpu.memref_squeeze %dma_wait3A_525 : memref<1x1x8x512xf32, #tpu.memory_space<hbm>> -> memref<8x512xf32, #tpu.memory_space<hbm>>
    tpu.wait_dma2 semaphore(%arg46 : memref<!tpu.dma_semaphore, #tpu.memory_space<semaphore_mem>>) src(%arg23 : memref<8x512xf32, #tpu.memory_space<vmem>>) dst(%dma_wait3A_526 : memref<8x512xf32, #tpu.memory_space<hbm>>)
    %jit3A_527 = arith.constant 64 : i32
    %div3A_528 = arith.divsi %mul3A_2, %jit3A_527 : i32
    %sign3A_529 = arith.constant 0 : i32
    %sign3A_530 = arith.cmpi sgt, %mul3A_2, %sign3A_529 : i32
    %sign3A_531 = arith.extui %sign3A_530 : i1 to i32
    %sign3A_532 = arith.constant 0 : i32
    %sign3A_533 = arith.cmpi slt, %mul3A_2, %sign3A_532 : i32
    %sign3A_534 = arith.extui %sign3A_533 : i1 to i32
    %sign3A_535 = arith.subi %sign3A_531, %sign3A_534 : i32
    %sign3A_536 = arith.constant 0 : i32
    %sign3A_537 = arith.cmpi sgt, %jit3A_527, %sign3A_536 : i32
    %sign3A_538 = arith.extui %sign3A_537 : i1 to i32
    %sign3A_539 = arith.constant 0 : i32
    %sign3A_540 = arith.cmpi slt, %jit3A_527, %sign3A_539 : i32
    %sign3A_541 = arith.extui %sign3A_540 : i1 to i32
    %sign3A_542 = arith.subi %sign3A_538, %sign3A_541 : i32
    %ne3A_543 = arith.cmpi ne, %sign3A_535, %sign3A_542 : i32
    %rem3A_544 = arith.remsi %mul3A_2, %jit3A_527 : i32
    %ne3A_545 = arith.constant 0 : i32
    %ne3A_546 = arith.cmpi ne, %rem3A_544, %ne3A_545 : i32
    %and3A_547 = arith.andi %ne3A_543, %ne3A_546 : i1
    %sub3A_548 = arith.constant 1 : i32
    %sub3A_549 = arith.subi %div3A_528, %sub3A_548 : i32
    %select_n3A_550 = arith.select %and3A_547, %sub3A_549, %div3A_528 : i32
    %jit3A_551 = arith.constant 64 : i32
    %eq3A_552 = arith.constant 0 : i32
    %eq3A_553 = arith.cmpi eq, %jit3A_551, %eq3A_552 : i32
    %jit3A_554 = arith.constant 1 : i32
    %select_n3A_555 = arith.select %eq3A_553, %jit3A_554, %jit3A_551 : i32
    %rem3A_556 = arith.remsi %mul3A_2, %select_n3A_555 : i32
    %ne3A_557 = arith.constant 0 : i32
    %ne3A_558 = arith.cmpi ne, %rem3A_556, %ne3A_557 : i32
    %lt3A_559 = arith.constant 0 : i32
    %lt3A_560 = arith.cmpi slt, %rem3A_556, %lt3A_559 : i32
    %lt3A_561 = arith.constant 0 : i32
    %lt3A_562 = arith.cmpi slt, %select_n3A_555, %lt3A_561 : i32
    %ne3A_563 = arith.xori %lt3A_560, %lt3A_562 : i1
    %and3A_564 = arith.andi %ne3A_563, %ne3A_558 : i1
    %add3A_565 = arith.addi %rem3A_556, %select_n3A_555 : i32
    %select_n3A_566 = arith.select %and3A_564, %add3A_565, %rem3A_556 : i32
    %mul3A_567 = arith.constant 8 : i32
    %mul3A_568 = arith.muli %select_n3A_566, %mul3A_567 : i32
    %dma_wait3A_569 = arith.constant 0 : i32
    %dma_wait3A_570 = arith.constant 0 : i32
    %dma_wait3A_571 = tpu.memref_slice %arg5[%select_n3A_550, %dma_wait3A_569, %mul3A_568, %dma_wait3A_570] : memref<32x3x512x512xf32, #tpu.memory_space<hbm>> -> memref<1x1x8x512xf32, #tpu.memory_space<hbm>>
    %dma_wait3A_572 = tpu.memref_squeeze %dma_wait3A_571 : memref<1x1x8x512xf32, #tpu.memory_space<hbm>> -> memref<8x512xf32, #tpu.memory_space<hbm>>
    %dma_wait3A_573 = arith.constant 0 : i32
    %dma_wait3A_574 = tpu.memref_slice %arg5[%select_n3A_550, %dma_wait3A_569, %mul3A_568, %dma_wait3A_573] : memref<32x3x512x512xf32, #tpu.memory_space<hbm>> -> memref<1x1x8x512xf32, #tpu.memory_space<hbm>>
    %dma_wait3A_575 = tpu.memref_squeeze %dma_wait3A_574 : memref<1x1x8x512xf32, #tpu.memory_space<hbm>> -> memref<8x512xf32, #tpu.memory_space<hbm>>
    tpu.wait_dma2 semaphore(%arg47 : memref<!tpu.dma_semaphore, #tpu.memory_space<semaphore_mem>>) src(%arg24 : memref<8x512xf32, #tpu.memory_space<vmem>>) dst(%dma_wait3A_575 : memref<8x512xf32, #tpu.memory_space<hbm>>)
    %dma_wait3A_576 = arith.constant 1 : i32
    %dma_wait3A_577 = arith.constant 0 : i32
    %dma_wait3A_578 = tpu.memref_slice %arg5[%select_n3A_550, %dma_wait3A_576, %mul3A_568, %dma_wait3A_577] : memref<32x3x512x512xf32, #tpu.memory_space<hbm>> -> memref<1x1x8x512xf32, #tpu.memory_space<hbm>>
    %dma_wait3A_579 = tpu.memref_squeeze %dma_wait3A_578 : memref<1x1x8x512xf32, #tpu.memory_space<hbm>> -> memref<8x512xf32, #tpu.memory_space<hbm>>
    %dma_wait3A_580 = arith.constant 0 : i32
    %dma_wait3A_581 = tpu.memref_slice %arg5[%select_n3A_550, %dma_wait3A_576, %mul3A_568, %dma_wait3A_580] : memref<32x3x512x512xf32, #tpu.memory_space<hbm>> -> memref<1x1x8x512xf32, #tpu.memory_space<hbm>>
    %dma_wait3A_582 = tpu.memref_squeeze %dma_wait3A_581 : memref<1x1x8x512xf32, #tpu.memory_space<hbm>> -> memref<8x512xf32, #tpu.memory_space<hbm>>
    tpu.wait_dma2 semaphore(%arg47 : memref<!tpu.dma_semaphore, #tpu.memory_space<semaphore_mem>>) src(%arg25 : memref<8x512xf32, #tpu.memory_space<vmem>>) dst(%dma_wait3A_582 : memref<8x512xf32, #tpu.memory_space<hbm>>)
    %dma_wait3A_583 = arith.constant 2 : i32
    %dma_wait3A_584 = arith.constant 0 : i32
    %dma_wait3A_585 = tpu.memref_slice %arg5[%select_n3A_550, %dma_wait3A_583, %mul3A_568, %dma_wait3A_584] : memref<32x3x512x512xf32, #tpu.memory_space<hbm>> -> memref<1x1x8x512xf32, #tpu.memory_space<hbm>>
    %dma_wait3A_586 = tpu.memref_squeeze %dma_wait3A_585 : memref<1x1x8x512xf32, #tpu.memory_space<hbm>> -> memref<8x512xf32, #tpu.memory_space<hbm>>
    %dma_wait3A_587 = arith.constant 0 : i32
    %dma_wait3A_588 = tpu.memref_slice %arg5[%select_n3A_550, %dma_wait3A_583, %mul3A_568, %dma_wait3A_587] : memref<32x3x512x512xf32, #tpu.memory_space<hbm>> -> memref<1x1x8x512xf32, #tpu.memory_space<hbm>>
    %dma_wait3A_589 = tpu.memref_squeeze %dma_wait3A_588 : memref<1x1x8x512xf32, #tpu.memory_space<hbm>> -> memref<8x512xf32, #tpu.memory_space<hbm>>
    tpu.wait_dma2 semaphore(%arg47 : memref<!tpu.dma_semaphore, #tpu.memory_space<semaphore_mem>>) src(%arg26 : memref<8x512xf32, #tpu.memory_space<vmem>>) dst(%dma_wait3A_589 : memref<8x512xf32, #tpu.memory_space<hbm>>)
    %jit3A_590 = arith.constant 64 : i32
    %div3A_591 = arith.divsi %mul3A_2, %jit3A_590 : i32
    %sign3A_592 = arith.constant 0 : i32
    %sign3A_593 = arith.cmpi sgt, %mul3A_2, %sign3A_592 : i32
    %sign3A_594 = arith.extui %sign3A_593 : i1 to i32
    %sign3A_595 = arith.constant 0 : i32
    %sign3A_596 = arith.cmpi slt, %mul3A_2, %sign3A_595 : i32
    %sign3A_597 = arith.extui %sign3A_596 : i1 to i32
    %sign3A_598 = arith.subi %sign3A_594, %sign3A_597 : i32
    %sign3A_599 = arith.constant 0 : i32
    %sign3A_600 = arith.cmpi sgt, %jit3A_590, %sign3A_599 : i32
    %sign3A_601 = arith.extui %sign3A_600 : i1 to i32
    %sign3A_602 = arith.constant 0 : i32
    %sign3A_603 = arith.cmpi slt, %jit3A_590, %sign3A_602 : i32
    %sign3A_604 = arith.extui %sign3A_603 : i1 to i32
    %sign3A_605 = arith.subi %sign3A_601, %sign3A_604 : i32
    %ne3A_606 = arith.cmpi ne, %sign3A_598, %sign3A_605 : i32
    %rem3A_607 = arith.remsi %mul3A_2, %jit3A_590 : i32
    %ne3A_608 = arith.constant 0 : i32
    %ne3A_609 = arith.cmpi ne, %rem3A_607, %ne3A_608 : i32
    %and3A_610 = arith.andi %ne3A_606, %ne3A_609 : i1
    %sub3A_611 = arith.constant 1 : i32
    %sub3A_612 = arith.subi %div3A_591, %sub3A_611 : i32
    %select_n3A_613 = arith.select %and3A_610, %sub3A_612, %div3A_591 : i32
    %jit3A_614 = arith.constant 64 : i32
    %eq3A_615 = arith.constant 0 : i32
    %eq3A_616 = arith.cmpi eq, %jit3A_614, %eq3A_615 : i32
    %jit3A_617 = arith.constant 1 : i32
    %select_n3A_618 = arith.select %eq3A_616, %jit3A_617, %jit3A_614 : i32
    %rem3A_619 = arith.remsi %mul3A_2, %select_n3A_618 : i32
    %ne3A_620 = arith.constant 0 : i32
    %ne3A_621 = arith.cmpi ne, %rem3A_619, %ne3A_620 : i32
    %lt3A_622 = arith.constant 0 : i32
    %lt3A_623 = arith.cmpi slt, %rem3A_619, %lt3A_622 : i32
    %lt3A_624 = arith.constant 0 : i32
    %lt3A_625 = arith.cmpi slt, %select_n3A_618, %lt3A_624 : i32
    %ne3A_626 = arith.xori %lt3A_623, %lt3A_625 : i1
    %and3A_627 = arith.andi %ne3A_626, %ne3A_621 : i1
    %add3A_628 = arith.addi %rem3A_619, %select_n3A_618 : i32
    %select_n3A_629 = arith.select %and3A_627, %add3A_628, %rem3A_619 : i32
    %mul3A_630 = arith.constant 8 : i32
    %mul3A_631 = arith.muli %select_n3A_629, %mul3A_630 : i32
    %dma_wait3A_632 = arith.constant 0 : i32
    %dma_wait3A_633 = arith.constant 0 : i32
    %dma_wait3A_634 = tpu.memref_slice %arg5[%select_n3A_613, %dma_wait3A_632, %mul3A_631, %dma_wait3A_633] : memref<32x3x512x512xf32, #tpu.memory_space<hbm>> -> memref<1x1x8x512xf32, #tpu.memory_space<hbm>>
    %dma_wait3A_635 = tpu.memref_squeeze %dma_wait3A_634 : memref<1x1x8x512xf32, #tpu.memory_space<hbm>> -> memref<8x512xf32, #tpu.memory_space<hbm>>
    %dma_wait3A_636 = arith.constant 0 : i32
    %dma_wait3A_637 = tpu.memref_slice %arg5[%select_n3A_613, %dma_wait3A_632, %mul3A_631, %dma_wait3A_636] : memref<32x3x512x512xf32, #tpu.memory_space<hbm>> -> memref<1x1x8x512xf32, #tpu.memory_space<hbm>>
    %dma_wait3A_638 = tpu.memref_squeeze %dma_wait3A_637 : memref<1x1x8x512xf32, #tpu.memory_space<hbm>> -> memref<8x512xf32, #tpu.memory_space<hbm>>
    tpu.wait_dma2 semaphore(%arg48 : memref<!tpu.dma_semaphore, #tpu.memory_space<semaphore_mem>>) src(%arg27 : memref<8x512xf32, #tpu.memory_space<vmem>>) dst(%dma_wait3A_638 : memref<8x512xf32, #tpu.memory_space<hbm>>)
    %dma_wait3A_639 = arith.constant 1 : i32
    %dma_wait3A_640 = arith.constant 0 : i32
    %dma_wait3A_641 = tpu.memref_slice %arg5[%select_n3A_613, %dma_wait3A_639, %mul3A_631, %dma_wait3A_640] : memref<32x3x512x512xf32, #tpu.memory_space<hbm>> -> memref<1x1x8x512xf32, #tpu.memory_space<hbm>>
    %dma_wait3A_642 = tpu.memref_squeeze %dma_wait3A_641 : memref<1x1x8x512xf32, #tpu.memory_space<hbm>> -> memref<8x512xf32, #tpu.memory_space<hbm>>
    %dma_wait3A_643 = arith.constant 0 : i32
    %dma_wait3A_644 = tpu.memref_slice %arg5[%select_n3A_613, %dma_wait3A_639, %mul3A_631, %dma_wait3A_643] : memref<32x3x512x512xf32, #tpu.memory_space<hbm>> -> memref<1x1x8x512xf32, #tpu.memory_space<hbm>>
    %dma_wait3A_645 = tpu.memref_squeeze %dma_wait3A_644 : memref<1x1x8x512xf32, #tpu.memory_space<hbm>> -> memref<8x512xf32, #tpu.memory_space<hbm>>
    tpu.wait_dma2 semaphore(%arg48 : memref<!tpu.dma_semaphore, #tpu.memory_space<semaphore_mem>>) src(%arg28 : memref<8x512xf32, #tpu.memory_space<vmem>>) dst(%dma_wait3A_645 : memref<8x512xf32, #tpu.memory_space<hbm>>)
    %dma_wait3A_646 = arith.constant 2 : i32
    %dma_wait3A_647 = arith.constant 0 : i32
    %dma_wait3A_648 = tpu.memref_slice %arg5[%select_n3A_613, %dma_wait3A_646, %mul3A_631, %dma_wait3A_647] : memref<32x3x512x512xf32, #tpu.memory_space<hbm>> -> memref<1x1x8x512xf32, #tpu.memory_space<hbm>>
    %dma_wait3A_649 = tpu.memref_squeeze %dma_wait3A_648 : memref<1x1x8x512xf32, #tpu.memory_space<hbm>> -> memref<8x512xf32, #tpu.memory_space<hbm>>
    %dma_wait3A_650 = arith.constant 0 : i32
    %dma_wait3A_651 = tpu.memref_slice %arg5[%select_n3A_613, %dma_wait3A_646, %mul3A_631, %dma_wait3A_650] : memref<32x3x512x512xf32, #tpu.memory_space<hbm>> -> memref<1x1x8x512xf32, #tpu.memory_space<hbm>>
    %dma_wait3A_652 = tpu.memref_squeeze %dma_wait3A_651 : memref<1x1x8x512xf32, #tpu.memory_space<hbm>> -> memref<8x512xf32, #tpu.memory_space<hbm>>
    tpu.wait_dma2 semaphore(%arg48 : memref<!tpu.dma_semaphore, #tpu.memory_space<semaphore_mem>>) src(%arg29 : memref<8x512xf32, #tpu.memory_space<vmem>>) dst(%dma_wait3A_652 : memref<8x512xf32, #tpu.memory_space<hbm>>)
    return
  }
}

</mosaic_0001>

<sc_bundles>
// kernel: kernel.3.cloned.1.call-start
scs
__scs_entry_jumppad:
0x0: {  	(pc) =	sbr.rel $0x88, $3  }
0x1: {  	(tag) =	ssettag $0x0;
	lr =	simm.s32 $0x1  }
0x2: {  	[smem:$0x3F9C] =	sst lr;
	_ =	strace $0xD0000000  }
0x3: {  	_ = 	snop  }
0x4: {  	_ = 	snop  }
0x5: {  	_ = 	snop  }
0x6: {  	_ = 	snop  }
0x7: {  	_ = 	snop  }
__scs_overlays_trampoline_lowered:
0x8: {  	[smem:$0x3FAB] =	sst s0  }
0x9: {  	[smem:$0x3FAC] =	sst s1  }
0xa: {  	[smem:$0x3FAD] =	sst s2  }
0xb: {  	[smem:$0x3FAE] =	sst s3  }
0xc: {  	[smem:$0x3FAF] =	sst s4  }
0xd: {  	[smem:$0x3FB0] =	sst s5  }
0xe: {  	[smem:$0x3FB1] =	sst s6  }
0xf: {  	[smem:$0x3FB2] =	sst s7  }
0x10: {  	[smem:$0x3FB3] =	sst s8  }
0x11: {  	[smem:$0x3FB4] =	sst s9;
	s0 =	simm.s32 @!p0 $0x0  }
0x12: {  	s1 =	sld [smem:$0x3F9A];
	s0 =	simm.s32 @p0 $0x1  }
0x13: {  	[smem:$0x3FB5] =	sst s0;
	s0 =	simm.s32 @!p1 $0x0  }
0x14: {  	s2 =	sld [smem:$0x3F99];
	s0 =	simm.s32 @p1 $0x1  }
0x15: {  	[smem:$0x3FB6] =	sst s0;
	s0 =	simm.s32 @!p2 $0x0  }
0x16: {  	s3 =	sld [smem:$0x3FDB];
	s0 =	simm.s32 @p2 $0x1  }
0x17: {  	s4 =	simm.s32 $0x1BF5;
	[smem:$0x3FB8] =	sst s0  }
0x18: {  	s0 =	sld [smem:$0x3F9B];
	_ =	swait.ge [sflag:s4], $0x0  }
0x19: {  	s7 =	sld [smem:$0x3F9C]  }
0x1a: {  	s8 =	sadd.s32 $0xFFFFE003, lr  }
0x1b: {  	s9 =	sadd.s32 $0xFFFFFEF7, lr;
	s5 =	simm.s32 $0xFFFFFFFF;
	p2 =	slt.u32 s8, $0xFFFFF086  }
0x1c: {  	p1 =	slt.u32 s9, $0xF7A;
	s5 =	simm.s32 @!p2 $0x0  }
0x1d: {  	s5 =	simm.s32 @p1 $0x1;
	p0 =	seq.s32 s7, s2  }
0x1e: {  	s7 =	smul.u32 @!p0 $0xF7A, s2;
	p2 =	seq.s32 @!p0 s5, $0x0  }
0x1f: {  	s9 =	smul.u32 $0xF7A, s1;
	s8 =	simm.s32 @!p0 $0x1BF5;
	p2 =	por !p2, p0  }
0x20: {  	[sflag:s8] =	ssyncset.s32 @!p0 $0xFFFFF086;
	s6 =	sadd.s32 @!p0 s3, s7;
	s7 =	simm.s32 @!p0 $0x108  }
0x21: {  	s3 =	sadd.s32 s3, s9;
	s6 =	sadd.s32 @!p0 $0x88, s6;
	s7 =	simm.s32 @p2 $0x1082  }
0x22: {  	[simem:s7], [sflag:s8] =	dma.local @!p0 [hbm:s6], $0xF7A  }
0x23: {  	s9 =	sor.u32 $0xD0000000, s2;
	s6 =	simm.s32 $0x108;
	_ =	swait.ge @!p0 [sflag:s8], $0x0  }
0x24: {  	s3 =	sadd.s32 $0x88, s3;
	s6 =	simm.s32 @!p1 $0x1082;
	[sflag:s4] =	ssyncset.s32 $0xFFFFF086  }
0x25: {  	[simem:s6], [sflag:s4] =	dma.local [hbm:s3], $0xF7A  }
0x26: {  	[smem:$0x3F9C] =	sst s1;
	(tag) =	ssettag s2;
	_ =	strace s9  }
0x27: {  	s1 =	sld [smem:$0x3FAC]  }
0x28: {  	s2 =	sld [smem:$0x3FAD]  }
0x29: {  	s4 =	sld [smem:$0x3FAF]  }
0x2a: {  	p0 =	seq.s32 s5, $0x0;
	s5 =	sld [smem:$0x3FB0]  }
0x2b: {  	s6 =	sld [smem:$0x3FB1]  }
0x2c: {  	s7 =	sld [smem:$0x3FB2]  }
0x2d: {  	s3 =	simm.s32 $0x108;
	s8 =	sld [smem:$0x3FB3]  }
0x2e: {  	s3 =	simm.s32 @!p0 $0x1082;
	s9 =	sld [smem:$0x3FB4]  }
0x2f: {  	lr =	sadd.s32 s0, s3;
	s0 =	sld [smem:$0x3FAB]  }
0x30: {  	s3 =	sld [smem:$0x3FAE]  }
0x31: {  	[smem:$0x3FB7] =	sst s10  }
0x32: {  	s10 =	sld [smem:$0x3FB5];
	_ =	sdelay $0x3  }
0x33: {  	p0 =	seq.s32 s10, $0x1;
	s10 =	sld [smem:$0x3FB7];
	_ =	sdelay $0x3  }
0x34: {  	[smem:$0x3FB7] =	sst s10  }
0x35: {  	s10 =	sld [smem:$0x3FB6];
	_ =	sdelay $0x3  }
0x36: {  	p1 =	seq.s32 s10, $0x1;
	s10 =	sld [smem:$0x3FB7];
	_ =	sdelay $0x3  }
0x37: {  	[smem:$0x3FB7] =	sst s10  }
0x38: {  	s10 =	sld [smem:$0x3FB8]  }
0x39: {  	_ = 	snop;
	(pc) =	sbr.ind lr, $3  }
0x3a: {  	_ = 	snop  }
0x3b: {  	_ = 	snop  }
0x3c: {  	p2 =	seq.s32 s10, $0x1;
	s10 =	sld [smem:$0x3FB7]  }
0x3d: {  	_ =	shalt  }
0x3e: {  	_ =	shalt  }
0x3f: {  	_ =	shalt  }
0x40: {  	_ =	shalt  }
0x41: {  	_ =	shalt  }
0x42: {  	_ =	shalt  }
0x43: {  	_ =	shalt  }
0x44: {  	_ =	shalt  }
0x45: {  	_ =	shalt  }
0x46: {  	_ =	shalt  }
0x47: {  	_ =	shalt  }
0x48: {  	_ =	shalt  }
0x49: {  	_ =	shalt  }
0x4a: {  	_ =	shalt  }
0x4b: {  	_ =	shalt  }
0x4c: {  	_ =	shalt  }
0x4d: {  	_ =	shalt  }
0x4e: {  	_ =	shalt  }
0x4f: {  	_ =	shalt  }
0x50: {  	_ =	shalt  }
0x51: {  	_ =	shalt  }
0x52: {  	_ =	shalt  }
0x53: {  	_ =	shalt  }
0x54: {  	_ =	shalt  }
0x55: {  	_ =	shalt  }
0x56: {  	_ =	shalt  }
0x57: {  	_ =	shalt  }
0x58: {  	_ =	shalt  }
0x59: {  	_ =	shalt  }
0x5a: {  	_ =	shalt  }
0x5b: {  	_ =	shalt  }
0x5c: {  	_ =	shalt  }
0x5d: {  	_ =	shalt  }
0x5e: {  	_ =	shalt  }
0x5f: {  	_ =	shalt  }
0x60: {  	_ =	shalt  }
0x61: {  	_ =	shalt  }
0x62: {  	_ =	shalt  }
0x63: {  	_ =	shalt  }
0x64: {  	_ =	shalt  }
0x65: {  	_ =	shalt  }
0x66: {  	_ =	shalt  }
0x67: {  	_ =	shalt  }
0x68: {  	_ =	shalt  }
0x69: {  	_ =	shalt  }
0x6a: {  	_ =	shalt  }
0x6b: {  	_ =	shalt  }
0x6c: {  	_ =	shalt  }
0x6d: {  	_ =	shalt  }
0x6e: {  	_ =	shalt  }
0x6f: {  	_ =	shalt  }
0x70: {  	_ =	shalt  }
0x71: {  	_ =	shalt  }
0x72: {  	_ =	shalt  }
0x73: {  	_ =	shalt  }
0x74: {  	_ =	shalt  }
0x75: {  	_ =	shalt  }
0x76: {  	_ =	shalt  }
0x77: {  	_ =	shalt  }
0x78: {  	_ =	shalt  }
0x79: {  	_ =	shalt  }
0x7a: {  	_ =	shalt  }
0x7b: {  	_ =	shalt  }
0x7c: {  	_ =	shalt  }
0x7d: {  	_ =	shalt  }
0x7e: {  	_ =	shalt  }
0x7f: {  	_ =	shalt  }
0x80: {  	_ =	shalt  }
0x81: {  	_ =	shalt  }
0x82: {  	_ =	shalt  }
0x83: {  	_ =	shalt  }
0x84: {  	_ =	shalt  }
0x85: {  	_ =	shalt  }
0x86: {  	_ =	shalt  }
0x87: {  	_ =	shalt  }
.Lfunc_end0:
.L_simem_size_0:
called_computation_lowered:
.L_overlay_start_0:
0x88: {  	s2 =	sld [smem:$0x3FD9]  }
0x89: {  	s3 =	sld [smem:$0x3FFE];
	_ =	sdelay $0x1  }
0x8a: {  	s1 =	srdreg.scid  }
0x8b: {  	s0 =	sand.u32 $0x1, s1  }
0x8c: {  	s17 =	sshll.u32 s0, $0xA;
	s2 =	sadd.s32 s3, s2  }
0x8d: {  	s2 =	sadd.s32 s2, s17  }
0x8e: {  	[smem:$0x3FC3] =	sst s2  }
0x8f: {  	_ = 	snop  }
0x90: {  	s2 =	sld [smem:$0x3FC9]  }
0x91: {  	s18 =	sld [smem:$0x3FD0];
	(tm) =	ssettm $0x1  }
0x92: {  	s4 =	sld [smem:$0x3FFB];
	_ =	sdelay $0x3  }
0x93: {  	_ =	strace s4  }
0x94: {  	s4 =	sld [smem:$0x3FFC];
	_ =	sdelay $0x3  }
0x95: {  	_ =	strace s4  }
0x96: {  	s4 =	sld [smem:$0x3FFD];
	_ =	sdelay $0x3  }
0x97: {  	_ =	strace s4  }
0x98: {  	_ =	strace $0x8FFFFFFF  }
0x99: {  	s19 =	sld [smem:$0x3FDB];
	_ =	sdelay $0x1  }
0x9a: {  	s5 =	simm.s32 $_scs_section_size  }
0x9b: {  	s6 =	simm.s32 $_size__tile_overlayer_lowered;
	s7 =	simm.s32 $_tile_overlayer_lowered  }
0x9c: {  	s22 =	simm.s32 $0x1BFF;
	s21 =	sshll.u32 s7, $0x1;
	s4 =	sadd.s32 s5, s19  }
0x9d: {  	s8 =	simm.s32 $0x0;
	s20 =	sshll.u32 s6, $0x1;
	s6 =	sadd.s32 s21, s4  }
0x9e: {  	[timem:s8], [sflag:s22] =	dma.local [hbm:s6], s20  }
0x9f: {  	_ =	swait.ge [sflag:s22], s20  }
0xa0: {  	s5 =	ssub.s32 $0x0, s20;
	[sflag:s22] =	ssyncset.done $0x0  }
0xa1: {  	[sflag:s22] =	ssyncadd.s32 s5;
	_ =	sdelay $0x1  }
0xa2: {  	s23 =	simm.s32 $0x1B8B  }
0xa3: {  	_ =	swait.ge [sflag:s23], $0x1  }
0xa4: {  	[sflag:s23] =	ssyncset.done $0x0  }
0xa5: {  	s25 =	simm.s32 $0x1B8E;
	s24 =	sld [smem:$0x3FFE];
	[sflag:s23] =	ssyncadd.s32 $0xFFFFFFFF  }
0xa6: {  	s26 =	simm.s32 $execute0_lowered;
	[smem:$0x3FD2] =	sst s25  }
0xa7: {  	s6 =	sshll.u32 s26, $0x1;
	_ =	strace $0x80000046;
	[dreg:$0x1] =	wrdreg $0xFFFFFFFF  }
0xa8: {  	s28 =	simm.s32 $_size_execute0_lowered;
	s4 =	sadd.s32 s4, s6;
	[dreg:$0x0] =	wrdreg $0x0  }
0xa9: {  	s6 =	sshll.u32 s28, $0x1;
	[dreg:$0x2] =	wrdreg s4  }
0xaa: {  	[dreg:$0x3] =	wrdreg s6  }
0xab: {  	[dreg:$0x4] =	wrdreg $0xC0  }
0xac: {  	_ =	task [dreg:s8], $0x5FFFF  }
0xad: {  	[dreg:$0x1] =	wrdreg $0xFFFFFFFF  }
0xae: {  	[dreg:$0x0] =	wrdreg $0x60  }
0xaf: {  	[dreg:$0x2] =	wrdreg s2  }
0xb0: {  	[dreg:$0x3] =	wrdreg s24  }
0xb1: {  	[dreg:$0x4] =	wrdreg s18  }
0xb2: {  	[dreg:$0x5] =	wrdreg $0x9  }
0xb3: {  	_ =	task.clear_ibuf [dreg:s8], $0x6FFFF;
	_ =	strace $0x90000046  }
0xb4: {  	s29 =	simm.s32 $0x9;
	_ =	strace $0x80000048  }
0xb5: {  	_ =	swait.ge [sflag:s29], $0x1  }
0xb6: {  	[sflag:s29] =	ssyncadd.s32 $0xFFFFFFFF  }
0xb7: {  	_ =	strace $0x90000048  }
0xb8: {  	_ =	sfence  }
0xb9: {  	s30 =	sld [smem:$0x0];
	_ =	sdelay $0x2  }
0xba: {  	s31 =	sshll.u32 s1, $0xD;
	s1 =	sshrl.u32 s1, $0x2  }
0xbb: {  	s3 =	sand.u32 $0x4000, s31;
	s1 =	sadd.s32 s1, s30  }
0xbc: {  	s0 =	sor.u32 s3, s0;
	s1 =	sshll.u32 s1, $0x11  }
0xbd: {  	s0 =	sor.u32 s1, s0  }
0xbe: {  	s0 =	sadd.s32 $0x8F2B, s0  }
0xbf: {  	[sflag:s0] =	ssyncadd.remote.s32 $0x1  }
0xc0: {  	_ =	sfence.sel $0xFFFF  }
0xc1: {  	[dreg:$0x0] =	wrdreg $0xFFFFFFFF;
	(pc) =	sbr.abs _section_cstart, $3  }
0xc2: {  	[dreg:$0x1] =	wrdreg $0xFFFFFFFF  }
0xc3: {  	_ =	task.clear_ibuf [dreg:s8], $0x2FFFF;
	_ =	strace $0x9FFFFFFF  }
0xc4: {  	(tm) =	ssettm $0x7FFFFFFF  }
0xc5: {  	_ =	shalt  }
tec
execute0_lowered:
.L_overlay_start_1:
0x0: {  	(tag) =	ssettag $0x1  }
0x1: {  	s0 =	srdreg.scid;
	s4 =	rddreg [dreg:$0x0]  }
0x2: {  	s2 =	stileid.u32;
	s1 =	rddreg [dreg:$0x1];
	s0 =	sand.u32 $0x1, s0  }
0x3: {  	s5 =	simm.s32 $0x0;
	s2 =	sshll.u32 s2, $0x7;
	s3 =	sshll.u32 s0, $0x6  }
0x4: {  	[smem:$0x7FF] =	sst s5;
	s16 =	sadd.s32 $0x600, s1;
	s2 =	sor.u32 s3, s2  }
0x5: {  	s0 =	ssub.s32 $0x2, s0;
	[dreg:$0x4] =	wrdreg s2;
	s2 =	sshrl.u32 s2, $0x6  }
0x6: {  	s1 =	sadd.s32 $0x400, s1;
	s17 =	sshrl.u32 s0, $0x1;
	[dreg:$0x5] =	wrdreg s2  }
0x7: {  	v0 =	vimm.f32 $1.500000000e+01;
	vm0 =	vcmask $0x300;
	s2 =	smul.u32 $0xC0000, s2;
	_ =	strace $0x80000047;
	[dreg:$0x7] =	wrdreg s16  }
0x8: {  	vm14 =	vcmask $0x704;
	v0 =	vsel vm0, $0x0, v0;
	s0 =	ssub.s32 s0, s17;
	[dreg:$0x8] =	wrdreg s1  }
0x9: {  	vm15 =	vcmask $0xB08;
	v0 =	vsel vm14, $0x3F800000, v0;
	s0 =	smax.u32 s0, $0x1;
	[dreg:$0x6] =	wrdreg s2;
	s2 =	sshrl.u32 s2, $0x3  }
0xa: {  	vm4 =	vcmask $0xF0C;
	v0 =	vsel vm15, $0x40000000, v0;
	[dreg:$0x15] =	wrdreg s0;
	s2 =	sadd.s32 s4, s2  }
0xb: {  	vm5 =	vcmask $0x1310;
	v0 =	vsel vm4, $0x40400000, v0;
	s18 =	sadd.s32 $0x8000, s2;
	[dreg:$0x9] =	wrdreg s2  }
0xc: {  	vm6 =	vcmask $0x1714;
	v0 =	vsel vm5, $0x40800000, v0;
	s19 =	sadd.s32 $0x10000, s2;
	[dreg:$0xa] =	wrdreg s18  }
0xd: {  	vm7 =	vcmask $0x1B18;
	v0 =	vsel vm6, $0x40A00000, v0;
	s20 =	sadd.s32 $0x200, s2;
	[dreg:$0xb] =	wrdreg s19  }
0xe: {  	vm8 =	vcmask $0x1F1C;
	v0 =	vsel vm7, $0x40C00000, v0;
	s21 =	sadd.s32 $0x8200, s2;
	[dreg:$0xc] =	wrdreg s20  }
0xf: {  	vm9 =	vcmask $0x2320;
	v0 =	vsel vm8, $0x40E00000, v0;
	s22 =	sadd.s32 $0x10200, s2;
	[dreg:$0xd] =	wrdreg s21  }
0x10: {  	s30 =	simm.s32 $0x1B100;
	vm10 =	vcmask $0x2724;
	s23 =	sadd.s32 $0x400, s2;
	v0 =	vsel vm9, $0x41000000, v0;
	[dreg:$0xe] =	wrdreg s22  }
0x11: {  	s31 =	simm.s32 $0x1B280;
	vm11 =	vcmask $0x2B28;
	s24 =	sadd.s32 $0x8400, s2;
	[dreg:$0xf] =	wrdreg s23;
	v0 =	vsel vm10, $0x41100000, v0  }
.Ltmp0:
0x12: {  	vm12 =	vcmask $0x2F2C;
	s25 =	sadd.s32 $0x10400, s2;
	[dreg:$0x10] =	wrdreg s24;
	v0 =	vsel vm11, $0x41200000, v0;
	(pc) =	sbr.rel .LBB2_1-.Ltmp0, $4  }
0x13: {  	s8 =	simm.s32 $0x1B380;
	vm13 =	vcmask $0x3330;
	s26 =	sadd.s32 $0x600, s2;
	[dreg:$0x11] =	wrdreg s25;
	v0 =	vsel vm12, $0x41300000, v0  }
0x14: {  	vm14 =	vcmask $0x3734;
	s0 =	simm.s32 $0x1B300;
	s28 =	sadd.s32 $0x8600, s2;
	[dreg:$0x12] =	wrdreg s26;
	v0 =	vsel vm13, $0x41400000, v0  }
0x15: {  	vm15 =	vcmask $0x3B38;
	s4 =	simm.s32 $0x0;
	s29 =	sadd.s32 $0x10600, s2;
	[dreg:$0x13] =	wrdreg s28;
	v0 =	vsel vm14, $0x41500000, v0  }
0x16: {  	s2 =	simm.s32 $0x1B180;
	[dreg:$0x14] =	wrdreg s29;
	s23 =	simm.s32 $0x1B200;
	v0 =	vsel vm15, $0x41600000, v0  }
.LBB2_20:
0x17: {  	s1 =	simm.s32 $0x5  }
0x18: {  	_ =	swait.ge [sflag:s1], $0x1000  }
0x19: {  	[sflag:s1] =	ssyncset.done $0x0  }
0x1a: {  	[sflag:s1] =	ssyncadd.s32 $0xFFFFF000  }
0x1b: {  	_ =	swait.ge [sflag:s1], $0x1000  }
0x1c: {  	[sflag:s1] =	ssyncset.done $0x0  }
0x1d: {  	[sflag:s1] =	ssyncadd.s32 $0xFFFFF000  }
0x1e: {  	_ =	swait.ge [sflag:s1], $0x1000  }
0x1f: {  	[sflag:s1] =	ssyncset.done $0x0  }
0x20: {  	s26 =	simm.s32 $0x6;
	[sflag:s1] =	ssyncadd.s32 $0xFFFFF000  }
0x21: {  	_ =	swait.ge [sflag:s26], $0x1000  }
0x22: {  	[sflag:s26] =	ssyncset.done $0x0  }
0x23: {  	[sflag:s26] =	ssyncadd.s32 $0xFFFFF000  }
0x24: {  	_ =	swait.ge [sflag:s26], $0x1000  }
0x25: {  	[sflag:s26] =	ssyncset.done $0x0  }
0x26: {  	[sflag:s26] =	ssyncadd.s32 $0xFFFFF000  }
0x27: {  	_ =	swait.ge [sflag:s26], $0x1000  }
0x28: {  	[sflag:s26] =	ssyncset.done $0x0  }
0x29: {  	s28 =	simm.s32 $0x7;
	[sflag:s26] =	ssyncadd.s32 $0xFFFFF000  }
0x2a: {  	_ =	swait.ge [sflag:s28], $0x1000  }
0x2b: {  	[sflag:s28] =	ssyncset.done $0x0  }
0x2c: {  	[sflag:s28] =	ssyncadd.s32 $0xFFFFF000  }
0x2d: {  	_ =	swait.ge [sflag:s28], $0x1000  }
0x2e: {  	[sflag:s28] =	ssyncset.done $0x0  }
0x2f: {  	[sflag:s28] =	ssyncadd.s32 $0xFFFFF000  }
0x30: {  	_ =	swait.ge [sflag:s28], $0x1000  }
0x31: {  	[sflag:s28] =	ssyncset.done $0x0  }
0x32: {  	s3 =	simm.s32 $0x8;
	[sflag:s28] =	ssyncadd.s32 $0xFFFFF000  }
0x33: {  	_ =	swait.ge [sflag:s3], $0x1000  }
0x34: {  	[sflag:s3] =	ssyncset.done $0x0  }
0x35: {  	[sflag:s3] =	ssyncadd.s32 $0xFFFFF000  }
0x36: {  	_ =	swait.ge [sflag:s3], $0x1000  }
0x37: {  	[sflag:s3] =	ssyncset.done $0x0  }
0x38: {  	[sflag:s3] =	ssyncadd.s32 $0xFFFFF000  }
0x39: {  	_ =	swait.ge [sflag:s3], $0x1000  }
0x3a: {  	s4 =	rddreg [dreg:$0x16]  }
0x3b: {  	s29 =	rddreg [dreg:$0x15];
	s4 =	sadd.s32 $0x1, s4  }
0x3c: {  	p0 =	sne.s32 s4, s29  }
.Ltmp1:
0x3d: {  	_ = 	snop;
	(pc) =	sbr.rel @!p0 .LBB2_21-.Ltmp1, $3  }
0x3e: {  	_ =	sdelay $0x1  }
0x3f: {  	[sflag:s3] =	ssyncset.done $0x0  }
0x40: {  	[sflag:s3] =	ssyncadd.s32 $0xFFFFF000  }
.LBB2_1:
0x41: {  	[dreg:$0x16] =	wrdreg s4  }
0x42: {  	s1 =	rddreg [dreg:$0x7];
	s3 =	simm.s32 $0x1B000;
	s10 =	simm.s32 $0x9  }
0x43: {  	[tilespmem:s3], [sflag:$0x9] =	stream.linear.gather [hbm4b:s1+s5], $0x80, $0x38;
	[tilespmem:$0x1B400] =	vst v63  }
0x44: {  	_ =	swait.ge [sflag:s10], $0x80  }
0x45: {  	[sflag:s10] =	ssyncset.done $0x0  }
0x46: {  	s12 =	simm.s32 $0x1B080;
	s11 =	rddreg [dreg:$0x8];
	[sflag:s10] =	ssyncadd.s32 $0xFFFFFF80  }
0x47: {  	[tilespmem:s12], [sflag:$0x9] =	stream.linear.gather [hbm4b:s11+s5], $0x80, $0x38;
	[tilespmem:$0x1B400] =	vst v63  }
0x48: {  	_ =	swait.ge [sflag:s10], $0x80  }
0x49: {  	[sflag:s10] =	ssyncset.done $0x0  }
0x4a: {  	[sflag:s10] =	ssyncadd.s32 $0xFFFFFF80  }
0x4b: {  	v1 =	vld [tilespmem:$0x1B080];
	_ =	sdelay $0x4  }
0x4c: {  	(xrf0) =	vmax.scan.msk.f32 $0xffff, v1;
	_ =	sdelay $0x5  }
0x4d: {  	v2, _, _ =	vpop (xrf0)  }
0x4e: {  	v2 =	vbroadcast v2, $0xF;
	_ =	sdelay $0x1  }
0x4f: {  	v1 =	vsub.f32 v1, v2;
	_ =	sdelay $0x1  }
0x50: {  	v1 =	vmul.f32 $1.442695020e+00, v1;
	_ =	sdelay $0x1  }
0x51: {  	(erf) = vpow2.f32 v1;
	_ =	sdelay $0x8  }
0x52: {  	v1 =	vpop (erf)  }
0x53: {  	(xrf2) =	vadd.scan.msk.f32 $0xffff, v1;
	_ =	sdelay $0x3  }
0x54: {  	v2 =	vld [tilespmem:$0x1B090];
	_ =	sdelay $0x4  }
0x55: {  	(xrf0) =	vmax.scan.msk.f32 $0xffff, v2  }
0x56: {  	v3, _, _ =	vpop (xrf2)  }
0x57: {  	v3 =	vbroadcast v3, $0xF;
	_ =	sdelay $0x3  }
0x58: {  	(erf) = vrcp.f32 v3;
	v3, _, _ =	vpop (xrf0)  }
0x59: {  	v3 =	vbroadcast v3, $0xF;
	_ =	sdelay $0x1  }
0x5a: {  	v2 =	vsub.f32 v2, v3;
	_ =	sdelay $0x1  }
0x5b: {  	v2 =	vmul.f32 $1.442695020e+00, v2;
	_ =	sdelay $0x1  }
0x5c: {  	(erf) = vpow2.f32 v2;
	_ =	sdelay $0x1  }
0x5d: {  	v2 =	vpop (erf)  }
0x5e: {  	v2 =	vmul.f32 $1.600000000e+01, v2;
	_ =	sdelay $0x1  }
0x5f: {  	v1 =	vmul.f32 v2, v1;
	_ =	sdelay $0x1  }
0x60: {  	v1 =	vmul.f32 $6.250000000e-02, v1;
	_ =	sdelay $0x1  }
0x61: {  	(xrf2) =	vadd.scan.msk.f32 $0xffff, v1;
	v2 =	vpop (erf)  }
0x62: {  	(xrf2) =	vadd.scan.msk.f32 $0xffff, v2;
	_ =	sdelay $0x3  }
0x63: {  	v3 =	vld [tilespmem:$0x1B0A0];
	_ =	sdelay $0x4  }
0x64: {  	(xrf0) =	vmax.scan.msk.f32 $0xffff, v3;
	v4, _, _ =	vpop (xrf2)  }
0x65: {  	v5, _, _ =	vpop (xrf2)  }
0x66: {  	v5 =	vbroadcast v5, $0xF;
	_ =	sdelay $0x3  }
0x67: {  	(erf) = vrcp.f32 v5;
	v5, _, _ =	vpop (xrf0)  }
0x68: {  	v5 =	vbroadcast v5, $0xF;
	_ =	sdelay $0x1  }
0x69: {  	v3 =	vsub.f32 v3, v5;
	_ =	sdelay $0x1  }
0x6a: {  	v3 =	vmul.f32 $1.442695020e+00, v3;
	_ =	sdelay $0x1  }
0x6b: {  	(erf) = vpow2.f32 v3;
	_ =	sdelay $0x1  }
0x6c: {  	v3 =	vpop (erf)  }
0x6d: {  	v3 =	vmul.f32 $1.600000000e+01, v3;
	_ =	sdelay $0x1  }
0x6e: {  	v2 =	vmul.f32 v3, v2;
	_ =	sdelay $0x1  }
0x6f: {  	v2 =	vmul.f32 $6.250000000e-02, v2;
	_ =	sdelay $0x1  }
0x70: {  	(xrf2) =	vadd.scan.msk.f32 $0xffff, v2;
	v3 =	vpop (erf)  }
0x71: {  	(xrf2) =	vadd.scan.msk.f32 $0xffff, v3;
	_ =	sdelay $0x8  }
0x72: {  	v5, _, _ =	vpop (xrf2)  }
0x73: {  	v6, _, _ =	vpop (xrf2)  }
0x74: {  	v6 =	vbroadcast v6, $0xF;
	_ =	sdelay $0x1  }
0x75: {  	(erf) = vrcp.f32 v6;
	_ =	sdelay $0x1  }
0x76: {  	v6 =	vld [tilespmem:$0x1B000];
	_ =	sdelay $0x4  }
0x77: {  	(v2sf) =	vpush v6, $0x9;
	_ =	sdelay $0x1  }
0x78: {  	(v2sf) =	vpush v6, $0x0;
	v7 =	vpop (erf)  }
0x79: {  	v7 =	vmul.f32 $1.600000000e+01, v7  }
0x7a: {  	(v2sf) =	vpush v6, $0x1  }
0x7b: {  	(v2sf) =	vpush v6, $0x2;
	v3 =	vmul.f32 v7, v3  }
0x7c: {  	(v2sf) =	vpush v6, $0xA  }
0x7d: {  	(v2sf) =	vpush v6, $0x3;
	v3 =	vmul.f32 $6.250000000e-02, v3  }
0x7e: {  	(v2sf) =	vpush v6, $0x4  }
0x7f: {  	(v2sf) =	vpush v6, $0x5;
	(xrf2) =	vadd.scan.msk.f32 $0xffff, v3;
	_ =	sdelay $0x1  }
0x80: {  	(v2sf) =	vpush v6, $0xB;
	_ =	sdelay $0x2  }
0x81: {  	s7 =	rddreg [dreg:$0x9]  }
0x82: {  	s9 =	rddreg [dreg:$0xa];
	s13 =	spop (v2sf);
	(v2sf) =	vpush v6, $0x6  }
0x83: {  	s19 =	rddreg [dreg:$0xb];
	v4 =	vsub.f32 v4, v1;
	v7 =	vmul.f32 v0, v1  }
0x84: {  	s21 =	rddreg [dreg:$0xc];
	s14 =	spop (v2sf);
	(v2sf) =	vpush v6, $0x7  }
0x85: {  	s24 =	rddreg [dreg:$0xd];
	v5 =	vsub.f32 v5, v2;
	v4 =	vsub.f32 v4, v7;
	v7 =	vmul.f32 v0, v2;
	s1 =	smul.f32 $1.600000000e+01, s13  }
0x86: {  	s28 =	rddreg [dreg:$0xe];
	[tilespmem:$0x1B100] =	vst v1;
	s15 =	spop (v2sf);
	(v2sf) =	vpush v6, $0x8;
	v1, _, _ =	vpop (xrf2)  }
0x87: {  	[tilespmem:$0x1B280] =	vst v4;
	v4 =	vsub.f32 v5, v7;
	v5 =	vmul.f32 v0, v3;
	s3 =	smul.f32 s1, s14;
	s6 =	spop (v2sf);
	v1 =	vsub.f32 v1, v3  }
0x88: {  	[tilespmem:$0x1B180] =	vst v2;
	s4 =	smul.f32 s1, s15;
	(v2sf) =	vpush v6, $0xC;
	s16 =	spop (v2sf)  }
0x89: {  	[tilespmem:$0x1B200] =	vst v3;
	s15 =	rddreg [dreg:$0xf];
	s17 =	spop (v2sf);
	v1 =	vsub.f32 v1, v5  }
0x8a: {  	[tilespmem:$0x1B300] =	vst v4;
	s1 =	smul.f32 s1, s6;
	(v2sf) =	vpush v6, $0xD;
	s18 =	spop (v2sf)  }
0x8b: {  	s6 =	smul.f32 $1.600000000e+01, s16;
	s20 =	spop (v2sf);
	[tilespmem:$0x1B380] =	vst v1  }
0x8c: {  	(v2sf) =	vpush v6, $0xE;
	[tilespmem:s5], [sflag:$0x1] =	stream.linear.gather [hbm4b:s7+s5], $0x1000, $0x38;
	[tilespmem:$0x1B400] =	vst v63  }
0x8d: {  	s10 =	simm.s32 $0x1000;
	s22 =	spop (v2sf);
	s7 =	smul.f32 s6, s17  }
0x8e: {  	[tilespmem:s10], [sflag:$0x1] =	stream.linear.gather [hbm4b:s9+s5], $0x1000, $0x38;
	[tilespmem:$0x1B400] =	vst v63  }
0x8f: {  	s11 =	simm.s32 $0x2000;
	s17 =	rddreg [dreg:$0x10];
	s9 =	smul.f32 s6, s18  }
0x90: {  	[tilespmem:s11], [sflag:$0x1] =	stream.linear.gather [hbm4b:s19+s5], $0x1000, $0x38;
	[tilespmem:$0x1B400] =	vst v63  }
0x91: {  	s12 =	simm.s32 $0x3000;
	s6 =	smul.f32 s6, s20;
	s26 =	spop (v2sf)  }
0x92: {  	[tilespmem:s12], [sflag:$0x2] =	stream.linear.gather [hbm4b:s21+s5], $0x1000, $0x38;
	[tilespmem:$0x1B400] =	vst v63  }
0x93: {  	s25 =	simm.s32 $0x4000;
	s11 =	smul.f32 $1.600000000e+01, s22;
	s29 =	spop (v2sf)  }
0x94: {  	[tilespmem:s25], [sflag:$0x2] =	stream.linear.gather [hbm4b:s24+s5], $0x1000, $0x38;
	[tilespmem:$0x1B400] =	vst v63  }
0x95: {  	s13 =	simm.s32 $0x5000;
	s19 =	rddreg [dreg:$0x11];
	s16 =	spop (v2sf)  }
0x96: {  	[tilespmem:s13], [sflag:$0x2] =	stream.linear.gather [hbm4b:s28+s5], $0x1000, $0x38;
	[tilespmem:$0x1B400] =	vst v63  }
0x97: {  	s14 =	simm.s32 $0x6000;
	s10 =	smul.f32 s11, s26;
	s18 =	spop (v2sf)  }
0x98: {  	[tilespmem:s14], [sflag:$0x3] =	stream.linear.gather [hbm4b:s15+s5], $0x1000, $0x38;
	[tilespmem:$0x1B400] =	vst v63  }
0x99: {  	s12 =	smul.f32 s11, s29;
	s21 =	spop (v2sf);
	s15 =	simm.s32 $0x7000  }
0x9a: {  	[tilespmem:s15], [sflag:$0x3] =	stream.linear.gather [hbm4b:s17+s5], $0x1000, $0x38;
	[tilespmem:$0x1B400] =	vst v63  }
0x9b: {  	s20 =	simm.s32 $0x8000;
	s11 =	smul.f32 s11, s16;
	s24 =	spop (v2sf)  }
0x9c: {  	[tilespmem:s20], [sflag:$0x3] =	stream.linear.gather [hbm4b:s19+s5], $0x1000, $0x38;
	[tilespmem:$0x1B400] =	vst v63  }
0x9d: {  	s22 =	rddreg [dreg:$0x12];
	s16 =	simm.s32 $0x9000;
	s26 =	smul.f32 $1.600000000e+01, s24  }
0x9e: {  	[tilespmem:s16], [sflag:$0x4] =	stream.linear.gather [hbm4b:s22+s5], $0x1000, $0x38;
	[tilespmem:$0x1B400] =	vst v63  }
0x9f: {  	s25 =	rddreg [dreg:$0x13];
	s13 =	smul.f32 $1.600000000e+01, s21;
	s17 =	simm.s32 $0xA000  }
0xa0: {  	v2 =	vmov s4;
	v3 =	vmov s1;
	v1 =	vmov s3;
	[tilespmem:s17], [sflag:$0x4] =	stream.linear.gather [hbm4b:s25+s5], $0x1000, $0x38;
	[tilespmem:$0x1B400] =	vst v63  }
0xa1: {  	v5 =	vmov s7;
	v6 =	vmov s9;
	v7 =	vmov s6;
	s29 =	simm.s32 $0xB000;
	s28 =	rddreg [dreg:$0x14];
	s14 =	smul.f32 $1.600000000e+01, s18  }
0xa2: {  	v9 =	vmov s10;
	v10 =	vmov s12;
	v11 =	vmov s11;
	[tilespmem:s29], [sflag:$0x4] =	stream.linear.gather [hbm4b:s28+s5], $0x1000, $0x38;
	[tilespmem:$0x1B400] =	vst v63  }
0xa3: {  	v12 =	vmov s26;
	v8 =	vmov s13;
	v4 =	vmov s14;
	s5 =	simm.s32 $0x0  }
.LBB2_2:
0xa4: {  	s1 =	simm.s32 $0x1  }
0xa5: {  	_ =	swait.ge [sflag:s1], $0x1000  }
0xa6: {  	[sflag:s1] =	ssyncset.done $0x0  }
0xa7: {  	[sflag:s1] =	ssyncadd.s32 $0xFFFFF000  }
0xa8: {  	_ =	swait.ge [sflag:s1], $0x1000  }
0xa9: {  	[sflag:s1] =	ssyncset.done $0x0  }
0xaa: {  	[sflag:s1] =	ssyncadd.s32 $0xFFFFF000  }
0xab: {  	_ =	swait.ge [sflag:s1], $0x1000  }
0xac: {  	p0 =	seq.s32 s5, $0x0;
	[sflag:s1] =	ssyncset.done $0x0  }
0xad: {  	[sflag:s1] =	ssyncadd.s32 $0xFFFFF000;
	s1 =	simm.s32 @!p0 $0x5  }
0xae: {  	_ =	swait.ge @!p0 [sflag:s1], $0x1000  }
0xaf: {  	[sflag:s1] =	ssyncset.done @!p0 $0x0  }
0xb0: {  	[sflag:s1] =	ssyncadd.s32 @!p0 $0xFFFFF000  }
0xb1: {  	_ =	swait.ge @!p0 [sflag:s1], $0x1000  }
0xb2: {  	[sflag:s1] =	ssyncset.done @!p0 $0x0  }
0xb3: {  	s3 =	simm.s32 $0x0;
	s6 =	simm.s32 $0x30;
	[sflag:s1] =	ssyncadd.s32 @!p0 $0xFFFFF000  }
0xb4: {  	s4 =	sand.u32 $0xC00, s3;
	s3 =	sand.u32 $0x380, s3;
	_ =	swait.ge @!p0 [sflag:s1], $0x1000  }
0xb5: {  	s10 =	sand.u32 $0x70, s6;
	s3 =	sor.u32 s3, s4;
	[sflag:s1] =	ssyncset.done @!p0 $0x0  }
0xb6: {  	s12 =	sor.u32 s10, s3;
	[sflag:s1] =	ssyncadd.s32 @!p0 $0xFFFFF000  }
0xb7: {  	v13 =	vld [tilespmem:s12+$0x0]  }
0xb8: {  	s11 =	simm.s32 $0x0;
	v14 =	vld [tilespmem:s12+$0x1000]  }
0xb9: {  	s13 =	simm.s32 $0x10;
	s1 =	sand.u32 $0x40, s11;
	v15 =	vld [tilespmem:s12+$0x2000]  }
0xba: {  	s14 =	simm.s32 $0x20;
	s11 =	sor.u32 s1, s3;
	s1 =	sand.u32 $0x50, s13  }
0xbb: {  	v16 =	vld [tilespmem:s11+$0x0];
	s28 =	sor.u32 s1, s3;
	s1 =	sand.u32 $0x60, s14  }
0xbc: {  	v17 =	vld [tilespmem:s11+$0x1000];
	s9 =	sor.u32 s1, s3;
	v18 =	vmul.f32 v13, v1  }
0xbd: {  	v25 =	vld [tilespmem:s9+$0x0];
	v19 =	vmul.f32 v14, v2;
	v20 =	vmul.f32 v13, v5  }
0xbe: {  	v21 =	vmul.f32 v14, v6;
	v22 =	vmul.f32 v15, v3  }
0xbf: {  	v13 =	vmul.f32 v13, v9;
	v14 =	vmul.f32 v14, v10  }
0xc0: {  	v29 =	vld [tilespmem:s11+$0x2000];
	v24 =	vmul.f32 v15, v7;
	v15 =	vmul.f32 v15, v11;
	v18 =	vadd.f32 v19, v18  }
0xc1: {  	v26 =	vld [tilespmem:s9+$0x1000];
	v23 =	vmul.f32 v16, v1;
	v20 =	vadd.f32 v21, v20;
	v13 =	vadd.f32 v14, v13  }
0xc2: {  	s20 =	simm.s32 $0x200;
	s22 =	simm.s32 $0x10;
	s17 =	simm.s32 $0x70;
	v19 =	vld [tilespmem:s28+$0x0];
	v14 =	vmul.f32 v17, v2;
	v32 =	vmul.f32 v25, v5;
	v18 =	vadd.f32 v22, v18  }
0xc3: {  	s21 =	simm.s32 $0x50;
	s15 =	sand.u32 $0xC00, s20;
	s16 =	sand.u32 $0x380, s22;
	v21 =	vld [tilespmem:s28+$0x1000];
	v22 =	vmul.f32 v16, v5;
	v20 =	vadd.f32 v24, v20;
	v24 =	vmul.f32 v17, v6  }
0xc4: {  	s18 =	sand.u32 $0x70, s17;
	v31 =	vld [tilespmem:s28+$0x2000];
	s1 =	sor.u32 s16, s15;
	s15 =	sand.u32 $0x50, s21;
	v13 =	vadd.f32 v15, v13;
	v15 =	vmul.f32 v16, v9;
	v16 =	vmul.f32 v17, v10  }
0xc5: {  	s25 =	simm.s32 $0x60;
	v33 =	vld [tilespmem:s9+$0x2000];
	s4 =	sor.u32 s15, s1;
	[dreg:$0x1c] =	wrdreg s18;
	v14 =	vadd.f32 v14, v23;
	v23 =	vmul.f32 v25, v1;
	v25 =	vmul.f32 v25, v9  }
0xc6: {  	s16 =	sand.u32 $0x60, s25;
	v58 =	vld [tilespmem:s4+$0x0];
	v18 =	vadd.f32 v18, v4;
	v22 =	vadd.f32 v24, v22;
	v24 =	vmul.f32 v26, v2  }
0xc7: {  	s7 =	sor.u32 s16, s1;
	v36 =	vld [tilespmem:s4+$0x1000];
	v15 =	vadd.f32 v16, v15;
	v16 =	vmul.f32 v26, v6;
	v26 =	vmul.f32 v26, v10  }
0xc8: {  	v37 =	vld [tilespmem:s7+$0x0];
	v17 =	vadd.f32 v20, v8;
	v20 =	vmul.f32 v19, v1;
	v27 =	vmul.f32 v21, v2  }
0xc9: {  	v13 =	vadd.f32 v13, v12;
	v28 =	vmul.f32 v19, v5;
	v30 =	vmul.f32 v21, v6  }
0xca: {  	v19 =	vmul.f32 v19, v9;
	v21 =	vmul.f32 v21, v10;
	v18 =	vmax.f32 v18, $0.0e+00  }
0xcb: {  	v16 =	vadd.f32 v16, v32;
	v17 =	vmax.f32 v17, $0.0e+00;
	v61 =	vmul.f32 v58, v1  }
0xcc: {  	v13 =	vmax.f32 v13, $0.0e+00;
	v38 =	vmul.f32 v36, v2;
	v32 =	vmul.f32 v58, v9  }
0xcd: {  	v62 =	vmul.f32 v37, v9;
	v20 =	vadd.f32 v27, v20;
	v27 =	vadd.f32 v30, v28  }
0xce: {  	v28 =	vmul.f32 v29, v3;
	v19 =	vadd.f32 v21, v19;
	v21 =	vadd.f32 v24, v23  }
0xcf: {  	v23 =	vmul.f32 v29, v7;
	v24 =	vadd.f32 v26, v25;
	v25 =	vmul.f32 v29, v11  }
0xd0: {  	v26 =	vmul.f32 v31, v3;
	v29 =	vmul.f32 v33, v7;
	v14 =	vadd.f32 v28, v14  }
0xd1: {  	v22 =	vadd.f32 v23, v22;
	v23 =	vmul.f32 v31, v7;
	v28 =	vmul.f32 v31, v11  }
0xd2: {  	v15 =	vadd.f32 v25, v15;
	v25 =	vmul.f32 v33, v3;
	v20 =	vadd.f32 v26, v20  }
0xd3: {  	v26 =	vmul.f32 v33, v11;
	v16 =	vadd.f32 v29, v16;
	v23 =	vadd.f32 v23, v27  }
0xd4: {  	v18 =	vmin.f32 v18, $1.599999900e+01;
	v19 =	vadd.f32 v28, v19;
	v21 =	vadd.f32 v25, v21  }
0xd5: {  	s3 =	sor.u32 s18, s1;
	v17 =	vmin.f32 v17, $1.599999900e+01;
	v24 =	vadd.f32 v26, v24;
	v14 =	vadd.f32 v14, v4  }
0xd6: {  	s24 =	simm.s32 $0x40;
	v22 =	vadd.f32 v22, v8;
	v25 =	vmin.f32 v13, $1.599999900e+01;
	v26 =	vld [tilespmem:s3+$0x2000];
	v13 =	vadd.f32 v15, v12  }
0xd7: {  	s19 =	sand.u32 $0x40, s24;
	s10 =	simm.s32 $0x18020;
	v15 =	vadd.f32 v20, v4;
	v20 =	vld [tilespmem:s3+$0x0];
	v28 =	vadd.f32 v16, v8;
	v14 =	vmax.f32 v14, $0.0e+00  }
0xd8: {  	[tilespmem:s10+$0x10] =	vst v18;
	v27 =	vld [tilespmem:s3+$0x1000];
	s3 =	sor.u32 s19, s1;
	s19 =	simm.s32 $0x19020;
	v23 =	vadd.f32 v23, v8;
	v19 =	vadd.f32 v19, v12;
	v22 =	vmax.f32 v22, $0.0e+00  }
0xd9: {  	s18 =	simm.s32 $0x1A020;
	[tilespmem:s19+$0x10] =	vst v17;
	v21 =	vadd.f32 v21, v4;
	v29 =	vmax.f32 v13, $0.0e+00;
	v30 =	vmax.f32 v15, $0.0e+00  }
0xda: {  	v13 =	vadd.f32 v24, v12;
	[tilespmem:s18+$0x10] =	vst v25;
	v25 =	vmul.f32 v58, v5;
	v22 =	vmin.f32 v22, $1.599999900e+01  }
0xdb: {  	v30 =	vmin.f32 v30, $1.599999900e+01;
	v23 =	vmax.f32 v23, $0.0e+00;
	v16 =	vmax.f32 v19, $0.0e+00  }
0xdc: {  	v15 =	vmax.f32 v21, $0.0e+00;
	v21 =	vmin.f32 v14, $1.599999900e+01;
	v24 =	vmul.f32 v26, v3  }
0xdd: {  	v19 =	vld [tilespmem:s3+$0x0];
	v14 =	vmax.f32 v28, $0.0e+00;
	v31 =	vmul.f32 v20, v1;
	v56 =	vmul.f32 v27, v2  }
0xde: {  	v28 =	vmin.f32 v29, $1.599999900e+01;
	v29 =	vld [tilespmem:s3+$0x1000];
	v57 =	vmul.f32 v20, v5;
	v34 =	vmul.f32 v27, v6  }
0xdf: {  	v13 =	vmax.f32 v13, $0.0e+00;
	v20 =	vmul.f32 v20, v9;
	v27 =	vmul.f32 v27, v10  }
0xe0: {  	v59 =	vmul.f32 v26, v7;
	[tilespmem:s10+$0xFFFFFFE0] =	vst v21;
	v31 =	vadd.f32 v56, v31;
	v33 =	vadd.f32 v34, v57  }
0xe1: {  	v26 =	vmul.f32 v26, v11;
	[tilespmem:s19+$0xFFFFFFE0] =	vst v22;
	v22 =	vmul.f32 v36, v10;
	v20 =	vadd.f32 v27, v20  }
0xe2: {  	v18 =	vld [tilespmem:s7+$0x1000];
	v35 =	vmul.f32 v19, v1;
	v24 =	vadd.f32 v24, v31;
	v33 =	vadd.f32 v59, v33  }
0xe3: {  	v27 =	vmul.f32 v29, v2;
	v31 =	vmul.f32 v19, v5;
	v20 =	vadd.f32 v26, v20  }
0xe4: {  	v60 =	vmul.f32 v29, v6;
	v24 =	vadd.f32 v24, v4;
	v26 =	vadd.f32 v33, v8  }
0xe5: {  	[tilespmem:s10+$0xFFFFFFF0] =	vst v30;
	v23 =	vmin.f32 v23, $1.599999900e+01;
	v19 =	vmul.f32 v19, v9;
	v29 =	vmul.f32 v29, v10  }
0xe6: {  	[tilespmem:s19+$0xFFFFFFF0] =	vst v23;
	v20 =	vadd.f32 v20, v12;
	v24 =	vmax.f32 v24, $0.0e+00;
	v17 =	vmax.f32 v26, $0.0e+00  }
0xe7: {  	s6 =	simm.s32 $0x18060;
	v40 =	vld [tilespmem:s3+$0x2000];
	[tilespmem:s18+$0xFFFFFFE0] =	vst v28;
	v26 =	vadd.f32 v60, v31;
	v31 =	vmul.f32 v18, v6;
	v24 =	vmin.f32 v24, $1.599999900e+01  }
0xe8: {  	v39 =	vmin.f32 v17, $1.599999900e+01;
	v17 =	vmax.f32 v20, $0.0e+00;
	v20 =	vadd.f32 v29, v19;
	[tilespmem:s6+$0x10] =	vst v24  }
0xe9: {  	s26 =	sshll.u32 s5, $0x2;
	v19 =	vmul.f32 v18, v2;
	v18 =	vmul.f32 v18, v10;
	v41 =	vmin.f32 v17, $1.599999900e+01;
	v17 =	vld [tilespmem:s4+$0x2000];
	[dreg:$0x17] =	wrdreg s5  }
0xea: {  	v28 =	vmul.f32 v37, v1;
	v35 =	vadd.f32 v27, v35;
	v27 =	vmul.f32 v36, v6;
	[dreg:$0x18] =	wrdreg s26  }
0xeb: {  	v23 =	vadd.f32 v22, v32;
	v29 =	vmul.f32 v37, v5;
	v22 =	vadd.f32 v18, v62;
	v18 =	vld [tilespmem:s7+$0x2000]  }
0xec: {  	s1 =	simm.s32 $0x19060;
	v21 =	vadd.f32 v38, v61;
	v63 =	vmul.f32 v40, v3;
	v27 =	vadd.f32 v27, v25  }
0xed: {  	s3 =	simm.s32 $0x1A060;
	v30 =	vmul.f32 v40, v7;
	v24 =	vadd.f32 v19, v28;
	v25 =	vadd.f32 v31, v29;
	[tilespmem:s1+$0x10] =	vst v39  }
0xee: {  	s29 =	simm.s32 $0x18020;
	s4 =	simm.s32 $0x19020;
	v19 =	vadd.f32 v63, v35;
	v29 =	vmul.f32 v40, v11;
	s7 =	simm.s32 $0x1A020;
	[tilespmem:s3+$0x10] =	vst v41;
	v28 =	vmul.f32 v17, v3  }
.LBB2_3:
0xef: {  	v26 =	vadd.f32 v30, v26;
	v30 =	vmul.f32 v17, v7;
	v17 =	vmul.f32 v17, v11;
	s13 =	smov.u32 s24;
	s24 =	sadd.s32 $0x40, s24  }
0xf0: {  	v31 =	vmul.f32 v18, v7;
	s17 =	sand.u32 $0x40, s24;
	s21 =	sadd.s32 $0x50, s13;
	s26 =	sadd.s32 $0x60, s13;
	v20 =	vadd.f32 v29, v20;
	v29 =	vmul.f32 v18, v3  }
0xf1: {  	s20 =	sadd.s32 $0x200, s20;
	s22 =	sadd.s32 $0x10, s22;
	v21 =	vadd.f32 v28, v21;
	v18 =	vmul.f32 v18, v11;
	s25 =	sand.u32 $0x50, s21;
	v27 =	vadd.f32 v30, v27  }
0xf2: {  	v16 =	vmin.f32 v16, $1.599999900e+01;
	s5 =	sand.u32 $0x380, s22;
	s13 =	sadd.s32 $0x70, s13;
	s21 =	sand.u32 $0xC00, s20;
	v17 =	vadd.f32 v17, v23;
	v23 =	vadd.f32 v29, v24  }
0xf3: {  	v15 =	vmin.f32 v15, $1.599999900e+01;
	s26 =	sand.u32 $0x60, s26;
	s14 =	sand.u32 $0x70, s13;
	s5 =	sor.u32 s5, s21;
	v24 =	vadd.f32 v31, v25;
	v18 =	vadd.f32 v18, v22;
	[tilespmem:s7+$0xFFFFFFF0] =	vst v16  }
0xf4: {  	v14 =	vmin.f32 v14, $1.599999900e+01;
	s21 =	sor.u32 s17, s5;
	s13 =	sor.u32 s25, s5;
	s14 =	sor.u32 s14, s5;
	v16 =	vadd.f32 v19, v4;
	v19 =	vadd.f32 v26, v8;
	[tilespmem:s29+$0x0] =	vst v15  }
0xf5: {  	v13 =	vmin.f32 v13, $1.599999900e+01;
	s17 =	sor.u32 s26, s5;
	v15 =	vadd.f32 v20, v12;
	v20 =	vadd.f32 v21, v4;
	s29 =	smov.u32 s6;
	v22 =	vld [tilespmem:s14+$0x2000];
	[tilespmem:s4+$0x0] =	vst v14;
	s4 =	smov.u32 s1  }
0xf6: {  	p1 =	slt.u32 s24, $0xFC0;
	v17 =	vadd.f32 v17, v12;
	v14 =	vmax.f32 v16, $0.0e+00;
	v16 =	vadd.f32 v27, v8;
	v21 =	vld [tilespmem:s14+$0x0];
	[tilespmem:s7+$0x0] =	vst v13;
	s7 =	smov.u32 s3  }
0xf7: {  	v19 =	vmax.f32 v19, $0.0e+00;
	v13 =	vadd.f32 v23, v4;
	v23 =	vadd.f32 v24, v8;
	v25 =	vld [tilespmem:s14+$0x1000]  }
0xf8: {  	v18 =	vadd.f32 v18, v12;
	v26 =	vmax.f32 v15, $0.0e+00;
	v20 =	vmax.f32 v20, $0.0e+00;
	v24 =	vld [tilespmem:s21+$0x0]  }
0xf9: {  	v28 =	vmax.f32 v16, $0.0e+00;
	v16 =	vmax.f32 v17, $0.0e+00;
	v15 =	vmax.f32 v13, $0.0e+00;
	v27 =	vld [tilespmem:s21+$0x1000]  }
0xfa: {  	v17 =	vmin.f32 v14, $1.599999900e+01;
	v14 =	vmax.f32 v23, $0.0e+00;
	v13 =	vmax.f32 v18, $0.0e+00;
	v29 =	vld [tilespmem:s13+$0x0]  }
0xfb: {  	v18 =	vmin.f32 v26, $1.599999900e+01;
	v30 =	vmul.f32 v22, v3;
	v23 =	vld [tilespmem:s13+$0x1000];
	[tilespmem:s6+$0xFFFFFFE0] =	vst v17;
	v17 =	vmin.f32 v19, $1.599999900e+01  }
0xfc: {  	v26 =	vmul.f32 v21, v1;
	v19 =	vld [tilespmem:s17+$0x0];
	v31 =	vmul.f32 v25, v2;
	[tilespmem:s1+$0xFFFFFFE0] =	vst v17;
	v17 =	vmin.f32 v20, $1.599999900e+01  }
0xfd: {  	v20 =	vmul.f32 v21, v5;
	v33 =	vmul.f32 v25, v6;
	v32 =	vld [tilespmem:s17+$0x1000];
	[tilespmem:s3+$0xFFFFFFE0] =	vst v18;
	v18 =	vmin.f32 v28, $1.599999900e+01  }
0xfe: {  	v21 =	vmul.f32 v21, v9;
	v25 =	vmul.f32 v25, v10;
	v28 =	vld [tilespmem:s21+$0x2000];
	v26 =	vadd.f32 v31, v26;
	[tilespmem:s6+$0xFFFFFFF0] =	vst v17  }
0xff: {  	v31 =	vmul.f32 v24, v1;
	v20 =	vadd.f32 v33, v20;
	v33 =	vmul.f32 v22, v7;
	v17 =	vld [tilespmem:s13+$0x2000];
	[tilespmem:s1+$0xFFFFFFF0] =	vst v18  }
0x100: {  	v21 =	vadd.f32 v25, v21;
	v22 =	vmul.f32 v22, v11;
	v18 =	vld [tilespmem:s17+$0x2000];
	v26 =	vadd.f32 v30, v26  }
0x101: {  	v25 =	vmul.f32 v27, v2;
	v30 =	vmul.f32 v24, v5;
	v20 =	vadd.f32 v33, v20  }
0x102: {  	v33 =	vmul.f32 v27, v6;
	v21 =	vadd.f32 v22, v21;
	v26 =	vadd.f32 v26, v4  }
0x103: {  	v22 =	vmul.f32 v24, v9;
	v24 =	vmul.f32 v27, v10;
	v20 =	vadd.f32 v20, v8  }
0x104: {  	v27 =	vmul.f32 v29, v1;
	v21 =	vadd.f32 v21, v12;
	v26 =	vmax.f32 v26, $0.0e+00  }
0x105: {  	s6 =	sadd.s32 $0x40, s6;
	v34 =	vmul.f32 v23, v2;
	v20 =	vmax.f32 v20, $0.0e+00;
	v26 =	vmin.f32 v26, $1.599999900e+01  }
0x106: {  	v35 =	vmul.f32 v29, v5;
	s1 =	sadd.s32 $0x40, s1;
	v21 =	vmax.f32 v21, $0.0e+00;
	v20 =	vmin.f32 v20, $1.599999900e+01;
	[tilespmem:s6+$0x10] =	vst v26  }
0x107: {  	s3 =	sadd.s32 $0x40, s3;
	v36 =	vmul.f32 v23, v6;
	v29 =	vmul.f32 v29, v9;
	[tilespmem:s1+$0x10] =	vst v20;
	v20 =	vmin.f32 v21, $1.599999900e+01  }
0x108: {  	v31 =	vadd.f32 v25, v31;
	v23 =	vmul.f32 v23, v10;
	v25 =	vmul.f32 v19, v1;
	[tilespmem:s3+$0x10] =	vst v20  }
0x109: {  	v26 =	vadd.f32 v33, v30;
	v30 =	vmul.f32 v32, v2;
	v33 =	vmul.f32 v19, v5  }
.Ltmp2:
0x10a: {  	v19 =	vmul.f32 v19, v9;
	v20 =	vadd.f32 v24, v22;
	v22 =	vmul.f32 v32, v6;
	(pc) =	sbr.rel @p1 .LBB2_3-.Ltmp2, $4  }
0x10b: {  	v21 =	vadd.f32 v34, v27;
	v27 =	vadd.f32 v36, v35;
	v32 =	vmul.f32 v32, v10  }
0x10c: {  	v23 =	vadd.f32 v23, v29;
	v34 =	vmul.f32 v28, v3;
	v24 =	vadd.f32 v30, v25  }
0x10d: {  	v30 =	vmul.f32 v28, v7;
	v25 =	vadd.f32 v22, v33;
	v22 =	vadd.f32 v32, v19  }
0x10e: {  	v29 =	vmul.f32 v28, v11;
	v28 =	vmul.f32 v17, v3;
	v19 =	vadd.f32 v34, v31  }
0x10f: {  	v26 =	vadd.f32 v30, v26;
	v30 =	vmul.f32 v17, v7;
	v17 =	vmul.f32 v17, v11  }
0x110: {  	v31 =	vmul.f32 v18, v7;
	v16 =	vmin.f32 v16, $1.599999900e+01;
	v15 =	vmin.f32 v15, $1.599999900e+01  }
0x111: {  	v14 =	vmin.f32 v14, $1.599999900e+01;
	v20 =	vadd.f32 v29, v20;
	v21 =	vadd.f32 v28, v21  }
0x112: {  	v29 =	vmul.f32 v18, v3;
	[tilespmem:s7+$0xFFFFFFF0] =	vst v16;
	v16 =	vadd.f32 v19, v4;
	v27 =	vadd.f32 v30, v27  }
0x113: {  	v18 =	vmul.f32 v18, v11;
	v17 =	vadd.f32 v17, v23;
	v19 =	vadd.f32 v26, v8  }
0x114: {  	v13 =	vmin.f32 v13, $1.599999900e+01;
	[tilespmem:s29+$0x0] =	vst v15;
	v23 =	vadd.f32 v29, v24;
	v24 =	vadd.f32 v31, v25  }
0x115: {  	[tilespmem:s4+$0x0] =	vst v14;
	v18 =	vadd.f32 v18, v22;
	v15 =	vadd.f32 v20, v12;
	v14 =	vmax.f32 v16, $0.0e+00  }
0x116: {  	v16 =	vadd.f32 v21, v4;
	[tilespmem:s7+$0x0] =	vst v13;
	v13 =	vmax.f32 v19, $0.0e+00;
	v14 =	vmin.f32 v14, $1.599999900e+01  }
0x117: {  	v19 =	vadd.f32 v27, v8;
	v15 =	vmax.f32 v15, $0.0e+00;
	[tilespmem:s6+$0xFFFFFFE0] =	vst v14;
	v13 =	vmin.f32 v13, $1.599999900e+01  }
0x118: {  	v14 =	vadd.f32 v17, v12;
	v16 =	vmax.f32 v16, $0.0e+00;
	v15 =	vmin.f32 v15, $1.599999900e+01;
	[tilespmem:s1+$0xFFFFFFE0] =	vst v13  }
0x119: {  	v13 =	vadd.f32 v23, v4;
	v17 =	vmax.f32 v19, $0.0e+00;
	v16 =	vmin.f32 v16, $1.599999900e+01;
	[tilespmem:s3+$0xFFFFFFE0] =	vst v15  }
0x11a: {  	v15 =	vadd.f32 v24, v8;
	v14 =	vmax.f32 v14, $0.0e+00;
	v17 =	vmin.f32 v17, $1.599999900e+01;
	[tilespmem:s6+$0xFFFFFFF0] =	vst v16  }
0x11b: {  	v16 =	vadd.f32 v18, v12;
	v13 =	vmax.f32 v13, $0.0e+00;
	[tilespmem:s1+$0xFFFFFFF0] =	vst v17;
	v14 =	vmin.f32 v14, $1.599999900e+01  }
0x11c: {  	v15 =	vmax.f32 v15, $0.0e+00;
	[tilespmem:s3+$0xFFFFFFF0] =	vst v14;
	v13 =	vmin.f32 v13, $1.599999900e+01  }
0x11d: {  	v14 =	vmax.f32 v16, $0.0e+00;
	[tilespmem:s6+$0x0] =	vst v13;
	v13 =	vmin.f32 v15, $1.599999900e+01  }
0x11e: {  	[tilespmem:s1+$0x0] =	vst v13;
	v13 =	vmin.f32 v14, $1.599999900e+01  }
0x11f: {  	[tilespmem:s3+$0x0] =	vst v13  }
0x120: {  	v13 =	vld [tilespmem:s10+$0x10];
	_ =	sdelay $0x4  }
0x121: {  	v14 =	vld [tilespmem:s10+$0xFFFFFFE0];
	v16 =	vtrunc.f32 v13  }
0x122: {  	v15 =	vld [tilespmem:s10+$0xFFFFFFF0];
	v16 =	vcvt.f32.s32 v16;
	_ =	sdelay $0x1  }
0x123: {  	v17 =	vld [tilespmem:s10+$0x0];
	_ =	sdelay $0x1  }
0x124: {  	v18 =	vtrunc.f32 v14  }
0x125: {  	v19 =	vtrunc.f32 v15;
	v18 =	vcvt.f32.s32 v18  }
0x126: {  	v19 =	vcvt.f32.s32 v19;
	v21 =	vld.idx.msk [tilespmem:v16+s30+$0x0], $0xffff  }
0x127: {  	v20 =	vtrunc.f32 v17  }
0x128: {  	v20 =	vcvt.f32.s32 v20;
	v16 =	vld.idx.msk [tilespmem:v16+s31+$0x0], $0xffff;
	_ =	sdelay $0x2  }
0x129: {  	v22 =	vld.idx.msk [tilespmem:v18+s30+$0x0], $0xffff;
	v13 =	vmul.f32 v21, v13  }
0x12a: {  	v23 =	vld.idx.msk [tilespmem:v19+s30+$0x0], $0xffff  }
0x12b: {  	v18 =	vld.idx.msk [tilespmem:v18+s31+$0x0], $0xffff;
	v13 =	vadd.f32 v16, v13  }
0x12c: {  	v21 =	vld.idx.msk [tilespmem:v20+s30+$0x0], $0xffff  }
0x12d: {  	v16 =	vld.idx.msk [tilespmem:v19+s31+$0x0], $0xffff;
	[tilespmem:s12+$0xC000] =	vst v13  }
0x12e: {  	v13 =	vld [tilespmem:s19+$0x10]  }
0x12f: {  	v14 =	vmul.f32 v22, v14;
	v19 =	vld.idx.msk [tilespmem:v20+s31+$0x0], $0xffff  }
0x130: {  	v15 =	vmul.f32 v23, v15  }
0x131: {  	s7 =	simm.s32 $0x18060;
	v14 =	vadd.f32 v18, v14  }
0x132: {  	v24 =	vld [tilespmem:s7+$0xFFFFFFF0];
	v17 =	vmul.f32 v21, v17;
	v15 =	vadd.f32 v16, v15  }
0x133: {  	[tilespmem:s11+$0xC000] =	vst v14;
	v16 =	vtrunc.f32 v13  }
0x134: {  	v14 =	vadd.f32 v19, v17;
	v17 =	vld [tilespmem:s19+$0xFFFFFFE0];
	[tilespmem:s28+$0xC000] =	vst v15;
	v15 =	vcvt.f32.s32 v16;
	_ =	sdelay $0x1  }
0x135: {  	v18 =	vld [tilespmem:s19+$0xFFFFFFF0]  }
0x136: {  	v30 =	vtrunc.f32 v24;
	v19 =	vld [tilespmem:s7+$0x10]  }
0x137: {  	v25 =	vld [tilespmem:s7+$0x0];
	v30 =	vcvt.f32.s32 v30;
	[tilespmem:s9+$0xC000] =	vst v14  }
0x138: {  	v14 =	vld [tilespmem:s19+$0x0];
	v16 =	vtrunc.f32 v17  }
0x139: {  	v16 =	vcvt.f32.s32 v16;
	v21 =	vld.idx.msk [tilespmem:v15+s2+$0x0], $0xffff  }
0x13a: {  	v23 =	vld [tilespmem:s7+$0xFFFFFFE0];
	v20 =	vtrunc.f32 v18  }
0x13b: {  	s21 =	simm.s32 $0x180A0;
	v26 =	vtrunc.f32 v19;
	v20 =	vcvt.f32.s32 v20;
	v15 =	vld.idx.msk [tilespmem:v15+s0+$0x0], $0xffff  }
0x13c: {  	v57 =	vld [tilespmem:s21+$0xFFFFFFF0];
	v26 =	vcvt.f32.s32 v26  }
0x13d: {  	v32 =	vld.idx.msk [tilespmem:v30+s30+$0x0], $0xffff  }
0x13e: {  	v30 =	vld.idx.msk [tilespmem:v30+s31+$0x0], $0xffff;
	v22 =	vtrunc.f32 v14;
	v13 =	vmul.f32 v21, v13  }
0x13f: {  	v22 =	vcvt.f32.s32 v22;
	v27 =	vld.idx.msk [tilespmem:v16+s2+$0x0], $0xffff  }
0x140: {  	v28 =	vtrunc.f32 v23;
	v16 =	vld.idx.msk [tilespmem:v16+s0+$0x0], $0xffff;
	v13 =	vadd.f32 v15, v13  }
0x141: {  	v28 =	vcvt.f32.s32 v28;
	v21 =	vld.idx.msk [tilespmem:v20+s2+$0x0], $0xffff  }
0x142: {  	v15 =	vtrunc.f32 v25;
	[tilespmem:s12+$0xD000] =	vst v13;
	v13 =	vld.idx.msk [tilespmem:v26+s30+$0x0], $0xffff  }
0x143: {  	v31 =	vcvt.f32.s32 v15;
	v15 =	vld [tilespmem:s18+$0x10]  }
0x144: {  	v17 =	vmul.f32 v27, v17;
	v26 =	vld.idx.msk [tilespmem:v26+s31+$0x0], $0xffff  }
0x145: {  	v29 =	vld.idx.msk [tilespmem:v22+s2+$0x0], $0xffff  }
0x146: {  	v20 =	vld.idx.msk [tilespmem:v20+s0+$0x0], $0xffff;
	v16 =	vadd.f32 v16, v17  }
0x147: {  	s13 =	simm.s32 $0x10;
	s10 =	simm.s32 $0x200;
	v27 =	vld.idx.msk [tilespmem:v28+s30+$0x0], $0xffff;
	v13 =	vmul.f32 v13, v19  }
0x148: {  	s3 =	sand.u32 $0x380, s13;
	s1 =	sand.u32 $0xC00, s10;
	v28 =	vld.idx.msk [tilespmem:v28+s31+$0x0], $0xffff;
	[tilespmem:s11+$0xD000] =	vst v16;
	v19 =	vtrunc.f32 v15  }
0x149: {  	s1 =	sor.u32 s3, s1;
	s14 =	rddreg [dreg:$0x1c];
	v16 =	vld [tilespmem:s18+$0xFFFFFFE0];
	v19 =	vcvt.f32.s32 v19;
	v13 =	vadd.f32 v26, v13  }
0x14a: {  	s13 =	sor.u32 s14, s1;
	v17 =	vld.idx.msk [tilespmem:v31+s30+$0x0], $0xffff  }
0x14b: {  	s17 =	simm.s32 $0x19060;
	v26 =	vld.idx.msk [tilespmem:v31+s31+$0x0], $0xffff;
	[tilespmem:s13+$0xC000] =	vst v13  }
0x14c: {  	v13 =	vmul.f32 v21, v18;
	v18 =	vld [tilespmem:s17+$0x10]  }
0x14d: {  	v21 =	vld.idx.msk [tilespmem:v22+s0+$0x0], $0xffff;
	v22 =	vmul.f32 v27, v23  }
0x14e: {  	s20 =	simm.s32 $0x40;
	v33 =	vld [tilespmem:s21+$0x0];
	v13 =	vadd.f32 v20, v13;
	v20 =	vmul.f32 v32, v24  }
0x14f: {  	s4 =	sand.u32 $0x40, s20;
	v14 =	vmul.f32 v29, v14;
	v22 =	vadd.f32 v28, v22;
	v23 =	vld.idx.msk [tilespmem:v19+s23+$0x0], $0xffff  }
0x150: {  	s19 =	sor.u32 s4, s1;
	v17 =	vmul.f32 v17, v25;
	v24 =	vtrunc.f32 v16;
	[tilespmem:s28+$0xD000] =	vst v13;
	v13 =	vadd.f32 v30, v20;
	v30 =	vld [tilespmem:s21+$0x10]  }
0x151: {  	v27 =	vld.idx.msk [tilespmem:v19+s8+$0x0], $0xffff;
	v19 =	vcvt.f32.s32 v24;
	[tilespmem:s19+$0xC000] =	vst v22;
	v20 =	vtrunc.f32 v18  }
0x152: {  	s14 =	sor.u32 s15, s1;
	v17 =	vadd.f32 v26, v17;
	v14 =	vadd.f32 v21, v14;
	v21 =	vld [tilespmem:s17+$0xFFFFFFE0];
	v20 =	vcvt.f32.s32 v20  }
0x153: {  	s15 =	sor.u32 s16, s1;
	v31 =	vld [tilespmem:s21+$0xFFFFFFE0];
	[tilespmem:s14+$0xC000] =	vst v13  }
0x154: {  	[tilespmem:s15+$0xC000] =	vst v17;
	v22 =	vld [tilespmem:s17+$0xFFFFFFF0]  }
0x155: {  	[tilespmem:s9+$0xD000] =	vst v14;
	v14 =	vld [tilespmem:s17+$0x0];
	v34 =	vtrunc.f32 v30  }
0x156: {  	v24 =	vld [tilespmem:s18+$0xFFFFFFF0];
	v34 =	vcvt.f32.s32 v34  }
0x157: {  	v25 =	vld.idx.msk [tilespmem:v19+s23+$0x0], $0xffff;
	v17 =	vtrunc.f32 v21  }
0x158: {  	v17 =	vcvt.f32.s32 v17;
	v26 =	vld.idx.msk [tilespmem:v20+s2+$0x0], $0xffff  }
0x159: {  	v28 =	vld.idx.msk [tilespmem:v19+s8+$0x0], $0xffff;
	v19 =	vtrunc.f32 v22  }
0x15a: {  	v29 =	vtrunc.f32 v14;
	v19 =	vcvt.f32.s32 v19;
	v20 =	vld.idx.msk [tilespmem:v20+s0+$0x0], $0xffff  }
0x15b: {  	v13 =	vld [tilespmem:s18+$0x0];
	v29 =	vcvt.f32.s32 v29  }
0x15c: {  	v40 =	vld.idx.msk [tilespmem:v34+s30+$0x0], $0xffff  }
0x15d: {  	v34 =	vld.idx.msk [tilespmem:v34+s31+$0x0], $0xffff;
	v18 =	vmul.f32 v26, v18  }
0x15e: {  	v35 =	vld.idx.msk [tilespmem:v17+s2+$0x0], $0xffff;
	v26 =	vtrunc.f32 v24  }
0x15f: {  	v17 =	vld.idx.msk [tilespmem:v17+s0+$0x0], $0xffff;
	v26 =	vcvt.f32.s32 v26;
	v18 =	vadd.f32 v20, v18;
	v20 =	vtrunc.f32 v31  }
0x160: {  	v36 =	vld.idx.msk [tilespmem:v19+s2+$0x0], $0xffff;
	v20 =	vcvt.f32.s32 v20  }
0x161: {  	v37 =	vld.idx.msk [tilespmem:v29+s2+$0x0], $0xffff  }
0x162: {  	s6 =	simm.s32 $0x1A060;
	v38 =	vtrunc.f32 v57;
	v58 =	vtrunc.f32 v33;
	v19 =	vld.idx.msk [tilespmem:v19+s0+$0x0], $0xffff;
	[tilespmem:s13+$0xD000] =	vst v18  }
0x163: {  	v18 =	vcvt.f32.s32 v38;
	v21 =	vmul.f32 v35, v21;
	v39 =	vld [tilespmem:s6+$0x10]  }
0x164: {  	v29 =	vld.idx.msk [tilespmem:v29+s0+$0x0], $0xffff;
	v38 =	vcvt.f32.s32 v58  }
0x165: {  	v17 =	vadd.f32 v17, v21;
	v41 =	vld.idx.msk [tilespmem:v26+s23+$0x0], $0xffff  }
0x166: {  	v42 =	vld.idx.msk [tilespmem:v20+s30+$0x0], $0xffff  }
0x167: {  	v21 =	vmul.f32 v40, v30;
	[tilespmem:s19+$0xD000] =	vst v17;
	v30 =	vld.idx.msk [tilespmem:v20+s31+$0x0], $0xffff  }
0x168: {  	s3 =	simm.s32 $0x20;
	s1 =	simm.s32 $0x400;
	v17 =	vld [tilespmem:s6+$0xFFFFFFE0];
	v43 =	vtrunc.f32 v39  }
0x169: {  	s24 =	simm.s32 $0xB0;
	s5 =	sand.u32 $0x380, s3;
	s22 =	sand.u32 $0xC00, s1;
	v20 =	vmul.f32 v36, v22;
	v59 =	vld.idx.msk [tilespmem:v18+s30+$0x0], $0xffff;
	v43 =	vcvt.f32.s32 v43  }
0x16a: {  	s25 =	sand.u32 $0x70, s24;
	s5 =	sor.u32 s5, s22;
	v14 =	vmul.f32 v37, v14;
	v21 =	vadd.f32 v34, v21;
	v44 =	vld.idx.msk [tilespmem:v38+s30+$0x0], $0xffff  }
0x16b: {  	s10 =	sor.u32 s25, s5;
	v18 =	vld.idx.msk [tilespmem:v18+s31+$0x0], $0xffff;
	v19 =	vadd.f32 v19, v20  }
0x16c: {  	s7 =	simm.s32 $0x190A0;
	v14 =	vadd.f32 v29, v14;
	v22 =	vld.idx.msk [tilespmem:v38+s31+$0x0], $0xffff;
	[tilespmem:s10+$0xC000] =	vst v21  }
0x16d: {  	v20 =	vld [tilespmem:s7+$0x10];
	[tilespmem:s14+$0xD000] =	vst v19;
	v31 =	vmul.f32 v42, v31  }
0x16e: {  	s18 =	simm.s32 $0x80;
	[tilespmem:s15+$0xD000] =	vst v14;
	v14 =	vld [tilespmem:s6+$0xFFFFFFF0];
	v29 =	vmul.f32 v59, v57  }
0x16f: {  	s29 =	simm.s32 $0x90;
	s26 =	sand.u32 $0x40, s18;
	v21 =	vtrunc.f32 v13;
	v19 =	vmul.f32 v44, v33;
	v30 =	vadd.f32 v30, v31;
	v60 =	vld.idx.msk [tilespmem:v43+s23+$0x0], $0xffff  }
0x170: {  	s20 =	sand.u32 $0x50, s29;
	s17 =	simm.s32 $0xA0;
	s16 =	sor.u32 s26, s5;
	v31 =	vcvt.f32.s32 v21;
	v61 =	vld.idx.msk [tilespmem:v43+s8+$0x0], $0xffff;
	v18 =	vadd.f32 v18, v29  }
0x171: {  	s4 =	sor.u32 s20, s5;
	s17 =	sand.u32 $0x60, s17;
	v29 =	vadd.f32 v22, v19;
	v22 =	vtrunc.f32 v17;
	v19 =	vld [tilespmem:s6+$0x0];
	[tilespmem:s16+$0xC000] =	vst v30  }
0x172: {  	s20 =	sor.u32 s17, s5;
	v62 =	vcvt.f32.s32 v22;
	v21 =	vld [tilespmem:s7+$0xFFFFFFE0];
	[tilespmem:s4+$0xC000] =	vst v18  }
0x173: {  	v15 =	vmul.f32 v23, v15;
	[tilespmem:s20+$0xC000] =	vst v29;
	v18 =	vtrunc.f32 v20;
	v22 =	vld [tilespmem:s7+$0xFFFFFFF0]  }
0x174: {  	v16 =	vmul.f32 v25, v16;
	v23 =	vld [tilespmem:s7+$0x0];
	v32 =	vcvt.f32.s32 v18  }
0x175: {  	v26 =	vld.idx.msk [tilespmem:v26+s8+$0x0], $0xffff;
	v29 =	vadd.f32 v27, v15;
	v18 =	vmul.f32 v41, v24;
	v24 =	vtrunc.f32 v14  }
0x176: {  	v15 =	vcvt.f32.s32 v24;
	v24 =	vadd.f32 v28, v16;
	v25 =	vld.idx.msk [tilespmem:v31+s23+$0x0], $0xffff;
	v30 =	vmul.f32 v60, v39  }
0x177: {  	[tilespmem:s12+$0xE000] =	vst v29;
	v16 =	vtrunc.f32 v19;
	v27 =	vld.idx.msk [tilespmem:v31+s8+$0x0], $0xffff;
	v28 =	vtrunc.f32 v21  }
0x178: {  	v16 =	vcvt.f32.s32 v16;
	[tilespmem:s11+$0xE000] =	vst v24;
	v29 =	vadd.f32 v61, v30;
	v24 =	vld.idx.msk [tilespmem:v62+s8+$0x0], $0xffff;
	v30 =	vcvt.f32.s32 v28  }
0x179: {  	v28 =	vld.idx.msk [tilespmem:v62+s23+$0x0], $0xffff;
	v31 =	vtrunc.f32 v22;
	v63 =	vtrunc.f32 v23  }
0x17a: {  	s11 =	simm.s32 $0x180E0;
	[tilespmem:s13+$0xE000] =	vst v29;
	v31 =	vcvt.f32.s32 v31;
	v29 =	vcvt.f32.s32 v63;
	v33 =	vld.idx.msk [tilespmem:v32+s2+$0x0], $0xffff  }
.LBB2_5:
0x17b: {  	v34 =	vld [tilespmem:s11+$0x10];
	v25 =	vmul.f32 v25, v13;
	v13 =	vmov v19;
	s12 =	smov.u32 s18  }
0x17c: {  	v18 =	vadd.f32 v26, v18;
	v19 =	vld.idx.msk [tilespmem:v32+s0+$0x0], $0xffff  }
0x17d: {  	v26 =	vld [tilespmem:s11+$0xFFFFFFE0];
	v25 =	vadd.f32 v27, v25  }
0x17e: {  	v17 =	vmul.f32 v28, v17;
	v27 =	vld [tilespmem:s11+$0xFFFFFFF0];
	[tilespmem:s28+$0xE000] =	vst v18;
	s28 =	smov.u32 s14;
	s14 =	smov.u32 s4  }
0x17f: {  	v28 =	vld [tilespmem:s11+$0x0];
	[tilespmem:s9+$0xE000] =	vst v25;
	s9 =	smov.u32 s15;
	s15 =	smov.u32 s20  }
0x180: {  	v20 =	vmul.f32 v33, v20;
	v17 =	vadd.f32 v24, v17;
	v18 =	vtrunc.f32 v34;
	v25 =	vld.idx.msk [tilespmem:v30+s2+$0x0], $0xffff  }
0x181: {  	v18 =	vcvt.f32.s32 v18;
	v24 =	vld.idx.msk [tilespmem:v31+s2+$0x0], $0xffff  }
0x182: {  	v19 =	vadd.f32 v19, v20;
	v32 =	vtrunc.f32 v26;
	v33 =	vld.idx.msk [tilespmem:v29+s2+$0x0], $0xffff;
	[tilespmem:s19+$0xE000] =	vst v17;
	s19 =	smov.u32 s16  }
0x183: {  	v17 =	vcvt.f32.s32 v32;
	v20 =	vtrunc.f32 v27;
	v30 =	vld.idx.msk [tilespmem:v30+s0+$0x0], $0xffff  }
0x184: {  	s6 =	sadd.s32 $0x40, s6;
	v20 =	vcvt.f32.s32 v20;
	v32 =	vtrunc.f32 v28;
	v31 =	vld.idx.msk [tilespmem:v31+s0+$0x0], $0xffff;
	[tilespmem:s10+$0xD000] =	vst v19  }
0x185: {  	v19 =	vcvt.f32.s32 v32;
	v32 =	vld [tilespmem:s6+$0x10]  }
0x186: {  	v21 =	vmul.f32 v25, v21;
	v25 =	vld.idx.msk [tilespmem:v29+s0+$0x0], $0xffff  }
0x187: {  	v22 =	vmul.f32 v24, v22;
	v29 =	vld.idx.msk [tilespmem:v18+s30+$0x0], $0xffff  }
0x188: {  	v23 =	vmul.f32 v33, v23;
	v24 =	vld.idx.msk [tilespmem:v15+s23+$0x0], $0xffff  }
0x189: {  	v33 =	vld.idx.msk [tilespmem:v18+s31+$0x0], $0xffff;
	v18 =	vadd.f32 v30, v21  }
0x18a: {  	v22 =	vadd.f32 v31, v22;
	v21 =	vld.idx.msk [tilespmem:v17+s30+$0x0], $0xffff;
	v30 =	vtrunc.f32 v32  }
0x18b: {  	s18 =	sadd.s32 $0x40, s18;
	v31 =	vld.idx.msk [tilespmem:v20+s30+$0x0], $0xffff;
	[tilespmem:s19+$0xD000] =	vst v18;
	v30 =	vcvt.f32.s32 v30  }
0x18c: {  	s5 =	sadd.s32 $0x50, s12;
	s13 =	sadd.s32 $0x60, s12;
	s4 =	sand.u32 $0x40, s18;
	v18 =	vadd.f32 v25, v23;
	v35 =	vld.idx.msk [tilespmem:v19+s30+$0x0], $0xffff;
	[tilespmem:s14+$0xD000] =	vst v22  }
0x18d: {  	s1 =	sadd.s32 $0x200, s1;
	s3 =	sadd.s32 $0x10, s3;
	s5 =	sand.u32 $0x50, s5;
	v22 =	vld.idx.msk [tilespmem:v17+s31+$0x0], $0xffff;
	v17 =	vmul.f32 v29, v34  }
0x18e: {  	s17 =	sand.u32 $0x380, s3;
	s12 =	sadd.s32 $0x70, s12;
	s16 =	sand.u32 $0xC00, s1;
	v23 =	vld.idx.msk [tilespmem:v20+s31+$0x0], $0xffff;
	[tilespmem:s15+$0xD000] =	vst v18;
	v18 =	vmul.f32 v24, v14  }
0x18f: {  	s13 =	sand.u32 $0x60, s13;
	s12 =	sand.u32 $0x70, s12;
	s17 =	sor.u32 s17, s16;
	v19 =	vld.idx.msk [tilespmem:v19+s31+$0x0], $0xffff;
	v14 =	vadd.f32 v33, v17  }
0x190: {  	s16 =	sor.u32 s4, s17;
	s4 =	sor.u32 s5, s17;
	s5 =	sor.u32 s12, s17;
	v21 =	vmul.f32 v21, v26;
	v17 =	vld [tilespmem:s6+$0xFFFFFFE0]  }
0x191: {  	s7 =	sadd.s32 $0x40, s7;
	p1 =	slt.u32 s18, $0xFC0;
	s20 =	sor.u32 s13, s17;
	v24 =	vmul.f32 v31, v27;
	[tilespmem:s5+$0xC000] =	vst v14;
	v25 =	vld.idx.msk [tilespmem:v30+s23+$0x0], $0xffff  }
0x192: {  	v26 =	vmul.f32 v35, v28;
	v20 =	vld [tilespmem:s7+$0x10]  }
0x193: {  	v21 =	vadd.f32 v22, v21;
	v27 =	vld.idx.msk [tilespmem:v30+s8+$0x0], $0xffff  }
0x194: {  	v22 =	vadd.f32 v23, v24;
	v14 =	vld [tilespmem:s6+$0xFFFFFFF0]  }
0x195: {  	v23 =	vadd.f32 v19, v26;
	[tilespmem:s16+$0xC000] =	vst v21;
	v24 =	vtrunc.f32 v17;
	v19 =	vld [tilespmem:s6+$0x0]  }
0x196: {  	v21 =	vld [tilespmem:s7+$0xFFFFFFE0];
	[tilespmem:s4+$0xC000] =	vst v22;
	v24 =	vcvt.f32.s32 v24  }
0x197: {  	v25 =	vmul.f32 v25, v32;
	v22 =	vld [tilespmem:s7+$0xFFFFFFF0];
	[tilespmem:s20+$0xC000] =	vst v23;
	v26 =	vtrunc.f32 v20  }
0x198: {  	v23 =	vld [tilespmem:s7+$0x0];
	v32 =	vcvt.f32.s32 v26  }
0x199: {  	v27 =	vadd.f32 v27, v25;
	v28 =	vtrunc.f32 v14;
	v25 =	vld.idx.msk [tilespmem:v16+s23+$0x0], $0xffff  }
.Ltmp3:
0x19a: {  	v29 =	vtrunc.f32 v19;
	v26 =	vld.idx.msk [tilespmem:v15+s8+$0x0], $0xffff;
	v15 =	vcvt.f32.s32 v28;
	(pc) =	sbr.rel @p1 .LBB2_5-.Ltmp3, $4  }
0x19b: {  	v28 =	vtrunc.f32 v21;
	[tilespmem:s10+$0xE000] =	vst v27;
	v27 =	vld.idx.msk [tilespmem:v16+s8+$0x0], $0xffff;
	v16 =	vcvt.f32.s32 v29;
	s10 =	smov.u32 s5  }
0x19c: {  	v30 =	vcvt.f32.s32 v28;
	v29 =	vtrunc.f32 v22;
	v28 =	vld.idx.msk [tilespmem:v24+s23+$0x0], $0xffff  }
0x19d: {  	v31 =	vcvt.f32.s32 v29;
	v29 =	vtrunc.f32 v23;
	v24 =	vld.idx.msk [tilespmem:v24+s8+$0x0], $0xffff  }
0x19e: {  	s11 =	sadd.s32 $0x40, s11;
	v29 =	vcvt.f32.s32 v29;
	v33 =	vld.idx.msk [tilespmem:v32+s2+$0x0], $0xffff  }
0x19f: {  	_ =	sdelay $0x3  }
0x1a0: {  	v32 =	vld.idx.msk [tilespmem:v32+s0+$0x0], $0xffff;
	_ =	sdelay $0x1  }
0x1a1: {  	v34 =	vld.idx.msk [tilespmem:v30+s2+$0x0], $0xffff  }
0x1a2: {  	v46 =	vld.idx.msk [tilespmem:v31+s2+$0x0], $0xffff;
	v20 =	vmul.f32 v33, v20  }
0x1a3: {  	v30 =	vld.idx.msk [tilespmem:v30+s0+$0x0], $0xffff  }
0x1a4: {  	v35 =	vld.idx.msk [tilespmem:v29+s2+$0x0], $0xffff;
	v20 =	vadd.f32 v32, v20  }
0x1a5: {  	v31 =	vld.idx.msk [tilespmem:v31+s0+$0x0], $0xffff  }
0x1a6: {  	s1 =	sadd.s32 $0x40, s6;
	v29 =	vld.idx.msk [tilespmem:v29+s0+$0x0], $0xffff;
	v21 =	vmul.f32 v34, v21;
	[tilespmem:s10+$0xD000] =	vst v20  }
0x1a7: {  	v20 =	vld [tilespmem:s1+$0x10]  }
0x1a8: {  	v22 =	vmul.f32 v46, v22;
	v21 =	vadd.f32 v30, v21  }
0x1a9: {  	v23 =	vmul.f32 v35, v23  }
0x1aa: {  	v22 =	vadd.f32 v31, v22;
	[tilespmem:s16+$0xD000] =	vst v21  }
0x1ab: {  	v23 =	vadd.f32 v29, v23;
	v29 =	vld [tilespmem:s1+$0xFFFFFFE0]  }
0x1ac: {  	[tilespmem:s4+$0xD000] =	vst v22;
	v21 =	vtrunc.f32 v20  }
0x1ad: {  	[tilespmem:s20+$0xD000] =	vst v23;
	v22 =	vld [tilespmem:s1+$0xFFFFFFF0];
	v21 =	vcvt.f32.s32 v21  }
0x1ae: {  	v23 =	vld [tilespmem:s1+$0x0];
	_ =	sdelay $0x1  }
0x1af: {  	v30 =	vtrunc.f32 v29  }
0x1b0: {  	v50 =	vld.idx.msk [tilespmem:v16+s23+$0x0], $0xffff;
	v30 =	vcvt.f32.s32 v30  }
0x1b1: {  	v16 =	vld.idx.msk [tilespmem:v16+s8+$0x0], $0xffff;
	v48 =	vtrunc.f32 v22  }
0x1b2: {  	v33 =	vcvt.f32.s32 v48;
	v49 =	vtrunc.f32 v23;
	v47 =	vld.idx.msk [tilespmem:v21+s23+$0x0], $0xffff  }
0x1b3: {  	v31 =	vld.idx.msk [tilespmem:v15+s23+$0x0], $0xffff;
	v34 =	vcvt.f32.s32 v49  }
0x1b4: {  	v21 =	vld.idx.msk [tilespmem:v21+s8+$0x0], $0xffff  }
0x1b5: {  	v13 =	vmul.f32 v25, v13;
	v15 =	vld.idx.msk [tilespmem:v15+s8+$0x0], $0xffff  }
0x1b6: {  	v18 =	vadd.f32 v26, v18;
	v17 =	vmul.f32 v28, v17;
	s18 =	rddreg [dreg:$0x4];
	v36 =	vld.idx.msk [tilespmem:v30+s23+$0x0], $0xffff  }
0x1b7: {  	v13 =	vadd.f32 v27, v13;
	s13 =	rddreg [dreg:$0x18];
	v25 =	vld.idx.msk [tilespmem:v30+s8+$0x0], $0xffff;
	v20 =	vmul.f32 v47, v20  }
0x1b8: {  	v17 =	vadd.f32 v24, v17;
	s11 =	rddreg [dreg:$0x17];
	[tilespmem:s28+$0xE000] =	vst v18;
	s1 =	sor.u32 s18, s13;
	v26 =	vld.idx.msk [tilespmem:v33+s23+$0x0], $0xffff  }
0x1b9: {  	[tilespmem:s9+$0xE000] =	vst v13;
	p2 =	sne.s32 s11, $0x0;
	p1 =	seq.s32 s1, $0x0;
	v27 =	vld.idx.msk [tilespmem:v34+s23+$0x0], $0xffff;
	v13 =	vadd.f32 v21, v20  }
0x1ba: {  	[tilespmem:s19+$0xE000] =	vst v17;
	v14 =	vmul.f32 v31, v14;
	p1 =	por !p2, !p1;
	v18 =	vld.idx.msk [tilespmem:v33+s8+$0x0], $0xffff  }
0x1bb: {  	s3 =	simm.s32 $0x1;
	v19 =	vmul.f32 v50, v19;
	p1 =	por !p1, !p1;
	v20 =	vld.idx.msk [tilespmem:v34+s8+$0x0], $0xffff;
	[tilespmem:s10+$0xE000] =	vst v13  }
0x1bc: {  	v14 =	vadd.f32 v15, v14;
	s3 =	simm.s32 @!p1 $0x0;
	v15 =	vmul.f32 v36, v29;
	s5 =	rddreg [dreg:$0x5]  }
0x1bd: {  	v13 =	vadd.f32 v16, v19;
	v16 =	vmul.f32 v26, v22;
	s3 =	ssub.s32 s5, s3  }
0x1be: {  	[tilespmem:s14+$0xE000] =	vst v14;
	v14 =	vadd.f32 v25, v15;
	v15 =	vmul.f32 v27, v23;
	s3 =	smul.u32 $0xC0000, s3  }
0x1bf: {  	s19 =	sshll.u32 s11, $0xE;
	[tilespmem:s15+$0xE000] =	vst v13;
	v13 =	vadd.f32 v18, v16  }
0x1c0: {  	[tilespmem:s16+$0xE000] =	vst v14;
	v14 =	vadd.f32 v20, v15;
	s3 =	sadd.s32 s19, s3  }
0x1c1: {  	s22 =	rddreg [dreg:$0x2];
	s24 =	simm.s32 $0x0;
	[tilespmem:s4+$0xE000] =	vst v13;
	s21 =	sshrl.u32 s3, $0x3  }
0x1c2: {  	s7 =	simm.s32 $0xC000;
	[tilespmem:s20+$0xE000] =	vst v14;
	s25 =	sadd.s32 $0x40000, s3;
	s4 =	sadd.s32 s22, s21  }
0x1c3: {  	[hbm4b:s4+s24] =	stream.linear.scatter [tilespmem:s7], [sflag:$0x5], $0x1000, $0x38;
	[tilespmem:$0x1B400] =	vst v63  }
0x1c4: {  	s26 =	simm.s32 $0xD000;
	s3 =	sadd.s32 $0x80000, s3;
	s4 =	sshrl.u32 s25, $0x3  }
0x1c5: {  	p1 =	seq.s32 s11, $0xF;
	s3 =	sshrl.u32 s3, $0x3;
	s4 =	sadd.s32 s22, s4  }
0x1c6: {  	[hbm4b:s4+s24] =	stream.linear.scatter [tilespmem:s26], [sflag:$0x5], $0x1000, $0x38;
	[tilespmem:$0x1B400] =	vst v63  }
0x1c7: {  	s1 =	sadd.s32 @!p1 $0x4, s1;
	s3 =	sadd.s32 s22, s3;
	s7 =	simm.s32 $0xE000  }
0x1c8: {  	[hbm4b:s3+s24] =	stream.linear.scatter [tilespmem:s7], [sflag:$0x5], $0x1000, $0x38;
	[tilespmem:$0x1B400] =	vst v63  }
0x1c9: {  	s3 =	sshrl.u32 @!p1 s1, $0x6  }
0x1ca: {  	s1 =	sshll.u32 @!p1 s1, $0xC;
	s3 =	smul.u32 @!p1 $0xC0000, s3  }
0x1cb: {  	s1 =	sand.u32 @!p1 $0x3C000, s1  }
0x1cc: {  	s1 =	sor.u32 @!p1 s1, s3  }
0x1cd: {  	s3 =	rddreg [dreg:$0x0];
	s1 =	sshrl.u32 @!p1 s1, $0x3  }
0x1ce: {  	s1 =	sadd.s32 @!p1 s3, s1;
	s3 =	simm.s32 @!p1 $0x0  }
0x1cf: {  	[tilespmem:s3], [sflag:$0x1] =	stream.linear.gather @!p1 [hbm4b:s1+s3], $0x1000, $0x38;
	[tilespmem:$0x1B400] =	vst v63  }
0x1d0: {  	s5 =	simm.s32 @!p1 $0x1000;
	s4 =	sadd.s32 @!p1 $0x8000, s1  }
0x1d1: {  	[tilespmem:s5], [sflag:$0x1] =	stream.linear.gather @!p1 [hbm4b:s4+s3], $0x1000, $0x38;
	[tilespmem:$0x1B400] =	vst v63  }
0x1d2: {  	s9 =	simm.s32 $0x2;
	s1 =	sadd.s32 @!p1 $0x10000, s1;
	s4 =	simm.s32 @!p1 $0x2000  }
0x1d3: {  	[tilespmem:s4], [sflag:$0x1] =	stream.linear.gather @!p1 [hbm4b:s1+s3], $0x1000, $0x38;
	[tilespmem:$0x1B400] =	vst v63  }
0x1d4: {  	_ =	swait.ge [sflag:s9], $0x1000  }
0x1d5: {  	[sflag:s9] =	ssyncset.done $0x0  }
0x1d6: {  	[sflag:s9] =	ssyncadd.s32 $0xFFFFF000  }
0x1d7: {  	_ =	swait.ge [sflag:s9], $0x1000  }
0x1d8: {  	[sflag:s9] =	ssyncset.done $0x0  }
0x1d9: {  	[sflag:s9] =	ssyncadd.s32 $0xFFFFF000  }
0x1da: {  	_ =	swait.ge [sflag:s9], $0x1000  }
0x1db: {  	[sflag:s9] =	ssyncset.done $0x0  }
0x1dc: {  	s1 =	simm.s32 @!p0 $0x6;
	[sflag:s9] =	ssyncadd.s32 $0xFFFFF000  }
0x1dd: {  	_ =	swait.ge @!p0 [sflag:s1], $0x1000  }
0x1de: {  	[sflag:s1] =	ssyncset.done @!p0 $0x0  }
0x1df: {  	[sflag:s1] =	ssyncadd.s32 @!p0 $0xFFFFF000  }
0x1e0: {  	_ =	swait.ge @!p0 [sflag:s1], $0x1000  }
0x1e1: {  	[sflag:s1] =	ssyncset.done @!p0 $0x0  }
0x1e2: {  	s12 =	simm.s32 $0x30;
	s10 =	simm.s32 $0x0;
	[sflag:s1] =	ssyncadd.s32 @!p0 $0xFFFFF000  }
0x1e3: {  	s11 =	sand.u32 $0xC00, s10;
	s3 =	sand.u32 $0x380, s10;
	_ =	swait.ge @!p0 [sflag:s1], $0x1000  }
0x1e4: {  	s14 =	sand.u32 $0x70, s12;
	s3 =	sor.u32 s3, s11;
	[sflag:s1] =	ssyncset.done @!p0 $0x0  }
0x1e5: {  	s14 =	sor.u32 s14, s3;
	[sflag:s1] =	ssyncadd.s32 @!p0 $0xFFFFF000  }
0x1e6: {  	v13 =	vld [tilespmem:s14+$0x3000]  }
0x1e7: {  	s15 =	simm.s32 $0x0;
	v14 =	vld [tilespmem:s14+$0x4000]  }
0x1e8: {  	s16 =	simm.s32 $0x10;
	s1 =	sand.u32 $0x40, s15;
	v15 =	vld [tilespmem:s14+$0x5000]  }
0x1e9: {  	s17 =	simm.s32 $0x20;
	s12 =	sor.u32 s1, s3;
	s1 =	sand.u32 $0x50, s16  }
0x1ea: {  	v16 =	vld [tilespmem:s12+$0x3000];
	s28 =	sor.u32 s1, s3;
	s1 =	sand.u32 $0x60, s17  }
0x1eb: {  	v17 =	vld [tilespmem:s12+$0x4000];
	s9 =	sor.u32 s1, s3;
	v18 =	vmul.f32 v13, v1  }
0x1ec: {  	s22 =	simm.s32 $0x200;
	s10 =	simm.s32 $0x10;
	v25 =	vld [tilespmem:s9+$0x3000];
	v19 =	vmul.f32 v14, v2;
	v20 =	vmul.f32 v13, v5  }
0x1ed: {  	s18 =	sand.u32 $0xC00, s22;
	s24 =	simm.s32 $0x50;
	s19 =	sand.u32 $0x380, s10;
	v21 =	vmul.f32 v14, v6;
	v22 =	vmul.f32 v15, v3  }
0x1ee: {  	s16 =	sand.u32 $0x50, s24;
	s1 =	sor.u32 s19, s18;
	v13 =	vmul.f32 v13, v9;
	v14 =	vmul.f32 v14, v10  }
0x1ef: {  	s25 =	simm.s32 $0x60;
	v26 =	vld [tilespmem:s9+$0x4000];
	s4 =	sor.u32 s16, s1;
	v24 =	vmul.f32 v15, v7;
	v15 =	vmul.f32 v15, v11  }
0x1f0: {  	s18 =	sand.u32 $0x60, s25;
	v56 =	vld [tilespmem:s4+$0x3000];
	v23 =	vmul.f32 v16, v1;
	v18 =	vadd.f32 v19, v18;
	v20 =	vadd.f32 v21, v20  }
0x1f1: {  	s5 =	sor.u32 s18, s1;
	v59 =	vld [tilespmem:s4+$0x4000];
	v13 =	vadd.f32 v14, v13;
	v14 =	vmul.f32 v17, v2;
	v51 =	vmul.f32 v25, v5  }
0x1f2: {  	v37 =	vld [tilespmem:s5+$0x3000];
	v18 =	vadd.f32 v22, v18;
	v22 =	vmul.f32 v16, v5;
	v20 =	vadd.f32 v24, v20  }
0x1f3: {  	v19 =	vld [tilespmem:s28+$0x3000];
	v24 =	vmul.f32 v17, v6;
	v13 =	vadd.f32 v15, v13;
	v15 =	vmul.f32 v16, v9  }
0x1f4: {  	v21 =	vld [tilespmem:s28+$0x4000];
	v16 =	vmul.f32 v17, v10;
	v14 =	vadd.f32 v14, v23;
	v23 =	vmul.f32 v25, v1  }
0x1f5: {  	v25 =	vmul.f32 v25, v9;
	v61 =	vmul.f32 v56, v1  }
0x1f6: {  	v38 =	vmul.f32 v59, v2;
	v32 =	vmul.f32 v56, v9  }
0x1f7: {  	v62 =	vmul.f32 v37, v9;
	v22 =	vadd.f32 v24, v22;
	v24 =	vmul.f32 v26, v2  }
0x1f8: {  	v15 =	vadd.f32 v16, v15;
	v16 =	vmul.f32 v26, v6;
	v26 =	vmul.f32 v26, v10  }
0x1f9: {  	v29 =	vld [tilespmem:s12+$0x5000];
	v17 =	vadd.f32 v20, v8;
	v20 =	vmul.f32 v19, v1;
	v27 =	vmul.f32 v21, v2  }
0x1fa: {  	v31 =	vld [tilespmem:s28+$0x5000];
	v18 =	vadd.f32 v18, v4;
	v28 =	vmul.f32 v19, v5;
	v30 =	vmul.f32 v21, v6  }
0x1fb: {  	v52 =	vld [tilespmem:s9+$0x5000];
	v13 =	vadd.f32 v13, v12;
	v19 =	vmul.f32 v19, v9;
	v21 =	vmul.f32 v21, v10  }
0x1fc: {  	v18 =	vmax.f32 v18, $0.0e+00;
	v16 =	vadd.f32 v16, v51;
	v17 =	vmax.f32 v17, $0.0e+00  }
0x1fd: {  	v13 =	vmax.f32 v13, $0.0e+00;
	v20 =	vadd.f32 v27, v20;
	v27 =	vadd.f32 v30, v28  }
0x1fe: {  	v28 =	vmul.f32 v29, v3;
	v19 =	vadd.f32 v21, v19;
	v21 =	vadd.f32 v24, v23  }
0x1ff: {  	v23 =	vmul.f32 v29, v7;
	v24 =	vadd.f32 v26, v25;
	v25 =	vmul.f32 v29, v11  }
0x200: {  	v26 =	vmul.f32 v31, v3;
	v29 =	vmul.f32 v52, v7;
	v14 =	vadd.f32 v28, v14  }
0x201: {  	v22 =	vadd.f32 v23, v22;
	v23 =	vmul.f32 v31, v7;
	v28 =	vmul.f32 v31, v11  }
0x202: {  	v15 =	vadd.f32 v25, v15;
	v25 =	vmul.f32 v52, v3;
	v20 =	vadd.f32 v26, v20  }
0x203: {  	s20 =	simm.s32 $0x70;
	v26 =	vmul.f32 v52, v11;
	v16 =	vadd.f32 v29, v16;
	v23 =	vadd.f32 v23, v27  }
0x204: {  	s15 =	sand.u32 $0x70, s20;
	s24 =	simm.s32 $0x18020;
	v18 =	vmin.f32 v18, $1.599999900e+01;
	v19 =	vadd.f32 v28, v19;
	v21 =	vadd.f32 v25, v21  }
0x205: {  	s20 =	simm.s32 $0x19020;
	s3 =	sor.u32 s15, s1;
	v17 =	vmin.f32 v17, $1.599999900e+01;
	[tilespmem:s24+$0x10] =	vst v18;
	v24 =	vadd.f32 v26, v24;
	v14 =	vadd.f32 v14, v4  }
0x206: {  	s19 =	simm.s32 $0x1A020;
	[tilespmem:s20+$0x10] =	vst v17;
	v22 =	vadd.f32 v22, v8;
	v25 =	vmin.f32 v13, $1.599999900e+01;
	v26 =	vld [tilespmem:s3+$0x5000];
	v13 =	vadd.f32 v15, v12  }
0x207: {  	v15 =	vadd.f32 v20, v4;
	v20 =	vld [tilespmem:s3+$0x3000];
	v28 =	vadd.f32 v16, v8;
	[tilespmem:s19+$0x10] =	vst v25;
	v25 =	vmul.f32 v56, v5  }
0x208: {  	v27 =	vld [tilespmem:s3+$0x4000];
	v14 =	vmax.f32 v14, $0.0e+00;
	v23 =	vadd.f32 v23, v8;
	v19 =	vadd.f32 v19, v12  }
0x209: {  	v22 =	vmax.f32 v22, $0.0e+00;
	v21 =	vadd.f32 v21, v4;
	v29 =	vmax.f32 v13, $0.0e+00  }
0x20a: {  	s6 =	simm.s32 $0x40;
	v30 =	vmax.f32 v15, $0.0e+00;
	v13 =	vadd.f32 v24, v12;
	v22 =	vmin.f32 v22, $1.599999900e+01  }
0x20b: {  	s21 =	sand.u32 $0x40, s6;
	v30 =	vmin.f32 v30, $1.599999900e+01;
	v23 =	vmax.f32 v23, $0.0e+00;
	v16 =	vmax.f32 v19, $0.0e+00  }
0x20c: {  	s3 =	sor.u32 s21, s1;
	v15 =	vmax.f32 v21, $0.0e+00;
	v21 =	vmin.f32 v14, $1.599999900e+01;
	v24 =	vmul.f32 v26, v3  }
0x20d: {  	v19 =	vld [tilespmem:s3+$0x3000];
	v14 =	vmax.f32 v28, $0.0e+00;
	v31 =	vmul.f32 v20, v1;
	v53 =	vmul.f32 v27, v2  }
0x20e: {  	v28 =	vmin.f32 v29, $1.599999900e+01;
	v29 =	vld [tilespmem:s3+$0x4000];
	v54 =	vmul.f32 v20, v5;
	v55 =	vmul.f32 v27, v6  }
0x20f: {  	v13 =	vmax.f32 v13, $0.0e+00;
	v20 =	vmul.f32 v20, v9;
	v27 =	vmul.f32 v27, v10  }
0x210: {  	v58 =	vmul.f32 v26, v7;
	[tilespmem:s24+$0xFFFFFFE0] =	vst v21;
	v31 =	vadd.f32 v53, v31;
	v33 =	vadd.f32 v55, v54  }
0x211: {  	v26 =	vmul.f32 v26, v11;
	[tilespmem:s20+$0xFFFFFFE0] =	vst v22;
	v22 =	vmul.f32 v59, v10;
	v20 =	vadd.f32 v27, v20  }
0x212: {  	v18 =	vld [tilespmem:s5+$0x4000];
	v57 =	vmul.f32 v19, v1;
	v24 =	vadd.f32 v24, v31;
	v33 =	vadd.f32 v58, v33  }
0x213: {  	v27 =	vmul.f32 v29, v2;
	v31 =	vmul.f32 v19, v5;
	v20 =	vadd.f32 v26, v20  }
0x214: {  	v60 =	vmul.f32 v29, v6;
	v24 =	vadd.f32 v24, v4;
	v26 =	vadd.f32 v33, v8  }
0x215: {  	v23 =	vmin.f32 v23, $1.599999900e+01;
	v19 =	vmul.f32 v19, v9;
	v29 =	vmul.f32 v29, v10  }
0x216: {  	[tilespmem:s24+$0xFFFFFFF0] =	vst v30;
	v20 =	vadd.f32 v20, v12;
	v24 =	vmax.f32 v24, $0.0e+00;
	v17 =	vmax.f32 v26, $0.0e+00  }
0x217: {  	v40 =	vld [tilespmem:s3+$0x5000];
	[tilespmem:s20+$0xFFFFFFF0] =	vst v23;
	v26 =	vadd.f32 v60, v31;
	v31 =	vmul.f32 v18, v6;
	v24 =	vmin.f32 v24, $1.599999900e+01  }
0x218: {  	s1 =	simm.s32 $0x18060;
	[tilespmem:s19+$0xFFFFFFE0] =	vst v28;
	v39 =	vmin.f32 v17, $1.599999900e+01;
	v17 =	vmax.f32 v20, $0.0e+00;
	v20 =	vadd.f32 v29, v19  }
0x219: {  	s26 =	sor.u32 $0x1, s13;
	v19 =	vmul.f32 v18, v2;
	v18 =	vmul.f32 v18, v10;
	v41 =	vmin.f32 v17, $1.599999900e+01;
	v17 =	vld [tilespmem:s4+$0x5000];
	[tilespmem:s1+$0x10] =	vst v24  }
0x21a: {  	v28 =	vmul.f32 v37, v1;
	v35 =	vadd.f32 v27, v57;
	v27 =	vmul.f32 v59, v6;
	[dreg:$0x1a] =	wrdreg s26  }
0x21b: {  	v23 =	vadd.f32 v22, v32;
	v29 =	vmul.f32 v37, v5;
	v22 =	vadd.f32 v18, v62;
	v18 =	vld [tilespmem:s5+$0x5000]  }
0x21c: {  	s3 =	simm.s32 $0x19060;
	v21 =	vadd.f32 v38, v61;
	v63 =	vmul.f32 v40, v3;
	v27 =	vadd.f32 v27, v25  }
0x21d: {  	s7 =	simm.s32 $0x1A060;
	v30 =	vmul.f32 v40, v7;
	v24 =	vadd.f32 v19, v28;
	v25 =	vadd.f32 v31, v29;
	[tilespmem:s3+$0x10] =	vst v39  }
0x21e: {  	s29 =	simm.s32 $0x19020;
	s13 =	simm.s32 $0x18020;
	s4 =	simm.s32 $0x1A020;
	v19 =	vadd.f32 v63, v35;
	v29 =	vmul.f32 v40, v11;
	[tilespmem:s7+$0x10] =	vst v41;
	v28 =	vmul.f32 v17, v3  }
.LBB2_7:
0x21f: {  	v26 =	vadd.f32 v30, v26;
	v30 =	vmul.f32 v17, v7;
	v17 =	vmul.f32 v17, v11;
	s5 =	smov.u32 s6;
	s6 =	sadd.s32 $0x40, s6  }
0x220: {  	v31 =	vmul.f32 v18, v7;
	s17 =	sand.u32 $0x40, s6;
	s21 =	sadd.s32 $0x50, s5;
	s25 =	sadd.s32 $0x60, s5;
	v20 =	vadd.f32 v29, v20;
	v29 =	vmul.f32 v18, v3  }
0x221: {  	s22 =	sadd.s32 $0x200, s22;
	s10 =	sadd.s32 $0x10, s10;
	v21 =	vadd.f32 v28, v21;
	v18 =	vmul.f32 v18, v11;
	s21 =	sand.u32 $0x50, s21;
	v27 =	vadd.f32 v30, v27  }
0x222: {  	v16 =	vmin.f32 v16, $1.599999900e+01;
	s26 =	sand.u32 $0xC00, s22;
	s11 =	sand.u32 $0x380, s10;
	s5 =	sadd.s32 $0x70, s5;
	v17 =	vadd.f32 v17, v23;
	v23 =	vadd.f32 v29, v24  }
0x223: {  	v15 =	vmin.f32 v15, $1.599999900e+01;
	s11 =	sor.u32 s11, s26;
	s25 =	sand.u32 $0x60, s25;
	s5 =	sand.u32 $0x70, s5;
	v24 =	vadd.f32 v31, v25;
	v18 =	vadd.f32 v18, v22;
	[tilespmem:s4+$0xFFFFFFF0] =	vst v16  }
0x224: {  	v14 =	vmin.f32 v14, $1.599999900e+01;
	s26 =	sor.u32 s17, s11;
	s17 =	sor.u32 s21, s11;
	s5 =	sor.u32 s5, s11;
	v16 =	vadd.f32 v19, v4;
	v19 =	vadd.f32 v26, v8;
	[tilespmem:s13+$0x0] =	vst v15  }
0x225: {  	v13 =	vmin.f32 v13, $1.599999900e+01;
	s21 =	sor.u32 s25, s11;
	v15 =	vadd.f32 v20, v12;
	v20 =	vadd.f32 v21, v4;
	s13 =	smov.u32 s1;
	v22 =	vld [tilespmem:s5+$0x5000];
	[tilespmem:s29+$0x0] =	vst v14;
	s29 =	smov.u32 s3  }
0x226: {  	p2 =	slt.u32 s6, $0xFC0;
	v17 =	vadd.f32 v17, v12;
	v14 =	vmax.f32 v16, $0.0e+00;
	v16 =	vadd.f32 v27, v8;
	v21 =	vld [tilespmem:s5+$0x3000];
	[tilespmem:s4+$0x0] =	vst v13;
	s4 =	smov.u32 s7  }
0x227: {  	v19 =	vmax.f32 v19, $0.0e+00;
	v13 =	vadd.f32 v23, v4;
	v23 =	vadd.f32 v24, v8;
	v25 =	vld [tilespmem:s5+$0x4000]  }
0x228: {  	v18 =	vadd.f32 v18, v12;
	v26 =	vmax.f32 v15, $0.0e+00;
	v20 =	vmax.f32 v20, $0.0e+00;
	v24 =	vld [tilespmem:s26+$0x3000]  }
0x229: {  	v28 =	vmax.f32 v16, $0.0e+00;
	v16 =	vmax.f32 v17, $0.0e+00;
	v15 =	vmax.f32 v13, $0.0e+00;
	v27 =	vld [tilespmem:s26+$0x4000]  }
0x22a: {  	v17 =	vmin.f32 v14, $1.599999900e+01;
	v14 =	vmax.f32 v23, $0.0e+00;
	v13 =	vmax.f32 v18, $0.0e+00;
	v29 =	vld [tilespmem:s17+$0x3000]  }
0x22b: {  	v18 =	vmin.f32 v26, $1.599999900e+01;
	v30 =	vmul.f32 v22, v3;
	v23 =	vld [tilespmem:s17+$0x4000];
	[tilespmem:s1+$0xFFFFFFE0] =	vst v17;
	v17 =	vmin.f32 v19, $1.599999900e+01  }
0x22c: {  	v26 =	vmul.f32 v21, v1;
	v19 =	vld [tilespmem:s21+$0x3000];
	v31 =	vmul.f32 v25, v2;
	[tilespmem:s3+$0xFFFFFFE0] =	vst v17;
	v17 =	vmin.f32 v20, $1.599999900e+01  }
0x22d: {  	v20 =	vmul.f32 v21, v5;
	v33 =	vmul.f32 v25, v6;
	v32 =	vld [tilespmem:s21+$0x4000];
	[tilespmem:s7+$0xFFFFFFE0] =	vst v18;
	v18 =	vmin.f32 v28, $1.599999900e+01  }
0x22e: {  	v21 =	vmul.f32 v21, v9;
	v25 =	vmul.f32 v25, v10;
	v28 =	vld [tilespmem:s26+$0x5000];
	v26 =	vadd.f32 v31, v26;
	[tilespmem:s1+$0xFFFFFFF0] =	vst v17  }
0x22f: {  	v31 =	vmul.f32 v24, v1;
	v20 =	vadd.f32 v33, v20;
	v33 =	vmul.f32 v22, v7;
	v17 =	vld [tilespmem:s17+$0x5000];
	[tilespmem:s3+$0xFFFFFFF0] =	vst v18  }
0x230: {  	v21 =	vadd.f32 v25, v21;
	v22 =	vmul.f32 v22, v11;
	v18 =	vld [tilespmem:s21+$0x5000];
	v26 =	vadd.f32 v30, v26  }
0x231: {  	v25 =	vmul.f32 v27, v2;
	v30 =	vmul.f32 v24, v5;
	v20 =	vadd.f32 v33, v20  }
0x232: {  	v33 =	vmul.f32 v27, v6;
	v21 =	vadd.f32 v22, v21;
	v26 =	vadd.f32 v26, v4  }
0x233: {  	v22 =	vmul.f32 v24, v9;
	v24 =	vmul.f32 v27, v10;
	v20 =	vadd.f32 v20, v8  }
0x234: {  	v27 =	vmul.f32 v29, v1;
	v21 =	vadd.f32 v21, v12;
	v26 =	vmax.f32 v26, $0.0e+00  }
0x235: {  	s1 =	sadd.s32 $0x40, s1;
	v34 =	vmul.f32 v23, v2;
	v20 =	vmax.f32 v20, $0.0e+00;
	v26 =	vmin.f32 v26, $1.599999900e+01  }
0x236: {  	v35 =	vmul.f32 v29, v5;
	s3 =	sadd.s32 $0x40, s3;
	v21 =	vmax.f32 v21, $0.0e+00;
	v20 =	vmin.f32 v20, $1.599999900e+01;
	[tilespmem:s1+$0x10] =	vst v26  }
0x237: {  	s7 =	sadd.s32 $0x40, s7;
	v36 =	vmul.f32 v23, v6;
	v29 =	vmul.f32 v29, v9;
	[tilespmem:s3+$0x10] =	vst v20;
	v20 =	vmin.f32 v21, $1.599999900e+01  }
0x238: {  	v31 =	vadd.f32 v25, v31;
	v23 =	vmul.f32 v23, v10;
	v25 =	vmul.f32 v19, v1;
	[tilespmem:s7+$0x10] =	vst v20  }
0x239: {  	v26 =	vadd.f32 v33, v30;
	v30 =	vmul.f32 v32, v2;
	v33 =	vmul.f32 v19, v5  }
.Ltmp4:
0x23a: {  	v19 =	vmul.f32 v19, v9;
	v20 =	vadd.f32 v24, v22;
	v22 =	vmul.f32 v32, v6;
	(pc) =	sbr.rel @p2 .LBB2_7-.Ltmp4, $4  }
0x23b: {  	v21 =	vadd.f32 v34, v27;
	v27 =	vadd.f32 v36, v35;
	v32 =	vmul.f32 v32, v10  }
0x23c: {  	v23 =	vadd.f32 v23, v29;
	v34 =	vmul.f32 v28, v3;
	v24 =	vadd.f32 v30, v25  }
0x23d: {  	v30 =	vmul.f32 v28, v7;
	v25 =	vadd.f32 v22, v33;
	v22 =	vadd.f32 v32, v19  }
0x23e: {  	v29 =	vmul.f32 v28, v11;
	v28 =	vmul.f32 v17, v3;
	v19 =	vadd.f32 v34, v31  }
0x23f: {  	v26 =	vadd.f32 v30, v26;
	v30 =	vmul.f32 v17, v7;
	v17 =	vmul.f32 v17, v11  }
0x240: {  	v31 =	vmul.f32 v18, v7;
	v16 =	vmin.f32 v16, $1.599999900e+01;
	v15 =	vmin.f32 v15, $1.599999900e+01  }
0x241: {  	v14 =	vmin.f32 v14, $1.599999900e+01;
	v20 =	vadd.f32 v29, v20;
	v21 =	vadd.f32 v28, v21  }
0x242: {  	v29 =	vmul.f32 v18, v3;
	[tilespmem:s4+$0xFFFFFFF0] =	vst v16;
	v16 =	vadd.f32 v19, v4;
	v27 =	vadd.f32 v30, v27  }
0x243: {  	v18 =	vmul.f32 v18, v11;
	v17 =	vadd.f32 v17, v23;
	v19 =	vadd.f32 v26, v8  }
0x244: {  	v13 =	vmin.f32 v13, $1.599999900e+01;
	[tilespmem:s13+$0x0] =	vst v15;
	v23 =	vadd.f32 v29, v24;
	v24 =	vadd.f32 v31, v25  }
0x245: {  	[tilespmem:s29+$0x0] =	vst v14;
	v18 =	vadd.f32 v18, v22;
	v15 =	vadd.f32 v20, v12;
	v14 =	vmax.f32 v16, $0.0e+00  }
0x246: {  	v16 =	vadd.f32 v21, v4;
	[tilespmem:s4+$0x0] =	vst v13;
	v13 =	vmax.f32 v19, $0.0e+00;
	v14 =	vmin.f32 v14, $1.599999900e+01  }
0x247: {  	v19 =	vadd.f32 v27, v8;
	v15 =	vmax.f32 v15, $0.0e+00;
	[tilespmem:s1+$0xFFFFFFE0] =	vst v14;
	v13 =	vmin.f32 v13, $1.599999900e+01  }
0x248: {  	v14 =	vadd.f32 v17, v12;
	v16 =	vmax.f32 v16, $0.0e+00;
	v15 =	vmin.f32 v15, $1.599999900e+01;
	[tilespmem:s3+$0xFFFFFFE0] =	vst v13  }
0x249: {  	v13 =	vadd.f32 v23, v4;
	v17 =	vmax.f32 v19, $0.0e+00;
	v16 =	vmin.f32 v16, $1.599999900e+01;
	[tilespmem:s7+$0xFFFFFFE0] =	vst v15  }
0x24a: {  	v15 =	vadd.f32 v24, v8;
	v14 =	vmax.f32 v14, $0.0e+00;
	v17 =	vmin.f32 v17, $1.599999900e+01;
	[tilespmem:s1+$0xFFFFFFF0] =	vst v16  }
0x24b: {  	v16 =	vadd.f32 v18, v12;
	v13 =	vmax.f32 v13, $0.0e+00;
	[tilespmem:s3+$0xFFFFFFF0] =	vst v17;
	v14 =	vmin.f32 v14, $1.599999900e+01  }
0x24c: {  	v15 =	vmax.f32 v15, $0.0e+00;
	[tilespmem:s7+$0xFFFFFFF0] =	vst v14;
	v13 =	vmin.f32 v13, $1.599999900e+01  }
0x24d: {  	v14 =	vmax.f32 v16, $0.0e+00;
	[tilespmem:s1+$0x0] =	vst v13;
	v13 =	vmin.f32 v15, $1.599999900e+01  }
0x24e: {  	[tilespmem:s3+$0x0] =	vst v13;
	v13 =	vmin.f32 v14, $1.599999900e+01  }
0x24f: {  	[tilespmem:s7+$0x0] =	vst v13  }
0x250: {  	v13 =	vld [tilespmem:s24+$0x10];
	_ =	sdelay $0x4  }
0x251: {  	v14 =	vld [tilespmem:s24+$0xFFFFFFE0];
	v16 =	vtrunc.f32 v13  }
0x252: {  	v15 =	vld [tilespmem:s24+$0xFFFFFFF0];
	v16 =	vcvt.f32.s32 v16;
	_ =	sdelay $0x1  }
0x253: {  	v17 =	vld [tilespmem:s24+$0x0];
	_ =	sdelay $0x1  }
0x254: {  	v18 =	vtrunc.f32 v14  }
0x255: {  	v19 =	vtrunc.f32 v15;
	v18 =	vcvt.f32.s32 v18  }
0x256: {  	v19 =	vcvt.f32.s32 v19;
	v21 =	vld.idx.msk [tilespmem:v16+s30+$0x0], $0xffff  }
0x257: {  	v20 =	vtrunc.f32 v17  }
0x258: {  	v20 =	vcvt.f32.s32 v20;
	v16 =	vld.idx.msk [tilespmem:v16+s31+$0x0], $0xffff;
	_ =	sdelay $0x2  }
0x259: {  	v22 =	vld.idx.msk [tilespmem:v18+s30+$0x0], $0xffff;
	v13 =	vmul.f32 v21, v13  }
0x25a: {  	v23 =	vld.idx.msk [tilespmem:v19+s30+$0x0], $0xffff  }
0x25b: {  	v18 =	vld.idx.msk [tilespmem:v18+s31+$0x0], $0xffff;
	v13 =	vadd.f32 v16, v13  }
0x25c: {  	v21 =	vld.idx.msk [tilespmem:v20+s30+$0x0], $0xffff  }
0x25d: {  	v16 =	vld.idx.msk [tilespmem:v19+s31+$0x0], $0xffff;
	[tilespmem:s14+$0xF000] =	vst v13  }
0x25e: {  	v13 =	vld [tilespmem:s20+$0x10]  }
0x25f: {  	v14 =	vmul.f32 v22, v14;
	v19 =	vld.idx.msk [tilespmem:v20+s31+$0x0], $0xffff  }
0x260: {  	v15 =	vmul.f32 v23, v15  }
0x261: {  	s10 =	simm.s32 $0x18060;
	v14 =	vadd.f32 v18, v14  }
0x262: {  	v24 =	vld [tilespmem:s10+$0xFFFFFFF0];
	v17 =	vmul.f32 v21, v17;
	v15 =	vadd.f32 v16, v15  }
0x263: {  	[tilespmem:s12+$0xF000] =	vst v14;
	v16 =	vtrunc.f32 v13  }
0x264: {  	v14 =	vadd.f32 v19, v17;
	v17 =	vld [tilespmem:s20+$0xFFFFFFE0];
	[tilespmem:s28+$0xF000] =	vst v15;
	v15 =	vcvt.f32.s32 v16;
	_ =	sdelay $0x1  }
0x265: {  	v18 =	vld [tilespmem:s20+$0xFFFFFFF0]  }
0x266: {  	v30 =	vtrunc.f32 v24;
	v19 =	vld [tilespmem:s10+$0x10]  }
0x267: {  	v25 =	vld [tilespmem:s10+$0x0];
	v30 =	vcvt.f32.s32 v30;
	[tilespmem:s9+$0xF000] =	vst v14  }
0x268: {  	v14 =	vld [tilespmem:s20+$0x0];
	v16 =	vtrunc.f32 v17  }
0x269: {  	v16 =	vcvt.f32.s32 v16;
	v21 =	vld.idx.msk [tilespmem:v15+s2+$0x0], $0xffff  }
0x26a: {  	v23 =	vld [tilespmem:s10+$0xFFFFFFE0];
	v20 =	vtrunc.f32 v18  }
0x26b: {  	s21 =	simm.s32 $0x180A0;
	v26 =	vtrunc.f32 v19;
	v20 =	vcvt.f32.s32 v20;
	v15 =	vld.idx.msk [tilespmem:v15+s0+$0x0], $0xffff  }
0x26c: {  	v57 =	vld [tilespmem:s21+$0xFFFFFFF0];
	v26 =	vcvt.f32.s32 v26  }
0x26d: {  	v32 =	vld.idx.msk [tilespmem:v30+s30+$0x0], $0xffff  }
0x26e: {  	v30 =	vld.idx.msk [tilespmem:v30+s31+$0x0], $0xffff;
	v22 =	vtrunc.f32 v14;
	v13 =	vmul.f32 v21, v13  }
0x26f: {  	v22 =	vcvt.f32.s32 v22;
	v27 =	vld.idx.msk [tilespmem:v16+s2+$0x0], $0xffff  }
0x270: {  	v28 =	vtrunc.f32 v23;
	v16 =	vld.idx.msk [tilespmem:v16+s0+$0x0], $0xffff;
	v13 =	vadd.f32 v15, v13  }
0x271: {  	v28 =	vcvt.f32.s32 v28;
	v21 =	vld.idx.msk [tilespmem:v20+s2+$0x0], $0xffff  }
0x272: {  	v15 =	vtrunc.f32 v25;
	[tilespmem:s14+$0x10000] =	vst v13;
	v13 =	vld.idx.msk [tilespmem:v26+s30+$0x0], $0xffff  }
0x273: {  	v31 =	vcvt.f32.s32 v15;
	v15 =	vld [tilespmem:s19+$0x10]  }
0x274: {  	v17 =	vmul.f32 v27, v17;
	v26 =	vld.idx.msk [tilespmem:v26+s31+$0x0], $0xffff  }
0x275: {  	v29 =	vld.idx.msk [tilespmem:v22+s2+$0x0], $0xffff  }
0x276: {  	v20 =	vld.idx.msk [tilespmem:v20+s0+$0x0], $0xffff;
	v16 =	vadd.f32 v16, v17  }
0x277: {  	s11 =	simm.s32 $0x200;
	s13 =	simm.s32 $0x10;
	v27 =	vld.idx.msk [tilespmem:v28+s30+$0x0], $0xffff;
	v13 =	vmul.f32 v13, v19  }
0x278: {  	s1 =	sand.u32 $0xC00, s11;
	s3 =	sand.u32 $0x380, s13;
	v28 =	vld.idx.msk [tilespmem:v28+s31+$0x0], $0xffff;
	[tilespmem:s12+$0x10000] =	vst v16;
	v19 =	vtrunc.f32 v15  }
0x279: {  	s1 =	sor.u32 s3, s1;
	v16 =	vld [tilespmem:s19+$0xFFFFFFE0];
	v19 =	vcvt.f32.s32 v19;
	v13 =	vadd.f32 v26, v13  }
0x27a: {  	s22 =	sor.u32 s15, s1;
	v17 =	vld.idx.msk [tilespmem:v31+s30+$0x0], $0xffff  }
0x27b: {  	s17 =	simm.s32 $0x19060;
	v26 =	vld.idx.msk [tilespmem:v31+s31+$0x0], $0xffff;
	[tilespmem:s22+$0xF000] =	vst v13  }
0x27c: {  	v13 =	vmul.f32 v21, v18;
	v18 =	vld [tilespmem:s17+$0x10]  }
0x27d: {  	v21 =	vld.idx.msk [tilespmem:v22+s0+$0x0], $0xffff;
	v22 =	vmul.f32 v27, v23  }
0x27e: {  	v33 =	vld [tilespmem:s21+$0x0];
	s20 =	simm.s32 $0x40;
	v13 =	vadd.f32 v20, v13;
	v20 =	vmul.f32 v32, v24  }
0x27f: {  	s4 =	sand.u32 $0x40, s20;
	v14 =	vmul.f32 v29, v14;
	v22 =	vadd.f32 v28, v22;
	v23 =	vld.idx.msk [tilespmem:v19+s23+$0x0], $0xffff  }
0x280: {  	s20 =	sor.u32 s4, s1;
	v17 =	vmul.f32 v17, v25;
	v24 =	vtrunc.f32 v16;
	[tilespmem:s28+$0x10000] =	vst v13;
	v13 =	vadd.f32 v30, v20;
	v30 =	vld [tilespmem:s21+$0x10]  }
0x281: {  	v25 =	vld.idx.msk [tilespmem:v19+s8+$0x0], $0xffff;
	v19 =	vcvt.f32.s32 v24;
	[tilespmem:s20+$0xF000] =	vst v22;
	v20 =	vtrunc.f32 v18  }
0x282: {  	s15 =	sor.u32 s16, s1;
	v17 =	vadd.f32 v26, v17;
	v14 =	vadd.f32 v21, v14;
	v21 =	vld [tilespmem:s17+$0xFFFFFFE0];
	v20 =	vcvt.f32.s32 v20  }
0x283: {  	s16 =	sor.u32 s18, s1;
	v31 =	vld [tilespmem:s21+$0xFFFFFFE0];
	[tilespmem:s15+$0xF000] =	vst v13  }
0x284: {  	[tilespmem:s16+$0xF000] =	vst v17;
	v22 =	vld [tilespmem:s17+$0xFFFFFFF0]  }
0x285: {  	[tilespmem:s9+$0x10000] =	vst v14;
	v14 =	vld [tilespmem:s17+$0x0];
	v34 =	vtrunc.f32 v30  }
0x286: {  	v24 =	vld [tilespmem:s19+$0xFFFFFFF0];
	v34 =	vcvt.f32.s32 v34  }
0x287: {  	v26 =	vld.idx.msk [tilespmem:v19+s23+$0x0], $0xffff;
	v17 =	vtrunc.f32 v21  }
0x288: {  	v17 =	vcvt.f32.s32 v17;
	v28 =	vld.idx.msk [tilespmem:v20+s2+$0x0], $0xffff  }
0x289: {  	v27 =	vld.idx.msk [tilespmem:v19+s8+$0x0], $0xffff;
	v19 =	vtrunc.f32 v22  }
0x28a: {  	v29 =	vtrunc.f32 v14;
	v19 =	vcvt.f32.s32 v19;
	v20 =	vld.idx.msk [tilespmem:v20+s0+$0x0], $0xffff  }
0x28b: {  	v13 =	vld [tilespmem:s19+$0x0];
	v29 =	vcvt.f32.s32 v29  }
0x28c: {  	v40 =	vld.idx.msk [tilespmem:v34+s30+$0x0], $0xffff  }
0x28d: {  	v34 =	vld.idx.msk [tilespmem:v34+s31+$0x0], $0xffff;
	v18 =	vmul.f32 v28, v18  }
0x28e: {  	v35 =	vld.idx.msk [tilespmem:v17+s2+$0x0], $0xffff;
	v28 =	vtrunc.f32 v24  }
0x28f: {  	v17 =	vld.idx.msk [tilespmem:v17+s0+$0x0], $0xffff;
	v28 =	vcvt.f32.s32 v28;
	v18 =	vadd.f32 v20, v18;
	v20 =	vtrunc.f32 v31  }
0x290: {  	v36 =	vld.idx.msk [tilespmem:v19+s2+$0x0], $0xffff;
	v20 =	vcvt.f32.s32 v20  }
0x291: {  	v37 =	vld.idx.msk [tilespmem:v29+s2+$0x0], $0xffff  }
0x292: {  	v38 =	vtrunc.f32 v57;
	v58 =	vtrunc.f32 v33;
	v19 =	vld.idx.msk [tilespmem:v19+s0+$0x0], $0xffff  }
0x293: {  	s10 =	simm.s32 $0x1A060;
	v29 =	vld.idx.msk [tilespmem:v29+s0+$0x0], $0xffff;
	[tilespmem:s22+$0x10000] =	vst v18;
	v18 =	vcvt.f32.s32 v38;
	v21 =	vmul.f32 v35, v21  }
0x294: {  	v38 =	vcvt.f32.s32 v58;
	v39 =	vld [tilespmem:s10+$0x10]  }
0x295: {  	v17 =	vadd.f32 v17, v21;
	v41 =	vld.idx.msk [tilespmem:v28+s23+$0x0], $0xffff  }
0x296: {  	v42 =	vld.idx.msk [tilespmem:v20+s30+$0x0], $0xffff  }
0x297: {  	[tilespmem:s20+$0x10000] =	vst v17;
	v20 =	vld.idx.msk [tilespmem:v20+s31+$0x0], $0xffff  }
0x298: {  	s3 =	simm.s32 $0x20;
	s1 =	simm.s32 $0x400;
	v21 =	vmul.f32 v40, v30;
	v17 =	vld [tilespmem:s10+$0xFFFFFFE0]  }
0x299: {  	s6 =	simm.s32 $0xB0;
	s5 =	sand.u32 $0x380, s3;
	s24 =	sand.u32 $0xC00, s1;
	v22 =	vmul.f32 v36, v22;
	v43 =	vtrunc.f32 v39;
	v59 =	vld.idx.msk [tilespmem:v18+s30+$0x0], $0xffff  }
0x29a: {  	s25 =	sand.u32 $0x70, s6;
	s5 =	sor.u32 s5, s24;
	v14 =	vmul.f32 v37, v14;
	v21 =	vadd.f32 v34, v21;
	v44 =	vld.idx.msk [tilespmem:v38+s30+$0x0], $0xffff;
	v43 =	vcvt.f32.s32 v43  }
0x29b: {  	s6 =	sor.u32 s25, s5;
	v22 =	vadd.f32 v19, v22;
	v18 =	vld.idx.msk [tilespmem:v18+s31+$0x0], $0xffff  }
0x29c: {  	s7 =	simm.s32 $0x190A0;
	v14 =	vadd.f32 v29, v14;
	v30 =	vld.idx.msk [tilespmem:v38+s31+$0x0], $0xffff;
	[tilespmem:s6+$0xF000] =	vst v21  }
0x29d: {  	[tilespmem:s15+$0x10000] =	vst v22;
	v19 =	vld [tilespmem:s7+$0x10];
	v31 =	vmul.f32 v42, v31  }
0x29e: {  	s18 =	simm.s32 $0x80;
	v21 =	vtrunc.f32 v13;
	[tilespmem:s16+$0x10000] =	vst v14;
	v14 =	vld [tilespmem:s10+$0xFFFFFFF0];
	v29 =	vmul.f32 v59, v57  }
0x29f: {  	s11 =	simm.s32 $0x90;
	s26 =	sand.u32 $0x40, s18;
	v22 =	vmul.f32 v44, v33;
	v20 =	vadd.f32 v20, v31;
	v31 =	vcvt.f32.s32 v21;
	v21 =	vld [tilespmem:s10+$0x0]  }
0x2a0: {  	s29 =	simm.s32 $0xA0;
	s11 =	sand.u32 $0x50, s11;
	s19 =	sor.u32 s26, s5;
	v60 =	vld.idx.msk [tilespmem:v43+s23+$0x0], $0xffff;
	v18 =	vadd.f32 v18, v29  }
0x2a1: {  	s13 =	sand.u32 $0x60, s29;
	s4 =	sor.u32 s11, s5;
	v61 =	vld.idx.msk [tilespmem:v43+s8+$0x0], $0xffff;
	v29 =	vadd.f32 v30, v22;
	v22 =	vtrunc.f32 v17;
	[tilespmem:s19+$0xF000] =	vst v20  }
0x2a2: {  	s13 =	sor.u32 s13, s5;
	v15 =	vmul.f32 v23, v15;
	v62 =	vcvt.f32.s32 v22;
	v20 =	vld [tilespmem:s7+$0xFFFFFFE0];
	[tilespmem:s4+$0xF000] =	vst v18  }
0x2a3: {  	v16 =	vmul.f32 v26, v16;
	[tilespmem:s13+$0xF000] =	vst v29;
	v18 =	vtrunc.f32 v19;
	v22 =	vld [tilespmem:s7+$0xFFFFFFF0]  }
0x2a4: {  	v26 =	vtrunc.f32 v14;
	v23 =	vld [tilespmem:s7+$0x0];
	v32 =	vcvt.f32.s32 v18  }
0x2a5: {  	v29 =	vadd.f32 v25, v15;
	v15 =	vcvt.f32.s32 v26;
	v25 =	vld.idx.msk [tilespmem:v28+s8+$0x0], $0xffff  }
0x2a6: {  	v26 =	vadd.f32 v27, v16;
	v18 =	vmul.f32 v41, v24;
	v24 =	vld.idx.msk [tilespmem:v31+s23+$0x0], $0xffff;
	v30 =	vmul.f32 v60, v39  }
0x2a7: {  	v16 =	vtrunc.f32 v21;
	[tilespmem:s14+$0x11000] =	vst v29;
	v27 =	vld.idx.msk [tilespmem:v31+s8+$0x0], $0xffff;
	v28 =	vtrunc.f32 v20  }
0x2a8: {  	[tilespmem:s12+$0x11000] =	vst v26;
	v16 =	vcvt.f32.s32 v16;
	v29 =	vadd.f32 v61, v30;
	v26 =	vld.idx.msk [tilespmem:v62+s8+$0x0], $0xffff;
	v30 =	vcvt.f32.s32 v28  }
0x2a9: {  	v28 =	vld.idx.msk [tilespmem:v62+s23+$0x0], $0xffff;
	v31 =	vtrunc.f32 v22;
	v63 =	vtrunc.f32 v23  }
0x2aa: {  	s12 =	simm.s32 $0x180E0;
	[tilespmem:s22+$0x11000] =	vst v29;
	v31 =	vcvt.f32.s32 v31;
	v29 =	vcvt.f32.s32 v63;
	v33 =	vld.idx.msk [tilespmem:v32+s2+$0x0], $0xffff  }
.LBB2_9:
0x2ab: {  	v34 =	vld [tilespmem:s12+$0x10];
	v24 =	vmul.f32 v24, v13;
	v13 =	vmov v21;
	s14 =	smov.u32 s18  }
0x2ac: {  	v18 =	vadd.f32 v25, v18;
	v21 =	vld.idx.msk [tilespmem:v32+s0+$0x0], $0xffff  }
0x2ad: {  	v25 =	vld [tilespmem:s12+$0xFFFFFFE0];
	v24 =	vadd.f32 v27, v24  }
0x2ae: {  	v17 =	vmul.f32 v28, v17;
	v27 =	vld [tilespmem:s12+$0xFFFFFFF0];
	[tilespmem:s28+$0x11000] =	vst v18;
	s28 =	smov.u32 s15;
	s15 =	smov.u32 s4  }
0x2af: {  	v28 =	vld [tilespmem:s12+$0x0];
	[tilespmem:s9+$0x11000] =	vst v24;
	s9 =	smov.u32 s16;
	s16 =	smov.u32 s13  }
0x2b0: {  	v19 =	vmul.f32 v33, v19;
	v17 =	vadd.f32 v26, v17;
	v18 =	vtrunc.f32 v34;
	v24 =	vld.idx.msk [tilespmem:v30+s2+$0x0], $0xffff  }
0x2b1: {  	v18 =	vcvt.f32.s32 v18;
	v26 =	vld.idx.msk [tilespmem:v31+s2+$0x0], $0xffff  }
0x2b2: {  	v19 =	vadd.f32 v21, v19;
	v32 =	vtrunc.f32 v25;
	v33 =	vld.idx.msk [tilespmem:v29+s2+$0x0], $0xffff;
	[tilespmem:s20+$0x11000] =	vst v17;
	s20 =	smov.u32 s19  }
0x2b3: {  	v17 =	vcvt.f32.s32 v32;
	v21 =	vtrunc.f32 v27;
	v30 =	vld.idx.msk [tilespmem:v30+s0+$0x0], $0xffff  }
0x2b4: {  	s10 =	sadd.s32 $0x40, s10;
	v21 =	vcvt.f32.s32 v21;
	v32 =	vtrunc.f32 v28;
	v31 =	vld.idx.msk [tilespmem:v31+s0+$0x0], $0xffff;
	[tilespmem:s6+$0x10000] =	vst v19  }
0x2b5: {  	v19 =	vcvt.f32.s32 v32;
	v32 =	vld [tilespmem:s10+$0x10]  }
0x2b6: {  	v20 =	vmul.f32 v24, v20;
	v24 =	vld.idx.msk [tilespmem:v29+s0+$0x0], $0xffff  }
0x2b7: {  	v22 =	vmul.f32 v26, v22;
	v29 =	vld.idx.msk [tilespmem:v18+s30+$0x0], $0xffff  }
0x2b8: {  	v23 =	vmul.f32 v33, v23;
	v26 =	vld.idx.msk [tilespmem:v15+s23+$0x0], $0xffff  }
0x2b9: {  	v33 =	vld.idx.msk [tilespmem:v18+s31+$0x0], $0xffff;
	v18 =	vadd.f32 v30, v20  }
0x2ba: {  	v22 =	vadd.f32 v31, v22;
	v20 =	vld.idx.msk [tilespmem:v17+s30+$0x0], $0xffff;
	v30 =	vtrunc.f32 v32  }
0x2bb: {  	s18 =	sadd.s32 $0x40, s18;
	v31 =	vld.idx.msk [tilespmem:v21+s30+$0x0], $0xffff;
	[tilespmem:s20+$0x10000] =	vst v18;
	v30 =	vcvt.f32.s32 v30  }
0x2bc: {  	s5 =	sadd.s32 $0x50, s14;
	s11 =	sadd.s32 $0x60, s14;
	s4 =	sand.u32 $0x40, s18;
	v18 =	vadd.f32 v24, v23;
	v35 =	vld.idx.msk [tilespmem:v19+s30+$0x0], $0xffff;
	[tilespmem:s15+$0x10000] =	vst v22  }
0x2bd: {  	s1 =	sadd.s32 $0x200, s1;
	s3 =	sadd.s32 $0x10, s3;
	s5 =	sand.u32 $0x50, s5;
	v22 =	vld.idx.msk [tilespmem:v17+s31+$0x0], $0xffff;
	v17 =	vmul.f32 v29, v34  }
0x2be: {  	s17 =	sand.u32 $0x380, s3;
	s14 =	sadd.s32 $0x70, s14;
	s13 =	sand.u32 $0xC00, s1;
	v21 =	vld.idx.msk [tilespmem:v21+s31+$0x0], $0xffff;
	[tilespmem:s16+$0x10000] =	vst v18;
	v18 =	vmul.f32 v26, v14  }
0x2bf: {  	s11 =	sand.u32 $0x60, s11;
	s14 =	sand.u32 $0x70, s14;
	s13 =	sor.u32 s17, s13;
	v23 =	vld.idx.msk [tilespmem:v19+s31+$0x0], $0xffff;
	v14 =	vadd.f32 v33, v17  }
0x2c0: {  	s19 =	sor.u32 s4, s13;
	s4 =	sor.u32 s5, s13;
	s5 =	sor.u32 s14, s13;
	v20 =	vmul.f32 v20, v25;
	v17 =	vld [tilespmem:s10+$0xFFFFFFE0]  }
0x2c1: {  	s7 =	sadd.s32 $0x40, s7;
	p2 =	slt.u32 s18, $0xFC0;
	s13 =	sor.u32 s11, s13;
	v24 =	vmul.f32 v31, v27;
	[tilespmem:s5+$0xF000] =	vst v14;
	v25 =	vld.idx.msk [tilespmem:v30+s23+$0x0], $0xffff  }
0x2c2: {  	v26 =	vmul.f32 v35, v28;
	v19 =	vld [tilespmem:s7+$0x10]  }
0x2c3: {  	v20 =	vadd.f32 v22, v20;
	v27 =	vld.idx.msk [tilespmem:v30+s8+$0x0], $0xffff  }
0x2c4: {  	v22 =	vadd.f32 v21, v24;
	v14 =	vld [tilespmem:s10+$0xFFFFFFF0]  }
0x2c5: {  	v23 =	vadd.f32 v23, v26;
	[tilespmem:s19+$0xF000] =	vst v20;
	v24 =	vtrunc.f32 v17;
	v21 =	vld [tilespmem:s10+$0x0]  }
0x2c6: {  	v20 =	vld [tilespmem:s7+$0xFFFFFFE0];
	[tilespmem:s4+$0xF000] =	vst v22;
	v26 =	vcvt.f32.s32 v24  }
0x2c7: {  	v25 =	vmul.f32 v25, v32;
	v22 =	vld [tilespmem:s7+$0xFFFFFFF0];
	[tilespmem:s13+$0xF000] =	vst v23;
	v24 =	vtrunc.f32 v19  }
0x2c8: {  	v23 =	vld [tilespmem:s7+$0x0];
	v32 =	vcvt.f32.s32 v24  }
0x2c9: {  	v27 =	vadd.f32 v27, v25;
	v28 =	vtrunc.f32 v14;
	v24 =	vld.idx.msk [tilespmem:v16+s23+$0x0], $0xffff  }
.Ltmp5:
0x2ca: {  	v29 =	vtrunc.f32 v21;
	v25 =	vld.idx.msk [tilespmem:v15+s8+$0x0], $0xffff;
	v15 =	vcvt.f32.s32 v28;
	(pc) =	sbr.rel @p2 .LBB2_9-.Ltmp5, $4  }
0x2cb: {  	v28 =	vtrunc.f32 v20;
	[tilespmem:s6+$0x11000] =	vst v27;
	v27 =	vld.idx.msk [tilespmem:v16+s8+$0x0], $0xffff;
	v16 =	vcvt.f32.s32 v29;
	s6 =	smov.u32 s5  }
0x2cc: {  	v30 =	vcvt.f32.s32 v28;
	v29 =	vtrunc.f32 v22;
	v28 =	vld.idx.msk [tilespmem:v26+s23+$0x0], $0xffff  }
0x2cd: {  	v31 =	vcvt.f32.s32 v29;
	v29 =	vtrunc.f32 v23;
	v26 =	vld.idx.msk [tilespmem:v26+s8+$0x0], $0xffff  }
0x2ce: {  	s12 =	sadd.s32 $0x40, s12;
	v29 =	vcvt.f32.s32 v29;
	v33 =	vld.idx.msk [tilespmem:v32+s2+$0x0], $0xffff  }
0x2cf: {  	_ =	sdelay $0x3  }
0x2d0: {  	v32 =	vld.idx.msk [tilespmem:v32+s0+$0x0], $0xffff  }
0x2d1: {  	v34 =	vld.idx.msk [tilespmem:v30+s2+$0x0], $0xffff  }
0x2d2: {  	v46 =	vld.idx.msk [tilespmem:v31+s2+$0x0], $0xffff  }
0x2d3: {  	v30 =	vld.idx.msk [tilespmem:v30+s0+$0x0], $0xffff;
	v19 =	vmul.f32 v33, v19  }
0x2d4: {  	v35 =	vld.idx.msk [tilespmem:v29+s2+$0x0], $0xffff  }
0x2d5: {  	v31 =	vld.idx.msk [tilespmem:v31+s0+$0x0], $0xffff;
	v19 =	vadd.f32 v32, v19  }
0x2d6: {  	v29 =	vld.idx.msk [tilespmem:v29+s0+$0x0], $0xffff;
	v20 =	vmul.f32 v34, v20  }
0x2d7: {  	s1 =	sadd.s32 $0x40, s10;
	[tilespmem:s6+$0x10000] =	vst v19  }
0x2d8: {  	v20 =	vadd.f32 v30, v20;
	v19 =	vld [tilespmem:s1+$0x10]  }
0x2d9: {  	v22 =	vmul.f32 v46, v22;
	v23 =	vmul.f32 v35, v23  }
0x2da: {  	[tilespmem:s19+$0x10000] =	vst v20  }
0x2db: {  	v22 =	vadd.f32 v31, v22;
	v23 =	vadd.f32 v29, v23;
	v29 =	vld [tilespmem:s1+$0xFFFFFFE0];
	_ =	sdelay $0x1  }
0x2dc: {  	[tilespmem:s4+$0x10000] =	vst v22;
	v20 =	vtrunc.f32 v19  }
0x2dd: {  	[tilespmem:s13+$0x10000] =	vst v23;
	v22 =	vld [tilespmem:s1+$0xFFFFFFF0];
	v20 =	vcvt.f32.s32 v20  }
0x2de: {  	v23 =	vld [tilespmem:s1+$0x0]  }
0x2df: {  	v30 =	vtrunc.f32 v29  }
0x2e0: {  	v30 =	vcvt.f32.s32 v30  }
0x2e1: {  	v50 =	vld.idx.msk [tilespmem:v16+s23+$0x0], $0xffff  }
0x2e2: {  	v31 =	vld.idx.msk [tilespmem:v15+s23+$0x0], $0xffff;
	v48 =	vtrunc.f32 v22  }
0x2e3: {  	v33 =	vcvt.f32.s32 v48;
	v49 =	vtrunc.f32 v23;
	v47 =	vld.idx.msk [tilespmem:v20+s23+$0x0], $0xffff  }
0x2e4: {  	v15 =	vld.idx.msk [tilespmem:v15+s8+$0x0], $0xffff;
	v34 =	vcvt.f32.s32 v49  }
0x2e5: {  	v20 =	vld.idx.msk [tilespmem:v20+s8+$0x0], $0xffff  }
0x2e6: {  	v13 =	vmul.f32 v24, v13;
	v36 =	vld.idx.msk [tilespmem:v30+s23+$0x0], $0xffff  }
0x2e7: {  	v16 =	vld.idx.msk [tilespmem:v16+s8+$0x0], $0xffff;
	v18 =	vadd.f32 v25, v18;
	v17 =	vmul.f32 v28, v17  }
0x2e8: {  	v13 =	vadd.f32 v27, v13;
	v24 =	vld.idx.msk [tilespmem:v30+s8+$0x0], $0xffff;
	v19 =	vmul.f32 v47, v19  }
0x2e9: {  	[tilespmem:s28+$0x11000] =	vst v18;
	v17 =	vadd.f32 v26, v17;
	v14 =	vmul.f32 v31, v14;
	v25 =	vld.idx.msk [tilespmem:v33+s23+$0x0], $0xffff  }
0x2ea: {  	[tilespmem:s9+$0x11000] =	vst v13;
	v27 =	vld.idx.msk [tilespmem:v34+s23+$0x0], $0xffff;
	v13 =	vadd.f32 v20, v19;
	v19 =	vmul.f32 v50, v21  }
0x2eb: {  	[tilespmem:s20+$0x11000] =	vst v17;
	v14 =	vadd.f32 v15, v14;
	v18 =	vld.idx.msk [tilespmem:v33+s8+$0x0], $0xffff;
	v15 =	vmul.f32 v36, v29  }
0x2ec: {  	v20 =	vld.idx.msk [tilespmem:v34+s8+$0x0], $0xffff;
	[tilespmem:s6+$0x11000] =	vst v13;
	v13 =	vadd.f32 v16, v19  }
0x2ed: {  	[tilespmem:s15+$0x11000] =	vst v14;
	v14 =	vadd.f32 v24, v15  }
0x2ee: {  	v16 =	vmul.f32 v25, v22;
	[tilespmem:s16+$0x11000] =	vst v13  }
0x2ef: {  	v15 =	vmul.f32 v27, v23;
	s6 =	rddreg [dreg:$0x1a];
	[tilespmem:s19+$0x11000] =	vst v14  }
0x2f0: {  	v13 =	vadd.f32 v18, v16;
	s24 =	sshll.u32 s6, $0xC;
	s3 =	rddreg [dreg:$0x6]  }
0x2f1: {  	v14 =	vadd.f32 v20, v15;
	s1 =	sadd.s32 s3, s24  }
0x2f2: {  	s25 =	rddreg [dreg:$0x2];
	[tilespmem:s4+$0x11000] =	vst v13;
	s1 =	sshrl.u32 s1, $0x3  }
0x2f3: {  	s26 =	simm.s32 $0x0;
	s5 =	simm.s32 $0xF000;
	[tilespmem:s13+$0x11000] =	vst v14;
	s1 =	sadd.s32 s25, s1  }
0x2f4: {  	[hbm4b:s1+s26] =	stream.linear.scatter [tilespmem:s5], [sflag:$0x6], $0x1000, $0x38;
	[tilespmem:$0x1B400] =	vst v63  }
0x2f5: {  	s7 =	sadd.s32 $0x8000, s1;
	s5 =	simm.s32 $0x10000  }
0x2f6: {  	[hbm4b:s7+s26] =	stream.linear.scatter [tilespmem:s5], [sflag:$0x6], $0x1000, $0x38;
	[tilespmem:$0x1B400] =	vst v63  }
0x2f7: {  	s9 =	simm.s32 $0x11000;
	s1 =	sadd.s32 $0x10000, s1  }
0x2f8: {  	[hbm4b:s1+s26] =	stream.linear.scatter [tilespmem:s9], [sflag:$0x6], $0x1000, $0x38;
	[tilespmem:$0x1B400] =	vst v63  }
0x2f9: {  	s1 =	rddreg [dreg:$0x4]  }
0x2fa: {  	s1 =	sor.u32 @!p1 s1, s6  }
0x2fb: {  	s1 =	sadd.s32 @!p1 $0x4, s1  }
0x2fc: {  	s3 =	sshrl.u32 @!p1 s1, $0x6  }
0x2fd: {  	s1 =	sshll.u32 @!p1 s1, $0xC;
	s3 =	smul.u32 @!p1 $0xC0000, s3  }
0x2fe: {  	s1 =	sand.u32 @!p1 $0x3D000, s1  }
0x2ff: {  	s1 =	sor.u32 @!p1 s1, s3  }
0x300: {  	s3 =	rddreg [dreg:$0x0];
	s1 =	sshrl.u32 @!p1 s1, $0x3  }
0x301: {  	s4 =	simm.s32 @!p1 $0x3000;
	s1 =	sadd.s32 @!p1 s3, s1;
	s3 =	simm.s32 @!p1 $0x0  }
0x302: {  	[tilespmem:s4], [sflag:$0x2] =	stream.linear.gather @!p1 [hbm4b:s1+s3], $0x1000, $0x38;
	[tilespmem:$0x1B400] =	vst v63  }
0x303: {  	s5 =	simm.s32 @!p1 $0x4000;
	s4 =	sadd.s32 @!p1 $0x8000, s1  }
0x304: {  	[tilespmem:s5], [sflag:$0x2] =	stream.linear.gather @!p1 [hbm4b:s4+s3], $0x1000, $0x38;
	[tilespmem:$0x1B400] =	vst v63  }
0x305: {  	s10 =	simm.s32 $0x3;
	s1 =	sadd.s32 @!p1 $0x10000, s1;
	s4 =	simm.s32 @!p1 $0x5000  }
0x306: {  	[tilespmem:s4], [sflag:$0x2] =	stream.linear.gather @!p1 [hbm4b:s1+s3], $0x1000, $0x38;
	[tilespmem:$0x1B400] =	vst v63  }
0x307: {  	_ =	swait.ge [sflag:s10], $0x1000  }
0x308: {  	[sflag:s10] =	ssyncset.done $0x0  }
0x309: {  	[sflag:s10] =	ssyncadd.s32 $0xFFFFF000  }
0x30a: {  	_ =	swait.ge [sflag:s10], $0x1000  }
0x30b: {  	[sflag:s10] =	ssyncset.done $0x0  }
0x30c: {  	[sflag:s10] =	ssyncadd.s32 $0xFFFFF000  }
0x30d: {  	_ =	swait.ge [sflag:s10], $0x1000  }
0x30e: {  	[sflag:s10] =	ssyncset.done $0x0  }
0x30f: {  	s1 =	simm.s32 @!p0 $0x7;
	[sflag:s10] =	ssyncadd.s32 $0xFFFFF000  }
0x310: {  	_ =	swait.ge @!p0 [sflag:s1], $0x1000  }
0x311: {  	[sflag:s1] =	ssyncset.done @!p0 $0x0  }
0x312: {  	[sflag:s1] =	ssyncadd.s32 @!p0 $0xFFFFF000  }
0x313: {  	_ =	swait.ge @!p0 [sflag:s1], $0x1000  }
0x314: {  	s11 =	simm.s32 $0x0;
	[sflag:s1] =	ssyncset.done @!p0 $0x0  }
0x315: {  	s12 =	sand.u32 $0xC00, s11;
	[sflag:s1] =	ssyncadd.s32 @!p0 $0xFFFFF000  }
0x316: {  	s13 =	simm.s32 $0x30;
	s3 =	sand.u32 $0x380, s11;
	_ =	swait.ge @!p0 [sflag:s1], $0x1000  }
0x317: {  	s14 =	sand.u32 $0x70, s13;
	s3 =	sor.u32 s3, s12;
	[sflag:s1] =	ssyncset.done @!p0 $0x0  }
0x318: {  	s14 =	sor.u32 s14, s3;
	[sflag:s1] =	ssyncadd.s32 @!p0 $0xFFFFF000  }
0x319: {  	v13 =	vld [tilespmem:s14+$0x6000]  }
0x31a: {  	s15 =	simm.s32 $0x0;
	v14 =	vld [tilespmem:s14+$0x7000]  }
0x31b: {  	s16 =	simm.s32 $0x10;
	s1 =	sand.u32 $0x40, s15;
	v15 =	vld [tilespmem:s14+$0x8000]  }
0x31c: {  	s17 =	simm.s32 $0x20;
	s12 =	sor.u32 s1, s3;
	s1 =	sand.u32 $0x50, s16  }
0x31d: {  	v16 =	vld [tilespmem:s12+$0x6000];
	s28 =	sor.u32 s1, s3;
	s1 =	sand.u32 $0x60, s17  }
0x31e: {  	v17 =	vld [tilespmem:s12+$0x7000];
	s9 =	sor.u32 s1, s3;
	v18 =	vmul.f32 v13, v1  }
0x31f: {  	s22 =	simm.s32 $0x200;
	s10 =	simm.s32 $0x10;
	v25 =	vld [tilespmem:s9+$0x6000];
	v19 =	vmul.f32 v14, v2;
	v20 =	vmul.f32 v13, v5  }
0x320: {  	s18 =	sand.u32 $0xC00, s22;
	s24 =	simm.s32 $0x50;
	s19 =	sand.u32 $0x380, s10;
	v21 =	vmul.f32 v14, v6;
	v22 =	vmul.f32 v15, v3  }
0x321: {  	s16 =	sand.u32 $0x50, s24;
	s1 =	sor.u32 s19, s18;
	v13 =	vmul.f32 v13, v9;
	v14 =	vmul.f32 v14, v10  }
0x322: {  	s25 =	simm.s32 $0x60;
	v26 =	vld [tilespmem:s9+$0x7000];
	s4 =	sor.u32 s16, s1;
	v24 =	vmul.f32 v15, v7;
	v15 =	vmul.f32 v15, v11  }
0x323: {  	s18 =	sand.u32 $0x60, s25;
	v56 =	vld [tilespmem:s4+$0x6000];
	v23 =	vmul.f32 v16, v1;
	v18 =	vadd.f32 v19, v18;
	v20 =	vadd.f32 v21, v20  }
0x324: {  	s5 =	sor.u32 s18, s1;
	v59 =	vld [tilespmem:s4+$0x7000];
	v13 =	vadd.f32 v14, v13;
	v14 =	vmul.f32 v17, v2;
	v51 =	vmul.f32 v25, v5  }
0x325: {  	v37 =	vld [tilespmem:s5+$0x6000];
	v18 =	vadd.f32 v22, v18;
	v22 =	vmul.f32 v16, v5;
	v20 =	vadd.f32 v24, v20  }
0x326: {  	v19 =	vld [tilespmem:s28+$0x6000];
	v24 =	vmul.f32 v17, v6;
	v13 =	vadd.f32 v15, v13;
	v15 =	vmul.f32 v16, v9  }
0x327: {  	v21 =	vld [tilespmem:s28+$0x7000];
	v16 =	vmul.f32 v17, v10;
	v14 =	vadd.f32 v14, v23;
	v23 =	vmul.f32 v25, v1  }
0x328: {  	v25 =	vmul.f32 v25, v9;
	v61 =	vmul.f32 v56, v1  }
0x329: {  	v38 =	vmul.f32 v59, v2;
	v32 =	vmul.f32 v56, v9  }
0x32a: {  	v62 =	vmul.f32 v37, v9;
	v22 =	vadd.f32 v24, v22;
	v24 =	vmul.f32 v26, v2  }
0x32b: {  	v15 =	vadd.f32 v16, v15;
	v16 =	vmul.f32 v26, v6;
	v26 =	vmul.f32 v26, v10  }
0x32c: {  	v29 =	vld [tilespmem:s12+$0x8000];
	v17 =	vadd.f32 v20, v8;
	v20 =	vmul.f32 v19, v1;
	v27 =	vmul.f32 v21, v2  }
0x32d: {  	v31 =	vld [tilespmem:s28+$0x8000];
	v18 =	vadd.f32 v18, v4;
	v28 =	vmul.f32 v19, v5;
	v30 =	vmul.f32 v21, v6  }
0x32e: {  	v52 =	vld [tilespmem:s9+$0x8000];
	v13 =	vadd.f32 v13, v12;
	v19 =	vmul.f32 v19, v9;
	v21 =	vmul.f32 v21, v10  }
0x32f: {  	v18 =	vmax.f32 v18, $0.0e+00;
	v16 =	vadd.f32 v16, v51;
	v17 =	vmax.f32 v17, $0.0e+00  }
0x330: {  	v13 =	vmax.f32 v13, $0.0e+00;
	v20 =	vadd.f32 v27, v20;
	v27 =	vadd.f32 v30, v28  }
0x331: {  	v28 =	vmul.f32 v29, v3;
	v19 =	vadd.f32 v21, v19;
	v21 =	vadd.f32 v24, v23  }
0x332: {  	v23 =	vmul.f32 v29, v7;
	v24 =	vadd.f32 v26, v25;
	v25 =	vmul.f32 v29, v11  }
0x333: {  	v26 =	vmul.f32 v31, v3;
	v29 =	vmul.f32 v52, v7;
	v14 =	vadd.f32 v28, v14  }
0x334: {  	v22 =	vadd.f32 v23, v22;
	v23 =	vmul.f32 v31, v7;
	v28 =	vmul.f32 v31, v11  }
0x335: {  	v15 =	vadd.f32 v25, v15;
	v25 =	vmul.f32 v52, v3;
	v20 =	vadd.f32 v26, v20  }
0x336: {  	v26 =	vmul.f32 v52, v11;
	v16 =	vadd.f32 v29, v16;
	v23 =	vadd.f32 v23, v27  }
0x337: {  	s20 =	simm.s32 $0x70;
	s24 =	simm.s32 $0x18020;
	v18 =	vmin.f32 v18, $1.599999900e+01;
	v19 =	vadd.f32 v28, v19;
	v21 =	vadd.f32 v25, v21  }
0x338: {  	s15 =	sand.u32 $0x70, s20;
	s20 =	simm.s32 $0x19020;
	v17 =	vmin.f32 v17, $1.599999900e+01;
	[tilespmem:s24+$0x10] =	vst v18;
	v24 =	vadd.f32 v26, v24;
	v14 =	vadd.f32 v14, v4  }
0x339: {  	s19 =	simm.s32 $0x1A020;
	s3 =	sor.u32 s15, s1;
	[tilespmem:s20+$0x10] =	vst v17;
	v22 =	vadd.f32 v22, v8;
	v25 =	vmin.f32 v13, $1.599999900e+01;
	v13 =	vadd.f32 v15, v12  }
0x33a: {  	v15 =	vadd.f32 v20, v4;
	v20 =	vld [tilespmem:s3+$0x6000];
	v28 =	vadd.f32 v16, v8;
	[tilespmem:s19+$0x10] =	vst v25;
	v25 =	vmul.f32 v56, v5  }
0x33b: {  	v27 =	vld [tilespmem:s3+$0x7000];
	v14 =	vmax.f32 v14, $0.0e+00;
	v23 =	vadd.f32 v23, v8;
	v19 =	vadd.f32 v19, v12  }
0x33c: {  	v26 =	vld [tilespmem:s3+$0x8000];
	v22 =	vmax.f32 v22, $0.0e+00;
	v21 =	vadd.f32 v21, v4;
	v29 =	vmax.f32 v13, $0.0e+00  }
0x33d: {  	s6 =	simm.s32 $0x40;
	v30 =	vmax.f32 v15, $0.0e+00;
	v13 =	vadd.f32 v24, v12;
	v22 =	vmin.f32 v22, $1.599999900e+01  }
0x33e: {  	s21 =	sand.u32 $0x40, s6;
	v30 =	vmin.f32 v30, $1.599999900e+01;
	v23 =	vmax.f32 v23, $0.0e+00;
	v16 =	vmax.f32 v19, $0.0e+00  }
0x33f: {  	s3 =	sor.u32 s21, s1;
	v15 =	vmax.f32 v21, $0.0e+00;
	v21 =	vmin.f32 v14, $1.599999900e+01;
	v14 =	vmax.f32 v28, $0.0e+00  }
0x340: {  	v19 =	vld [tilespmem:s3+$0x6000];
	v13 =	vmax.f32 v13, $0.0e+00;
	v31 =	vmul.f32 v20, v1;
	v53 =	vmul.f32 v27, v2  }
0x341: {  	v28 =	vmin.f32 v29, $1.599999900e+01;
	v29 =	vld [tilespmem:s3+$0x7000];
	v24 =	vmul.f32 v26, v3;
	v54 =	vmul.f32 v20, v5  }
0x342: {  	v55 =	vmul.f32 v27, v6;
	v20 =	vmul.f32 v20, v9;
	v31 =	vadd.f32 v53, v31  }
0x343: {  	v23 =	vmin.f32 v23, $1.599999900e+01;
	v27 =	vmul.f32 v27, v10;
	v58 =	vmul.f32 v26, v7  }
0x344: {  	v26 =	vmul.f32 v26, v11;
	[tilespmem:s24+$0xFFFFFFE0] =	vst v21;
	v33 =	vadd.f32 v55, v54;
	v24 =	vadd.f32 v24, v31  }
0x345: {  	v18 =	vld [tilespmem:s5+$0x7000];
	[tilespmem:s20+$0xFFFFFFE0] =	vst v22;
	v22 =	vmul.f32 v59, v10;
	v20 =	vadd.f32 v27, v20;
	v57 =	vmul.f32 v19, v1  }
0x346: {  	v27 =	vmul.f32 v29, v2;
	v33 =	vadd.f32 v58, v33;
	v24 =	vadd.f32 v24, v4  }
0x347: {  	[tilespmem:s24+$0xFFFFFFF0] =	vst v30;
	v31 =	vmul.f32 v19, v5;
	v60 =	vmul.f32 v29, v6;
	v20 =	vadd.f32 v26, v20  }
0x348: {  	[tilespmem:s20+$0xFFFFFFF0] =	vst v23;
	v19 =	vmul.f32 v19, v9;
	v26 =	vadd.f32 v33, v8;
	v24 =	vmax.f32 v24, $0.0e+00  }
0x349: {  	s1 =	simm.s32 $0x18060;
	[tilespmem:s19+$0xFFFFFFE0] =	vst v28;
	v29 =	vmul.f32 v29, v10;
	v20 =	vadd.f32 v20, v12;
	v24 =	vmin.f32 v24, $1.599999900e+01  }
0x34a: {  	v40 =	vld [tilespmem:s3+$0x8000];
	v17 =	vmax.f32 v26, $0.0e+00;
	v26 =	vadd.f32 v60, v31;
	v31 =	vmul.f32 v18, v6;
	[tilespmem:s1+$0x10] =	vst v24  }
0x34b: {  	v39 =	vmin.f32 v17, $1.599999900e+01;
	v17 =	vmax.f32 v20, $0.0e+00;
	v20 =	vadd.f32 v29, v19;
	s26 =	rddreg [dreg:$0x18]  }
0x34c: {  	v19 =	vmul.f32 v18, v2;
	v18 =	vmul.f32 v18, v10;
	v41 =	vmin.f32 v17, $1.599999900e+01;
	v17 =	vld [tilespmem:s4+$0x8000];
	s4 =	sor.u32 $0x2, s26  }
0x34d: {  	v28 =	vmul.f32 v37, v1;
	v35 =	vadd.f32 v27, v57;
	v27 =	vmul.f32 v59, v6;
	[dreg:$0x1b] =	wrdreg s4  }
0x34e: {  	v23 =	vadd.f32 v22, v32;
	v29 =	vmul.f32 v37, v5;
	v22 =	vadd.f32 v18, v62;
	v18 =	vld [tilespmem:s5+$0x8000]  }
0x34f: {  	s3 =	simm.s32 $0x19060;
	v21 =	vadd.f32 v38, v61;
	v63 =	vmul.f32 v40, v3;
	v27 =	vadd.f32 v27, v25  }
0x350: {  	s7 =	simm.s32 $0x1A060;
	v30 =	vmul.f32 v40, v7;
	v24 =	vadd.f32 v19, v28;
	v25 =	vadd.f32 v31, v29;
	[tilespmem:s3+$0x10] =	vst v39  }
0x351: {  	s29 =	simm.s32 $0x19020;
	s13 =	simm.s32 $0x18020;
	v19 =	vadd.f32 v63, v35;
	v29 =	vmul.f32 v40, v11;
	s4 =	simm.s32 $0x1A020;
	[tilespmem:s7+$0x10] =	vst v41;
	v28 =	vmul.f32 v17, v3  }
.LBB2_11:
0x352: {  	v26 =	vadd.f32 v30, v26;
	v30 =	vmul.f32 v17, v7;
	v17 =	vmul.f32 v17, v11;
	s5 =	smov.u32 s6;
	s6 =	sadd.s32 $0x40, s6  }
0x353: {  	v31 =	vmul.f32 v18, v7;
	s17 =	sand.u32 $0x40, s6;
	s21 =	sadd.s32 $0x50, s5;
	s25 =	sadd.s32 $0x60, s5;
	v20 =	vadd.f32 v29, v20;
	v29 =	vmul.f32 v18, v3  }
0x354: {  	s22 =	sadd.s32 $0x200, s22;
	s10 =	sadd.s32 $0x10, s10;
	v21 =	vadd.f32 v28, v21;
	v18 =	vmul.f32 v18, v11;
	s21 =	sand.u32 $0x50, s21;
	v27 =	vadd.f32 v30, v27  }
0x355: {  	v16 =	vmin.f32 v16, $1.599999900e+01;
	s26 =	sand.u32 $0xC00, s22;
	s11 =	sand.u32 $0x380, s10;
	s5 =	sadd.s32 $0x70, s5;
	v17 =	vadd.f32 v17, v23;
	v23 =	vadd.f32 v29, v24  }
0x356: {  	v15 =	vmin.f32 v15, $1.599999900e+01;
	s11 =	sor.u32 s11, s26;
	s25 =	sand.u32 $0x60, s25;
	s5 =	sand.u32 $0x70, s5;
	v24 =	vadd.f32 v31, v25;
	v18 =	vadd.f32 v18, v22;
	[tilespmem:s4+$0xFFFFFFF0] =	vst v16  }
0x357: {  	v14 =	vmin.f32 v14, $1.599999900e+01;
	s26 =	sor.u32 s17, s11;
	s17 =	sor.u32 s21, s11;
	s5 =	sor.u32 s5, s11;
	v16 =	vadd.f32 v19, v4;
	v19 =	vadd.f32 v26, v8;
	[tilespmem:s13+$0x0] =	vst v15  }
0x358: {  	v13 =	vmin.f32 v13, $1.599999900e+01;
	s21 =	sor.u32 s25, s11;
	v15 =	vadd.f32 v20, v12;
	v20 =	vadd.f32 v21, v4;
	s13 =	smov.u32 s1;
	v22 =	vld [tilespmem:s5+$0x8000];
	[tilespmem:s29+$0x0] =	vst v14;
	s29 =	smov.u32 s3  }
0x359: {  	p2 =	slt.u32 s6, $0xFC0;
	v17 =	vadd.f32 v17, v12;
	v14 =	vmax.f32 v16, $0.0e+00;
	v16 =	vadd.f32 v27, v8;
	v21 =	vld [tilespmem:s5+$0x6000];
	[tilespmem:s4+$0x0] =	vst v13;
	s4 =	smov.u32 s7  }
0x35a: {  	v19 =	vmax.f32 v19, $0.0e+00;
	v13 =	vadd.f32 v23, v4;
	v23 =	vadd.f32 v24, v8;
	v25 =	vld [tilespmem:s5+$0x7000]  }
0x35b: {  	v18 =	vadd.f32 v18, v12;
	v26 =	vmax.f32 v15, $0.0e+00;
	v20 =	vmax.f32 v20, $0.0e+00;
	v24 =	vld [tilespmem:s26+$0x6000]  }
0x35c: {  	v28 =	vmax.f32 v16, $0.0e+00;
	v16 =	vmax.f32 v17, $0.0e+00;
	v15 =	vmax.f32 v13, $0.0e+00;
	v27 =	vld [tilespmem:s26+$0x7000]  }
0x35d: {  	v17 =	vmin.f32 v14, $1.599999900e+01;
	v14 =	vmax.f32 v23, $0.0e+00;
	v13 =	vmax.f32 v18, $0.0e+00;
	v29 =	vld [tilespmem:s17+$0x6000]  }
0x35e: {  	v18 =	vmin.f32 v26, $1.599999900e+01;
	v30 =	vmul.f32 v22, v3;
	v23 =	vld [tilespmem:s17+$0x7000];
	[tilespmem:s1+$0xFFFFFFE0] =	vst v17;
	v17 =	vmin.f32 v19, $1.599999900e+01  }
0x35f: {  	v26 =	vmul.f32 v21, v1;
	v19 =	vld [tilespmem:s21+$0x6000];
	v31 =	vmul.f32 v25, v2;
	[tilespmem:s3+$0xFFFFFFE0] =	vst v17;
	v17 =	vmin.f32 v20, $1.599999900e+01  }
0x360: {  	v20 =	vmul.f32 v21, v5;
	v33 =	vmul.f32 v25, v6;
	v32 =	vld [tilespmem:s21+$0x7000];
	[tilespmem:s7+$0xFFFFFFE0] =	vst v18;
	v18 =	vmin.f32 v28, $1.599999900e+01  }
0x361: {  	v21 =	vmul.f32 v21, v9;
	v25 =	vmul.f32 v25, v10;
	v28 =	vld [tilespmem:s26+$0x8000];
	v26 =	vadd.f32 v31, v26;
	[tilespmem:s1+$0xFFFFFFF0] =	vst v17  }
0x362: {  	v31 =	vmul.f32 v24, v1;
	v20 =	vadd.f32 v33, v20;
	v33 =	vmul.f32 v22, v7;
	v17 =	vld [tilespmem:s17+$0x8000];
	[tilespmem:s3+$0xFFFFFFF0] =	vst v18  }
0x363: {  	v21 =	vadd.f32 v25, v21;
	v22 =	vmul.f32 v22, v11;
	v18 =	vld [tilespmem:s21+$0x8000];
	v26 =	vadd.f32 v30, v26  }
0x364: {  	v25 =	vmul.f32 v27, v2;
	v30 =	vmul.f32 v24, v5;
	v20 =	vadd.f32 v33, v20  }
0x365: {  	v33 =	vmul.f32 v27, v6;
	v21 =	vadd.f32 v22, v21;
	v26 =	vadd.f32 v26, v4  }
0x366: {  	v22 =	vmul.f32 v24, v9;
	v24 =	vmul.f32 v27, v10;
	v20 =	vadd.f32 v20, v8  }
0x367: {  	v27 =	vmul.f32 v29, v1;
	v21 =	vadd.f32 v21, v12;
	v26 =	vmax.f32 v26, $0.0e+00  }
0x368: {  	s1 =	sadd.s32 $0x40, s1;
	v34 =	vmul.f32 v23, v2;
	v20 =	vmax.f32 v20, $0.0e+00;
	v26 =	vmin.f32 v26, $1.599999900e+01  }
0x369: {  	v35 =	vmul.f32 v29, v5;
	s3 =	sadd.s32 $0x40, s3;
	v21 =	vmax.f32 v21, $0.0e+00;
	v20 =	vmin.f32 v20, $1.599999900e+01;
	[tilespmem:s1+$0x10] =	vst v26  }
0x36a: {  	s7 =	sadd.s32 $0x40, s7;
	v36 =	vmul.f32 v23, v6;
	v29 =	vmul.f32 v29, v9;
	[tilespmem:s3+$0x10] =	vst v20;
	v20 =	vmin.f32 v21, $1.599999900e+01  }
0x36b: {  	v31 =	vadd.f32 v25, v31;
	v23 =	vmul.f32 v23, v10;
	v25 =	vmul.f32 v19, v1;
	[tilespmem:s7+$0x10] =	vst v20  }
0x36c: {  	v26 =	vadd.f32 v33, v30;
	v30 =	vmul.f32 v32, v2;
	v33 =	vmul.f32 v19, v5  }
.Ltmp6:
0x36d: {  	v19 =	vmul.f32 v19, v9;
	v20 =	vadd.f32 v24, v22;
	v22 =	vmul.f32 v32, v6;
	(pc) =	sbr.rel @p2 .LBB2_11-.Ltmp6, $4  }
0x36e: {  	v21 =	vadd.f32 v34, v27;
	v27 =	vadd.f32 v36, v35;
	v32 =	vmul.f32 v32, v10  }
0x36f: {  	v23 =	vadd.f32 v23, v29;
	v34 =	vmul.f32 v28, v3;
	v24 =	vadd.f32 v30, v25  }
0x370: {  	v30 =	vmul.f32 v28, v7;
	v25 =	vadd.f32 v22, v33;
	v22 =	vadd.f32 v32, v19  }
0x371: {  	v29 =	vmul.f32 v28, v11;
	v28 =	vmul.f32 v17, v3;
	v19 =	vadd.f32 v34, v31  }
0x372: {  	v26 =	vadd.f32 v30, v26;
	v30 =	vmul.f32 v17, v7;
	v17 =	vmul.f32 v17, v11  }
0x373: {  	v31 =	vmul.f32 v18, v7;
	v16 =	vmin.f32 v16, $1.599999900e+01;
	v15 =	vmin.f32 v15, $1.599999900e+01  }
0x374: {  	v14 =	vmin.f32 v14, $1.599999900e+01;
	v20 =	vadd.f32 v29, v20;
	v21 =	vadd.f32 v28, v21  }
0x375: {  	v29 =	vmul.f32 v18, v3;
	[tilespmem:s4+$0xFFFFFFF0] =	vst v16;
	v16 =	vadd.f32 v19, v4;
	v27 =	vadd.f32 v30, v27  }
0x376: {  	v18 =	vmul.f32 v18, v11;
	v17 =	vadd.f32 v17, v23;
	v19 =	vadd.f32 v26, v8  }
0x377: {  	v13 =	vmin.f32 v13, $1.599999900e+01;
	[tilespmem:s13+$0x0] =	vst v15;
	v23 =	vadd.f32 v29, v24;
	v24 =	vadd.f32 v31, v25  }
0x378: {  	[tilespmem:s29+$0x0] =	vst v14;
	v18 =	vadd.f32 v18, v22;
	v15 =	vadd.f32 v20, v12;
	v14 =	vmax.f32 v16, $0.0e+00  }
0x379: {  	v16 =	vadd.f32 v21, v4;
	[tilespmem:s4+$0x0] =	vst v13;
	v13 =	vmax.f32 v19, $0.0e+00;
	v14 =	vmin.f32 v14, $1.599999900e+01  }
0x37a: {  	v19 =	vadd.f32 v27, v8;
	v15 =	vmax.f32 v15, $0.0e+00;
	[tilespmem:s1+$0xFFFFFFE0] =	vst v14;
	v13 =	vmin.f32 v13, $1.599999900e+01  }
0x37b: {  	v14 =	vadd.f32 v17, v12;
	v16 =	vmax.f32 v16, $0.0e+00;
	v15 =	vmin.f32 v15, $1.599999900e+01;
	[tilespmem:s3+$0xFFFFFFE0] =	vst v13  }
0x37c: {  	v13 =	vadd.f32 v23, v4;
	v17 =	vmax.f32 v19, $0.0e+00;
	v16 =	vmin.f32 v16, $1.599999900e+01;
	[tilespmem:s7+$0xFFFFFFE0] =	vst v15  }
0x37d: {  	v15 =	vadd.f32 v24, v8;
	v14 =	vmax.f32 v14, $0.0e+00;
	v17 =	vmin.f32 v17, $1.599999900e+01;
	[tilespmem:s1+$0xFFFFFFF0] =	vst v16  }
0x37e: {  	v16 =	vadd.f32 v18, v12;
	v13 =	vmax.f32 v13, $0.0e+00;
	[tilespmem:s3+$0xFFFFFFF0] =	vst v17;
	v14 =	vmin.f32 v14, $1.599999900e+01  }
0x37f: {  	v15 =	vmax.f32 v15, $0.0e+00;
	[tilespmem:s7+$0xFFFFFFF0] =	vst v14;
	v13 =	vmin.f32 v13, $1.599999900e+01  }
0x380: {  	v14 =	vmax.f32 v16, $0.0e+00;
	[tilespmem:s1+$0x0] =	vst v13;
	v13 =	vmin.f32 v15, $1.599999900e+01  }
0x381: {  	[tilespmem:s3+$0x0] =	vst v13;
	v13 =	vmin.f32 v14, $1.599999900e+01  }
0x382: {  	[tilespmem:s7+$0x0] =	vst v13  }
0x383: {  	v13 =	vld [tilespmem:s24+$0x10];
	_ =	sdelay $0x4  }
0x384: {  	v14 =	vld [tilespmem:s24+$0xFFFFFFE0];
	v16 =	vtrunc.f32 v13  }
0x385: {  	v15 =	vld [tilespmem:s24+$0xFFFFFFF0];
	v16 =	vcvt.f32.s32 v16;
	_ =	sdelay $0x1  }
0x386: {  	v17 =	vld [tilespmem:s24+$0x0];
	_ =	sdelay $0x1  }
0x387: {  	v18 =	vtrunc.f32 v14  }
0x388: {  	v19 =	vtrunc.f32 v15;
	v18 =	vcvt.f32.s32 v18  }
0x389: {  	v19 =	vcvt.f32.s32 v19;
	v21 =	vld.idx.msk [tilespmem:v16+s30+$0x0], $0xffff  }
0x38a: {  	v20 =	vtrunc.f32 v17  }
0x38b: {  	v20 =	vcvt.f32.s32 v20;
	v16 =	vld.idx.msk [tilespmem:v16+s31+$0x0], $0xffff;
	_ =	sdelay $0x2  }
0x38c: {  	v22 =	vld.idx.msk [tilespmem:v18+s30+$0x0], $0xffff;
	v13 =	vmul.f32 v21, v13  }
0x38d: {  	v23 =	vld.idx.msk [tilespmem:v19+s30+$0x0], $0xffff  }
0x38e: {  	v18 =	vld.idx.msk [tilespmem:v18+s31+$0x0], $0xffff;
	v13 =	vadd.f32 v16, v13  }
0x38f: {  	v21 =	vld.idx.msk [tilespmem:v20+s30+$0x0], $0xffff  }
0x390: {  	v16 =	vld.idx.msk [tilespmem:v19+s31+$0x0], $0xffff;
	[tilespmem:s14+$0x12000] =	vst v13  }
0x391: {  	v13 =	vld [tilespmem:s20+$0x10]  }
0x392: {  	v14 =	vmul.f32 v22, v14;
	v19 =	vld.idx.msk [tilespmem:v20+s31+$0x0], $0xffff  }
0x393: {  	v15 =	vmul.f32 v23, v15  }
0x394: {  	s10 =	simm.s32 $0x18060;
	v14 =	vadd.f32 v18, v14  }
0x395: {  	v24 =	vld [tilespmem:s10+$0xFFFFFFF0];
	v17 =	vmul.f32 v21, v17;
	v15 =	vadd.f32 v16, v15  }
0x396: {  	[tilespmem:s12+$0x12000] =	vst v14;
	v16 =	vtrunc.f32 v13  }
0x397: {  	v14 =	vadd.f32 v19, v17;
	v17 =	vld [tilespmem:s20+$0xFFFFFFE0];
	[tilespmem:s28+$0x12000] =	vst v15;
	v15 =	vcvt.f32.s32 v16;
	_ =	sdelay $0x1  }
0x398: {  	v18 =	vld [tilespmem:s20+$0xFFFFFFF0]  }
0x399: {  	v30 =	vtrunc.f32 v24;
	v19 =	vld [tilespmem:s10+$0x10]  }
0x39a: {  	v25 =	vld [tilespmem:s10+$0x0];
	v30 =	vcvt.f32.s32 v30;
	[tilespmem:s9+$0x12000] =	vst v14  }
0x39b: {  	v14 =	vld [tilespmem:s20+$0x0];
	v16 =	vtrunc.f32 v17  }
0x39c: {  	v16 =	vcvt.f32.s32 v16;
	v21 =	vld.idx.msk [tilespmem:v15+s2+$0x0], $0xffff  }
0x39d: {  	v23 =	vld [tilespmem:s10+$0xFFFFFFE0];
	v20 =	vtrunc.f32 v18  }
0x39e: {  	s21 =	simm.s32 $0x180A0;
	v26 =	vtrunc.f32 v19;
	v20 =	vcvt.f32.s32 v20;
	v15 =	vld.idx.msk [tilespmem:v15+s0+$0x0], $0xffff  }
0x39f: {  	v57 =	vld [tilespmem:s21+$0xFFFFFFF0];
	v26 =	vcvt.f32.s32 v26  }
0x3a0: {  	v32 =	vld.idx.msk [tilespmem:v30+s30+$0x0], $0xffff  }
0x3a1: {  	v30 =	vld.idx.msk [tilespmem:v30+s31+$0x0], $0xffff;
	v22 =	vtrunc.f32 v14;
	v13 =	vmul.f32 v21, v13  }
0x3a2: {  	v22 =	vcvt.f32.s32 v22;
	v27 =	vld.idx.msk [tilespmem:v16+s2+$0x0], $0xffff  }
0x3a3: {  	v28 =	vtrunc.f32 v23;
	v16 =	vld.idx.msk [tilespmem:v16+s0+$0x0], $0xffff;
	v13 =	vadd.f32 v15, v13  }
0x3a4: {  	v28 =	vcvt.f32.s32 v28;
	v21 =	vld.idx.msk [tilespmem:v20+s2+$0x0], $0xffff  }
0x3a5: {  	v15 =	vtrunc.f32 v25;
	[tilespmem:s14+$0x13000] =	vst v13;
	v13 =	vld.idx.msk [tilespmem:v26+s30+$0x0], $0xffff  }
0x3a6: {  	v31 =	vcvt.f32.s32 v15;
	v15 =	vld [tilespmem:s19+$0x10]  }
0x3a7: {  	v17 =	vmul.f32 v27, v17;
	v26 =	vld.idx.msk [tilespmem:v26+s31+$0x0], $0xffff  }
0x3a8: {  	v29 =	vld.idx.msk [tilespmem:v22+s2+$0x0], $0xffff  }
0x3a9: {  	v20 =	vld.idx.msk [tilespmem:v20+s0+$0x0], $0xffff;
	v16 =	vadd.f32 v16, v17  }
0x3aa: {  	s11 =	simm.s32 $0x200;
	s13 =	simm.s32 $0x10;
	v27 =	vld.idx.msk [tilespmem:v28+s30+$0x0], $0xffff;
	v13 =	vmul.f32 v13, v19  }
0x3ab: {  	s1 =	sand.u32 $0xC00, s11;
	s3 =	sand.u32 $0x380, s13;
	v28 =	vld.idx.msk [tilespmem:v28+s31+$0x0], $0xffff;
	[tilespmem:s12+$0x13000] =	vst v16;
	v19 =	vtrunc.f32 v15  }
0x3ac: {  	s1 =	sor.u32 s3, s1;
	v16 =	vld [tilespmem:s19+$0xFFFFFFE0];
	v19 =	vcvt.f32.s32 v19;
	v13 =	vadd.f32 v26, v13  }
0x3ad: {  	s22 =	sor.u32 s15, s1;
	v17 =	vld.idx.msk [tilespmem:v31+s30+$0x0], $0xffff  }
0x3ae: {  	s17 =	simm.s32 $0x19060;
	v26 =	vld.idx.msk [tilespmem:v31+s31+$0x0], $0xffff;
	[tilespmem:s22+$0x12000] =	vst v13  }
0x3af: {  	v13 =	vmul.f32 v21, v18;
	v18 =	vld [tilespmem:s17+$0x10]  }
0x3b0: {  	v21 =	vld.idx.msk [tilespmem:v22+s0+$0x0], $0xffff;
	v22 =	vmul.f32 v27, v23  }
0x3b1: {  	v33 =	vld [tilespmem:s21+$0x0];
	s20 =	simm.s32 $0x40;
	v13 =	vadd.f32 v20, v13;
	v20 =	vmul.f32 v32, v24  }
0x3b2: {  	s4 =	sand.u32 $0x40, s20;
	v14 =	vmul.f32 v29, v14;
	v22 =	vadd.f32 v28, v22;
	v23 =	vld.idx.msk [tilespmem:v19+s23+$0x0], $0xffff  }
0x3b3: {  	s20 =	sor.u32 s4, s1;
	v17 =	vmul.f32 v17, v25;
	v24 =	vtrunc.f32 v16;
	[tilespmem:s28+$0x13000] =	vst v13;
	v13 =	vadd.f32 v30, v20;
	v30 =	vld [tilespmem:s21+$0x10]  }
0x3b4: {  	v25 =	vld.idx.msk [tilespmem:v19+s8+$0x0], $0xffff;
	v19 =	vcvt.f32.s32 v24;
	[tilespmem:s20+$0x12000] =	vst v22;
	v20 =	vtrunc.f32 v18  }
0x3b5: {  	s15 =	sor.u32 s16, s1;
	v17 =	vadd.f32 v26, v17;
	v14 =	vadd.f32 v21, v14;
	v21 =	vld [tilespmem:s17+$0xFFFFFFE0];
	v20 =	vcvt.f32.s32 v20  }
0x3b6: {  	s16 =	sor.u32 s18, s1;
	v31 =	vld [tilespmem:s21+$0xFFFFFFE0];
	[tilespmem:s15+$0x12000] =	vst v13  }
0x3b7: {  	[tilespmem:s16+$0x12000] =	vst v17;
	v22 =	vld [tilespmem:s17+$0xFFFFFFF0]  }
0x3b8: {  	[tilespmem:s9+$0x13000] =	vst v14;
	v14 =	vld [tilespmem:s17+$0x0];
	v34 =	vtrunc.f32 v30  }
0x3b9: {  	v24 =	vld [tilespmem:s19+$0xFFFFFFF0];
	v34 =	vcvt.f32.s32 v34  }
0x3ba: {  	v26 =	vld.idx.msk [tilespmem:v19+s23+$0x0], $0xffff;
	v17 =	vtrunc.f32 v21  }
0x3bb: {  	v17 =	vcvt.f32.s32 v17;
	v28 =	vld.idx.msk [tilespmem:v20+s2+$0x0], $0xffff  }
0x3bc: {  	v27 =	vld.idx.msk [tilespmem:v19+s8+$0x0], $0xffff;
	v19 =	vtrunc.f32 v22  }
0x3bd: {  	v29 =	vtrunc.f32 v14;
	v19 =	vcvt.f32.s32 v19;
	v20 =	vld.idx.msk [tilespmem:v20+s0+$0x0], $0xffff  }
0x3be: {  	v13 =	vld [tilespmem:s19+$0x0];
	v29 =	vcvt.f32.s32 v29  }
0x3bf: {  	v40 =	vld.idx.msk [tilespmem:v34+s30+$0x0], $0xffff  }
0x3c0: {  	v34 =	vld.idx.msk [tilespmem:v34+s31+$0x0], $0xffff;
	v18 =	vmul.f32 v28, v18  }
0x3c1: {  	v35 =	vld.idx.msk [tilespmem:v17+s2+$0x0], $0xffff;
	v28 =	vtrunc.f32 v24  }
0x3c2: {  	v17 =	vld.idx.msk [tilespmem:v17+s0+$0x0], $0xffff;
	v28 =	vcvt.f32.s32 v28;
	v18 =	vadd.f32 v20, v18;
	v20 =	vtrunc.f32 v31  }
0x3c3: {  	v36 =	vld.idx.msk [tilespmem:v19+s2+$0x0], $0xffff;
	v20 =	vcvt.f32.s32 v20  }
0x3c4: {  	v37 =	vld.idx.msk [tilespmem:v29+s2+$0x0], $0xffff  }
0x3c5: {  	v38 =	vtrunc.f32 v57;
	v58 =	vtrunc.f32 v33;
	v19 =	vld.idx.msk [tilespmem:v19+s0+$0x0], $0xffff  }
0x3c6: {  	s10 =	simm.s32 $0x1A060;
	v29 =	vld.idx.msk [tilespmem:v29+s0+$0x0], $0xffff;
	[tilespmem:s22+$0x13000] =	vst v18;
	v18 =	vcvt.f32.s32 v38;
	v21 =	vmul.f32 v35, v21  }
0x3c7: {  	v38 =	vcvt.f32.s32 v58;
	v39 =	vld [tilespmem:s10+$0x10]  }
0x3c8: {  	v17 =	vadd.f32 v17, v21;
	v41 =	vld.idx.msk [tilespmem:v28+s23+$0x0], $0xffff  }
0x3c9: {  	v42 =	vld.idx.msk [tilespmem:v20+s30+$0x0], $0xffff  }
0x3ca: {  	[tilespmem:s20+$0x13000] =	vst v17;
	v20 =	vld.idx.msk [tilespmem:v20+s31+$0x0], $0xffff  }
0x3cb: {  	s3 =	simm.s32 $0x20;
	s1 =	simm.s32 $0x400;
	v21 =	vmul.f32 v40, v30;
	v17 =	vld [tilespmem:s10+$0xFFFFFFE0]  }
0x3cc: {  	s6 =	simm.s32 $0xB0;
	s5 =	sand.u32 $0x380, s3;
	s24 =	sand.u32 $0xC00, s1;
	v22 =	vmul.f32 v36, v22;
	v43 =	vtrunc.f32 v39;
	v59 =	vld.idx.msk [tilespmem:v18+s30+$0x0], $0xffff  }
0x3cd: {  	s25 =	sand.u32 $0x70, s6;
	s5 =	sor.u32 s5, s24;
	v14 =	vmul.f32 v37, v14;
	v21 =	vadd.f32 v34, v21;
	v44 =	vld.idx.msk [tilespmem:v38+s30+$0x0], $0xffff;
	v43 =	vcvt.f32.s32 v43  }
0x3ce: {  	s6 =	sor.u32 s25, s5;
	v22 =	vadd.f32 v19, v22;
	v18 =	vld.idx.msk [tilespmem:v18+s31+$0x0], $0xffff  }
0x3cf: {  	s7 =	simm.s32 $0x190A0;
	v14 =	vadd.f32 v29, v14;
	v30 =	vld.idx.msk [tilespmem:v38+s31+$0x0], $0xffff;
	[tilespmem:s6+$0x12000] =	vst v21  }
0x3d0: {  	[tilespmem:s15+$0x13000] =	vst v22;
	v19 =	vld [tilespmem:s7+$0x10];
	v31 =	vmul.f32 v42, v31  }
0x3d1: {  	s18 =	simm.s32 $0x80;
	v21 =	vtrunc.f32 v13;
	[tilespmem:s16+$0x13000] =	vst v14;
	v14 =	vld [tilespmem:s10+$0xFFFFFFF0];
	v29 =	vmul.f32 v59, v57  }
0x3d2: {  	s11 =	simm.s32 $0x90;
	s26 =	sand.u32 $0x40, s18;
	v22 =	vmul.f32 v44, v33;
	v20 =	vadd.f32 v20, v31;
	v31 =	vcvt.f32.s32 v21;
	v21 =	vld [tilespmem:s10+$0x0]  }
0x3d3: {  	s29 =	simm.s32 $0xA0;
	s11 =	sand.u32 $0x50, s11;
	s19 =	sor.u32 s26, s5;
	v60 =	vld.idx.msk [tilespmem:v43+s23+$0x0], $0xffff;
	v18 =	vadd.f32 v18, v29  }
0x3d4: {  	s13 =	sand.u32 $0x60, s29;
	s4 =	sor.u32 s11, s5;
	v61 =	vld.idx.msk [tilespmem:v43+s8+$0x0], $0xffff;
	v29 =	vadd.f32 v30, v22;
	v22 =	vtrunc.f32 v17;
	[tilespmem:s19+$0x12000] =	vst v20  }
0x3d5: {  	s13 =	sor.u32 s13, s5;
	v15 =	vmul.f32 v23, v15;
	v62 =	vcvt.f32.s32 v22;
	v20 =	vld [tilespmem:s7+$0xFFFFFFE0];
	[tilespmem:s4+$0x12000] =	vst v18  }
0x3d6: {  	v16 =	vmul.f32 v26, v16;
	[tilespmem:s13+$0x12000] =	vst v29;
	v18 =	vtrunc.f32 v19;
	v22 =	vld [tilespmem:s7+$0xFFFFFFF0]  }
0x3d7: {  	v26 =	vtrunc.f32 v14;
	v23 =	vld [tilespmem:s7+$0x0];
	v32 =	vcvt.f32.s32 v18  }
0x3d8: {  	v29 =	vadd.f32 v25, v15;
	v15 =	vcvt.f32.s32 v26;
	v25 =	vld.idx.msk [tilespmem:v28+s8+$0x0], $0xffff  }
0x3d9: {  	v26 =	vadd.f32 v27, v16;
	v18 =	vmul.f32 v41, v24;
	v24 =	vld.idx.msk [tilespmem:v31+s23+$0x0], $0xffff;
	v30 =	vmul.f32 v60, v39  }
0x3da: {  	v16 =	vtrunc.f32 v21;
	[tilespmem:s14+$0x14000] =	vst v29;
	v27 =	vld.idx.msk [tilespmem:v31+s8+$0x0], $0xffff;
	v28 =	vtrunc.f32 v20  }
0x3db: {  	[tilespmem:s12+$0x14000] =	vst v26;
	v16 =	vcvt.f32.s32 v16;
	v29 =	vadd.f32 v61, v30;
	v26 =	vld.idx.msk [tilespmem:v62+s8+$0x0], $0xffff;
	v30 =	vcvt.f32.s32 v28  }
0x3dc: {  	v28 =	vld.idx.msk [tilespmem:v62+s23+$0x0], $0xffff;
	v31 =	vtrunc.f32 v22;
	v63 =	vtrunc.f32 v23  }
0x3dd: {  	s12 =	simm.s32 $0x180E0;
	[tilespmem:s22+$0x14000] =	vst v29;
	v31 =	vcvt.f32.s32 v31;
	v29 =	vcvt.f32.s32 v63;
	v33 =	vld.idx.msk [tilespmem:v32+s2+$0x0], $0xffff  }
.LBB2_13:
0x3de: {  	v34 =	vld [tilespmem:s12+$0x10];
	v24 =	vmul.f32 v24, v13;
	v13 =	vmov v21;
	s14 =	smov.u32 s18  }
0x3df: {  	v18 =	vadd.f32 v25, v18;
	v21 =	vld.idx.msk [tilespmem:v32+s0+$0x0], $0xffff  }
0x3e0: {  	v25 =	vld [tilespmem:s12+$0xFFFFFFE0];
	v24 =	vadd.f32 v27, v24  }
0x3e1: {  	v17 =	vmul.f32 v28, v17;
	v27 =	vld [tilespmem:s12+$0xFFFFFFF0];
	[tilespmem:s28+$0x14000] =	vst v18;
	s28 =	smov.u32 s15;
	s15 =	smov.u32 s4  }
0x3e2: {  	v28 =	vld [tilespmem:s12+$0x0];
	[tilespmem:s9+$0x14000] =	vst v24;
	s9 =	smov.u32 s16;
	s16 =	smov.u32 s13  }
0x3e3: {  	v19 =	vmul.f32 v33, v19;
	v17 =	vadd.f32 v26, v17;
	v18 =	vtrunc.f32 v34;
	v24 =	vld.idx.msk [tilespmem:v30+s2+$0x0], $0xffff  }
0x3e4: {  	v18 =	vcvt.f32.s32 v18;
	v26 =	vld.idx.msk [tilespmem:v31+s2+$0x0], $0xffff  }
0x3e5: {  	v19 =	vadd.f32 v21, v19;
	v32 =	vtrunc.f32 v25;
	v33 =	vld.idx.msk [tilespmem:v29+s2+$0x0], $0xffff;
	[tilespmem:s20+$0x14000] =	vst v17;
	s20 =	smov.u32 s19  }
0x3e6: {  	v17 =	vcvt.f32.s32 v32;
	v21 =	vtrunc.f32 v27;
	v30 =	vld.idx.msk [tilespmem:v30+s0+$0x0], $0xffff  }
0x3e7: {  	s10 =	sadd.s32 $0x40, s10;
	v21 =	vcvt.f32.s32 v21;
	v32 =	vtrunc.f32 v28;
	v31 =	vld.idx.msk [tilespmem:v31+s0+$0x0], $0xffff;
	[tilespmem:s6+$0x13000] =	vst v19  }
0x3e8: {  	v19 =	vcvt.f32.s32 v32;
	v32 =	vld [tilespmem:s10+$0x10]  }
0x3e9: {  	v20 =	vmul.f32 v24, v20;
	v24 =	vld.idx.msk [tilespmem:v29+s0+$0x0], $0xffff  }
0x3ea: {  	v22 =	vmul.f32 v26, v22;
	v29 =	vld.idx.msk [tilespmem:v18+s30+$0x0], $0xffff  }
0x3eb: {  	v23 =	vmul.f32 v33, v23;
	v26 =	vld.idx.msk [tilespmem:v15+s23+$0x0], $0xffff  }
0x3ec: {  	v33 =	vld.idx.msk [tilespmem:v18+s31+$0x0], $0xffff;
	v18 =	vadd.f32 v30, v20  }
0x3ed: {  	v22 =	vadd.f32 v31, v22;
	v20 =	vld.idx.msk [tilespmem:v17+s30+$0x0], $0xffff;
	v30 =	vtrunc.f32 v32  }
0x3ee: {  	s18 =	sadd.s32 $0x40, s18;
	v31 =	vld.idx.msk [tilespmem:v21+s30+$0x0], $0xffff;
	[tilespmem:s20+$0x13000] =	vst v18;
	v30 =	vcvt.f32.s32 v30  }
0x3ef: {  	s5 =	sadd.s32 $0x50, s14;
	s11 =	sadd.s32 $0x60, s14;
	s4 =	sand.u32 $0x40, s18;
	v18 =	vadd.f32 v24, v23;
	v35 =	vld.idx.msk [tilespmem:v19+s30+$0x0], $0xffff;
	[tilespmem:s15+$0x13000] =	vst v22  }
0x3f0: {  	s1 =	sadd.s32 $0x200, s1;
	s3 =	sadd.s32 $0x10, s3;
	s5 =	sand.u32 $0x50, s5;
	v22 =	vld.idx.msk [tilespmem:v17+s31+$0x0], $0xffff;
	v17 =	vmul.f32 v29, v34  }
0x3f1: {  	s17 =	sand.u32 $0x380, s3;
	s14 =	sadd.s32 $0x70, s14;
	s13 =	sand.u32 $0xC00, s1;
	v21 =	vld.idx.msk [tilespmem:v21+s31+$0x0], $0xffff;
	[tilespmem:s16+$0x13000] =	vst v18;
	v18 =	vmul.f32 v26, v14  }
0x3f2: {  	s11 =	sand.u32 $0x60, s11;
	s14 =	sand.u32 $0x70, s14;
	s13 =	sor.u32 s17, s13;
	v23 =	vld.idx.msk [tilespmem:v19+s31+$0x0], $0xffff;
	v14 =	vadd.f32 v33, v17  }
0x3f3: {  	s19 =	sor.u32 s4, s13;
	s4 =	sor.u32 s5, s13;
	s5 =	sor.u32 s14, s13;
	v20 =	vmul.f32 v20, v25;
	v17 =	vld [tilespmem:s10+$0xFFFFFFE0]  }
0x3f4: {  	s7 =	sadd.s32 $0x40, s7;
	p2 =	slt.u32 s18, $0xFC0;
	s13 =	sor.u32 s11, s13;
	v24 =	vmul.f32 v31, v27;
	[tilespmem:s5+$0x12000] =	vst v14;
	v25 =	vld.idx.msk [tilespmem:v30+s23+$0x0], $0xffff  }
0x3f5: {  	v26 =	vmul.f32 v35, v28;
	v19 =	vld [tilespmem:s7+$0x10]  }
0x3f6: {  	v20 =	vadd.f32 v22, v20;
	v27 =	vld.idx.msk [tilespmem:v30+s8+$0x0], $0xffff  }
0x3f7: {  	v22 =	vadd.f32 v21, v24;
	v14 =	vld [tilespmem:s10+$0xFFFFFFF0]  }
0x3f8: {  	v23 =	vadd.f32 v23, v26;
	[tilespmem:s19+$0x12000] =	vst v20;
	v24 =	vtrunc.f32 v17;
	v21 =	vld [tilespmem:s10+$0x0]  }
0x3f9: {  	v20 =	vld [tilespmem:s7+$0xFFFFFFE0];
	[tilespmem:s4+$0x12000] =	vst v22;
	v26 =	vcvt.f32.s32 v24  }
0x3fa: {  	v25 =	vmul.f32 v25, v32;
	v22 =	vld [tilespmem:s7+$0xFFFFFFF0];
	[tilespmem:s13+$0x12000] =	vst v23;
	v24 =	vtrunc.f32 v19  }
0x3fb: {  	v23 =	vld [tilespmem:s7+$0x0];
	v32 =	vcvt.f32.s32 v24  }
0x3fc: {  	v27 =	vadd.f32 v27, v25;
	v28 =	vtrunc.f32 v14;
	v24 =	vld.idx.msk [tilespmem:v16+s23+$0x0], $0xffff  }
.Ltmp7:
0x3fd: {  	v29 =	vtrunc.f32 v21;
	v25 =	vld.idx.msk [tilespmem:v15+s8+$0x0], $0xffff;
	v15 =	vcvt.f32.s32 v28;
	(pc) =	sbr.rel @p2 .LBB2_13-.Ltmp7, $4  }
0x3fe: {  	v28 =	vtrunc.f32 v20;
	[tilespmem:s6+$0x14000] =	vst v27;
	v27 =	vld.idx.msk [tilespmem:v16+s8+$0x0], $0xffff;
	v16 =	vcvt.f32.s32 v29;
	s6 =	smov.u32 s5  }
0x3ff: {  	v30 =	vcvt.f32.s32 v28;
	v29 =	vtrunc.f32 v22;
	v28 =	vld.idx.msk [tilespmem:v26+s23+$0x0], $0xffff  }
0x400: {  	v31 =	vcvt.f32.s32 v29;
	v29 =	vtrunc.f32 v23;
	v26 =	vld.idx.msk [tilespmem:v26+s8+$0x0], $0xffff  }
0x401: {  	s12 =	sadd.s32 $0x40, s12;
	v29 =	vcvt.f32.s32 v29;
	v33 =	vld.idx.msk [tilespmem:v32+s2+$0x0], $0xffff  }
0x402: {  	_ =	sdelay $0x3  }
0x403: {  	v32 =	vld.idx.msk [tilespmem:v32+s0+$0x0], $0xffff  }
0x404: {  	v34 =	vld.idx.msk [tilespmem:v30+s2+$0x0], $0xffff  }
0x405: {  	v46 =	vld.idx.msk [tilespmem:v31+s2+$0x0], $0xffff  }
0x406: {  	v30 =	vld.idx.msk [tilespmem:v30+s0+$0x0], $0xffff;
	v19 =	vmul.f32 v33, v19  }
0x407: {  	v35 =	vld.idx.msk [tilespmem:v29+s2+$0x0], $0xffff  }
0x408: {  	v31 =	vld.idx.msk [tilespmem:v31+s0+$0x0], $0xffff;
	v19 =	vadd.f32 v32, v19  }
0x409: {  	v29 =	vld.idx.msk [tilespmem:v29+s0+$0x0], $0xffff;
	v20 =	vmul.f32 v34, v20  }
0x40a: {  	s1 =	sadd.s32 $0x40, s10;
	[tilespmem:s6+$0x13000] =	vst v19  }
0x40b: {  	v20 =	vadd.f32 v30, v20;
	v19 =	vld [tilespmem:s1+$0x10]  }
0x40c: {  	v22 =	vmul.f32 v46, v22;
	v23 =	vmul.f32 v35, v23  }
0x40d: {  	[tilespmem:s19+$0x13000] =	vst v20  }
0x40e: {  	v22 =	vadd.f32 v31, v22;
	v23 =	vadd.f32 v29, v23;
	v29 =	vld [tilespmem:s1+$0xFFFFFFE0];
	_ =	sdelay $0x1  }
0x40f: {  	[tilespmem:s4+$0x13000] =	vst v22;
	v20 =	vtrunc.f32 v19  }
0x410: {  	[tilespmem:s13+$0x13000] =	vst v23;
	v22 =	vld [tilespmem:s1+$0xFFFFFFF0];
	v20 =	vcvt.f32.s32 v20  }
0x411: {  	v23 =	vld [tilespmem:s1+$0x0]  }
0x412: {  	v30 =	vtrunc.f32 v29  }
0x413: {  	v30 =	vcvt.f32.s32 v30  }
0x414: {  	v50 =	vld.idx.msk [tilespmem:v16+s23+$0x0], $0xffff  }
0x415: {  	v31 =	vld.idx.msk [tilespmem:v15+s23+$0x0], $0xffff;
	v48 =	vtrunc.f32 v22  }
0x416: {  	v33 =	vcvt.f32.s32 v48;
	v49 =	vtrunc.f32 v23;
	v47 =	vld.idx.msk [tilespmem:v20+s23+$0x0], $0xffff  }
0x417: {  	v15 =	vld.idx.msk [tilespmem:v15+s8+$0x0], $0xffff;
	v34 =	vcvt.f32.s32 v49  }
0x418: {  	v20 =	vld.idx.msk [tilespmem:v20+s8+$0x0], $0xffff  }
0x419: {  	v13 =	vmul.f32 v24, v13;
	v36 =	vld.idx.msk [tilespmem:v30+s23+$0x0], $0xffff  }
0x41a: {  	v16 =	vld.idx.msk [tilespmem:v16+s8+$0x0], $0xffff;
	v18 =	vadd.f32 v25, v18;
	v17 =	vmul.f32 v28, v17  }
0x41b: {  	v13 =	vadd.f32 v27, v13;
	v24 =	vld.idx.msk [tilespmem:v30+s8+$0x0], $0xffff;
	v19 =	vmul.f32 v47, v19  }
0x41c: {  	[tilespmem:s28+$0x14000] =	vst v18;
	v17 =	vadd.f32 v26, v17;
	v14 =	vmul.f32 v31, v14;
	v25 =	vld.idx.msk [tilespmem:v33+s23+$0x0], $0xffff  }
0x41d: {  	[tilespmem:s9+$0x14000] =	vst v13;
	v27 =	vld.idx.msk [tilespmem:v34+s23+$0x0], $0xffff;
	v13 =	vadd.f32 v20, v19;
	v19 =	vmul.f32 v50, v21  }
0x41e: {  	[tilespmem:s20+$0x14000] =	vst v17;
	v14 =	vadd.f32 v15, v14;
	v18 =	vld.idx.msk [tilespmem:v33+s8+$0x0], $0xffff;
	v15 =	vmul.f32 v36, v29  }
0x41f: {  	v20 =	vld.idx.msk [tilespmem:v34+s8+$0x0], $0xffff;
	[tilespmem:s6+$0x14000] =	vst v13;
	v13 =	vadd.f32 v16, v19  }
0x420: {  	[tilespmem:s15+$0x14000] =	vst v14;
	v14 =	vadd.f32 v24, v15  }
0x421: {  	v16 =	vmul.f32 v25, v22;
	[tilespmem:s16+$0x14000] =	vst v13  }
0x422: {  	v15 =	vmul.f32 v27, v23;
	s6 =	rddreg [dreg:$0x1b];
	[tilespmem:s19+$0x14000] =	vst v14  }
0x423: {  	v13 =	vadd.f32 v18, v16;
	s25 =	sshll.u32 s6, $0xC;
	s3 =	rddreg [dreg:$0x6]  }
0x424: {  	v14 =	vadd.f32 v20, v15;
	s1 =	sadd.s32 s3, s25  }
0x425: {  	s26 =	rddreg [dreg:$0x2];
	[tilespmem:s4+$0x14000] =	vst v13;
	s1 =	sshrl.u32 s1, $0x3  }
0x426: {  	s29 =	simm.s32 $0x0;
	s7 =	simm.s32 $0x12000;
	[tilespmem:s13+$0x14000] =	vst v14;
	s1 =	sadd.s32 s26, s1  }
0x427: {  	[hbm4b:s1+s29] =	stream.linear.scatter [tilespmem:s7], [sflag:$0x7], $0x1000, $0x38;
	[tilespmem:$0x1B400] =	vst v63  }
0x428: {  	s5 =	simm.s32 $0x13000;
	s9 =	sadd.s32 $0x8000, s1  }
0x429: {  	[hbm4b:s9+s29] =	stream.linear.scatter [tilespmem:s5], [sflag:$0x7], $0x1000, $0x38;
	[tilespmem:$0x1B400] =	vst v63  }
0x42a: {  	s10 =	simm.s32 $0x14000;
	s1 =	sadd.s32 $0x10000, s1  }
0x42b: {  	[hbm4b:s1+s29] =	stream.linear.scatter [tilespmem:s10], [sflag:$0x7], $0x1000, $0x38;
	[tilespmem:$0x1B400] =	vst v63  }
0x42c: {  	s1 =	rddreg [dreg:$0x4]  }
0x42d: {  	s1 =	sor.u32 @!p1 s1, s6  }
0x42e: {  	s1 =	sadd.s32 @!p1 $0x4, s1  }
0x42f: {  	s3 =	sshrl.u32 @!p1 s1, $0x6  }
0x430: {  	s1 =	sshll.u32 @!p1 s1, $0xC;
	s3 =	smul.u32 @!p1 $0xC0000, s3  }
0x431: {  	s1 =	sand.u32 @!p1 $0x3E000, s1  }
0x432: {  	s1 =	sor.u32 @!p1 s1, s3  }
0x433: {  	s3 =	rddreg [dreg:$0x0];
	s1 =	sshrl.u32 @!p1 s1, $0x3  }
0x434: {  	s4 =	simm.s32 @!p1 $0x6000;
	s1 =	sadd.s32 @!p1 s3, s1;
	s3 =	simm.s32 @!p1 $0x0  }
0x435: {  	[tilespmem:s4], [sflag:$0x3] =	stream.linear.gather @!p1 [hbm4b:s1+s3], $0x1000, $0x38;
	[tilespmem:$0x1B400] =	vst v63  }
0x436: {  	s5 =	simm.s32 @!p1 $0x7000;
	s4 =	sadd.s32 @!p1 $0x8000, s1  }
0x437: {  	[tilespmem:s5], [sflag:$0x3] =	stream.linear.gather @!p1 [hbm4b:s4+s3], $0x1000, $0x38;
	[tilespmem:$0x1B400] =	vst v63  }
0x438: {  	s11 =	simm.s32 $0x4;
	s1 =	sadd.s32 @!p1 $0x10000, s1;
	s4 =	simm.s32 @!p1 $0x8000  }
0x439: {  	[tilespmem:s4], [sflag:$0x3] =	stream.linear.gather @!p1 [hbm4b:s1+s3], $0x1000, $0x38;
	[tilespmem:$0x1B400] =	vst v63  }
0x43a: {  	_ =	swait.ge [sflag:s11], $0x1000  }
0x43b: {  	[sflag:s11] =	ssyncset.done $0x0  }
0x43c: {  	[sflag:s11] =	ssyncadd.s32 $0xFFFFF000  }
0x43d: {  	_ =	swait.ge [sflag:s11], $0x1000  }
0x43e: {  	[sflag:s11] =	ssyncset.done $0x0  }
0x43f: {  	[sflag:s11] =	ssyncadd.s32 $0xFFFFF000  }
0x440: {  	_ =	swait.ge [sflag:s11], $0x1000  }
0x441: {  	[sflag:s11] =	ssyncset.done $0x0  }
0x442: {  	s1 =	simm.s32 @!p0 $0x8;
	[sflag:s11] =	ssyncadd.s32 $0xFFFFF000  }
0x443: {  	_ =	swait.ge @!p0 [sflag:s1], $0x1000  }
0x444: {  	[sflag:s1] =	ssyncset.done @!p0 $0x0  }
0x445: {  	[sflag:s1] =	ssyncadd.s32 @!p0 $0xFFFFF000  }
0x446: {  	_ =	swait.ge @!p0 [sflag:s1], $0x1000  }
0x447: {  	[sflag:s1] =	ssyncset.done @!p0 $0x0  }
0x448: {  	s12 =	simm.s32 $0x0;
	s14 =	simm.s32 $0x30;
	[sflag:s1] =	ssyncadd.s32 @!p0 $0xFFFFF000  }
0x449: {  	s13 =	sand.u32 $0xC00, s12;
	s3 =	sand.u32 $0x380, s12;
	_ =	swait.ge @!p0 [sflag:s1], $0x1000  }
0x44a: {  	s15 =	sand.u32 $0x70, s14;
	s3 =	sor.u32 s3, s13;
	[sflag:s1] =	ssyncset.done @!p0 $0x0  }
0x44b: {  	s12 =	sor.u32 s15, s3;
	[sflag:s1] =	ssyncadd.s32 @!p0 $0xFFFFF000  }
0x44c: {  	v13 =	vld [tilespmem:s12+$0x9000]  }
0x44d: {  	s16 =	simm.s32 $0x0;
	v14 =	vld [tilespmem:s12+$0xA000]  }
0x44e: {  	s17 =	simm.s32 $0x10;
	s1 =	sand.u32 $0x40, s16;
	v15 =	vld [tilespmem:s12+$0xB000]  }
0x44f: {  	s18 =	simm.s32 $0x20;
	s11 =	sor.u32 s1, s3;
	s1 =	sand.u32 $0x50, s17  }
0x450: {  	v16 =	vld [tilespmem:s11+$0x9000];
	s28 =	sor.u32 s1, s3;
	s1 =	sand.u32 $0x60, s18  }
0x451: {  	v17 =	vld [tilespmem:s11+$0xA000];
	s9 =	sor.u32 s1, s3;
	v18 =	vmul.f32 v13, v1  }
0x452: {  	s20 =	simm.s32 $0x200;
	s10 =	simm.s32 $0x10;
	v25 =	vld [tilespmem:s9+$0x9000];
	v19 =	vmul.f32 v14, v2;
	v20 =	vmul.f32 v13, v5  }
0x453: {  	s19 =	sand.u32 $0xC00, s20;
	s25 =	simm.s32 $0x50;
	s21 =	sand.u32 $0x380, s10;
	v21 =	vmul.f32 v14, v6;
	v22 =	vmul.f32 v15, v3  }
0x454: {  	s15 =	sand.u32 $0x50, s25;
	s1 =	sor.u32 s21, s19;
	v13 =	vmul.f32 v13, v9;
	v14 =	vmul.f32 v14, v10  }
0x455: {  	s26 =	simm.s32 $0x60;
	v26 =	vld [tilespmem:s9+$0xA000];
	s4 =	sor.u32 s15, s1;
	v24 =	vmul.f32 v15, v7;
	v15 =	vmul.f32 v15, v11  }
0x456: {  	s16 =	sand.u32 $0x60, s26;
	v56 =	vld [tilespmem:s4+$0x9000];
	v23 =	vmul.f32 v16, v1;
	v18 =	vadd.f32 v19, v18;
	v20 =	vadd.f32 v21, v20  }
0x457: {  	s5 =	sor.u32 s16, s1;
	v59 =	vld [tilespmem:s4+$0xA000];
	v13 =	vadd.f32 v14, v13;
	v14 =	vmul.f32 v17, v2;
	v51 =	vmul.f32 v25, v5  }
0x458: {  	v37 =	vld [tilespmem:s5+$0x9000];
	v18 =	vadd.f32 v22, v18;
	v22 =	vmul.f32 v16, v5;
	v20 =	vadd.f32 v24, v20  }
0x459: {  	v19 =	vld [tilespmem:s28+$0x9000];
	v24 =	vmul.f32 v17, v6;
	v13 =	vadd.f32 v15, v13;
	v15 =	vmul.f32 v16, v9  }
0x45a: {  	v21 =	vld [tilespmem:s28+$0xA000];
	v16 =	vmul.f32 v17, v10;
	v14 =	vadd.f32 v14, v23;
	v23 =	vmul.f32 v25, v1  }
0x45b: {  	v25 =	vmul.f32 v25, v9;
	v61 =	vmul.f32 v56, v1  }
0x45c: {  	v38 =	vmul.f32 v59, v2;
	v32 =	vmul.f32 v56, v9  }
0x45d: {  	v62 =	vmul.f32 v37, v9;
	v22 =	vadd.f32 v24, v22;
	v24 =	vmul.f32 v26, v2  }
0x45e: {  	v15 =	vadd.f32 v16, v15;
	v16 =	vmul.f32 v26, v6;
	v26 =	vmul.f32 v26, v10  }
0x45f: {  	v29 =	vld [tilespmem:s11+$0xB000];
	v17 =	vadd.f32 v20, v8;
	v20 =	vmul.f32 v19, v1;
	v27 =	vmul.f32 v21, v2  }
0x460: {  	v31 =	vld [tilespmem:s28+$0xB000];
	v18 =	vadd.f32 v18, v4;
	v28 =	vmul.f32 v19, v5;
	v30 =	vmul.f32 v21, v6  }
0x461: {  	v52 =	vld [tilespmem:s9+$0xB000];
	v13 =	vadd.f32 v13, v12;
	v19 =	vmul.f32 v19, v9;
	v21 =	vmul.f32 v21, v10  }
0x462: {  	v18 =	vmax.f32 v18, $0.0e+00;
	v16 =	vadd.f32 v16, v51;
	v17 =	vmax.f32 v17, $0.0e+00  }
0x463: {  	v13 =	vmax.f32 v13, $0.0e+00;
	v20 =	vadd.f32 v27, v20;
	v27 =	vadd.f32 v30, v28  }
0x464: {  	v28 =	vmul.f32 v29, v3;
	v19 =	vadd.f32 v21, v19;
	v21 =	vadd.f32 v24, v23  }
0x465: {  	v23 =	vmul.f32 v29, v7;
	v24 =	vadd.f32 v26, v25;
	v25 =	vmul.f32 v29, v11  }
0x466: {  	v26 =	vmul.f32 v31, v3;
	v29 =	vmul.f32 v52, v7;
	v14 =	vadd.f32 v28, v14  }
0x467: {  	v22 =	vadd.f32 v23, v22;
	v23 =	vmul.f32 v31, v7;
	v28 =	vmul.f32 v31, v11  }
0x468: {  	v15 =	vadd.f32 v25, v15;
	v25 =	vmul.f32 v52, v3;
	v20 =	vadd.f32 v26, v20  }
0x469: {  	s22 =	simm.s32 $0x70;
	v26 =	vmul.f32 v52, v11;
	v16 =	vadd.f32 v29, v16;
	v23 =	vadd.f32 v23, v27  }
0x46a: {  	s14 =	sand.u32 $0x70, s22;
	s22 =	simm.s32 $0x18020;
	v18 =	vmin.f32 v18, $1.599999900e+01;
	v19 =	vadd.f32 v28, v19;
	v21 =	vadd.f32 v25, v21  }
0x46b: {  	s19 =	simm.s32 $0x19020;
	v17 =	vmin.f32 v17, $1.599999900e+01;
	[tilespmem:s22+$0x10] =	vst v18;
	v24 =	vadd.f32 v26, v24;
	v14 =	vadd.f32 v14, v4  }
0x46c: {  	s18 =	simm.s32 $0x1A020;
	s3 =	sor.u32 s14, s1;
	[tilespmem:s19+$0x10] =	vst v17;
	v22 =	vadd.f32 v22, v8;
	v25 =	vmin.f32 v13, $1.599999900e+01;
	v13 =	vadd.f32 v15, v12  }
0x46d: {  	v15 =	vadd.f32 v20, v4;
	v20 =	vld [tilespmem:s3+$0x9000];
	v28 =	vadd.f32 v16, v8;
	[tilespmem:s18+$0x10] =	vst v25;
	v25 =	vmul.f32 v56, v5  }
0x46e: {  	v27 =	vld [tilespmem:s3+$0xA000];
	v14 =	vmax.f32 v14, $0.0e+00;
	v23 =	vadd.f32 v23, v8;
	v19 =	vadd.f32 v19, v12  }
0x46f: {  	v26 =	vld [tilespmem:s3+$0xB000];
	v22 =	vmax.f32 v22, $0.0e+00;
	v21 =	vadd.f32 v21, v4;
	v29 =	vmax.f32 v13, $0.0e+00  }
0x470: {  	s6 =	simm.s32 $0x40;
	v30 =	vmax.f32 v15, $0.0e+00;
	v13 =	vadd.f32 v24, v12;
	v22 =	vmin.f32 v22, $1.599999900e+01  }
0x471: {  	s24 =	sand.u32 $0x40, s6;
	v30 =	vmin.f32 v30, $1.599999900e+01;
	v23 =	vmax.f32 v23, $0.0e+00;
	v16 =	vmax.f32 v19, $0.0e+00  }
0x472: {  	s3 =	sor.u32 s24, s1;
	v15 =	vmax.f32 v21, $0.0e+00;
	v21 =	vmin.f32 v14, $1.599999900e+01;
	v14 =	vmax.f32 v28, $0.0e+00  }
0x473: {  	v19 =	vld [tilespmem:s3+$0x9000];
	v13 =	vmax.f32 v13, $0.0e+00;
	v31 =	vmul.f32 v20, v1;
	v53 =	vmul.f32 v27, v2  }
0x474: {  	v28 =	vmin.f32 v29, $1.599999900e+01;
	v29 =	vld [tilespmem:s3+$0xA000];
	v24 =	vmul.f32 v26, v3;
	v54 =	vmul.f32 v20, v5  }
0x475: {  	v55 =	vmul.f32 v27, v6;
	v20 =	vmul.f32 v20, v9;
	v31 =	vadd.f32 v53, v31  }
0x476: {  	v23 =	vmin.f32 v23, $1.599999900e+01;
	v27 =	vmul.f32 v27, v10;
	v58 =	vmul.f32 v26, v7  }
0x477: {  	v26 =	vmul.f32 v26, v11;
	[tilespmem:s22+$0xFFFFFFE0] =	vst v21;
	v33 =	vadd.f32 v55, v54;
	v24 =	vadd.f32 v24, v31  }
0x478: {  	v18 =	vld [tilespmem:s5+$0xA000];
	[tilespmem:s19+$0xFFFFFFE0] =	vst v22;
	v22 =	vmul.f32 v59, v10;
	v20 =	vadd.f32 v27, v20;
	v57 =	vmul.f32 v19, v1  }
0x479: {  	v27 =	vmul.f32 v29, v2;
	v33 =	vadd.f32 v58, v33;
	v24 =	vadd.f32 v24, v4  }
0x47a: {  	[tilespmem:s22+$0xFFFFFFF0] =	vst v30;
	v31 =	vmul.f32 v19, v5;
	v60 =	vmul.f32 v29, v6;
	v20 =	vadd.f32 v26, v20  }
0x47b: {  	[tilespmem:s19+$0xFFFFFFF0] =	vst v23;
	v19 =	vmul.f32 v19, v9;
	v26 =	vadd.f32 v33, v8;
	v24 =	vmax.f32 v24, $0.0e+00  }
0x47c: {  	s1 =	simm.s32 $0x18060;
	[tilespmem:s18+$0xFFFFFFE0] =	vst v28;
	v29 =	vmul.f32 v29, v10;
	v20 =	vadd.f32 v20, v12;
	v24 =	vmin.f32 v24, $1.599999900e+01  }
0x47d: {  	v40 =	vld [tilespmem:s3+$0xB000];
	v17 =	vmax.f32 v26, $0.0e+00;
	v26 =	vadd.f32 v60, v31;
	v31 =	vmul.f32 v18, v6;
	[tilespmem:s1+$0x10] =	vst v24  }
0x47e: {  	v39 =	vmin.f32 v17, $1.599999900e+01;
	v17 =	vmax.f32 v20, $0.0e+00;
	v20 =	vadd.f32 v29, v19;
	s29 =	rddreg [dreg:$0x18]  }
0x47f: {  	v19 =	vmul.f32 v18, v2;
	v18 =	vmul.f32 v18, v10;
	v41 =	vmin.f32 v17, $1.599999900e+01;
	v17 =	vld [tilespmem:s4+$0xB000];
	s4 =	sor.u32 $0x3, s29  }
0x480: {  	v28 =	vmul.f32 v37, v1;
	v35 =	vadd.f32 v27, v57;
	v27 =	vmul.f32 v59, v6;
	[dreg:$0x19] =	wrdreg s4  }
0x481: {  	v23 =	vadd.f32 v22, v32;
	v29 =	vmul.f32 v37, v5;
	v22 =	vadd.f32 v18, v62;
	v18 =	vld [tilespmem:s5+$0xB000]  }
0x482: {  	s3 =	simm.s32 $0x19060;
	v21 =	vadd.f32 v38, v61;
	v63 =	vmul.f32 v40, v3;
	v27 =	vadd.f32 v27, v25  }
0x483: {  	s7 =	simm.s32 $0x1A060;
	v30 =	vmul.f32 v40, v7;
	v24 =	vadd.f32 v19, v28;
	v25 =	vadd.f32 v31, v29;
	[tilespmem:s3+$0x10] =	vst v39  }
0x484: {  	s13 =	simm.s32 $0x18020;
	s24 =	simm.s32 $0x19020;
	v19 =	vadd.f32 v63, v35;
	v29 =	vmul.f32 v40, v11;
	s4 =	simm.s32 $0x1A020;
	[tilespmem:s7+$0x10] =	vst v41;
	v28 =	vmul.f32 v17, v3  }
.LBB2_15:
0x485: {  	v26 =	vadd.f32 v30, v26;
	v30 =	vmul.f32 v17, v7;
	v17 =	vmul.f32 v17, v11;
	s5 =	smov.u32 s6;
	s6 =	sadd.s32 $0x40, s6  }
0x486: {  	v31 =	vmul.f32 v18, v7;
	s17 =	sand.u32 $0x40, s6;
	s21 =	sadd.s32 $0x50, s5;
	s25 =	sadd.s32 $0x60, s5;
	v20 =	vadd.f32 v29, v20;
	v29 =	vmul.f32 v18, v3  }
0x487: {  	s20 =	sadd.s32 $0x200, s20;
	s10 =	sadd.s32 $0x10, s10;
	v21 =	vadd.f32 v28, v21;
	v18 =	vmul.f32 v18, v11;
	s21 =	sand.u32 $0x50, s21;
	v27 =	vadd.f32 v30, v27  }
0x488: {  	v16 =	vmin.f32 v16, $1.599999900e+01;
	s29 =	sand.u32 $0xC00, s20;
	s26 =	sand.u32 $0x380, s10;
	s5 =	sadd.s32 $0x70, s5;
	v17 =	vadd.f32 v17, v23;
	v23 =	vadd.f32 v29, v24  }
0x489: {  	v15 =	vmin.f32 v15, $1.599999900e+01;
	s26 =	sor.u32 s26, s29;
	s25 =	sand.u32 $0x60, s25;
	s5 =	sand.u32 $0x70, s5;
	v24 =	vadd.f32 v31, v25;
	v18 =	vadd.f32 v18, v22;
	[tilespmem:s4+$0xFFFFFFF0] =	vst v16  }
0x48a: {  	v14 =	vmin.f32 v14, $1.599999900e+01;
	s29 =	sor.u32 s17, s26;
	s17 =	sor.u32 s21, s26;
	s5 =	sor.u32 s5, s26;
	v16 =	vadd.f32 v19, v4;
	v19 =	vadd.f32 v26, v8;
	[tilespmem:s13+$0x0] =	vst v15  }
0x48b: {  	v13 =	vmin.f32 v13, $1.599999900e+01;
	s21 =	sor.u32 s25, s26;
	v15 =	vadd.f32 v20, v12;
	v20 =	vadd.f32 v21, v4;
	s13 =	smov.u32 s1;
	v22 =	vld [tilespmem:s5+$0xB000];
	[tilespmem:s24+$0x0] =	vst v14;
	s24 =	smov.u32 s3  }
0x48c: {  	p0 =	slt.u32 s6, $0xFC0;
	v17 =	vadd.f32 v17, v12;
	v14 =	vmax.f32 v16, $0.0e+00;
	v16 =	vadd.f32 v27, v8;
	v21 =	vld [tilespmem:s5+$0x9000];
	[tilespmem:s4+$0x0] =	vst v13;
	s4 =	smov.u32 s7  }
0x48d: {  	v19 =	vmax.f32 v19, $0.0e+00;
	v13 =	vadd.f32 v23, v4;
	v23 =	vadd.f32 v24, v8;
	v25 =	vld [tilespmem:s5+$0xA000]  }
0x48e: {  	v18 =	vadd.f32 v18, v12;
	v26 =	vmax.f32 v15, $0.0e+00;
	v20 =	vmax.f32 v20, $0.0e+00;
	v24 =	vld [tilespmem:s29+$0x9000]  }
0x48f: {  	v28 =	vmax.f32 v16, $0.0e+00;
	v16 =	vmax.f32 v17, $0.0e+00;
	v15 =	vmax.f32 v13, $0.0e+00;
	v27 =	vld [tilespmem:s29+$0xA000]  }
0x490: {  	v17 =	vmin.f32 v14, $1.599999900e+01;
	v14 =	vmax.f32 v23, $0.0e+00;
	v13 =	vmax.f32 v18, $0.0e+00;
	v29 =	vld [tilespmem:s17+$0x9000]  }
0x491: {  	v18 =	vmin.f32 v26, $1.599999900e+01;
	v30 =	vmul.f32 v22, v3;
	v23 =	vld [tilespmem:s17+$0xA000];
	[tilespmem:s1+$0xFFFFFFE0] =	vst v17;
	v17 =	vmin.f32 v19, $1.599999900e+01  }
0x492: {  	v26 =	vmul.f32 v21, v1;
	v19 =	vld [tilespmem:s21+$0x9000];
	v31 =	vmul.f32 v25, v2;
	[tilespmem:s3+$0xFFFFFFE0] =	vst v17;
	v17 =	vmin.f32 v20, $1.599999900e+01  }
0x493: {  	v20 =	vmul.f32 v21, v5;
	v33 =	vmul.f32 v25, v6;
	v32 =	vld [tilespmem:s21+$0xA000];
	[tilespmem:s7+$0xFFFFFFE0] =	vst v18;
	v18 =	vmin.f32 v28, $1.599999900e+01  }
0x494: {  	v21 =	vmul.f32 v21, v9;
	v25 =	vmul.f32 v25, v10;
	v28 =	vld [tilespmem:s29+$0xB000];
	v26 =	vadd.f32 v31, v26;
	[tilespmem:s1+$0xFFFFFFF0] =	vst v17  }
0x495: {  	v31 =	vmul.f32 v24, v1;
	v20 =	vadd.f32 v33, v20;
	v33 =	vmul.f32 v22, v7;
	v17 =	vld [tilespmem:s17+$0xB000];
	[tilespmem:s3+$0xFFFFFFF0] =	vst v18  }
0x496: {  	v21 =	vadd.f32 v25, v21;
	v22 =	vmul.f32 v22, v11;
	v18 =	vld [tilespmem:s21+$0xB000];
	v26 =	vadd.f32 v30, v26  }
0x497: {  	v25 =	vmul.f32 v27, v2;
	v30 =	vmul.f32 v24, v5;
	v20 =	vadd.f32 v33, v20  }
0x498: {  	v33 =	vmul.f32 v27, v6;
	v21 =	vadd.f32 v22, v21;
	v26 =	vadd.f32 v26, v4  }
0x499: {  	v22 =	vmul.f32 v24, v9;
	v24 =	vmul.f32 v27, v10;
	v20 =	vadd.f32 v20, v8  }
0x49a: {  	v27 =	vmul.f32 v29, v1;
	v21 =	vadd.f32 v21, v12;
	v26 =	vmax.f32 v26, $0.0e+00  }
0x49b: {  	s1 =	sadd.s32 $0x40, s1;
	v34 =	vmul.f32 v23, v2;
	v20 =	vmax.f32 v20, $0.0e+00;
	v26 =	vmin.f32 v26, $1.599999900e+01  }
0x49c: {  	v35 =	vmul.f32 v29, v5;
	s3 =	sadd.s32 $0x40, s3;
	v21 =	vmax.f32 v21, $0.0e+00;
	v20 =	vmin.f32 v20, $1.599999900e+01;
	[tilespmem:s1+$0x10] =	vst v26  }
0x49d: {  	s7 =	sadd.s32 $0x40, s7;
	v36 =	vmul.f32 v23, v6;
	v29 =	vmul.f32 v29, v9;
	[tilespmem:s3+$0x10] =	vst v20;
	v20 =	vmin.f32 v21, $1.599999900e+01  }
0x49e: {  	v31 =	vadd.f32 v25, v31;
	v23 =	vmul.f32 v23, v10;
	v25 =	vmul.f32 v19, v1;
	[tilespmem:s7+$0x10] =	vst v20  }
0x49f: {  	v26 =	vadd.f32 v33, v30;
	v30 =	vmul.f32 v32, v2;
	v33 =	vmul.f32 v19, v5  }
.Ltmp8:
0x4a0: {  	v19 =	vmul.f32 v19, v9;
	v20 =	vadd.f32 v24, v22;
	v22 =	vmul.f32 v32, v6;
	(pc) =	sbr.rel @p0 .LBB2_15-.Ltmp8, $4  }
0x4a1: {  	v21 =	vadd.f32 v34, v27;
	v27 =	vadd.f32 v36, v35;
	v32 =	vmul.f32 v32, v10  }
0x4a2: {  	v23 =	vadd.f32 v23, v29;
	v34 =	vmul.f32 v28, v3;
	v24 =	vadd.f32 v30, v25  }
0x4a3: {  	v30 =	vmul.f32 v28, v7;
	v25 =	vadd.f32 v22, v33;
	v22 =	vadd.f32 v32, v19  }
0x4a4: {  	v29 =	vmul.f32 v28, v11;
	v28 =	vmul.f32 v17, v3;
	v19 =	vadd.f32 v34, v31  }
0x4a5: {  	v26 =	vadd.f32 v30, v26;
	v30 =	vmul.f32 v17, v7;
	v17 =	vmul.f32 v17, v11  }
0x4a6: {  	v31 =	vmul.f32 v18, v7;
	v16 =	vmin.f32 v16, $1.599999900e+01;
	v15 =	vmin.f32 v15, $1.599999900e+01  }
0x4a7: {  	v14 =	vmin.f32 v14, $1.599999900e+01;
	v20 =	vadd.f32 v29, v20;
	v21 =	vadd.f32 v28, v21  }
0x4a8: {  	v29 =	vmul.f32 v18, v3;
	[tilespmem:s4+$0xFFFFFFF0] =	vst v16;
	v16 =	vadd.f32 v19, v4;
	v27 =	vadd.f32 v30, v27  }
0x4a9: {  	v18 =	vmul.f32 v18, v11;
	v17 =	vadd.f32 v17, v23;
	v19 =	vadd.f32 v26, v8  }
0x4aa: {  	v13 =	vmin.f32 v13, $1.599999900e+01;
	[tilespmem:s13+$0x0] =	vst v15;
	v23 =	vadd.f32 v29, v24;
	v24 =	vadd.f32 v31, v25  }
0x4ab: {  	[tilespmem:s24+$0x0] =	vst v14;
	v18 =	vadd.f32 v18, v22;
	v15 =	vadd.f32 v20, v12;
	v14 =	vmax.f32 v16, $0.0e+00  }
0x4ac: {  	v16 =	vadd.f32 v21, v4;
	[tilespmem:s4+$0x0] =	vst v13;
	v13 =	vmax.f32 v19, $0.0e+00;
	v14 =	vmin.f32 v14, $1.599999900e+01  }
0x4ad: {  	v19 =	vadd.f32 v27, v8;
	v15 =	vmax.f32 v15, $0.0e+00;
	[tilespmem:s1+$0xFFFFFFE0] =	vst v14;
	v13 =	vmin.f32 v13, $1.599999900e+01  }
0x4ae: {  	v14 =	vadd.f32 v17, v12;
	v16 =	vmax.f32 v16, $0.0e+00;
	v15 =	vmin.f32 v15, $1.599999900e+01;
	[tilespmem:s3+$0xFFFFFFE0] =	vst v13  }
0x4af: {  	v13 =	vadd.f32 v23, v4;
	v17 =	vmax.f32 v19, $0.0e+00;
	v16 =	vmin.f32 v16, $1.599999900e+01;
	[tilespmem:s7+$0xFFFFFFE0] =	vst v15  }
0x4b0: {  	v15 =	vadd.f32 v24, v8;
	v14 =	vmax.f32 v14, $0.0e+00;
	v17 =	vmin.f32 v17, $1.599999900e+01;
	[tilespmem:s1+$0xFFFFFFF0] =	vst v16  }
0x4b1: {  	v16 =	vadd.f32 v18, v12;
	v13 =	vmax.f32 v13, $0.0e+00;
	[tilespmem:s3+$0xFFFFFFF0] =	vst v17;
	v14 =	vmin.f32 v14, $1.599999900e+01  }
0x4b2: {  	v15 =	vmax.f32 v15, $0.0e+00;
	[tilespmem:s7+$0xFFFFFFF0] =	vst v14;
	v13 =	vmin.f32 v13, $1.599999900e+01  }
0x4b3: {  	v14 =	vmax.f32 v16, $0.0e+00;
	[tilespmem:s1+$0x0] =	vst v13;
	v13 =	vmin.f32 v15, $1.599999900e+01  }
0x4b4: {  	[tilespmem:s3+$0x0] =	vst v13;
	v13 =	vmin.f32 v14, $1.599999900e+01  }
0x4b5: {  	[tilespmem:s7+$0x0] =	vst v13  }
0x4b6: {  	v13 =	vld [tilespmem:s22+$0x10];
	_ =	sdelay $0x4  }
0x4b7: {  	v14 =	vld [tilespmem:s22+$0xFFFFFFE0];
	v16 =	vtrunc.f32 v13  }
0x4b8: {  	v15 =	vld [tilespmem:s22+$0xFFFFFFF0];
	v16 =	vcvt.f32.s32 v16;
	_ =	sdelay $0x1  }
0x4b9: {  	v17 =	vld [tilespmem:s22+$0x0];
	_ =	sdelay $0x1  }
0x4ba: {  	v18 =	vtrunc.f32 v14  }
0x4bb: {  	v19 =	vtrunc.f32 v15;
	v18 =	vcvt.f32.s32 v18  }
0x4bc: {  	v19 =	vcvt.f32.s32 v19;
	v21 =	vld.idx.msk [tilespmem:v16+s30+$0x0], $0xffff  }
0x4bd: {  	v20 =	vtrunc.f32 v17  }
0x4be: {  	v20 =	vcvt.f32.s32 v20;
	v16 =	vld.idx.msk [tilespmem:v16+s31+$0x0], $0xffff;
	_ =	sdelay $0x2  }
0x4bf: {  	v22 =	vld.idx.msk [tilespmem:v18+s30+$0x0], $0xffff;
	v13 =	vmul.f32 v21, v13  }
0x4c0: {  	v23 =	vld.idx.msk [tilespmem:v19+s30+$0x0], $0xffff  }
0x4c1: {  	v18 =	vld.idx.msk [tilespmem:v18+s31+$0x0], $0xffff;
	v13 =	vadd.f32 v16, v13  }
0x4c2: {  	v21 =	vld.idx.msk [tilespmem:v20+s30+$0x0], $0xffff  }
0x4c3: {  	v16 =	vld.idx.msk [tilespmem:v19+s31+$0x0], $0xffff;
	[tilespmem:s12+$0x15000] =	vst v13  }
0x4c4: {  	v13 =	vld [tilespmem:s19+$0x10]  }
0x4c5: {  	v14 =	vmul.f32 v22, v14;
	v19 =	vld.idx.msk [tilespmem:v20+s31+$0x0], $0xffff  }
0x4c6: {  	v15 =	vmul.f32 v23, v15  }
0x4c7: {  	s7 =	simm.s32 $0x18060;
	v14 =	vadd.f32 v18, v14  }
0x4c8: {  	v24 =	vld [tilespmem:s7+$0xFFFFFFF0];
	v17 =	vmul.f32 v21, v17;
	v15 =	vadd.f32 v16, v15  }
0x4c9: {  	[tilespmem:s11+$0x15000] =	vst v14;
	v16 =	vtrunc.f32 v13  }
0x4ca: {  	v14 =	vadd.f32 v19, v17;
	v17 =	vld [tilespmem:s19+$0xFFFFFFE0];
	[tilespmem:s28+$0x15000] =	vst v15;
	v15 =	vcvt.f32.s32 v16;
	_ =	sdelay $0x1  }
0x4cb: {  	v18 =	vld [tilespmem:s19+$0xFFFFFFF0]  }
0x4cc: {  	v30 =	vtrunc.f32 v24;
	v19 =	vld [tilespmem:s7+$0x10]  }
0x4cd: {  	v25 =	vld [tilespmem:s7+$0x0];
	v30 =	vcvt.f32.s32 v30;
	[tilespmem:s9+$0x15000] =	vst v14  }
0x4ce: {  	v14 =	vld [tilespmem:s19+$0x0];
	v16 =	vtrunc.f32 v17  }
0x4cf: {  	v16 =	vcvt.f32.s32 v16;
	v21 =	vld.idx.msk [tilespmem:v15+s2+$0x0], $0xffff  }
0x4d0: {  	v23 =	vld [tilespmem:s7+$0xFFFFFFE0];
	v20 =	vtrunc.f32 v18  }
0x4d1: {  	s22 =	simm.s32 $0x180A0;
	v26 =	vtrunc.f32 v19;
	v20 =	vcvt.f32.s32 v20;
	v15 =	vld.idx.msk [tilespmem:v15+s0+$0x0], $0xffff  }
0x4d2: {  	v57 =	vld [tilespmem:s22+$0xFFFFFFF0];
	v26 =	vcvt.f32.s32 v26  }
0x4d3: {  	v32 =	vld.idx.msk [tilespmem:v30+s30+$0x0], $0xffff  }
0x4d4: {  	v30 =	vld.idx.msk [tilespmem:v30+s31+$0x0], $0xffff;
	v22 =	vtrunc.f32 v14;
	v13 =	vmul.f32 v21, v13  }
0x4d5: {  	v22 =	vcvt.f32.s32 v22;
	v27 =	vld.idx.msk [tilespmem:v16+s2+$0x0], $0xffff  }
0x4d6: {  	v28 =	vtrunc.f32 v23;
	v16 =	vld.idx.msk [tilespmem:v16+s0+$0x0], $0xffff;
	v13 =	vadd.f32 v15, v13  }
0x4d7: {  	v28 =	vcvt.f32.s32 v28;
	v21 =	vld.idx.msk [tilespmem:v20+s2+$0x0], $0xffff  }
0x4d8: {  	v15 =	vtrunc.f32 v25;
	[tilespmem:s12+$0x16000] =	vst v13;
	v13 =	vld.idx.msk [tilespmem:v26+s30+$0x0], $0xffff  }
0x4d9: {  	v31 =	vcvt.f32.s32 v15;
	v15 =	vld [tilespmem:s18+$0x10]  }
0x4da: {  	v17 =	vmul.f32 v27, v17;
	v26 =	vld.idx.msk [tilespmem:v26+s31+$0x0], $0xffff  }
0x4db: {  	v29 =	vld.idx.msk [tilespmem:v22+s2+$0x0], $0xffff  }
0x4dc: {  	v20 =	vld.idx.msk [tilespmem:v20+s0+$0x0], $0xffff;
	v16 =	vadd.f32 v16, v17  }
0x4dd: {  	s10 =	simm.s32 $0x200;
	s13 =	simm.s32 $0x10;
	v27 =	vld.idx.msk [tilespmem:v28+s30+$0x0], $0xffff;
	v13 =	vmul.f32 v13, v19  }
0x4de: {  	s1 =	sand.u32 $0xC00, s10;
	s3 =	sand.u32 $0x380, s13;
	v28 =	vld.idx.msk [tilespmem:v28+s31+$0x0], $0xffff;
	[tilespmem:s11+$0x16000] =	vst v16;
	v19 =	vtrunc.f32 v15  }
0x4df: {  	s1 =	sor.u32 s3, s1;
	v16 =	vld [tilespmem:s18+$0xFFFFFFE0];
	v19 =	vcvt.f32.s32 v19;
	v13 =	vadd.f32 v26, v13  }
0x4e0: {  	s20 =	sor.u32 s14, s1;
	v17 =	vld.idx.msk [tilespmem:v31+s30+$0x0], $0xffff  }
0x4e1: {  	s17 =	simm.s32 $0x19060;
	v26 =	vld.idx.msk [tilespmem:v31+s31+$0x0], $0xffff;
	[tilespmem:s20+$0x15000] =	vst v13  }
0x4e2: {  	v13 =	vmul.f32 v21, v18;
	v18 =	vld [tilespmem:s17+$0x10]  }
0x4e3: {  	v21 =	vld.idx.msk [tilespmem:v22+s0+$0x0], $0xffff;
	v22 =	vmul.f32 v27, v23  }
0x4e4: {  	s21 =	simm.s32 $0x40;
	v33 =	vld [tilespmem:s22+$0x0];
	v13 =	vadd.f32 v20, v13;
	v20 =	vmul.f32 v32, v24  }
0x4e5: {  	s4 =	sand.u32 $0x40, s21;
	v14 =	vmul.f32 v29, v14;
	v22 =	vadd.f32 v28, v22;
	v23 =	vld.idx.msk [tilespmem:v19+s23+$0x0], $0xffff  }
0x4e6: {  	s19 =	sor.u32 s4, s1;
	v17 =	vmul.f32 v17, v25;
	v24 =	vtrunc.f32 v16;
	[tilespmem:s28+$0x16000] =	vst v13;
	v13 =	vadd.f32 v30, v20;
	v30 =	vld [tilespmem:s22+$0x10]  }
0x4e7: {  	v25 =	vld.idx.msk [tilespmem:v19+s8+$0x0], $0xffff;
	v19 =	vcvt.f32.s32 v24;
	[tilespmem:s19+$0x15000] =	vst v22;
	v20 =	vtrunc.f32 v18  }
0x4e8: {  	s14 =	sor.u32 s15, s1;
	v17 =	vadd.f32 v26, v17;
	v14 =	vadd.f32 v21, v14;
	v21 =	vld [tilespmem:s17+$0xFFFFFFE0];
	v20 =	vcvt.f32.s32 v20  }
0x4e9: {  	s15 =	sor.u32 s16, s1;
	v31 =	vld [tilespmem:s22+$0xFFFFFFE0];
	[tilespmem:s14+$0x15000] =	vst v13  }
0x4ea: {  	[tilespmem:s15+$0x15000] =	vst v17;
	v22 =	vld [tilespmem:s17+$0xFFFFFFF0]  }
0x4eb: {  	[tilespmem:s9+$0x16000] =	vst v14;
	v14 =	vld [tilespmem:s17+$0x0];
	v34 =	vtrunc.f32 v30  }
0x4ec: {  	v24 =	vld [tilespmem:s18+$0xFFFFFFF0];
	v34 =	vcvt.f32.s32 v34  }
0x4ed: {  	v26 =	vld.idx.msk [tilespmem:v19+s23+$0x0], $0xffff;
	v17 =	vtrunc.f32 v21  }
0x4ee: {  	v17 =	vcvt.f32.s32 v17;
	v28 =	vld.idx.msk [tilespmem:v20+s2+$0x0], $0xffff  }
0x4ef: {  	v27 =	vld.idx.msk [tilespmem:v19+s8+$0x0], $0xffff;
	v19 =	vtrunc.f32 v22  }
0x4f0: {  	v29 =	vtrunc.f32 v14;
	v19 =	vcvt.f32.s32 v19;
	v20 =	vld.idx.msk [tilespmem:v20+s0+$0x0], $0xffff  }
0x4f1: {  	v13 =	vld [tilespmem:s18+$0x0];
	v29 =	vcvt.f32.s32 v29  }
0x4f2: {  	v40 =	vld.idx.msk [tilespmem:v34+s30+$0x0], $0xffff  }
0x4f3: {  	v34 =	vld.idx.msk [tilespmem:v34+s31+$0x0], $0xffff;
	v18 =	vmul.f32 v28, v18  }
0x4f4: {  	v35 =	vld.idx.msk [tilespmem:v17+s2+$0x0], $0xffff;
	v28 =	vtrunc.f32 v24  }
0x4f5: {  	v17 =	vld.idx.msk [tilespmem:v17+s0+$0x0], $0xffff;
	v28 =	vcvt.f32.s32 v28;
	v18 =	vadd.f32 v20, v18;
	v20 =	vtrunc.f32 v31  }
0x4f6: {  	v36 =	vld.idx.msk [tilespmem:v19+s2+$0x0], $0xffff;
	v20 =	vcvt.f32.s32 v20  }
0x4f7: {  	v37 =	vld.idx.msk [tilespmem:v29+s2+$0x0], $0xffff  }
0x4f8: {  	v38 =	vtrunc.f32 v57;
	v58 =	vtrunc.f32 v33;
	v19 =	vld.idx.msk [tilespmem:v19+s0+$0x0], $0xffff  }
0x4f9: {  	s10 =	simm.s32 $0x1A060;
	v29 =	vld.idx.msk [tilespmem:v29+s0+$0x0], $0xffff;
	[tilespmem:s20+$0x16000] =	vst v18;
	v18 =	vcvt.f32.s32 v38;
	v21 =	vmul.f32 v35, v21  }
0x4fa: {  	v38 =	vcvt.f32.s32 v58;
	v39 =	vld [tilespmem:s10+$0x10]  }
0x4fb: {  	v17 =	vadd.f32 v17, v21;
	v41 =	vld.idx.msk [tilespmem:v28+s23+$0x0], $0xffff  }
0x4fc: {  	v42 =	vld.idx.msk [tilespmem:v20+s30+$0x0], $0xffff  }
0x4fd: {  	[tilespmem:s19+$0x16000] =	vst v17;
	v20 =	vld.idx.msk [tilespmem:v20+s31+$0x0], $0xffff  }
0x4fe: {  	s3 =	simm.s32 $0x20;
	s1 =	simm.s32 $0x400;
	v21 =	vmul.f32 v40, v30;
	v17 =	vld [tilespmem:s10+$0xFFFFFFE0]  }
0x4ff: {  	s6 =	simm.s32 $0xB0;
	s5 =	sand.u32 $0x380, s3;
	s24 =	sand.u32 $0xC00, s1;
	v22 =	vmul.f32 v36, v22;
	v43 =	vtrunc.f32 v39;
	v59 =	vld.idx.msk [tilespmem:v18+s30+$0x0], $0xffff  }
0x500: {  	s25 =	sand.u32 $0x70, s6;
	s5 =	sor.u32 s5, s24;
	v14 =	vmul.f32 v37, v14;
	v21 =	vadd.f32 v34, v21;
	v44 =	vld.idx.msk [tilespmem:v38+s30+$0x0], $0xffff;
	v43 =	vcvt.f32.s32 v43  }
0x501: {  	s6 =	sor.u32 s25, s5;
	v22 =	vadd.f32 v19, v22;
	v18 =	vld.idx.msk [tilespmem:v18+s31+$0x0], $0xffff  }
0x502: {  	s7 =	simm.s32 $0x190A0;
	v14 =	vadd.f32 v29, v14;
	v30 =	vld.idx.msk [tilespmem:v38+s31+$0x0], $0xffff;
	[tilespmem:s6+$0x15000] =	vst v21  }
0x503: {  	[tilespmem:s14+$0x16000] =	vst v22;
	v19 =	vld [tilespmem:s7+$0x10];
	v31 =	vmul.f32 v42, v31  }
0x504: {  	s16 =	simm.s32 $0x80;
	v21 =	vtrunc.f32 v13;
	[tilespmem:s15+$0x16000] =	vst v14;
	v14 =	vld [tilespmem:s10+$0xFFFFFFF0];
	v29 =	vmul.f32 v59, v57  }
0x505: {  	s29 =	simm.s32 $0x90;
	s26 =	sand.u32 $0x40, s16;
	v22 =	vmul.f32 v44, v33;
	v20 =	vadd.f32 v20, v31;
	v31 =	vcvt.f32.s32 v21;
	v21 =	vld [tilespmem:s10+$0x0]  }
0x506: {  	s13 =	sand.u32 $0x50, s29;
	s17 =	simm.s32 $0xA0;
	s18 =	sor.u32 s26, s5;
	v60 =	vld.idx.msk [tilespmem:v43+s23+$0x0], $0xffff;
	v18 =	vadd.f32 v18, v29  }
0x507: {  	s4 =	sor.u32 s13, s5;
	s17 =	sand.u32 $0x60, s17;
	v61 =	vld.idx.msk [tilespmem:v43+s8+$0x0], $0xffff;
	v29 =	vadd.f32 v30, v22;
	v22 =	vtrunc.f32 v17;
	[tilespmem:s18+$0x15000] =	vst v20  }
0x508: {  	s13 =	sor.u32 s17, s5;
	v15 =	vmul.f32 v23, v15;
	v62 =	vcvt.f32.s32 v22;
	v20 =	vld [tilespmem:s7+$0xFFFFFFE0];
	[tilespmem:s4+$0x15000] =	vst v18  }
0x509: {  	v16 =	vmul.f32 v26, v16;
	[tilespmem:s13+$0x15000] =	vst v29;
	v18 =	vtrunc.f32 v19;
	v22 =	vld [tilespmem:s7+$0xFFFFFFF0]  }
0x50a: {  	v26 =	vtrunc.f32 v14;
	v23 =	vld [tilespmem:s7+$0x0];
	v32 =	vcvt.f32.s32 v18  }
0x50b: {  	v29 =	vadd.f32 v25, v15;
	v15 =	vcvt.f32.s32 v26;
	v25 =	vld.idx.msk [tilespmem:v28+s8+$0x0], $0xffff  }
0x50c: {  	v26 =	vadd.f32 v27, v16;
	v18 =	vmul.f32 v41, v24;
	v24 =	vld.idx.msk [tilespmem:v31+s23+$0x0], $0xffff;
	v30 =	vmul.f32 v60, v39  }
0x50d: {  	v16 =	vtrunc.f32 v21;
	[tilespmem:s12+$0x17000] =	vst v29;
	v27 =	vld.idx.msk [tilespmem:v31+s8+$0x0], $0xffff;
	v28 =	vtrunc.f32 v20  }
0x50e: {  	[tilespmem:s11+$0x17000] =	vst v26;
	v16 =	vcvt.f32.s32 v16;
	v29 =	vadd.f32 v61, v30;
	v26 =	vld.idx.msk [tilespmem:v62+s8+$0x0], $0xffff;
	v30 =	vcvt.f32.s32 v28  }
0x50f: {  	v28 =	vld.idx.msk [tilespmem:v62+s23+$0x0], $0xffff;
	v31 =	vtrunc.f32 v22;
	v63 =	vtrunc.f32 v23  }
0x510: {  	s11 =	simm.s32 $0x180E0;
	[tilespmem:s20+$0x17000] =	vst v29;
	v31 =	vcvt.f32.s32 v31;
	v29 =	vcvt.f32.s32 v63;
	v33 =	vld.idx.msk [tilespmem:v32+s2+$0x0], $0xffff  }
.LBB2_17:
0x511: {  	v34 =	vld [tilespmem:s11+$0x10];
	v24 =	vmul.f32 v24, v13;
	v13 =	vmov v21;
	s12 =	smov.u32 s16  }
0x512: {  	v18 =	vadd.f32 v25, v18;
	v21 =	vld.idx.msk [tilespmem:v32+s0+$0x0], $0xffff  }
0x513: {  	v25 =	vld [tilespmem:s11+$0xFFFFFFE0];
	v24 =	vadd.f32 v27, v24  }
0x514: {  	v17 =	vmul.f32 v28, v17;
	v27 =	vld [tilespmem:s11+$0xFFFFFFF0];
	[tilespmem:s28+$0x17000] =	vst v18;
	s28 =	smov.u32 s14;
	s14 =	smov.u32 s4  }
0x515: {  	v28 =	vld [tilespmem:s11+$0x0];
	[tilespmem:s9+$0x17000] =	vst v24;
	s9 =	smov.u32 s15;
	s15 =	smov.u32 s13  }
0x516: {  	v19 =	vmul.f32 v33, v19;
	v17 =	vadd.f32 v26, v17;
	v18 =	vtrunc.f32 v34;
	v24 =	vld.idx.msk [tilespmem:v30+s2+$0x0], $0xffff  }
0x517: {  	v18 =	vcvt.f32.s32 v18;
	v26 =	vld.idx.msk [tilespmem:v31+s2+$0x0], $0xffff  }
0x518: {  	v19 =	vadd.f32 v21, v19;
	v32 =	vtrunc.f32 v25;
	v33 =	vld.idx.msk [tilespmem:v29+s2+$0x0], $0xffff;
	[tilespmem:s19+$0x17000] =	vst v17;
	s19 =	smov.u32 s18  }
0x519: {  	v17 =	vcvt.f32.s32 v32;
	v21 =	vtrunc.f32 v27;
	v30 =	vld.idx.msk [tilespmem:v30+s0+$0x0], $0xffff  }
0x51a: {  	s10 =	sadd.s32 $0x40, s10;
	v21 =	vcvt.f32.s32 v21;
	v32 =	vtrunc.f32 v28;
	v31 =	vld.idx.msk [tilespmem:v31+s0+$0x0], $0xffff;
	[tilespmem:s6+$0x16000] =	vst v19  }
0x51b: {  	v19 =	vcvt.f32.s32 v32;
	v32 =	vld [tilespmem:s10+$0x10]  }
0x51c: {  	v20 =	vmul.f32 v24, v20;
	v24 =	vld.idx.msk [tilespmem:v29+s0+$0x0], $0xffff  }
0x51d: {  	v22 =	vmul.f32 v26, v22;
	v29 =	vld.idx.msk [tilespmem:v18+s30+$0x0], $0xffff  }
0x51e: {  	v23 =	vmul.f32 v33, v23;
	v26 =	vld.idx.msk [tilespmem:v15+s23+$0x0], $0xffff  }
0x51f: {  	v33 =	vld.idx.msk [tilespmem:v18+s31+$0x0], $0xffff;
	v18 =	vadd.f32 v30, v20  }
0x520: {  	v22 =	vadd.f32 v31, v22;
	v20 =	vld.idx.msk [tilespmem:v17+s30+$0x0], $0xffff;
	v30 =	vtrunc.f32 v32  }
0x521: {  	s16 =	sadd.s32 $0x40, s16;
	v31 =	vld.idx.msk [tilespmem:v21+s30+$0x0], $0xffff;
	[tilespmem:s19+$0x16000] =	vst v18;
	v30 =	vcvt.f32.s32 v30  }
0x522: {  	s5 =	sadd.s32 $0x50, s12;
	s4 =	sand.u32 $0x40, s16;
	s13 =	sadd.s32 $0x60, s12;
	v18 =	vadd.f32 v24, v23;
	v35 =	vld.idx.msk [tilespmem:v19+s30+$0x0], $0xffff;
	[tilespmem:s14+$0x16000] =	vst v22  }
0x523: {  	s1 =	sadd.s32 $0x200, s1;
	s3 =	sadd.s32 $0x10, s3;
	s5 =	sand.u32 $0x50, s5;
	v22 =	vld.idx.msk [tilespmem:v17+s31+$0x0], $0xffff;
	v17 =	vmul.f32 v29, v34  }
0x524: {  	s17 =	sand.u32 $0xC00, s1;
	s12 =	sadd.s32 $0x70, s12;
	s18 =	sand.u32 $0x380, s3;
	v21 =	vld.idx.msk [tilespmem:v21+s31+$0x0], $0xffff;
	[tilespmem:s15+$0x16000] =	vst v18;
	v18 =	vmul.f32 v26, v14  }
0x525: {  	s13 =	sand.u32 $0x60, s13;
	s12 =	sand.u32 $0x70, s12;
	s17 =	sor.u32 s18, s17;
	v23 =	vld.idx.msk [tilespmem:v19+s31+$0x0], $0xffff;
	v14 =	vadd.f32 v33, v17  }
0x526: {  	s18 =	sor.u32 s4, s17;
	s4 =	sor.u32 s5, s17;
	s5 =	sor.u32 s12, s17;
	v20 =	vmul.f32 v20, v25;
	v17 =	vld [tilespmem:s10+$0xFFFFFFE0]  }
0x527: {  	s7 =	sadd.s32 $0x40, s7;
	p0 =	slt.u32 s16, $0xFC0;
	s13 =	sor.u32 s13, s17;
	v24 =	vmul.f32 v31, v27;
	[tilespmem:s5+$0x15000] =	vst v14;
	v25 =	vld.idx.msk [tilespmem:v30+s23+$0x0], $0xffff  }
0x528: {  	v26 =	vmul.f32 v35, v28;
	v19 =	vld [tilespmem:s7+$0x10]  }
0x529: {  	v20 =	vadd.f32 v22, v20;
	v27 =	vld.idx.msk [tilespmem:v30+s8+$0x0], $0xffff  }
0x52a: {  	v22 =	vadd.f32 v21, v24;
	v14 =	vld [tilespmem:s10+$0xFFFFFFF0]  }
0x52b: {  	v23 =	vadd.f32 v23, v26;
	[tilespmem:s18+$0x15000] =	vst v20;
	v24 =	vtrunc.f32 v17;
	v21 =	vld [tilespmem:s10+$0x0]  }
0x52c: {  	v20 =	vld [tilespmem:s7+$0xFFFFFFE0];
	[tilespmem:s4+$0x15000] =	vst v22;
	v26 =	vcvt.f32.s32 v24  }
0x52d: {  	v25 =	vmul.f32 v25, v32;
	v22 =	vld [tilespmem:s7+$0xFFFFFFF0];
	[tilespmem:s13+$0x15000] =	vst v23;
	v24 =	vtrunc.f32 v19  }
0x52e: {  	v23 =	vld [tilespmem:s7+$0x0];
	v32 =	vcvt.f32.s32 v24  }
0x52f: {  	v27 =	vadd.f32 v27, v25;
	v28 =	vtrunc.f32 v14;
	v24 =	vld.idx.msk [tilespmem:v16+s23+$0x0], $0xffff  }
.Ltmp9:
0x530: {  	v29 =	vtrunc.f32 v21;
	v25 =	vld.idx.msk [tilespmem:v15+s8+$0x0], $0xffff;
	v15 =	vcvt.f32.s32 v28;
	(pc) =	sbr.rel @p0 .LBB2_17-.Ltmp9, $4  }
0x531: {  	v28 =	vtrunc.f32 v20;
	[tilespmem:s6+$0x17000] =	vst v27;
	v27 =	vld.idx.msk [tilespmem:v16+s8+$0x0], $0xffff;
	v16 =	vcvt.f32.s32 v29;
	s6 =	smov.u32 s5  }
0x532: {  	v30 =	vcvt.f32.s32 v28;
	v29 =	vtrunc.f32 v22;
	v28 =	vld.idx.msk [tilespmem:v26+s23+$0x0], $0xffff  }
0x533: {  	v31 =	vcvt.f32.s32 v29;
	v29 =	vtrunc.f32 v23;
	v26 =	vld.idx.msk [tilespmem:v26+s8+$0x0], $0xffff  }
0x534: {  	s11 =	sadd.s32 $0x40, s11;
	v29 =	vcvt.f32.s32 v29;
	v33 =	vld.idx.msk [tilespmem:v32+s2+$0x0], $0xffff  }
0x535: {  	_ =	sdelay $0x3  }
0x536: {  	v32 =	vld.idx.msk [tilespmem:v32+s0+$0x0], $0xffff  }
0x537: {  	v34 =	vld.idx.msk [tilespmem:v30+s2+$0x0], $0xffff;
	_ =	sdelay $0x1  }
0x538: {  	v45 =	vld.idx.msk [tilespmem:v30+s0+$0x0], $0xffff;
	v19 =	vmul.f32 v33, v19  }
0x539: {  	v44 =	vld.idx.msk [tilespmem:v31+s2+$0x0], $0xffff  }
0x53a: {  	v35 =	vld.idx.msk [tilespmem:v29+s2+$0x0], $0xffff;
	v19 =	vadd.f32 v32, v19  }
0x53b: {  	v46 =	vld.idx.msk [tilespmem:v31+s0+$0x0], $0xffff;
	v20 =	vmul.f32 v34, v20  }
0x53c: {  	s1 =	sadd.s32 $0x40, s10;
	v47 =	vld.idx.msk [tilespmem:v29+s0+$0x0], $0xffff;
	[tilespmem:s6+$0x16000] =	vst v19  }
0x53d: {  	v20 =	vadd.f32 v45, v20;
	v19 =	vld [tilespmem:s1+$0x10]  }
0x53e: {  	v22 =	vmul.f32 v44, v22  }
0x53f: {  	v23 =	vmul.f32 v35, v23;
	[tilespmem:s18+$0x16000] =	vst v20  }
0x540: {  	v22 =	vadd.f32 v46, v22;
	v49 =	vld [tilespmem:s1+$0xFFFFFFE0]  }
0x541: {  	v23 =	vadd.f32 v47, v23  }
0x542: {  	[tilespmem:s4+$0x16000] =	vst v22;
	v48 =	vtrunc.f32 v19  }
0x543: {  	[tilespmem:s13+$0x16000] =	vst v23;
	v22 =	vld [tilespmem:s1+$0xFFFFFFF0];
	v20 =	vcvt.f32.s32 v48  }
0x544: {  	v23 =	vld [tilespmem:s1+$0x0]  }
0x545: {  	v50 =	vtrunc.f32 v49  }
0x546: {  	v30 =	vcvt.f32.s32 v50  }
0x547: {  	v51 =	vld.idx.msk [tilespmem:v15+s23+$0x0], $0xffff  }
0x548: {  	v55 =	vld.idx.msk [tilespmem:v16+s23+$0x0], $0xffff;
	v53 =	vtrunc.f32 v22  }
0x549: {  	v33 =	vcvt.f32.s32 v53;
	v54 =	vtrunc.f32 v23;
	v52 =	vld.idx.msk [tilespmem:v20+s23+$0x0], $0xffff  }
0x54a: {  	v15 =	vld.idx.msk [tilespmem:v15+s8+$0x0], $0xffff;
	v34 =	vcvt.f32.s32 v54  }
0x54b: {  	v20 =	vld.idx.msk [tilespmem:v20+s8+$0x0], $0xffff  }
0x54c: {  	v13 =	vmul.f32 v24, v13;
	v36 =	vld.idx.msk [tilespmem:v30+s23+$0x0], $0xffff  }
0x54d: {  	v56 =	vld.idx.msk [tilespmem:v16+s8+$0x0], $0xffff;
	v18 =	vadd.f32 v25, v18;
	v17 =	vmul.f32 v28, v17  }
0x54e: {  	v13 =	vadd.f32 v27, v13;
	v57 =	vld.idx.msk [tilespmem:v30+s8+$0x0], $0xffff;
	v19 =	vmul.f32 v52, v19  }
0x54f: {  	[tilespmem:s28+$0x17000] =	vst v18;
	v17 =	vadd.f32 v26, v17;
	v14 =	vmul.f32 v51, v14;
	v58 =	vld.idx.msk [tilespmem:v33+s23+$0x0], $0xffff  }
0x550: {  	[tilespmem:s9+$0x17000] =	vst v13;
	v61 =	vmul.f32 v55, v21;
	v59 =	vld.idx.msk [tilespmem:v34+s23+$0x0], $0xffff;
	v13 =	vadd.f32 v20, v19  }
0x551: {  	[tilespmem:s19+$0x17000] =	vst v17;
	v14 =	vadd.f32 v15, v14;
	v60 =	vld.idx.msk [tilespmem:v33+s8+$0x0], $0xffff;
	v15 =	vmul.f32 v36, v49  }
0x552: {  	v62 =	vld.idx.msk [tilespmem:v34+s8+$0x0], $0xffff;
	[tilespmem:s6+$0x17000] =	vst v13;
	v13 =	vadd.f32 v56, v61  }
0x553: {  	[tilespmem:s14+$0x17000] =	vst v14;
	v14 =	vadd.f32 v57, v15  }
0x554: {  	v63 =	vmul.f32 v58, v22;
	[tilespmem:s15+$0x17000] =	vst v13  }
0x555: {  	v15 =	vmul.f32 v59, v23;
	s6 =	rddreg [dreg:$0x19];
	[tilespmem:s18+$0x17000] =	vst v14  }
0x556: {  	v13 =	vadd.f32 v60, v63;
	s22 =	sshll.u32 s6, $0xC;
	s3 =	rddreg [dreg:$0x6]  }
0x557: {  	v14 =	vadd.f32 v62, v15;
	s1 =	sadd.s32 s3, s22  }
0x558: {  	s24 =	rddreg [dreg:$0x2];
	[tilespmem:s4+$0x17000] =	vst v13;
	s1 =	sshrl.u32 s1, $0x3  }
0x559: {  	s5 =	simm.s32 $0x0;
	s25 =	simm.s32 $0x15000;
	[tilespmem:s13+$0x17000] =	vst v14;
	s1 =	sadd.s32 s24, s1  }
0x55a: {  	[hbm4b:s1+s5] =	stream.linear.scatter [tilespmem:s25], [sflag:$0x8], $0x1000, $0x38;
	[tilespmem:$0x1B400] =	vst v63  }
.Ltmp10:
0x55b: {  	_ = 	snop;
	(pc) =	sbr.rel @p1 .LBB2_20-.Ltmp10, $4  }
0x55c: {  	s28 =	simm.s32 $0x16000;
	s26 =	sadd.s32 $0x8000, s1  }
0x55d: {  	[hbm4b:s26+s5] =	stream.linear.scatter [tilespmem:s28], [sflag:$0x8], $0x1000, $0x38;
	[tilespmem:$0x1B400] =	vst v63  }
0x55e: {  	s29 =	simm.s32 $0x17000;
	s1 =	sadd.s32 $0x10000, s1  }
0x55f: {  	[hbm4b:s1+s5] =	stream.linear.scatter [tilespmem:s29], [sflag:$0x8], $0x1000, $0x38;
	[tilespmem:$0x1B400] =	vst v63  }
0x560: {  	s1 =	rddreg [dreg:$0x4]  }
0x561: {  	s1 =	sor.u32 s1, s6  }
0x562: {  	s1 =	sadd.s32 $0x4, s1  }
0x563: {  	s3 =	sshrl.u32 s1, $0x6  }
0x564: {  	s1 =	sshll.u32 s1, $0xC;
	s3 =	smul.u32 $0xC0000, s3  }
0x565: {  	s1 =	sand.u32 $0x3F000, s1  }
0x566: {  	s1 =	sor.u32 s1, s3  }
0x567: {  	s24 =	rddreg [dreg:$0x0];
	s1 =	sshrl.u32 s1, $0x3  }
0x568: {  	s25 =	simm.s32 $0x9000;
	s1 =	sadd.s32 s24, s1  }
0x569: {  	[tilespmem:s25], [sflag:$0x4] =	stream.linear.gather [hbm4b:s1+s5], $0x1000, $0x38;
	[tilespmem:$0x1B400] =	vst v63  }
.Ltmp11:
0x56a: {  	s4 =	simm.s32 $0xA000;
	s26 =	sadd.s32 $0x8000, s1;
	(pc) =	sbr.rel .LBB2_2-.Ltmp11, $4  }
0x56b: {  	[tilespmem:s4], [sflag:$0x4] =	stream.linear.gather [hbm4b:s26+s5], $0x1000, $0x38;
	[tilespmem:$0x1B400] =	vst v63  }
0x56c: {  	s28 =	simm.s32 $0xB000;
	s29 =	rddreg [dreg:$0x17];
	s1 =	sadd.s32 $0x10000, s1  }
0x56d: {  	[tilespmem:s28], [sflag:$0x4] =	stream.linear.gather [hbm4b:s1+s5], $0x1000, $0x38;
	[tilespmem:$0x1B400] =	vst v63  }
0x56e: {  	s5 =	sadd.s32 $0x1, s29  }
.LBB2_21:
0x56f: {  	_ =	sfence.sel $0x180000  }
0x570: {  	[bflag:$0x0] =	sbarrier.arrive $0xFFFF  }
0x571: {  	_ =	strace $0x90000047  }
0x572: {  	s0 =	stileid.u32;
	[bflag:$0x2] =	sbarrier.arrive $0xFFFF  }
0x573: {  	p0 =	sne.s32 s0, $0x0;
	s0 =	rddreg [dreg:$0x3]  }
0x574: {  	s0 =	sadd.s32 @!p0 $0x100000, s0  }
0x575: {  	[sflag:s0] =	ssyncadd.tile.s32 @!p0 $0x1;
	_ =	shalt  }
.Lfunc_end2:
_tile_overlayer_lowered:
.L_overlay_start_2:
0x576: {  	(tag) =	ssettag $0x2  }
0x577: {  	s0 =	rddreg [dreg:$0x0];
	s2 =	stileid.u32  }
0x578: {  	s1 =	rddreg [dreg:$0x1];
	p0 =	sne.s32 s2, $0x0  }
0x579: {  	s3 =	rddreg [dreg:$0x2];
	[bflag:$0x3] =	sbarrier.arrive $0xFFFF;
	s2 =	simm.s32 @!p0 $0x1C09  }
0x57a: {  	[timem:s3], [sflag:s2] =	dma.local @!p0 [hbm:s0], s1  }
0x57b: {  	s0 =	simm.s32 @!p0 $0x9  }
0x57c: {  	_ =	swait.ge @!p0 [sflag:s0], s1  }
0x57d: {  	s1 =	ssub.s32 @!p0 $0x0, s1;
	[sflag:s0] =	ssyncset.done @!p0 $0x0  }
0x57e: {  	[sflag:s0] =	ssyncadd.s32 @!p0 s1  }
0x57f: {  	[bflag:$0x3] =	sbarrier.arrive $0xFFFF  }
0x580: {  	_ =	shalt  }

</sc_bundles>
